<compile_context>
chip_gen: v7x
topology: tpu7x:2x2x1
jax: 0.10.2.dev20260603
libtpu: 0.0.44.dev20260713+nightly
codegen_flags: <defaults>
</compile_context>

<pallas_src>
import functools

import jax
import jax.numpy as jnp
from jax import lax
from jax.experimental import pallas as pl
from jax.experimental.pallas import tpu as pltpu
from jax.experimental.pallas import tpu_sc as plsc



_LANES = 128


def _knn_body(p_ref, gpx_ref, gpy_ref, gpz_ref, out_ref, *, n_chunks, unroll,
              nstreams, sub):
    bn = p_ref.shape[0]
    per_s = n_chunks // nstreams
    for t in range(bn // sub):
        _knn_sub(p_ref, gpx_ref, gpy_ref, gpz_ref, out_ref, t, sub,
                 per_s, unroll, nstreams)


def _knn_sub(p_ref, gpx_ref, gpy_ref, gpz_ref, out_ref, t, sub, per_s,
             unroll, nstreams):
    nt = sub // 8
    pb = p_ref[pl.ds(t * sub, sub), :]
    px = jnp.broadcast_to(pb[:, 0:1].reshape(nt, 8, 1), (nt, 8, _LANES))
    py = jnp.broadcast_to(pb[:, 1:2].reshape(nt, 8, 1), (nt, 8, _LANES))
    pz = jnp.broadcast_to(pb[:, 2:3].reshape(nt, 8, 1), (nt, 8, _LANES))

    def one_chunk(j, jf, minval, minidx):
        gx = gpx_ref[pl.ds(j, 1), :, :]
        gy = gpy_ref[pl.ds(j, 1), :, :]
        gz = gpz_ref[pl.ds(j, 1), :, :]
        dx = px - gx
        dy = py - gy
        dz = pz - gz
        d = dx * dx + dy * dy + dz * dz
        mask = d < minval
        minval = jnp.minimum(d, minval)
        minidx = jnp.where(mask, jf, minidx)
        return minval, minidx

    def body(i, carry):
        out = []
        i0f = i.astype(jnp.float32) * unroll
        for s in range(nstreams):
            minval, minidx = carry[s]
            jf = i0f + float(s * per_s)
            for k in range(unroll):
                minval, minidx = one_chunk(
                    s * per_s + i * unroll + k, jf + k, minval, minidx)
            out.append((minval, minidx))
        return tuple(out)

    init1 = lambda: (
        jnp.full((nt, 8, _LANES), jnp.inf, jnp.float32),
        jnp.zeros((nt, 8, _LANES), jnp.float32),
    )
    streams = lax.fori_loop(
        0, per_s // unroll, body, tuple(init1() for _ in range(nstreams)))

    minval, minidx = streams[0]
    for s in range(1, nstreams):
        mv, mi = streams[s]
        mask = mv < minval
        minval = jnp.minimum(mv, minval)
        minidx = jnp.where(mask, mi, minidx)

    minval = minval.reshape(sub, _LANES)
    minidx = minidx.reshape(sub, _LANES)
    lane = lax.broadcasted_iota(jnp.int32, (sub, _LANES), 1).astype(jnp.float32)
    m = minidx * _LANES + lane
    rowmin = jnp.min(minval, axis=1, keepdims=True)
    sel = jnp.where(minval == rowmin, m, jnp.float32(2.0**30))
    out_ref[pl.ds(t * sub, sub), :] = jnp.min(
        sel, axis=1, keepdims=True).astype(jnp.int32)


def _knn(p, gp, bn=400, unroll=20, nstreams=1, sub=80):
    n = p.shape[0]
    m = gp.shape[0]
    while n % bn:
        bn -= 8
    sub = min(sub, bn)
    while bn % sub:
        sub -= 8
    group = nstreams * unroll
    n_chunks = -(-m // _LANES)
    n_chunks = -(-n_chunks // group) * group
    mpad = n_chunks * _LANES
    gpp = jnp.pad(gp, ((0, mpad - m), (0, 0)), constant_values=100.0)
    rep = lambda a: jnp.broadcast_to(
        a.reshape(n_chunks, 1, _LANES), (n_chunks, 8, _LANES))
    gpx = rep(gpp[:, 0])
    gpy = rep(gpp[:, 1])
    gpz = rep(gpp[:, 2])
    gspec = pl.BlockSpec((n_chunks, 8, _LANES), lambda i: (0, 0, 0))
    out = pl.pallas_call(
        functools.partial(_knn_body, n_chunks=n_chunks, unroll=unroll,
                          nstreams=nstreams, sub=sub),
        grid=(n // bn,),
        in_specs=[pl.BlockSpec((bn, 3), lambda i: (i, 0)), gspec, gspec, gspec],
        out_specs=pl.BlockSpec((bn, 1), lambda i: (i, 0)),
        out_shape=jax.ShapeDtypeStruct((n, 1), jnp.int32),
    )(p, gpx, gpy, gpz)
    return out.reshape(n)



_NW = 32
_GCHUNK = 128


def _make_gather(npad, c):
    chunks_per_w = npad // (_NW * _GCHUNK)
    rows_per_w = chunks_per_w * _GCHUNK
    mesh = plsc.VectorSubcoreMesh(core_axis_name="c", subcore_axis_name="s")

    @functools.partial(
        pl.kernel,
        mesh=mesh,
        out_type=jax.ShapeDtypeStruct((npad, c), jnp.float32),
        scratch_types=[
            pltpu.VMEM((rows_per_w,), jnp.int32),
            pltpu.VMEM((2, _GCHUNK, c), jnp.float32),
            pltpu.SemaphoreType.DMA,
            pltpu.SemaphoreType.DMA,
        ],
    )
    def gather_k(idx_hbm, gx_hbm, out_hbm, idx_v, rows_v, sem0, sem1):
        wid = lax.axis_index("s") * 2 + lax.axis_index("c")
        base0 = wid * rows_per_w
        sems = (sem0, sem1)
        pltpu.sync_copy(idx_hbm.at[pl.ds(base0, rows_per_w)], idx_v)

        def start(j):
            return pltpu.async_copy(
                gx_hbm.at[idx_v.at[pl.ds(j * _GCHUNK, _GCHUNK)]],
                rows_v.at[j % 2], sems[j % 2])

        cp = start(0)
        for j in range(chunks_per_w):
            nxt = start(j + 1) if j + 1 < chunks_per_w else None
            cp.wait()
            pltpu.sync_copy(rows_v.at[j % 2],
                            out_hbm.at[pl.ds(base0 + j * _GCHUNK, _GCHUNK)])
            cp = nxt

    return gather_k


def _gather(idx, gx):
    n = idx.shape[0]
    c = gx.shape[1]
    step = _NW * _GCHUNK
    npad = ((n + step - 1) // step) * step
    idxp = jnp.pad(idx, (0, npad - n))
    out = _make_gather(npad, c)(idxp, gx)
    return out[:n]




def _bn_coeffs(s_ref, g, b, n, eps=1e-5):
    s1 = s_ref[0:1, :]
    s2 = s_ref[1:2, :]
    mu = s1 * (1.0 / n)
    var = s2 * (1.0 / n) - mu * mu
    inv = lax.rsqrt(var + eps)
    a = g * inv
    return a, b - mu * a


def _stats1_body(x_ref, aug_ref, s_ref):
    rel = x_ref[...] - aug_ref[...]

    @pl.when(pl.program_id(0) == 0)
    def _():
        s_ref[...] = jnp.zeros_like(s_ref)

    s_ref[0:1, :] += jnp.sum(rel, axis=0, keepdims=True)
    s_ref[1:2, :] += jnp.sum(rel * rel, axis=0, keepdims=True)


def _mlp1_body(x_ref, aug_ref, s1_ref, w1t_ref, b1_ref, g1_ref, bb1_ref,
               h_ref, s2_ref, *, n):
    rel = x_ref[...] - aug_ref[...]
    a, c = _bn_coeffs(s1_ref, g1_ref[...], bb1_ref[...], n)
    r = jnp.maximum(rel * a + c, 0.0)
    h = jnp.dot(r, w1t_ref[...], preferred_element_type=jnp.float32)
    h = h + b1_ref[...]
    h_ref[...] = h

    @pl.when(pl.program_id(0) == 0)
    def _():
        s2_ref[...] = jnp.zeros_like(s2_ref)

    s2_ref[0:1, :] += jnp.sum(h, axis=0, keepdims=True)
    s2_ref[1:2, :] += jnp.sum(h * h, axis=0, keepdims=True)


def _mlp2_body(h_ref, s2_ref, x_ref, aug_ref, w2t_ref, b2_ref, g2_ref,
               bb2_ref, wlt_ref, y_ref, s3_ref, *, n):
    a2, c2 = _bn_coeffs(s2_ref, g2_ref[...], bb2_ref[...], n)
    r2 = jnp.maximum(h_ref[...] * a2 + c2, 0.0)
    rel2 = jnp.dot(r2, w2t_ref[...], preferred_element_type=jnp.float32)
    rel2 = rel2 + b2_ref[...]
    mx = jnp.max(rel2, axis=1, keepdims=True)
    e = jnp.exp(rel2 - mx)
    sw = e / jnp.sum(e, axis=1, keepdims=True)
    x2 = x_ref[...] + sw * aug_ref[...]
    y = jnp.dot(x2, wlt_ref[...], preferred_element_type=jnp.float32)
    y_ref[...] = y

    @pl.when(pl.program_id(0) == 0)
    def _():
        s3_ref[...] = jnp.zeros_like(s3_ref)

    s3_ref[0:1, :] += jnp.sum(y, axis=0, keepdims=True)
    s3_ref[1:2, :] += jnp.sum(y * y, axis=0, keepdims=True)


def _fin_body(y_ref, s3_ref, g_ref, b_ref, o_ref, *, n):
    a3, c3 = _bn_coeffs(s3_ref, g_ref[...], b_ref[...], n)
    o_ref[...] = jnp.maximum(y_ref[...] * a3 + c3, 0.0)




def kernel(p, x, o, gp, gx, go, W_lin, bn_g, bn_b, lw_bn1_g, lw_bn1_b,
           lw_W1, lw_b1, lw_bn2_g, lw_bn2_b, lw_W2, lw_b2):
    n, c = x.shape
    ch = lw_W1.shape[0]
    bn2 = 1000
    grid = (n // bn2,)

    idx = _knn(p, gp)
    aug = _gather(idx, gx)

    w1t = lw_W1.T
    w2t = lw_W2.T
    wlt = W_lin.T
    b1r = lw_b1.reshape(1, ch)
    b2r = lw_b2.reshape(1, c)
    g1r = lw_bn1_g.reshape(1, c)
    bb1r = lw_bn1_b.reshape(1, c)
    g2r = lw_bn2_g.reshape(1, ch)
    bb2r = lw_bn2_b.reshape(1, ch)
    g3r = bn_g.reshape(1, c)
    bb3r = bn_b.reshape(1, c)

    row_spec = pl.BlockSpec((bn2, c), lambda i: (i, 0))
    rowh_spec = pl.BlockSpec((bn2, ch), lambda i: (i, 0))
    stat_spec = pl.BlockSpec((8, c), lambda i: (0, 0))
    stath_spec = pl.BlockSpec((8, ch), lambda i: (0, 0))
    full = lambda *shape: pl.BlockSpec(shape, lambda i: tuple(0 for _ in shape))

    s1 = pl.pallas_call(
        _stats1_body,
        grid=grid,
        in_specs=[row_spec, row_spec],
        out_specs=stat_spec,
        out_shape=jax.ShapeDtypeStruct((8, c), jnp.float32),
    )(x, aug)

    h, s2 = pl.pallas_call(
        functools.partial(_mlp1_body, n=n),
        grid=grid,
        in_specs=[row_spec, row_spec, stat_spec, full(c, ch), full(1, ch),
                  full(1, c), full(1, c)],
        out_specs=[rowh_spec, stath_spec],
        out_shape=[
            jax.ShapeDtypeStruct((n, ch), jnp.float32),
            jax.ShapeDtypeStruct((8, ch), jnp.float32),
        ],
    )(x, aug, s1, w1t, b1r, g1r, bb1r)

    y, s3 = pl.pallas_call(
        functools.partial(_mlp2_body, n=n),
        grid=grid,
        in_specs=[rowh_spec, stath_spec, row_spec, row_spec, full(ch, c),
                  full(1, c), full(1, ch), full(1, ch), full(c, c)],
        out_specs=[row_spec, stat_spec],
        out_shape=[
            jax.ShapeDtypeStruct((n, c), jnp.float32),
            jax.ShapeDtypeStruct((8, c), jnp.float32),
        ],
    )(h, s2, x, aug, w2t, b2r, g2r, bb2r, wlt)

    out = pl.pallas_call(
        functools.partial(_fin_body, n=n),
        grid=grid,
        in_specs=[row_spec, stat_spec, full(1, c), full(1, c)],
        out_specs=row_spec,
        out_shape=jax.ShapeDtypeStruct((n, c), jnp.float32),
    )(y, s3, g3r, bb3r)

    return out

# --- scband reference (transcript-rebuilt; emitter-appended) ---
"""Pipeline reference for scband-ldcaugmentation-84052509982728 (READ-ONLY COPY).

The authoritative reference and input builder live on the scoring server;
editing this copy changes nothing except your own understanding.
"""

import jax, jax.numpy as jnp
import numpy as np

N, M, C = 50000, 10000, 128
CHUNK = 1000


def _bn(x, g, b, eps=1e-5):
    mu = jnp.mean(x, axis=0)
    var = jnp.var(x, axis=0)
    return g * (x - mu) / jnp.sqrt(var + eps) + b


def _knn1(p, gp):
    pc = p.reshape(-1, CHUNK, 3)
    def f(c):
        d = jnp.sum((c[:, None, :] - gp[None, :, :]) ** 2, axis=-1)
        return jnp.argmin(d, axis=1)
    return jax.lax.map(f, pc).reshape(-1)


def setup_inputs(seed: int = 0):
    key = jax.random.key(seed)
    ks = jax.random.split(key, 8)
    return {
        "p": jax.random.uniform(ks[0], (N, 3), dtype=jnp.float32),
        "x": jax.random.normal(ks[1], (N, C), dtype=jnp.float32),
        "o": N,
        "gp": jax.random.uniform(ks[2], (M, 3), dtype=jnp.float32),
        "gx": jax.random.normal(ks[3], (M, C), dtype=jnp.float32),
        "go": M,
        "W_lin": jax.random.normal(ks[4], (C, C), dtype=jnp.float32) * 0.05,
        "bn_g": jnp.ones((C,), jnp.float32),
        "bn_b": jnp.zeros((C,), jnp.float32),
        "lw_bn1_g": jnp.ones((C,), jnp.float32),
        "lw_bn1_b": jnp.zeros((C,), jnp.float32),
        "lw_W1": jax.random.normal(ks[5], (C // 8, C), dtype=jnp.float32) * 0.05,
        "lw_b1": jnp.zeros((C // 8,), jnp.float32),
        "lw_bn2_g": jnp.ones((C // 8,), jnp.float32),
        "lw_bn2_b": jnp.zeros((C // 8,), jnp.float32),
        "lw_W2": jax.random.normal(ks[6], (C, C // 8), dtype=jnp.float32) * 0.05,
        "lw_b2": jnp.zeros((C,), jnp.float32),
    }


def reference(p, x, o, gp, gx, go, W_lin, bn_g, bn_b, lw_bn1_g, lw_bn1_b, lw_W1, lw_b1, lw_bn2_g, lw_bn2_b, lw_W2, lw_b2):
    # single batch: o == N, go == M
    idx = _knn1(p, gp)                      # pointops.knn_query(1, gp, go, p, o)
    aug = jnp.take(gx, idx, axis=0)         # gather augmented features (N, C)
    rel = x - aug                           # c1 == c2 -> elementwise sub
    # linear_w: BN -> ReLU -> Linear(C, C//8) -> BN -> ReLU -> Linear(C//8, C)
    rel = _bn(rel, lw_bn1_g, lw_bn1_b)
    rel = jax.nn.relu(rel)
    rel = rel @ lw_W1.T + lw_b1
    rel = _bn(rel, lw_bn2_g, lw_bn2_b)
    rel = jax.nn.relu(rel)
    rel = rel @ lw_W2.T + lw_b2
    sw = jax.nn.softmax(rel, axis=1)
    aug = sw * aug
    x2 = x + aug                            # c1 == c2 branch
    x2 = x2 @ W_lin.T                       # Linear(c1, c1, bias=False)
    x2 = _bn(x2, bn_g, bn_b)
    x2 = jax.nn.relu(x2)
    return x2

if __name__ == "__main__":
    import jax
    _d = setup_inputs()
    print(jax.jit(kernel)(*tuple(_d.values())))

</pallas_src>

<mosaic_0001>
#map = affine_map<(d0, d1) -> (0)>
#map1 = affine_map<(d0, d1) -> (0, 0)>
module attributes {stable_mosaic.version = 14 : i64} {
  func.func @gather_k(%arg0: i32, %arg1: i32, %arg2: memref<53248xi32, #tpu.memory_space<hbm>>, %arg3: memref<10000x128xf32, #tpu.memory_space<hbm>>, %arg4: memref<53248x128xf32, #tpu.memory_space<hbm>>, %arg5: memref<1664xi32, #tpu.memory_space<vmem>>, %arg6: memref<2x128x128xf32, #tpu.memory_space<vmem>>, %arg7: memref<!tpu.dma_semaphore, #tpu.memory_space<semaphore_mem>>, %arg8: memref<!tpu.dma_semaphore, #tpu.memory_space<semaphore_mem>>) attributes {dimension_semantics = [#tpu.dimension_semantics<core_parallel>, #tpu.dimension_semantics<subcore_parallel>], iteration_bounds = array<i64: 2, 16>, scalar_prefetch = 0 : i64, scratch_operands = 4 : i64, tpu.core_type = #tpu.core_type<sc_vector_subcore>, window_params = [{transform_indices = #map}, {transform_indices = #map1}, {transform_indices = #map1}]} {
    %mul3A = arith.constant 2 : i32
    %mul3A_0 = arith.muli %arg1, %mul3A : i32
    %add3A = arith.addi %mul3A_0, %arg0 : i32
    %mul3A_1 = arith.constant 1664 : i32
    %mul3A_2 = arith.muli %add3A, %mul3A_1 : i32
    "tpu.region"() ({
      %run_scoped3A_299 = tpu.sem_alloc : memref<!tpu.dma_semaphore, #tpu.memory_space<semaphore_mem>>
      %dma_start3A_300 = tpu.memref_slice %arg2[%mul3A_2] : memref<53248xi32, #tpu.memory_space<hbm>> -> memref<1664xi32, #tpu.memory_space<hbm>>
      %dma_start3A_301 = tpu.memref_slice %arg2[%mul3A_2] : memref<53248xi32, #tpu.memory_space<hbm>> -> memref<1664xi32, #tpu.memory_space<hbm>>
      tpu.enqueue_dma source(%dma_start3A_301 : memref<1664xi32, #tpu.memory_space<hbm>>) target(%arg5 : memref<1664xi32, #tpu.memory_space<vmem>>) target_semaphore(%run_scoped3A_299 : memref<!tpu.dma_semaphore, #tpu.memory_space<semaphore_mem>>)
      %dma_wait3A_302 = tpu.memref_slice %arg2[%mul3A_2] : memref<53248xi32, #tpu.memory_space<hbm>> -> memref<1664xi32, #tpu.memory_space<hbm>>
      %dma_wait3A_303 = tpu.memref_slice %arg2[%mul3A_2] : memref<53248xi32, #tpu.memory_space<hbm>> -> memref<1664xi32, #tpu.memory_space<hbm>>
      tpu.wait_dma2 semaphore(%run_scoped3A_299 : memref<!tpu.dma_semaphore, #tpu.memory_space<semaphore_mem>>) src(%dma_wait3A_303 : memref<1664xi32, #tpu.memory_space<hbm>>) dst(%arg5 : memref<1664xi32, #tpu.memory_space<vmem>>)
      tpu.yield
    }) : () -> ()
    %dma_start3A = arith.constant 0 : i32
    %dma_start3A_3 = arith.constant 0 : i32
    %dma_start3A_4 = arith.constant 0 : i32
    %dma_start3A_5 = tpu.memref_slice %arg6[%dma_start3A, %dma_start3A_3, %dma_start3A_4] : memref<2x128x128xf32, #tpu.memory_space<vmem>> -> memref<1x128x128xf32, #tpu.memory_space<vmem>>
    %dma_start3A_6 = tpu.memref_squeeze %dma_start3A_5 : memref<1x128x128xf32, #tpu.memory_space<vmem>> -> memref<128x128xf32, #tpu.memory_space<vmem>>
    %dma_start3A_7 = arith.constant 0 : i32
    %dma_start3A_8 = tpu.memref_slice %arg5[%dma_start3A_7] : memref<1664xi32, #tpu.memory_space<vmem>> -> memref<128xi32, #tpu.memory_space<vmem>>
    %dma_start3A_9 = arith.constant 0 : i32
    %dma_start3A_10 = arith.constant 0 : i32
    %dma_start3A_11 = tpu.memref_slice %arg3[%dma_start3A_9, %dma_start3A_10] : memref<10000x128xf32, #tpu.memory_space<hbm>> -> memref<10000x128xf32, #tpu.memory_space<hbm>>
    tpu.enqueue_indirect_dma source(%dma_start3A_11 : memref<10000x128xf32, #tpu.memory_space<hbm>>) target(%dma_start3A_6 : memref<128x128xf32, #tpu.memory_space<vmem>>) offsets(%dma_start3A_8 : memref<128xi32, #tpu.memory_space<vmem>>) semaphore(%arg7 : memref<!tpu.dma_semaphore, #tpu.memory_space<semaphore_mem>>)
    %dma_start3A_12 = arith.constant 1 : i32
    %dma_start3A_13 = arith.constant 0 : i32
    %dma_start3A_14 = arith.constant 0 : i32
    %dma_start3A_15 = tpu.memref_slice %arg6[%dma_start3A_12, %dma_start3A_13, %dma_start3A_14] : memref<2x128x128xf32, #tpu.memory_space<vmem>> -> memref<1x128x128xf32, #tpu.memory_space<vmem>>
    %dma_start3A_16 = tpu.memref_squeeze %dma_start3A_15 : memref<1x128x128xf32, #tpu.memory_space<vmem>> -> memref<128x128xf32, #tpu.memory_space<vmem>>
    %dma_start3A_17 = arith.constant 128 : i32
    %dma_start3A_18 = tpu.memref_slice %arg5[%dma_start3A_17] : memref<1664xi32, #tpu.memory_space<vmem>> -> memref<128xi32, #tpu.memory_space<vmem>>
    %dma_start3A_19 = arith.constant 0 : i32
    %dma_start3A_20 = arith.constant 0 : i32
    %dma_start3A_21 = tpu.memref_slice %arg3[%dma_start3A_19, %dma_start3A_20] : memref<10000x128xf32, #tpu.memory_space<hbm>> -> memref<10000x128xf32, #tpu.memory_space<hbm>>
    tpu.enqueue_indirect_dma source(%dma_start3A_21 : memref<10000x128xf32, #tpu.memory_space<hbm>>) target(%dma_start3A_16 : memref<128x128xf32, #tpu.memory_space<vmem>>) offsets(%dma_start3A_18 : memref<128xi32, #tpu.memory_space<vmem>>) semaphore(%arg8 : memref<!tpu.dma_semaphore, #tpu.memory_space<semaphore_mem>>)
    %dma_wait3A = arith.constant 0 : i32
    %dma_wait3A_22 = arith.constant 0 : i32
    %dma_wait3A_23 = arith.constant 0 : i32
    %dma_wait3A_24 = tpu.memref_slice %arg6[%dma_wait3A, %dma_wait3A_22, %dma_wait3A_23] : memref<2x128x128xf32, #tpu.memory_space<vmem>> -> memref<1x128x128xf32, #tpu.memory_space<vmem>>
    %dma_wait3A_25 = tpu.memref_squeeze %dma_wait3A_24 : memref<1x128x128xf32, #tpu.memory_space<vmem>> -> memref<128x128xf32, #tpu.memory_space<vmem>>
    %dma_wait3A_26 = arith.constant 0 : i32
    %dma_wait3A_27 = tpu.memref_slice %arg5[%dma_wait3A_26] : memref<1664xi32, #tpu.memory_space<vmem>> -> memref<128xi32, #tpu.memory_space<vmem>>
    %dma_wait3A_28 = arith.constant 0 : i32
    %dma_wait3A_29 = arith.constant 0 : i32
    %dma_wait3A_30 = tpu.memref_slice %arg3[%dma_wait3A_28, %dma_wait3A_29] : memref<10000x128xf32, #tpu.memory_space<hbm>> -> memref<10000x128xf32, #tpu.memory_space<hbm>>
    tpu.wait_indirect_dma semaphore(%arg7 : memref<!tpu.dma_semaphore, #tpu.memory_space<semaphore_mem>>) src(%dma_wait3A_30 : memref<10000x128xf32, #tpu.memory_space<hbm>>) dst(%dma_wait3A_25 : memref<128x128xf32, #tpu.memory_space<vmem>>)
    %add3A_31 = arith.constant 0 : i32
    %add3A_32 = arith.addi %mul3A_2, %add3A_31 : i32
    %run_scoped3A = arith.constant 0 : i32
    "tpu.region"() ({
      %run_scoped3A_299 = tpu.sem_alloc : memref<!tpu.dma_semaphore, #tpu.memory_space<semaphore_mem>>
      %dma_start3A_300 = arith.constant 0 : i32
      %dma_start3A_301 = arith.constant 0 : i32
      %dma_start3A_302 = tpu.memref_slice %arg6[%run_scoped3A, %dma_start3A_300, %dma_start3A_301] : memref<2x128x128xf32, #tpu.memory_space<vmem>> -> memref<1x128x128xf32, #tpu.memory_space<vmem>>
      %dma_start3A_303 = tpu.memref_squeeze %dma_start3A_302 : memref<1x128x128xf32, #tpu.memory_space<vmem>> -> memref<128x128xf32, #tpu.memory_space<vmem>>
      %dma_start3A_304 = arith.constant 0 : i32
      %dma_start3A_305 = tpu.memref_slice %arg4[%add3A_32, %dma_start3A_304] : memref<53248x128xf32, #tpu.memory_space<hbm>> -> memref<128x128xf32, #tpu.memory_space<hbm>>
      %dma_start3A_306 = arith.constant 0 : i32
      %dma_start3A_307 = tpu.memref_slice %arg4[%add3A_32, %dma_start3A_306] : memref<53248x128xf32, #tpu.memory_space<hbm>> -> memref<128x128xf32, #tpu.memory_space<hbm>>
      %dma_start3A_308 = arith.constant 0 : i32
      %dma_start3A_309 = arith.constant 0 : i32
      %dma_start3A_310 = tpu.memref_slice %arg6[%run_scoped3A, %dma_start3A_308, %dma_start3A_309] : memref<2x128x128xf32, #tpu.memory_space<vmem>> -> memref<1x128x128xf32, #tpu.memory_space<vmem>>
      %dma_start3A_311 = tpu.memref_squeeze %dma_start3A_310 : memref<1x128x128xf32, #tpu.memory_space<vmem>> -> memref<128x128xf32, #tpu.memory_space<vmem>>
      tpu.enqueue_dma source(%dma_start3A_311 : memref<128x128xf32, #tpu.memory_space<vmem>>) target(%dma_start3A_307 : memref<128x128xf32, #tpu.memory_space<hbm>>) target_semaphore(%run_scoped3A_299 : memref<!tpu.dma_semaphore, #tpu.memory_space<semaphore_mem>>)
      %dma_wait3A_312 = arith.constant 0 : i32
      %dma_wait3A_313 = arith.constant 0 : i32
      %dma_wait3A_314 = tpu.memref_slice %arg6[%run_scoped3A, %dma_wait3A_312, %dma_wait3A_313] : memref<2x128x128xf32, #tpu.memory_space<vmem>> -> memref<1x128x128xf32, #tpu.memory_space<vmem>>
      %dma_wait3A_315 = tpu.memref_squeeze %dma_wait3A_314 : memref<1x128x128xf32, #tpu.memory_space<vmem>> -> memref<128x128xf32, #tpu.memory_space<vmem>>
      %dma_wait3A_316 = arith.constant 0 : i32
      %dma_wait3A_317 = tpu.memref_slice %arg4[%add3A_32, %dma_wait3A_316] : memref<53248x128xf32, #tpu.memory_space<hbm>> -> memref<128x128xf32, #tpu.memory_space<hbm>>
      %dma_wait3A_318 = arith.constant 0 : i32
      %dma_wait3A_319 = tpu.memref_slice %arg4[%add3A_32, %dma_wait3A_318] : memref<53248x128xf32, #tpu.memory_space<hbm>> -> memref<128x128xf32, #tpu.memory_space<hbm>>
      %dma_wait3A_320 = arith.constant 0 : i32
      %dma_wait3A_321 = arith.constant 0 : i32
      %dma_wait3A_322 = tpu.memref_slice %arg6[%run_scoped3A, %dma_wait3A_320, %dma_wait3A_321] : memref<2x128x128xf32, #tpu.memory_space<vmem>> -> memref<1x128x128xf32, #tpu.memory_space<vmem>>
      %dma_wait3A_323 = tpu.memref_squeeze %dma_wait3A_322 : memref<1x128x128xf32, #tpu.memory_space<vmem>> -> memref<128x128xf32, #tpu.memory_space<vmem>>
      tpu.wait_dma2 semaphore(%run_scoped3A_299 : memref<!tpu.dma_semaphore, #tpu.memory_space<semaphore_mem>>) src(%dma_wait3A_323 : memref<128x128xf32, #tpu.memory_space<vmem>>) dst(%dma_wait3A_319 : memref<128x128xf32, #tpu.memory_space<hbm>>)
      tpu.yield
    }) : () -> ()
    %dma_start3A_33 = arith.constant 0 : i32
    %dma_start3A_34 = arith.constant 0 : i32
    %dma_start3A_35 = arith.constant 0 : i32
    %dma_start3A_36 = tpu.memref_slice %arg6[%dma_start3A_33, %dma_start3A_34, %dma_start3A_35] : memref<2x128x128xf32, #tpu.memory_space<vmem>> -> memref<1x128x128xf32, #tpu.memory_space<vmem>>
    %dma_start3A_37 = tpu.memref_squeeze %dma_start3A_36 : memref<1x128x128xf32, #tpu.memory_space<vmem>> -> memref<128x128xf32, #tpu.memory_space<vmem>>
    %dma_start3A_38 = arith.constant 256 : i32
    %dma_start3A_39 = tpu.memref_slice %arg5[%dma_start3A_38] : memref<1664xi32, #tpu.memory_space<vmem>> -> memref<128xi32, #tpu.memory_space<vmem>>
    %dma_start3A_40 = arith.constant 0 : i32
    %dma_start3A_41 = arith.constant 0 : i32
    %dma_start3A_42 = tpu.memref_slice %arg3[%dma_start3A_40, %dma_start3A_41] : memref<10000x128xf32, #tpu.memory_space<hbm>> -> memref<10000x128xf32, #tpu.memory_space<hbm>>
    tpu.enqueue_indirect_dma source(%dma_start3A_42 : memref<10000x128xf32, #tpu.memory_space<hbm>>) target(%dma_start3A_37 : memref<128x128xf32, #tpu.memory_space<vmem>>) offsets(%dma_start3A_39 : memref<128xi32, #tpu.memory_space<vmem>>) semaphore(%arg7 : memref<!tpu.dma_semaphore, #tpu.memory_space<semaphore_mem>>)
    %dma_wait3A_43 = arith.constant 1 : i32
    %dma_wait3A_44 = arith.constant 0 : i32
    %dma_wait3A_45 = arith.constant 0 : i32
    %dma_wait3A_46 = tpu.memref_slice %arg6[%dma_wait3A_43, %dma_wait3A_44, %dma_wait3A_45] : memref<2x128x128xf32, #tpu.memory_space<vmem>> -> memref<1x128x128xf32, #tpu.memory_space<vmem>>
    %dma_wait3A_47 = tpu.memref_squeeze %dma_wait3A_46 : memref<1x128x128xf32, #tpu.memory_space<vmem>> -> memref<128x128xf32, #tpu.memory_space<vmem>>
    %dma_wait3A_48 = arith.constant 128 : i32
    %dma_wait3A_49 = tpu.memref_slice %arg5[%dma_wait3A_48] : memref<1664xi32, #tpu.memory_space<vmem>> -> memref<128xi32, #tpu.memory_space<vmem>>
    %dma_wait3A_50 = arith.constant 0 : i32
    %dma_wait3A_51 = arith.constant 0 : i32
    %dma_wait3A_52 = tpu.memref_slice %arg3[%dma_wait3A_50, %dma_wait3A_51] : memref<10000x128xf32, #tpu.memory_space<hbm>> -> memref<10000x128xf32, #tpu.memory_space<hbm>>
    tpu.wait_indirect_dma semaphore(%arg8 : memref<!tpu.dma_semaphore, #tpu.memory_space<semaphore_mem>>) src(%dma_wait3A_52 : memref<10000x128xf32, #tpu.memory_space<hbm>>) dst(%dma_wait3A_47 : memref<128x128xf32, #tpu.memory_space<vmem>>)
    %add3A_53 = arith.constant 128 : i32
    %add3A_54 = arith.addi %mul3A_2, %add3A_53 : i32
    %run_scoped3A_55 = arith.constant 1 : i32
    "tpu.region"() ({
      %run_scoped3A_299 = tpu.sem_alloc : memref<!tpu.dma_semaphore, #tpu.memory_space<semaphore_mem>>
      %dma_start3A_300 = arith.constant 0 : i32
      %dma_start3A_301 = arith.constant 0 : i32
      %dma_start3A_302 = tpu.memref_slice %arg6[%run_scoped3A_55, %dma_start3A_300, %dma_start3A_301] : memref<2x128x128xf32, #tpu.memory_space<vmem>> -> memref<1x128x128xf32, #tpu.memory_space<vmem>>
      %dma_start3A_303 = tpu.memref_squeeze %dma_start3A_302 : memref<1x128x128xf32, #tpu.memory_space<vmem>> -> memref<128x128xf32, #tpu.memory_space<vmem>>
      %dma_start3A_304 = arith.constant 0 : i32
      %dma_start3A_305 = tpu.memref_slice %arg4[%add3A_54, %dma_start3A_304] : memref<53248x128xf32, #tpu.memory_space<hbm>> -> memref<128x128xf32, #tpu.memory_space<hbm>>
      %dma_start3A_306 = arith.constant 0 : i32
      %dma_start3A_307 = tpu.memref_slice %arg4[%add3A_54, %dma_start3A_306] : memref<53248x128xf32, #tpu.memory_space<hbm>> -> memref<128x128xf32, #tpu.memory_space<hbm>>
      %dma_start3A_308 = arith.constant 0 : i32
      %dma_start3A_309 = arith.constant 0 : i32
      %dma_start3A_310 = tpu.memref_slice %arg6[%run_scoped3A_55, %dma_start3A_308, %dma_start3A_309] : memref<2x128x128xf32, #tpu.memory_space<vmem>> -> memref<1x128x128xf32, #tpu.memory_space<vmem>>
      %dma_start3A_311 = tpu.memref_squeeze %dma_start3A_310 : memref<1x128x128xf32, #tpu.memory_space<vmem>> -> memref<128x128xf32, #tpu.memory_space<vmem>>
      tpu.enqueue_dma source(%dma_start3A_311 : memref<128x128xf32, #tpu.memory_space<vmem>>) target(%dma_start3A_307 : memref<128x128xf32, #tpu.memory_space<hbm>>) target_semaphore(%run_scoped3A_299 : memref<!tpu.dma_semaphore, #tpu.memory_space<semaphore_mem>>)
      %dma_wait3A_312 = arith.constant 0 : i32
      %dma_wait3A_313 = arith.constant 0 : i32
      %dma_wait3A_314 = tpu.memref_slice %arg6[%run_scoped3A_55, %dma_wait3A_312, %dma_wait3A_313] : memref<2x128x128xf32, #tpu.memory_space<vmem>> -> memref<1x128x128xf32, #tpu.memory_space<vmem>>
      %dma_wait3A_315 = tpu.memref_squeeze %dma_wait3A_314 : memref<1x128x128xf32, #tpu.memory_space<vmem>> -> memref<128x128xf32, #tpu.memory_space<vmem>>
      %dma_wait3A_316 = arith.constant 0 : i32
      %dma_wait3A_317 = tpu.memref_slice %arg4[%add3A_54, %dma_wait3A_316] : memref<53248x128xf32, #tpu.memory_space<hbm>> -> memref<128x128xf32, #tpu.memory_space<hbm>>
      %dma_wait3A_318 = arith.constant 0 : i32
      %dma_wait3A_319 = tpu.memref_slice %arg4[%add3A_54, %dma_wait3A_318] : memref<53248x128xf32, #tpu.memory_space<hbm>> -> memref<128x128xf32, #tpu.memory_space<hbm>>
      %dma_wait3A_320 = arith.constant 0 : i32
      %dma_wait3A_321 = arith.constant 0 : i32
      %dma_wait3A_322 = tpu.memref_slice %arg6[%run_scoped3A_55, %dma_wait3A_320, %dma_wait3A_321] : memref<2x128x128xf32, #tpu.memory_space<vmem>> -> memref<1x128x128xf32, #tpu.memory_space<vmem>>
      %dma_wait3A_323 = tpu.memref_squeeze %dma_wait3A_322 : memref<1x128x128xf32, #tpu.memory_space<vmem>> -> memref<128x128xf32, #tpu.memory_space<vmem>>
      tpu.wait_dma2 semaphore(%run_scoped3A_299 : memref<!tpu.dma_semaphore, #tpu.memory_space<semaphore_mem>>) src(%dma_wait3A_323 : memref<128x128xf32, #tpu.memory_space<vmem>>) dst(%dma_wait3A_319 : memref<128x128xf32, #tpu.memory_space<hbm>>)
      tpu.yield
    }) : () -> ()
    %dma_start3A_56 = arith.constant 1 : i32
    %dma_start3A_57 = arith.constant 0 : i32
    %dma_start3A_58 = arith.constant 0 : i32
    %dma_start3A_59 = tpu.memref_slice %arg6[%dma_start3A_56, %dma_start3A_57, %dma_start3A_58] : memref<2x128x128xf32, #tpu.memory_space<vmem>> -> memref<1x128x128xf32, #tpu.memory_space<vmem>>
    %dma_start3A_60 = tpu.memref_squeeze %dma_start3A_59 : memref<1x128x128xf32, #tpu.memory_space<vmem>> -> memref<128x128xf32, #tpu.memory_space<vmem>>
    %dma_start3A_61 = arith.constant 384 : i32
    %dma_start3A_62 = tpu.memref_slice %arg5[%dma_start3A_61] : memref<1664xi32, #tpu.memory_space<vmem>> -> memref<128xi32, #tpu.memory_space<vmem>>
    %dma_start3A_63 = arith.constant 0 : i32
    %dma_start3A_64 = arith.constant 0 : i32
    %dma_start3A_65 = tpu.memref_slice %arg3[%dma_start3A_63, %dma_start3A_64] : memref<10000x128xf32, #tpu.memory_space<hbm>> -> memref<10000x128xf32, #tpu.memory_space<hbm>>
    tpu.enqueue_indirect_dma source(%dma_start3A_65 : memref<10000x128xf32, #tpu.memory_space<hbm>>) target(%dma_start3A_60 : memref<128x128xf32, #tpu.memory_space<vmem>>) offsets(%dma_start3A_62 : memref<128xi32, #tpu.memory_space<vmem>>) semaphore(%arg8 : memref<!tpu.dma_semaphore, #tpu.memory_space<semaphore_mem>>)
    %dma_wait3A_66 = arith.constant 0 : i32
    %dma_wait3A_67 = arith.constant 0 : i32
    %dma_wait3A_68 = arith.constant 0 : i32
    %dma_wait3A_69 = tpu.memref_slice %arg6[%dma_wait3A_66, %dma_wait3A_67, %dma_wait3A_68] : memref<2x128x128xf32, #tpu.memory_space<vmem>> -> memref<1x128x128xf32, #tpu.memory_space<vmem>>
    %dma_wait3A_70 = tpu.memref_squeeze %dma_wait3A_69 : memref<1x128x128xf32, #tpu.memory_space<vmem>> -> memref<128x128xf32, #tpu.memory_space<vmem>>
    %dma_wait3A_71 = arith.constant 256 : i32
    %dma_wait3A_72 = tpu.memref_slice %arg5[%dma_wait3A_71] : memref<1664xi32, #tpu.memory_space<vmem>> -> memref<128xi32, #tpu.memory_space<vmem>>
    %dma_wait3A_73 = arith.constant 0 : i32
    %dma_wait3A_74 = arith.constant 0 : i32
    %dma_wait3A_75 = tpu.memref_slice %arg3[%dma_wait3A_73, %dma_wait3A_74] : memref<10000x128xf32, #tpu.memory_space<hbm>> -> memref<10000x128xf32, #tpu.memory_space<hbm>>
    tpu.wait_indirect_dma semaphore(%arg7 : memref<!tpu.dma_semaphore, #tpu.memory_space<semaphore_mem>>) src(%dma_wait3A_75 : memref<10000x128xf32, #tpu.memory_space<hbm>>) dst(%dma_wait3A_70 : memref<128x128xf32, #tpu.memory_space<vmem>>)
    %add3A_76 = arith.constant 256 : i32
    %add3A_77 = arith.addi %mul3A_2, %add3A_76 : i32
    %run_scoped3A_78 = arith.constant 0 : i32
    "tpu.region"() ({
      %run_scoped3A_299 = tpu.sem_alloc : memref<!tpu.dma_semaphore, #tpu.memory_space<semaphore_mem>>
      %dma_start3A_300 = arith.constant 0 : i32
      %dma_start3A_301 = arith.constant 0 : i32
      %dma_start3A_302 = tpu.memref_slice %arg6[%run_scoped3A_78, %dma_start3A_300, %dma_start3A_301] : memref<2x128x128xf32, #tpu.memory_space<vmem>> -> memref<1x128x128xf32, #tpu.memory_space<vmem>>
      %dma_start3A_303 = tpu.memref_squeeze %dma_start3A_302 : memref<1x128x128xf32, #tpu.memory_space<vmem>> -> memref<128x128xf32, #tpu.memory_space<vmem>>
      %dma_start3A_304 = arith.constant 0 : i32
      %dma_start3A_305 = tpu.memref_slice %arg4[%add3A_77, %dma_start3A_304] : memref<53248x128xf32, #tpu.memory_space<hbm>> -> memref<128x128xf32, #tpu.memory_space<hbm>>
      %dma_start3A_306 = arith.constant 0 : i32
      %dma_start3A_307 = tpu.memref_slice %arg4[%add3A_77, %dma_start3A_306] : memref<53248x128xf32, #tpu.memory_space<hbm>> -> memref<128x128xf32, #tpu.memory_space<hbm>>
      %dma_start3A_308 = arith.constant 0 : i32
      %dma_start3A_309 = arith.constant 0 : i32
      %dma_start3A_310 = tpu.memref_slice %arg6[%run_scoped3A_78, %dma_start3A_308, %dma_start3A_309] : memref<2x128x128xf32, #tpu.memory_space<vmem>> -> memref<1x128x128xf32, #tpu.memory_space<vmem>>
      %dma_start3A_311 = tpu.memref_squeeze %dma_start3A_310 : memref<1x128x128xf32, #tpu.memory_space<vmem>> -> memref<128x128xf32, #tpu.memory_space<vmem>>
      tpu.enqueue_dma source(%dma_start3A_311 : memref<128x128xf32, #tpu.memory_space<vmem>>) target(%dma_start3A_307 : memref<128x128xf32, #tpu.memory_space<hbm>>) target_semaphore(%run_scoped3A_299 : memref<!tpu.dma_semaphore, #tpu.memory_space<semaphore_mem>>)
      %dma_wait3A_312 = arith.constant 0 : i32
      %dma_wait3A_313 = arith.constant 0 : i32
      %dma_wait3A_314 = tpu.memref_slice %arg6[%run_scoped3A_78, %dma_wait3A_312, %dma_wait3A_313] : memref<2x128x128xf32, #tpu.memory_space<vmem>> -> memref<1x128x128xf32, #tpu.memory_space<vmem>>
      %dma_wait3A_315 = tpu.memref_squeeze %dma_wait3A_314 : memref<1x128x128xf32, #tpu.memory_space<vmem>> -> memref<128x128xf32, #tpu.memory_space<vmem>>
      %dma_wait3A_316 = arith.constant 0 : i32
      %dma_wait3A_317 = tpu.memref_slice %arg4[%add3A_77, %dma_wait3A_316] : memref<53248x128xf32, #tpu.memory_space<hbm>> -> memref<128x128xf32, #tpu.memory_space<hbm>>
      %dma_wait3A_318 = arith.constant 0 : i32
      %dma_wait3A_319 = tpu.memref_slice %arg4[%add3A_77, %dma_wait3A_318] : memref<53248x128xf32, #tpu.memory_space<hbm>> -> memref<128x128xf32, #tpu.memory_space<hbm>>
      %dma_wait3A_320 = arith.constant 0 : i32
      %dma_wait3A_321 = arith.constant 0 : i32
      %dma_wait3A_322 = tpu.memref_slice %arg6[%run_scoped3A_78, %dma_wait3A_320, %dma_wait3A_321] : memref<2x128x128xf32, #tpu.memory_space<vmem>> -> memref<1x128x128xf32, #tpu.memory_space<vmem>>
      %dma_wait3A_323 = tpu.memref_squeeze %dma_wait3A_322 : memref<1x128x128xf32, #tpu.memory_space<vmem>> -> memref<128x128xf32, #tpu.memory_space<vmem>>
      tpu.wait_dma2 semaphore(%run_scoped3A_299 : memref<!tpu.dma_semaphore, #tpu.memory_space<semaphore_mem>>) src(%dma_wait3A_323 : memref<128x128xf32, #tpu.memory_space<vmem>>) dst(%dma_wait3A_319 : memref<128x128xf32, #tpu.memory_space<hbm>>)
      tpu.yield
    }) : () -> ()
    %dma_start3A_79 = arith.constant 0 : i32
    %dma_start3A_80 = arith.constant 0 : i32
    %dma_start3A_81 = arith.constant 0 : i32
    %dma_start3A_82 = tpu.memref_slice %arg6[%dma_start3A_79, %dma_start3A_80, %dma_start3A_81] : memref<2x128x128xf32, #tpu.memory_space<vmem>> -> memref<1x128x128xf32, #tpu.memory_space<vmem>>
    %dma_start3A_83 = tpu.memref_squeeze %dma_start3A_82 : memref<1x128x128xf32, #tpu.memory_space<vmem>> -> memref<128x128xf32, #tpu.memory_space<vmem>>
    %dma_start3A_84 = arith.constant 512 : i32
    %dma_start3A_85 = tpu.memref_slice %arg5[%dma_start3A_84] : memref<1664xi32, #tpu.memory_space<vmem>> -> memref<128xi32, #tpu.memory_space<vmem>>
    %dma_start3A_86 = arith.constant 0 : i32
    %dma_start3A_87 = arith.constant 0 : i32
    %dma_start3A_88 = tpu.memref_slice %arg3[%dma_start3A_86, %dma_start3A_87] : memref<10000x128xf32, #tpu.memory_space<hbm>> -> memref<10000x128xf32, #tpu.memory_space<hbm>>
    tpu.enqueue_indirect_dma source(%dma_start3A_88 : memref<10000x128xf32, #tpu.memory_space<hbm>>) target(%dma_start3A_83 : memref<128x128xf32, #tpu.memory_space<vmem>>) offsets(%dma_start3A_85 : memref<128xi32, #tpu.memory_space<vmem>>) semaphore(%arg7 : memref<!tpu.dma_semaphore, #tpu.memory_space<semaphore_mem>>)
    %dma_wait3A_89 = arith.constant 1 : i32
    %dma_wait3A_90 = arith.constant 0 : i32
    %dma_wait3A_91 = arith.constant 0 : i32
    %dma_wait3A_92 = tpu.memref_slice %arg6[%dma_wait3A_89, %dma_wait3A_90, %dma_wait3A_91] : memref<2x128x128xf32, #tpu.memory_space<vmem>> -> memref<1x128x128xf32, #tpu.memory_space<vmem>>
    %dma_wait3A_93 = tpu.memref_squeeze %dma_wait3A_92 : memref<1x128x128xf32, #tpu.memory_space<vmem>> -> memref<128x128xf32, #tpu.memory_space<vmem>>
    %dma_wait3A_94 = arith.constant 384 : i32
    %dma_wait3A_95 = tpu.memref_slice %arg5[%dma_wait3A_94] : memref<1664xi32, #tpu.memory_space<vmem>> -> memref<128xi32, #tpu.memory_space<vmem>>
    %dma_wait3A_96 = arith.constant 0 : i32
    %dma_wait3A_97 = arith.constant 0 : i32
    %dma_wait3A_98 = tpu.memref_slice %arg3[%dma_wait3A_96, %dma_wait3A_97] : memref<10000x128xf32, #tpu.memory_space<hbm>> -> memref<10000x128xf32, #tpu.memory_space<hbm>>
    tpu.wait_indirect_dma semaphore(%arg8 : memref<!tpu.dma_semaphore, #tpu.memory_space<semaphore_mem>>) src(%dma_wait3A_98 : memref<10000x128xf32, #tpu.memory_space<hbm>>) dst(%dma_wait3A_93 : memref<128x128xf32, #tpu.memory_space<vmem>>)
    %add3A_99 = arith.constant 384 : i32
    %add3A_100 = arith.addi %mul3A_2, %add3A_99 : i32
    %run_scoped3A_101 = arith.constant 1 : i32
    "tpu.region"() ({
      %run_scoped3A_299 = tpu.sem_alloc : memref<!tpu.dma_semaphore, #tpu.memory_space<semaphore_mem>>
      %dma_start3A_300 = arith.constant 0 : i32
      %dma_start3A_301 = arith.constant 0 : i32
      %dma_start3A_302 = tpu.memref_slice %arg6[%run_scoped3A_101, %dma_start3A_300, %dma_start3A_301] : memref<2x128x128xf32, #tpu.memory_space<vmem>> -> memref<1x128x128xf32, #tpu.memory_space<vmem>>
      %dma_start3A_303 = tpu.memref_squeeze %dma_start3A_302 : memref<1x128x128xf32, #tpu.memory_space<vmem>> -> memref<128x128xf32, #tpu.memory_space<vmem>>
      %dma_start3A_304 = arith.constant 0 : i32
      %dma_start3A_305 = tpu.memref_slice %arg4[%add3A_100, %dma_start3A_304] : memref<53248x128xf32, #tpu.memory_space<hbm>> -> memref<128x128xf32, #tpu.memory_space<hbm>>
      %dma_start3A_306 = arith.constant 0 : i32
      %dma_start3A_307 = tpu.memref_slice %arg4[%add3A_100, %dma_start3A_306] : memref<53248x128xf32, #tpu.memory_space<hbm>> -> memref<128x128xf32, #tpu.memory_space<hbm>>
      %dma_start3A_308 = arith.constant 0 : i32
      %dma_start3A_309 = arith.constant 0 : i32
      %dma_start3A_310 = tpu.memref_slice %arg6[%run_scoped3A_101, %dma_start3A_308, %dma_start3A_309] : memref<2x128x128xf32, #tpu.memory_space<vmem>> -> memref<1x128x128xf32, #tpu.memory_space<vmem>>
      %dma_start3A_311 = tpu.memref_squeeze %dma_start3A_310 : memref<1x128x128xf32, #tpu.memory_space<vmem>> -> memref<128x128xf32, #tpu.memory_space<vmem>>
      tpu.enqueue_dma source(%dma_start3A_311 : memref<128x128xf32, #tpu.memory_space<vmem>>) target(%dma_start3A_307 : memref<128x128xf32, #tpu.memory_space<hbm>>) target_semaphore(%run_scoped3A_299 : memref<!tpu.dma_semaphore, #tpu.memory_space<semaphore_mem>>)
      %dma_wait3A_312 = arith.constant 0 : i32
      %dma_wait3A_313 = arith.constant 0 : i32
      %dma_wait3A_314 = tpu.memref_slice %arg6[%run_scoped3A_101, %dma_wait3A_312, %dma_wait3A_313] : memref<2x128x128xf32, #tpu.memory_space<vmem>> -> memref<1x128x128xf32, #tpu.memory_space<vmem>>
      %dma_wait3A_315 = tpu.memref_squeeze %dma_wait3A_314 : memref<1x128x128xf32, #tpu.memory_space<vmem>> -> memref<128x128xf32, #tpu.memory_space<vmem>>
      %dma_wait3A_316 = arith.constant 0 : i32
      %dma_wait3A_317 = tpu.memref_slice %arg4[%add3A_100, %dma_wait3A_316] : memref<53248x128xf32, #tpu.memory_space<hbm>> -> memref<128x128xf32, #tpu.memory_space<hbm>>
      %dma_wait3A_318 = arith.constant 0 : i32
      %dma_wait3A_319 = tpu.memref_slice %arg4[%add3A_100, %dma_wait3A_318] : memref<53248x128xf32, #tpu.memory_space<hbm>> -> memref<128x128xf32, #tpu.memory_space<hbm>>
      %dma_wait3A_320 = arith.constant 0 : i32
      %dma_wait3A_321 = arith.constant 0 : i32
      %dma_wait3A_322 = tpu.memref_slice %arg6[%run_scoped3A_101, %dma_wait3A_320, %dma_wait3A_321] : memref<2x128x128xf32, #tpu.memory_space<vmem>> -> memref<1x128x128xf32, #tpu.memory_space<vmem>>
      %dma_wait3A_323 = tpu.memref_squeeze %dma_wait3A_322 : memref<1x128x128xf32, #tpu.memory_space<vmem>> -> memref<128x128xf32, #tpu.memory_space<vmem>>
      tpu.wait_dma2 semaphore(%run_scoped3A_299 : memref<!tpu.dma_semaphore, #tpu.memory_space<semaphore_mem>>) src(%dma_wait3A_323 : memref<128x128xf32, #tpu.memory_space<vmem>>) dst(%dma_wait3A_319 : memref<128x128xf32, #tpu.memory_space<hbm>>)
      tpu.yield
    }) : () -> ()
    %dma_start3A_102 = arith.constant 1 : i32
    %dma_start3A_103 = arith.constant 0 : i32
    %dma_start3A_104 = arith.constant 0 : i32
    %dma_start3A_105 = tpu.memref_slice %arg6[%dma_start3A_102, %dma_start3A_103, %dma_start3A_104] : memref<2x128x128xf32, #tpu.memory_space<vmem>> -> memref<1x128x128xf32, #tpu.memory_space<vmem>>
    %dma_start3A_106 = tpu.memref_squeeze %dma_start3A_105 : memref<1x128x128xf32, #tpu.memory_space<vmem>> -> memref<128x128xf32, #tpu.memory_space<vmem>>
    %dma_start3A_107 = arith.constant 640 : i32
    %dma_start3A_108 = tpu.memref_slice %arg5[%dma_start3A_107] : memref<1664xi32, #tpu.memory_space<vmem>> -> memref<128xi32, #tpu.memory_space<vmem>>
    %dma_start3A_109 = arith.constant 0 : i32
    %dma_start3A_110 = arith.constant 0 : i32
    %dma_start3A_111 = tpu.memref_slice %arg3[%dma_start3A_109, %dma_start3A_110] : memref<10000x128xf32, #tpu.memory_space<hbm>> -> memref<10000x128xf32, #tpu.memory_space<hbm>>
    tpu.enqueue_indirect_dma source(%dma_start3A_111 : memref<10000x128xf32, #tpu.memory_space<hbm>>) target(%dma_start3A_106 : memref<128x128xf32, #tpu.memory_space<vmem>>) offsets(%dma_start3A_108 : memref<128xi32, #tpu.memory_space<vmem>>) semaphore(%arg8 : memref<!tpu.dma_semaphore, #tpu.memory_space<semaphore_mem>>)
    %dma_wait3A_112 = arith.constant 0 : i32
    %dma_wait3A_113 = arith.constant 0 : i32
    %dma_wait3A_114 = arith.constant 0 : i32
    %dma_wait3A_115 = tpu.memref_slice %arg6[%dma_wait3A_112, %dma_wait3A_113, %dma_wait3A_114] : memref<2x128x128xf32, #tpu.memory_space<vmem>> -> memref<1x128x128xf32, #tpu.memory_space<vmem>>
    %dma_wait3A_116 = tpu.memref_squeeze %dma_wait3A_115 : memref<1x128x128xf32, #tpu.memory_space<vmem>> -> memref<128x128xf32, #tpu.memory_space<vmem>>
    %dma_wait3A_117 = arith.constant 512 : i32
    %dma_wait3A_118 = tpu.memref_slice %arg5[%dma_wait3A_117] : memref<1664xi32, #tpu.memory_space<vmem>> -> memref<128xi32, #tpu.memory_space<vmem>>
    %dma_wait3A_119 = arith.constant 0 : i32
    %dma_wait3A_120 = arith.constant 0 : i32
    %dma_wait3A_121 = tpu.memref_slice %arg3[%dma_wait3A_119, %dma_wait3A_120] : memref<10000x128xf32, #tpu.memory_space<hbm>> -> memref<10000x128xf32, #tpu.memory_space<hbm>>
    tpu.wait_indirect_dma semaphore(%arg7 : memref<!tpu.dma_semaphore, #tpu.memory_space<semaphore_mem>>) src(%dma_wait3A_121 : memref<10000x128xf32, #tpu.memory_space<hbm>>) dst(%dma_wait3A_116 : memref<128x128xf32, #tpu.memory_space<vmem>>)
    %add3A_122 = arith.constant 512 : i32
    %add3A_123 = arith.addi %mul3A_2, %add3A_122 : i32
    %run_scoped3A_124 = arith.constant 0 : i32
    "tpu.region"() ({
      %run_scoped3A_299 = tpu.sem_alloc : memref<!tpu.dma_semaphore, #tpu.memory_space<semaphore_mem>>
      %dma_start3A_300 = arith.constant 0 : i32
      %dma_start3A_301 = arith.constant 0 : i32
      %dma_start3A_302 = tpu.memref_slice %arg6[%run_scoped3A_124, %dma_start3A_300, %dma_start3A_301] : memref<2x128x128xf32, #tpu.memory_space<vmem>> -> memref<1x128x128xf32, #tpu.memory_space<vmem>>
      %dma_start3A_303 = tpu.memref_squeeze %dma_start3A_302 : memref<1x128x128xf32, #tpu.memory_space<vmem>> -> memref<128x128xf32, #tpu.memory_space<vmem>>
      %dma_start3A_304 = arith.constant 0 : i32
      %dma_start3A_305 = tpu.memref_slice %arg4[%add3A_123, %dma_start3A_304] : memref<53248x128xf32, #tpu.memory_space<hbm>> -> memref<128x128xf32, #tpu.memory_space<hbm>>
      %dma_start3A_306 = arith.constant 0 : i32
      %dma_start3A_307 = tpu.memref_slice %arg4[%add3A_123, %dma_start3A_306] : memref<53248x128xf32, #tpu.memory_space<hbm>> -> memref<128x128xf32, #tpu.memory_space<hbm>>
      %dma_start3A_308 = arith.constant 0 : i32
      %dma_start3A_309 = arith.constant 0 : i32
      %dma_start3A_310 = tpu.memref_slice %arg6[%run_scoped3A_124, %dma_start3A_308, %dma_start3A_309] : memref<2x128x128xf32, #tpu.memory_space<vmem>> -> memref<1x128x128xf32, #tpu.memory_space<vmem>>
      %dma_start3A_311 = tpu.memref_squeeze %dma_start3A_310 : memref<1x128x128xf32, #tpu.memory_space<vmem>> -> memref<128x128xf32, #tpu.memory_space<vmem>>
      tpu.enqueue_dma source(%dma_start3A_311 : memref<128x128xf32, #tpu.memory_space<vmem>>) target(%dma_start3A_307 : memref<128x128xf32, #tpu.memory_space<hbm>>) target_semaphore(%run_scoped3A_299 : memref<!tpu.dma_semaphore, #tpu.memory_space<semaphore_mem>>)
      %dma_wait3A_312 = arith.constant 0 : i32
      %dma_wait3A_313 = arith.constant 0 : i32
      %dma_wait3A_314 = tpu.memref_slice %arg6[%run_scoped3A_124, %dma_wait3A_312, %dma_wait3A_313] : memref<2x128x128xf32, #tpu.memory_space<vmem>> -> memref<1x128x128xf32, #tpu.memory_space<vmem>>
      %dma_wait3A_315 = tpu.memref_squeeze %dma_wait3A_314 : memref<1x128x128xf32, #tpu.memory_space<vmem>> -> memref<128x128xf32, #tpu.memory_space<vmem>>
      %dma_wait3A_316 = arith.constant 0 : i32
      %dma_wait3A_317 = tpu.memref_slice %arg4[%add3A_123, %dma_wait3A_316] : memref<53248x128xf32, #tpu.memory_space<hbm>> -> memref<128x128xf32, #tpu.memory_space<hbm>>
      %dma_wait3A_318 = arith.constant 0 : i32
      %dma_wait3A_319 = tpu.memref_slice %arg4[%add3A_123, %dma_wait3A_318] : memref<53248x128xf32, #tpu.memory_space<hbm>> -> memref<128x128xf32, #tpu.memory_space<hbm>>
      %dma_wait3A_320 = arith.constant 0 : i32
      %dma_wait3A_321 = arith.constant 0 : i32
      %dma_wait3A_322 = tpu.memref_slice %arg6[%run_scoped3A_124, %dma_wait3A_320, %dma_wait3A_321] : memref<2x128x128xf32, #tpu.memory_space<vmem>> -> memref<1x128x128xf32, #tpu.memory_space<vmem>>
      %dma_wait3A_323 = tpu.memref_squeeze %dma_wait3A_322 : memref<1x128x128xf32, #tpu.memory_space<vmem>> -> memref<128x128xf32, #tpu.memory_space<vmem>>
      tpu.wait_dma2 semaphore(%run_scoped3A_299 : memref<!tpu.dma_semaphore, #tpu.memory_space<semaphore_mem>>) src(%dma_wait3A_323 : memref<128x128xf32, #tpu.memory_space<vmem>>) dst(%dma_wait3A_319 : memref<128x128xf32, #tpu.memory_space<hbm>>)
      tpu.yield
    }) : () -> ()
    %dma_start3A_125 = arith.constant 0 : i32
    %dma_start3A_126 = arith.constant 0 : i32
    %dma_start3A_127 = arith.constant 0 : i32
    %dma_start3A_128 = tpu.memref_slice %arg6[%dma_start3A_125, %dma_start3A_126, %dma_start3A_127] : memref<2x128x128xf32, #tpu.memory_space<vmem>> -> memref<1x128x128xf32, #tpu.memory_space<vmem>>
    %dma_start3A_129 = tpu.memref_squeeze %dma_start3A_128 : memref<1x128x128xf32, #tpu.memory_space<vmem>> -> memref<128x128xf32, #tpu.memory_space<vmem>>
    %dma_start3A_130 = arith.constant 768 : i32
    %dma_start3A_131 = tpu.memref_slice %arg5[%dma_start3A_130] : memref<1664xi32, #tpu.memory_space<vmem>> -> memref<128xi32, #tpu.memory_space<vmem>>
    %dma_start3A_132 = arith.constant 0 : i32
    %dma_start3A_133 = arith.constant 0 : i32
    %dma_start3A_134 = tpu.memref_slice %arg3[%dma_start3A_132, %dma_start3A_133] : memref<10000x128xf32, #tpu.memory_space<hbm>> -> memref<10000x128xf32, #tpu.memory_space<hbm>>
    tpu.enqueue_indirect_dma source(%dma_start3A_134 : memref<10000x128xf32, #tpu.memory_space<hbm>>) target(%dma_start3A_129 : memref<128x128xf32, #tpu.memory_space<vmem>>) offsets(%dma_start3A_131 : memref<128xi32, #tpu.memory_space<vmem>>) semaphore(%arg7 : memref<!tpu.dma_semaphore, #tpu.memory_space<semaphore_mem>>)
    %dma_wait3A_135 = arith.constant 1 : i32
    %dma_wait3A_136 = arith.constant 0 : i32
    %dma_wait3A_137 = arith.constant 0 : i32
    %dma_wait3A_138 = tpu.memref_slice %arg6[%dma_wait3A_135, %dma_wait3A_136, %dma_wait3A_137] : memref<2x128x128xf32, #tpu.memory_space<vmem>> -> memref<1x128x128xf32, #tpu.memory_space<vmem>>
    %dma_wait3A_139 = tpu.memref_squeeze %dma_wait3A_138 : memref<1x128x128xf32, #tpu.memory_space<vmem>> -> memref<128x128xf32, #tpu.memory_space<vmem>>
    %dma_wait3A_140 = arith.constant 640 : i32
    %dma_wait3A_141 = tpu.memref_slice %arg5[%dma_wait3A_140] : memref<1664xi32, #tpu.memory_space<vmem>> -> memref<128xi32, #tpu.memory_space<vmem>>
    %dma_wait3A_142 = arith.constant 0 : i32
    %dma_wait3A_143 = arith.constant 0 : i32
    %dma_wait3A_144 = tpu.memref_slice %arg3[%dma_wait3A_142, %dma_wait3A_143] : memref<10000x128xf32, #tpu.memory_space<hbm>> -> memref<10000x128xf32, #tpu.memory_space<hbm>>
    tpu.wait_indirect_dma semaphore(%arg8 : memref<!tpu.dma_semaphore, #tpu.memory_space<semaphore_mem>>) src(%dma_wait3A_144 : memref<10000x128xf32, #tpu.memory_space<hbm>>) dst(%dma_wait3A_139 : memref<128x128xf32, #tpu.memory_space<vmem>>)
    %add3A_145 = arith.constant 640 : i32
    %add3A_146 = arith.addi %mul3A_2, %add3A_145 : i32
    %run_scoped3A_147 = arith.constant 1 : i32
    "tpu.region"() ({
      %run_scoped3A_299 = tpu.sem_alloc : memref<!tpu.dma_semaphore, #tpu.memory_space<semaphore_mem>>
      %dma_start3A_300 = arith.constant 0 : i32
      %dma_start3A_301 = arith.constant 0 : i32
      %dma_start3A_302 = tpu.memref_slice %arg6[%run_scoped3A_147, %dma_start3A_300, %dma_start3A_301] : memref<2x128x128xf32, #tpu.memory_space<vmem>> -> memref<1x128x128xf32, #tpu.memory_space<vmem>>
      %dma_start3A_303 = tpu.memref_squeeze %dma_start3A_302 : memref<1x128x128xf32, #tpu.memory_space<vmem>> -> memref<128x128xf32, #tpu.memory_space<vmem>>
      %dma_start3A_304 = arith.constant 0 : i32
      %dma_start3A_305 = tpu.memref_slice %arg4[%add3A_146, %dma_start3A_304] : memref<53248x128xf32, #tpu.memory_space<hbm>> -> memref<128x128xf32, #tpu.memory_space<hbm>>
      %dma_start3A_306 = arith.constant 0 : i32
      %dma_start3A_307 = tpu.memref_slice %arg4[%add3A_146, %dma_start3A_306] : memref<53248x128xf32, #tpu.memory_space<hbm>> -> memref<128x128xf32, #tpu.memory_space<hbm>>
      %dma_start3A_308 = arith.constant 0 : i32
      %dma_start3A_309 = arith.constant 0 : i32
      %dma_start3A_310 = tpu.memref_slice %arg6[%run_scoped3A_147, %dma_start3A_308, %dma_start3A_309] : memref<2x128x128xf32, #tpu.memory_space<vmem>> -> memref<1x128x128xf32, #tpu.memory_space<vmem>>
      %dma_start3A_311 = tpu.memref_squeeze %dma_start3A_310 : memref<1x128x128xf32, #tpu.memory_space<vmem>> -> memref<128x128xf32, #tpu.memory_space<vmem>>
      tpu.enqueue_dma source(%dma_start3A_311 : memref<128x128xf32, #tpu.memory_space<vmem>>) target(%dma_start3A_307 : memref<128x128xf32, #tpu.memory_space<hbm>>) target_semaphore(%run_scoped3A_299 : memref<!tpu.dma_semaphore, #tpu.memory_space<semaphore_mem>>)
      %dma_wait3A_312 = arith.constant 0 : i32
      %dma_wait3A_313 = arith.constant 0 : i32
      %dma_wait3A_314 = tpu.memref_slice %arg6[%run_scoped3A_147, %dma_wait3A_312, %dma_wait3A_313] : memref<2x128x128xf32, #tpu.memory_space<vmem>> -> memref<1x128x128xf32, #tpu.memory_space<vmem>>
      %dma_wait3A_315 = tpu.memref_squeeze %dma_wait3A_314 : memref<1x128x128xf32, #tpu.memory_space<vmem>> -> memref<128x128xf32, #tpu.memory_space<vmem>>
      %dma_wait3A_316 = arith.constant 0 : i32
      %dma_wait3A_317 = tpu.memref_slice %arg4[%add3A_146, %dma_wait3A_316] : memref<53248x128xf32, #tpu.memory_space<hbm>> -> memref<128x128xf32, #tpu.memory_space<hbm>>
      %dma_wait3A_318 = arith.constant 0 : i32
      %dma_wait3A_319 = tpu.memref_slice %arg4[%add3A_146, %dma_wait3A_318] : memref<53248x128xf32, #tpu.memory_space<hbm>> -> memref<128x128xf32, #tpu.memory_space<hbm>>
      %dma_wait3A_320 = arith.constant 0 : i32
      %dma_wait3A_321 = arith.constant 0 : i32
      %dma_wait3A_322 = tpu.memref_slice %arg6[%run_scoped3A_147, %dma_wait3A_320, %dma_wait3A_321] : memref<2x128x128xf32, #tpu.memory_space<vmem>> -> memref<1x128x128xf32, #tpu.memory_space<vmem>>
      %dma_wait3A_323 = tpu.memref_squeeze %dma_wait3A_322 : memref<1x128x128xf32, #tpu.memory_space<vmem>> -> memref<128x128xf32, #tpu.memory_space<vmem>>
      tpu.wait_dma2 semaphore(%run_scoped3A_299 : memref<!tpu.dma_semaphore, #tpu.memory_space<semaphore_mem>>) src(%dma_wait3A_323 : memref<128x128xf32, #tpu.memory_space<vmem>>) dst(%dma_wait3A_319 : memref<128x128xf32, #tpu.memory_space<hbm>>)
      tpu.yield
    }) : () -> ()
    %dma_start3A_148 = arith.constant 1 : i32
    %dma_start3A_149 = arith.constant 0 : i32
    %dma_start3A_150 = arith.constant 0 : i32
    %dma_start3A_151 = tpu.memref_slice %arg6[%dma_start3A_148, %dma_start3A_149, %dma_start3A_150] : memref<2x128x128xf32, #tpu.memory_space<vmem>> -> memref<1x128x128xf32, #tpu.memory_space<vmem>>
    %dma_start3A_152 = tpu.memref_squeeze %dma_start3A_151 : memref<1x128x128xf32, #tpu.memory_space<vmem>> -> memref<128x128xf32, #tpu.memory_space<vmem>>
    %dma_start3A_153 = arith.constant 896 : i32
    %dma_start3A_154 = tpu.memref_slice %arg5[%dma_start3A_153] : memref<1664xi32, #tpu.memory_space<vmem>> -> memref<128xi32, #tpu.memory_space<vmem>>
    %dma_start3A_155 = arith.constant 0 : i32
    %dma_start3A_156 = arith.constant 0 : i32
    %dma_start3A_157 = tpu.memref_slice %arg3[%dma_start3A_155, %dma_start3A_156] : memref<10000x128xf32, #tpu.memory_space<hbm>> -> memref<10000x128xf32, #tpu.memory_space<hbm>>
    tpu.enqueue_indirect_dma source(%dma_start3A_157 : memref<10000x128xf32, #tpu.memory_space<hbm>>) target(%dma_start3A_152 : memref<128x128xf32, #tpu.memory_space<vmem>>) offsets(%dma_start3A_154 : memref<128xi32, #tpu.memory_space<vmem>>) semaphore(%arg8 : memref<!tpu.dma_semaphore, #tpu.memory_space<semaphore_mem>>)
    %dma_wait3A_158 = arith.constant 0 : i32
    %dma_wait3A_159 = arith.constant 0 : i32
    %dma_wait3A_160 = arith.constant 0 : i32
    %dma_wait3A_161 = tpu.memref_slice %arg6[%dma_wait3A_158, %dma_wait3A_159, %dma_wait3A_160] : memref<2x128x128xf32, #tpu.memory_space<vmem>> -> memref<1x128x128xf32, #tpu.memory_space<vmem>>
    %dma_wait3A_162 = tpu.memref_squeeze %dma_wait3A_161 : memref<1x128x128xf32, #tpu.memory_space<vmem>> -> memref<128x128xf32, #tpu.memory_space<vmem>>
    %dma_wait3A_163 = arith.constant 768 : i32
    %dma_wait3A_164 = tpu.memref_slice %arg5[%dma_wait3A_163] : memref<1664xi32, #tpu.memory_space<vmem>> -> memref<128xi32, #tpu.memory_space<vmem>>
    %dma_wait3A_165 = arith.constant 0 : i32
    %dma_wait3A_166 = arith.constant 0 : i32
    %dma_wait3A_167 = tpu.memref_slice %arg3[%dma_wait3A_165, %dma_wait3A_166] : memref<10000x128xf32, #tpu.memory_space<hbm>> -> memref<10000x128xf32, #tpu.memory_space<hbm>>
    tpu.wait_indirect_dma semaphore(%arg7 : memref<!tpu.dma_semaphore, #tpu.memory_space<semaphore_mem>>) src(%dma_wait3A_167 : memref<10000x128xf32, #tpu.memory_space<hbm>>) dst(%dma_wait3A_162 : memref<128x128xf32, #tpu.memory_space<vmem>>)
    %add3A_168 = arith.constant 768 : i32
    %add3A_169 = arith.addi %mul3A_2, %add3A_168 : i32
    %run_scoped3A_170 = arith.constant 0 : i32
    "tpu.region"() ({
      %run_scoped3A_299 = tpu.sem_alloc : memref<!tpu.dma_semaphore, #tpu.memory_space<semaphore_mem>>
      %dma_start3A_300 = arith.constant 0 : i32
      %dma_start3A_301 = arith.constant 0 : i32
      %dma_start3A_302 = tpu.memref_slice %arg6[%run_scoped3A_170, %dma_start3A_300, %dma_start3A_301] : memref<2x128x128xf32, #tpu.memory_space<vmem>> -> memref<1x128x128xf32, #tpu.memory_space<vmem>>
      %dma_start3A_303 = tpu.memref_squeeze %dma_start3A_302 : memref<1x128x128xf32, #tpu.memory_space<vmem>> -> memref<128x128xf32, #tpu.memory_space<vmem>>
      %dma_start3A_304 = arith.constant 0 : i32
      %dma_start3A_305 = tpu.memref_slice %arg4[%add3A_169, %dma_start3A_304] : memref<53248x128xf32, #tpu.memory_space<hbm>> -> memref<128x128xf32, #tpu.memory_space<hbm>>
      %dma_start3A_306 = arith.constant 0 : i32
      %dma_start3A_307 = tpu.memref_slice %arg4[%add3A_169, %dma_start3A_306] : memref<53248x128xf32, #tpu.memory_space<hbm>> -> memref<128x128xf32, #tpu.memory_space<hbm>>
      %dma_start3A_308 = arith.constant 0 : i32
      %dma_start3A_309 = arith.constant 0 : i32
      %dma_start3A_310 = tpu.memref_slice %arg6[%run_scoped3A_170, %dma_start3A_308, %dma_start3A_309] : memref<2x128x128xf32, #tpu.memory_space<vmem>> -> memref<1x128x128xf32, #tpu.memory_space<vmem>>
      %dma_start3A_311 = tpu.memref_squeeze %dma_start3A_310 : memref<1x128x128xf32, #tpu.memory_space<vmem>> -> memref<128x128xf32, #tpu.memory_space<vmem>>
      tpu.enqueue_dma source(%dma_start3A_311 : memref<128x128xf32, #tpu.memory_space<vmem>>) target(%dma_start3A_307 : memref<128x128xf32, #tpu.memory_space<hbm>>) target_semaphore(%run_scoped3A_299 : memref<!tpu.dma_semaphore, #tpu.memory_space<semaphore_mem>>)
      %dma_wait3A_312 = arith.constant 0 : i32
      %dma_wait3A_313 = arith.constant 0 : i32
      %dma_wait3A_314 = tpu.memref_slice %arg6[%run_scoped3A_170, %dma_wait3A_312, %dma_wait3A_313] : memref<2x128x128xf32, #tpu.memory_space<vmem>> -> memref<1x128x128xf32, #tpu.memory_space<vmem>>
      %dma_wait3A_315 = tpu.memref_squeeze %dma_wait3A_314 : memref<1x128x128xf32, #tpu.memory_space<vmem>> -> memref<128x128xf32, #tpu.memory_space<vmem>>
      %dma_wait3A_316 = arith.constant 0 : i32
      %dma_wait3A_317 = tpu.memref_slice %arg4[%add3A_169, %dma_wait3A_316] : memref<53248x128xf32, #tpu.memory_space<hbm>> -> memref<128x128xf32, #tpu.memory_space<hbm>>
      %dma_wait3A_318 = arith.constant 0 : i32
      %dma_wait3A_319 = tpu.memref_slice %arg4[%add3A_169, %dma_wait3A_318] : memref<53248x128xf32, #tpu.memory_space<hbm>> -> memref<128x128xf32, #tpu.memory_space<hbm>>
      %dma_wait3A_320 = arith.constant 0 : i32
      %dma_wait3A_321 = arith.constant 0 : i32
      %dma_wait3A_322 = tpu.memref_slice %arg6[%run_scoped3A_170, %dma_wait3A_320, %dma_wait3A_321] : memref<2x128x128xf32, #tpu.memory_space<vmem>> -> memref<1x128x128xf32, #tpu.memory_space<vmem>>
      %dma_wait3A_323 = tpu.memref_squeeze %dma_wait3A_322 : memref<1x128x128xf32, #tpu.memory_space<vmem>> -> memref<128x128xf32, #tpu.memory_space<vmem>>
      tpu.wait_dma2 semaphore(%run_scoped3A_299 : memref<!tpu.dma_semaphore, #tpu.memory_space<semaphore_mem>>) src(%dma_wait3A_323 : memref<128x128xf32, #tpu.memory_space<vmem>>) dst(%dma_wait3A_319 : memref<128x128xf32, #tpu.memory_space<hbm>>)
      tpu.yield
    }) : () -> ()
    %dma_start3A_171 = arith.constant 0 : i32
    %dma_start3A_172 = arith.constant 0 : i32
    %dma_start3A_173 = arith.constant 0 : i32
    %dma_start3A_174 = tpu.memref_slice %arg6[%dma_start3A_171, %dma_start3A_172, %dma_start3A_173] : memref<2x128x128xf32, #tpu.memory_space<vmem>> -> memref<1x128x128xf32, #tpu.memory_space<vmem>>
    %dma_start3A_175 = tpu.memref_squeeze %dma_start3A_174 : memref<1x128x128xf32, #tpu.memory_space<vmem>> -> memref<128x128xf32, #tpu.memory_space<vmem>>
    %dma_start3A_176 = arith.constant 1024 : i32
    %dma_start3A_177 = tpu.memref_slice %arg5[%dma_start3A_176] : memref<1664xi32, #tpu.memory_space<vmem>> -> memref<128xi32, #tpu.memory_space<vmem>>
    %dma_start3A_178 = arith.constant 0 : i32
    %dma_start3A_179 = arith.constant 0 : i32
    %dma_start3A_180 = tpu.memref_slice %arg3[%dma_start3A_178, %dma_start3A_179] : memref<10000x128xf32, #tpu.memory_space<hbm>> -> memref<10000x128xf32, #tpu.memory_space<hbm>>
    tpu.enqueue_indirect_dma source(%dma_start3A_180 : memref<10000x128xf32, #tpu.memory_space<hbm>>) target(%dma_start3A_175 : memref<128x128xf32, #tpu.memory_space<vmem>>) offsets(%dma_start3A_177 : memref<128xi32, #tpu.memory_space<vmem>>) semaphore(%arg7 : memref<!tpu.dma_semaphore, #tpu.memory_space<semaphore_mem>>)
    %dma_wait3A_181 = arith.constant 1 : i32
    %dma_wait3A_182 = arith.constant 0 : i32
    %dma_wait3A_183 = arith.constant 0 : i32
    %dma_wait3A_184 = tpu.memref_slice %arg6[%dma_wait3A_181, %dma_wait3A_182, %dma_wait3A_183] : memref<2x128x128xf32, #tpu.memory_space<vmem>> -> memref<1x128x128xf32, #tpu.memory_space<vmem>>
    %dma_wait3A_185 = tpu.memref_squeeze %dma_wait3A_184 : memref<1x128x128xf32, #tpu.memory_space<vmem>> -> memref<128x128xf32, #tpu.memory_space<vmem>>
    %dma_wait3A_186 = arith.constant 896 : i32
    %dma_wait3A_187 = tpu.memref_slice %arg5[%dma_wait3A_186] : memref<1664xi32, #tpu.memory_space<vmem>> -> memref<128xi32, #tpu.memory_space<vmem>>
    %dma_wait3A_188 = arith.constant 0 : i32
    %dma_wait3A_189 = arith.constant 0 : i32
    %dma_wait3A_190 = tpu.memref_slice %arg3[%dma_wait3A_188, %dma_wait3A_189] : memref<10000x128xf32, #tpu.memory_space<hbm>> -> memref<10000x128xf32, #tpu.memory_space<hbm>>
    tpu.wait_indirect_dma semaphore(%arg8 : memref<!tpu.dma_semaphore, #tpu.memory_space<semaphore_mem>>) src(%dma_wait3A_190 : memref<10000x128xf32, #tpu.memory_space<hbm>>) dst(%dma_wait3A_185 : memref<128x128xf32, #tpu.memory_space<vmem>>)
    %add3A_191 = arith.constant 896 : i32
    %add3A_192 = arith.addi %mul3A_2, %add3A_191 : i32
    %run_scoped3A_193 = arith.constant 1 : i32
    "tpu.region"() ({
      %run_scoped3A_299 = tpu.sem_alloc : memref<!tpu.dma_semaphore, #tpu.memory_space<semaphore_mem>>
      %dma_start3A_300 = arith.constant 0 : i32
      %dma_start3A_301 = arith.constant 0 : i32
      %dma_start3A_302 = tpu.memref_slice %arg6[%run_scoped3A_193, %dma_start3A_300, %dma_start3A_301] : memref<2x128x128xf32, #tpu.memory_space<vmem>> -> memref<1x128x128xf32, #tpu.memory_space<vmem>>
      %dma_start3A_303 = tpu.memref_squeeze %dma_start3A_302 : memref<1x128x128xf32, #tpu.memory_space<vmem>> -> memref<128x128xf32, #tpu.memory_space<vmem>>
      %dma_start3A_304 = arith.constant 0 : i32
      %dma_start3A_305 = tpu.memref_slice %arg4[%add3A_192, %dma_start3A_304] : memref<53248x128xf32, #tpu.memory_space<hbm>> -> memref<128x128xf32, #tpu.memory_space<hbm>>
      %dma_start3A_306 = arith.constant 0 : i32
      %dma_start3A_307 = tpu.memref_slice %arg4[%add3A_192, %dma_start3A_306] : memref<53248x128xf32, #tpu.memory_space<hbm>> -> memref<128x128xf32, #tpu.memory_space<hbm>>
      %dma_start3A_308 = arith.constant 0 : i32
      %dma_start3A_309 = arith.constant 0 : i32
      %dma_start3A_310 = tpu.memref_slice %arg6[%run_scoped3A_193, %dma_start3A_308, %dma_start3A_309] : memref<2x128x128xf32, #tpu.memory_space<vmem>> -> memref<1x128x128xf32, #tpu.memory_space<vmem>>
      %dma_start3A_311 = tpu.memref_squeeze %dma_start3A_310 : memref<1x128x128xf32, #tpu.memory_space<vmem>> -> memref<128x128xf32, #tpu.memory_space<vmem>>
      tpu.enqueue_dma source(%dma_start3A_311 : memref<128x128xf32, #tpu.memory_space<vmem>>) target(%dma_start3A_307 : memref<128x128xf32, #tpu.memory_space<hbm>>) target_semaphore(%run_scoped3A_299 : memref<!tpu.dma_semaphore, #tpu.memory_space<semaphore_mem>>)
      %dma_wait3A_312 = arith.constant 0 : i32
      %dma_wait3A_313 = arith.constant 0 : i32
      %dma_wait3A_314 = tpu.memref_slice %arg6[%run_scoped3A_193, %dma_wait3A_312, %dma_wait3A_313] : memref<2x128x128xf32, #tpu.memory_space<vmem>> -> memref<1x128x128xf32, #tpu.memory_space<vmem>>
      %dma_wait3A_315 = tpu.memref_squeeze %dma_wait3A_314 : memref<1x128x128xf32, #tpu.memory_space<vmem>> -> memref<128x128xf32, #tpu.memory_space<vmem>>
      %dma_wait3A_316 = arith.constant 0 : i32
      %dma_wait3A_317 = tpu.memref_slice %arg4[%add3A_192, %dma_wait3A_316] : memref<53248x128xf32, #tpu.memory_space<hbm>> -> memref<128x128xf32, #tpu.memory_space<hbm>>
      %dma_wait3A_318 = arith.constant 0 : i32
      %dma_wait3A_319 = tpu.memref_slice %arg4[%add3A_192, %dma_wait3A_318] : memref<53248x128xf32, #tpu.memory_space<hbm>> -> memref<128x128xf32, #tpu.memory_space<hbm>>
      %dma_wait3A_320 = arith.constant 0 : i32
      %dma_wait3A_321 = arith.constant 0 : i32
      %dma_wait3A_322 = tpu.memref_slice %arg6[%run_scoped3A_193, %dma_wait3A_320, %dma_wait3A_321] : memref<2x128x128xf32, #tpu.memory_space<vmem>> -> memref<1x128x128xf32, #tpu.memory_space<vmem>>
      %dma_wait3A_323 = tpu.memref_squeeze %dma_wait3A_322 : memref<1x128x128xf32, #tpu.memory_space<vmem>> -> memref<128x128xf32, #tpu.memory_space<vmem>>
      tpu.wait_dma2 semaphore(%run_scoped3A_299 : memref<!tpu.dma_semaphore, #tpu.memory_space<semaphore_mem>>) src(%dma_wait3A_323 : memref<128x128xf32, #tpu.memory_space<vmem>>) dst(%dma_wait3A_319 : memref<128x128xf32, #tpu.memory_space<hbm>>)
      tpu.yield
    }) : () -> ()
    %dma_start3A_194 = arith.constant 1 : i32
    %dma_start3A_195 = arith.constant 0 : i32
    %dma_start3A_196 = arith.constant 0 : i32
    %dma_start3A_197 = tpu.memref_slice %arg6[%dma_start3A_194, %dma_start3A_195, %dma_start3A_196] : memref<2x128x128xf32, #tpu.memory_space<vmem>> -> memref<1x128x128xf32, #tpu.memory_space<vmem>>
    %dma_start3A_198 = tpu.memref_squeeze %dma_start3A_197 : memref<1x128x128xf32, #tpu.memory_space<vmem>> -> memref<128x128xf32, #tpu.memory_space<vmem>>
    %dma_start3A_199 = arith.constant 1152 : i32
    %dma_start3A_200 = tpu.memref_slice %arg5[%dma_start3A_199] : memref<1664xi32, #tpu.memory_space<vmem>> -> memref<128xi32, #tpu.memory_space<vmem>>
    %dma_start3A_201 = arith.constant 0 : i32
    %dma_start3A_202 = arith.constant 0 : i32
    %dma_start3A_203 = tpu.memref_slice %arg3[%dma_start3A_201, %dma_start3A_202] : memref<10000x128xf32, #tpu.memory_space<hbm>> -> memref<10000x128xf32, #tpu.memory_space<hbm>>
    tpu.enqueue_indirect_dma source(%dma_start3A_203 : memref<10000x128xf32, #tpu.memory_space<hbm>>) target(%dma_start3A_198 : memref<128x128xf32, #tpu.memory_space<vmem>>) offsets(%dma_start3A_200 : memref<128xi32, #tpu.memory_space<vmem>>) semaphore(%arg8 : memref<!tpu.dma_semaphore, #tpu.memory_space<semaphore_mem>>)
    %dma_wait3A_204 = arith.constant 0 : i32
    %dma_wait3A_205 = arith.constant 0 : i32
    %dma_wait3A_206 = arith.constant 0 : i32
    %dma_wait3A_207 = tpu.memref_slice %arg6[%dma_wait3A_204, %dma_wait3A_205, %dma_wait3A_206] : memref<2x128x128xf32, #tpu.memory_space<vmem>> -> memref<1x128x128xf32, #tpu.memory_space<vmem>>
    %dma_wait3A_208 = tpu.memref_squeeze %dma_wait3A_207 : memref<1x128x128xf32, #tpu.memory_space<vmem>> -> memref<128x128xf32, #tpu.memory_space<vmem>>
    %dma_wait3A_209 = arith.constant 1024 : i32
    %dma_wait3A_210 = tpu.memref_slice %arg5[%dma_wait3A_209] : memref<1664xi32, #tpu.memory_space<vmem>> -> memref<128xi32, #tpu.memory_space<vmem>>
    %dma_wait3A_211 = arith.constant 0 : i32
    %dma_wait3A_212 = arith.constant 0 : i32
    %dma_wait3A_213 = tpu.memref_slice %arg3[%dma_wait3A_211, %dma_wait3A_212] : memref<10000x128xf32, #tpu.memory_space<hbm>> -> memref<10000x128xf32, #tpu.memory_space<hbm>>
    tpu.wait_indirect_dma semaphore(%arg7 : memref<!tpu.dma_semaphore, #tpu.memory_space<semaphore_mem>>) src(%dma_wait3A_213 : memref<10000x128xf32, #tpu.memory_space<hbm>>) dst(%dma_wait3A_208 : memref<128x128xf32, #tpu.memory_space<vmem>>)
    %add3A_214 = arith.constant 1024 : i32
    %add3A_215 = arith.addi %mul3A_2, %add3A_214 : i32
    %run_scoped3A_216 = arith.constant 0 : i32
    "tpu.region"() ({
      %run_scoped3A_299 = tpu.sem_alloc : memref<!tpu.dma_semaphore, #tpu.memory_space<semaphore_mem>>
      %dma_start3A_300 = arith.constant 0 : i32
      %dma_start3A_301 = arith.constant 0 : i32
      %dma_start3A_302 = tpu.memref_slice %arg6[%run_scoped3A_216, %dma_start3A_300, %dma_start3A_301] : memref<2x128x128xf32, #tpu.memory_space<vmem>> -> memref<1x128x128xf32, #tpu.memory_space<vmem>>
      %dma_start3A_303 = tpu.memref_squeeze %dma_start3A_302 : memref<1x128x128xf32, #tpu.memory_space<vmem>> -> memref<128x128xf32, #tpu.memory_space<vmem>>
      %dma_start3A_304 = arith.constant 0 : i32
      %dma_start3A_305 = tpu.memref_slice %arg4[%add3A_215, %dma_start3A_304] : memref<53248x128xf32, #tpu.memory_space<hbm>> -> memref<128x128xf32, #tpu.memory_space<hbm>>
      %dma_start3A_306 = arith.constant 0 : i32
      %dma_start3A_307 = tpu.memref_slice %arg4[%add3A_215, %dma_start3A_306] : memref<53248x128xf32, #tpu.memory_space<hbm>> -> memref<128x128xf32, #tpu.memory_space<hbm>>
      %dma_start3A_308 = arith.constant 0 : i32
      %dma_start3A_309 = arith.constant 0 : i32
      %dma_start3A_310 = tpu.memref_slice %arg6[%run_scoped3A_216, %dma_start3A_308, %dma_start3A_309] : memref<2x128x128xf32, #tpu.memory_space<vmem>> -> memref<1x128x128xf32, #tpu.memory_space<vmem>>
      %dma_start3A_311 = tpu.memref_squeeze %dma_start3A_310 : memref<1x128x128xf32, #tpu.memory_space<vmem>> -> memref<128x128xf32, #tpu.memory_space<vmem>>
      tpu.enqueue_dma source(%dma_start3A_311 : memref<128x128xf32, #tpu.memory_space<vmem>>) target(%dma_start3A_307 : memref<128x128xf32, #tpu.memory_space<hbm>>) target_semaphore(%run_scoped3A_299 : memref<!tpu.dma_semaphore, #tpu.memory_space<semaphore_mem>>)
      %dma_wait3A_312 = arith.constant 0 : i32
      %dma_wait3A_313 = arith.constant 0 : i32
      %dma_wait3A_314 = tpu.memref_slice %arg6[%run_scoped3A_216, %dma_wait3A_312, %dma_wait3A_313] : memref<2x128x128xf32, #tpu.memory_space<vmem>> -> memref<1x128x128xf32, #tpu.memory_space<vmem>>
      %dma_wait3A_315 = tpu.memref_squeeze %dma_wait3A_314 : memref<1x128x128xf32, #tpu.memory_space<vmem>> -> memref<128x128xf32, #tpu.memory_space<vmem>>
      %dma_wait3A_316 = arith.constant 0 : i32
      %dma_wait3A_317 = tpu.memref_slice %arg4[%add3A_215, %dma_wait3A_316] : memref<53248x128xf32, #tpu.memory_space<hbm>> -> memref<128x128xf32, #tpu.memory_space<hbm>>
      %dma_wait3A_318 = arith.constant 0 : i32
      %dma_wait3A_319 = tpu.memref_slice %arg4[%add3A_215, %dma_wait3A_318] : memref<53248x128xf32, #tpu.memory_space<hbm>> -> memref<128x128xf32, #tpu.memory_space<hbm>>
      %dma_wait3A_320 = arith.constant 0 : i32
      %dma_wait3A_321 = arith.constant 0 : i32
      %dma_wait3A_322 = tpu.memref_slice %arg6[%run_scoped3A_216, %dma_wait3A_320, %dma_wait3A_321] : memref<2x128x128xf32, #tpu.memory_space<vmem>> -> memref<1x128x128xf32, #tpu.memory_space<vmem>>
      %dma_wait3A_323 = tpu.memref_squeeze %dma_wait3A_322 : memref<1x128x128xf32, #tpu.memory_space<vmem>> -> memref<128x128xf32, #tpu.memory_space<vmem>>
      tpu.wait_dma2 semaphore(%run_scoped3A_299 : memref<!tpu.dma_semaphore, #tpu.memory_space<semaphore_mem>>) src(%dma_wait3A_323 : memref<128x128xf32, #tpu.memory_space<vmem>>) dst(%dma_wait3A_319 : memref<128x128xf32, #tpu.memory_space<hbm>>)
      tpu.yield
    }) : () -> ()
    %dma_start3A_217 = arith.constant 0 : i32
    %dma_start3A_218 = arith.constant 0 : i32
    %dma_start3A_219 = arith.constant 0 : i32
    %dma_start3A_220 = tpu.memref_slice %arg6[%dma_start3A_217, %dma_start3A_218, %dma_start3A_219] : memref<2x128x128xf32, #tpu.memory_space<vmem>> -> memref<1x128x128xf32, #tpu.memory_space<vmem>>
    %dma_start3A_221 = tpu.memref_squeeze %dma_start3A_220 : memref<1x128x128xf32, #tpu.memory_space<vmem>> -> memref<128x128xf32, #tpu.memory_space<vmem>>
    %dma_start3A_222 = arith.constant 1280 : i32
    %dma_start3A_223 = tpu.memref_slice %arg5[%dma_start3A_222] : memref<1664xi32, #tpu.memory_space<vmem>> -> memref<128xi32, #tpu.memory_space<vmem>>
    %dma_start3A_224 = arith.constant 0 : i32
    %dma_start3A_225 = arith.constant 0 : i32
    %dma_start3A_226 = tpu.memref_slice %arg3[%dma_start3A_224, %dma_start3A_225] : memref<10000x128xf32, #tpu.memory_space<hbm>> -> memref<10000x128xf32, #tpu.memory_space<hbm>>
    tpu.enqueue_indirect_dma source(%dma_start3A_226 : memref<10000x128xf32, #tpu.memory_space<hbm>>) target(%dma_start3A_221 : memref<128x128xf32, #tpu.memory_space<vmem>>) offsets(%dma_start3A_223 : memref<128xi32, #tpu.memory_space<vmem>>) semaphore(%arg7 : memref<!tpu.dma_semaphore, #tpu.memory_space<semaphore_mem>>)
    %dma_wait3A_227 = arith.constant 1 : i32
    %dma_wait3A_228 = arith.constant 0 : i32
    %dma_wait3A_229 = arith.constant 0 : i32
    %dma_wait3A_230 = tpu.memref_slice %arg6[%dma_wait3A_227, %dma_wait3A_228, %dma_wait3A_229] : memref<2x128x128xf32, #tpu.memory_space<vmem>> -> memref<1x128x128xf32, #tpu.memory_space<vmem>>
    %dma_wait3A_231 = tpu.memref_squeeze %dma_wait3A_230 : memref<1x128x128xf32, #tpu.memory_space<vmem>> -> memref<128x128xf32, #tpu.memory_space<vmem>>
    %dma_wait3A_232 = arith.constant 1152 : i32
    %dma_wait3A_233 = tpu.memref_slice %arg5[%dma_wait3A_232] : memref<1664xi32, #tpu.memory_space<vmem>> -> memref<128xi32, #tpu.memory_space<vmem>>
    %dma_wait3A_234 = arith.constant 0 : i32
    %dma_wait3A_235 = arith.constant 0 : i32
    %dma_wait3A_236 = tpu.memref_slice %arg3[%dma_wait3A_234, %dma_wait3A_235] : memref<10000x128xf32, #tpu.memory_space<hbm>> -> memref<10000x128xf32, #tpu.memory_space<hbm>>
    tpu.wait_indirect_dma semaphore(%arg8 : memref<!tpu.dma_semaphore, #tpu.memory_space<semaphore_mem>>) src(%dma_wait3A_236 : memref<10000x128xf32, #tpu.memory_space<hbm>>) dst(%dma_wait3A_231 : memref<128x128xf32, #tpu.memory_space<vmem>>)
    %add3A_237 = arith.constant 1152 : i32
    %add3A_238 = arith.addi %mul3A_2, %add3A_237 : i32
    %run_scoped3A_239 = arith.constant 1 : i32
    "tpu.region"() ({
      %run_scoped3A_299 = tpu.sem_alloc : memref<!tpu.dma_semaphore, #tpu.memory_space<semaphore_mem>>
      %dma_start3A_300 = arith.constant 0 : i32
      %dma_start3A_301 = arith.constant 0 : i32
      %dma_start3A_302 = tpu.memref_slice %arg6[%run_scoped3A_239, %dma_start3A_300, %dma_start3A_301] : memref<2x128x128xf32, #tpu.memory_space<vmem>> -> memref<1x128x128xf32, #tpu.memory_space<vmem>>
      %dma_start3A_303 = tpu.memref_squeeze %dma_start3A_302 : memref<1x128x128xf32, #tpu.memory_space<vmem>> -> memref<128x128xf32, #tpu.memory_space<vmem>>
      %dma_start3A_304 = arith.constant 0 : i32
      %dma_start3A_305 = tpu.memref_slice %arg4[%add3A_238, %dma_start3A_304] : memref<53248x128xf32, #tpu.memory_space<hbm>> -> memref<128x128xf32, #tpu.memory_space<hbm>>
      %dma_start3A_306 = arith.constant 0 : i32
      %dma_start3A_307 = tpu.memref_slice %arg4[%add3A_238, %dma_start3A_306] : memref<53248x128xf32, #tpu.memory_space<hbm>> -> memref<128x128xf32, #tpu.memory_space<hbm>>
      %dma_start3A_308 = arith.constant 0 : i32
      %dma_start3A_309 = arith.constant 0 : i32
      %dma_start3A_310 = tpu.memref_slice %arg6[%run_scoped3A_239, %dma_start3A_308, %dma_start3A_309] : memref<2x128x128xf32, #tpu.memory_space<vmem>> -> memref<1x128x128xf32, #tpu.memory_space<vmem>>
      %dma_start3A_311 = tpu.memref_squeeze %dma_start3A_310 : memref<1x128x128xf32, #tpu.memory_space<vmem>> -> memref<128x128xf32, #tpu.memory_space<vmem>>
      tpu.enqueue_dma source(%dma_start3A_311 : memref<128x128xf32, #tpu.memory_space<vmem>>) target(%dma_start3A_307 : memref<128x128xf32, #tpu.memory_space<hbm>>) target_semaphore(%run_scoped3A_299 : memref<!tpu.dma_semaphore, #tpu.memory_space<semaphore_mem>>)
      %dma_wait3A_312 = arith.constant 0 : i32
      %dma_wait3A_313 = arith.constant 0 : i32
      %dma_wait3A_314 = tpu.memref_slice %arg6[%run_scoped3A_239, %dma_wait3A_312, %dma_wait3A_313] : memref<2x128x128xf32, #tpu.memory_space<vmem>> -> memref<1x128x128xf32, #tpu.memory_space<vmem>>
      %dma_wait3A_315 = tpu.memref_squeeze %dma_wait3A_314 : memref<1x128x128xf32, #tpu.memory_space<vmem>> -> memref<128x128xf32, #tpu.memory_space<vmem>>
      %dma_wait3A_316 = arith.constant 0 : i32
      %dma_wait3A_317 = tpu.memref_slice %arg4[%add3A_238, %dma_wait3A_316] : memref<53248x128xf32, #tpu.memory_space<hbm>> -> memref<128x128xf32, #tpu.memory_space<hbm>>
      %dma_wait3A_318 = arith.constant 0 : i32
      %dma_wait3A_319 = tpu.memref_slice %arg4[%add3A_238, %dma_wait3A_318] : memref<53248x128xf32, #tpu.memory_space<hbm>> -> memref<128x128xf32, #tpu.memory_space<hbm>>
      %dma_wait3A_320 = arith.constant 0 : i32
      %dma_wait3A_321 = arith.constant 0 : i32
      %dma_wait3A_322 = tpu.memref_slice %arg6[%run_scoped3A_239, %dma_wait3A_320, %dma_wait3A_321] : memref<2x128x128xf32, #tpu.memory_space<vmem>> -> memref<1x128x128xf32, #tpu.memory_space<vmem>>
      %dma_wait3A_323 = tpu.memref_squeeze %dma_wait3A_322 : memref<1x128x128xf32, #tpu.memory_space<vmem>> -> memref<128x128xf32, #tpu.memory_space<vmem>>
      tpu.wait_dma2 semaphore(%run_scoped3A_299 : memref<!tpu.dma_semaphore, #tpu.memory_space<semaphore_mem>>) src(%dma_wait3A_323 : memref<128x128xf32, #tpu.memory_space<vmem>>) dst(%dma_wait3A_319 : memref<128x128xf32, #tpu.memory_space<hbm>>)
      tpu.yield
    }) : () -> ()
    %dma_start3A_240 = arith.constant 1 : i32
    %dma_start3A_241 = arith.constant 0 : i32
    %dma_start3A_242 = arith.constant 0 : i32
    %dma_start3A_243 = tpu.memref_slice %arg6[%dma_start3A_240, %dma_start3A_241, %dma_start3A_242] : memref<2x128x128xf32, #tpu.memory_space<vmem>> -> memref<1x128x128xf32, #tpu.memory_space<vmem>>
    %dma_start3A_244 = tpu.memref_squeeze %dma_start3A_243 : memref<1x128x128xf32, #tpu.memory_space<vmem>> -> memref<128x128xf32, #tpu.memory_space<vmem>>
    %dma_start3A_245 = arith.constant 1408 : i32
    %dma_start3A_246 = tpu.memref_slice %arg5[%dma_start3A_245] : memref<1664xi32, #tpu.memory_space<vmem>> -> memref<128xi32, #tpu.memory_space<vmem>>
    %dma_start3A_247 = arith.constant 0 : i32
    %dma_start3A_248 = arith.constant 0 : i32
    %dma_start3A_249 = tpu.memref_slice %arg3[%dma_start3A_247, %dma_start3A_248] : memref<10000x128xf32, #tpu.memory_space<hbm>> -> memref<10000x128xf32, #tpu.memory_space<hbm>>
    tpu.enqueue_indirect_dma source(%dma_start3A_249 : memref<10000x128xf32, #tpu.memory_space<hbm>>) target(%dma_start3A_244 : memref<128x128xf32, #tpu.memory_space<vmem>>) offsets(%dma_start3A_246 : memref<128xi32, #tpu.memory_space<vmem>>) semaphore(%arg8 : memref<!tpu.dma_semaphore, #tpu.memory_space<semaphore_mem>>)
    %dma_wait3A_250 = arith.constant 0 : i32
    %dma_wait3A_251 = arith.constant 0 : i32
    %dma_wait3A_252 = arith.constant 0 : i32
    %dma_wait3A_253 = tpu.memref_slice %arg6[%dma_wait3A_250, %dma_wait3A_251, %dma_wait3A_252] : memref<2x128x128xf32, #tpu.memory_space<vmem>> -> memref<1x128x128xf32, #tpu.memory_space<vmem>>
    %dma_wait3A_254 = tpu.memref_squeeze %dma_wait3A_253 : memref<1x128x128xf32, #tpu.memory_space<vmem>> -> memref<128x128xf32, #tpu.memory_space<vmem>>
    %dma_wait3A_255 = arith.constant 1280 : i32
    %dma_wait3A_256 = tpu.memref_slice %arg5[%dma_wait3A_255] : memref<1664xi32, #tpu.memory_space<vmem>> -> memref<128xi32, #tpu.memory_space<vmem>>
    %dma_wait3A_257 = arith.constant 0 : i32
    %dma_wait3A_258 = arith.constant 0 : i32
    %dma_wait3A_259 = tpu.memref_slice %arg3[%dma_wait3A_257, %dma_wait3A_258] : memref<10000x128xf32, #tpu.memory_space<hbm>> -> memref<10000x128xf32, #tpu.memory_space<hbm>>
    tpu.wait_indirect_dma semaphore(%arg7 : memref<!tpu.dma_semaphore, #tpu.memory_space<semaphore_mem>>) src(%dma_wait3A_259 : memref<10000x128xf32, #tpu.memory_space<hbm>>) dst(%dma_wait3A_254 : memref<128x128xf32, #tpu.memory_space<vmem>>)
    %add3A_260 = arith.constant 1280 : i32
    %add3A_261 = arith.addi %mul3A_2, %add3A_260 : i32
    %run_scoped3A_262 = arith.constant 0 : i32
    "tpu.region"() ({
      %run_scoped3A_299 = tpu.sem_alloc : memref<!tpu.dma_semaphore, #tpu.memory_space<semaphore_mem>>
      %dma_start3A_300 = arith.constant 0 : i32
      %dma_start3A_301 = arith.constant 0 : i32
      %dma_start3A_302 = tpu.memref_slice %arg6[%run_scoped3A_262, %dma_start3A_300, %dma_start3A_301] : memref<2x128x128xf32, #tpu.memory_space<vmem>> -> memref<1x128x128xf32, #tpu.memory_space<vmem>>
      %dma_start3A_303 = tpu.memref_squeeze %dma_start3A_302 : memref<1x128x128xf32, #tpu.memory_space<vmem>> -> memref<128x128xf32, #tpu.memory_space<vmem>>
      %dma_start3A_304 = arith.constant 0 : i32
      %dma_start3A_305 = tpu.memref_slice %arg4[%add3A_261, %dma_start3A_304] : memref<53248x128xf32, #tpu.memory_space<hbm>> -> memref<128x128xf32, #tpu.memory_space<hbm>>
      %dma_start3A_306 = arith.constant 0 : i32
      %dma_start3A_307 = tpu.memref_slice %arg4[%add3A_261, %dma_start3A_306] : memref<53248x128xf32, #tpu.memory_space<hbm>> -> memref<128x128xf32, #tpu.memory_space<hbm>>
      %dma_start3A_308 = arith.constant 0 : i32
      %dma_start3A_309 = arith.constant 0 : i32
      %dma_start3A_310 = tpu.memref_slice %arg6[%run_scoped3A_262, %dma_start3A_308, %dma_start3A_309] : memref<2x128x128xf32, #tpu.memory_space<vmem>> -> memref<1x128x128xf32, #tpu.memory_space<vmem>>
      %dma_start3A_311 = tpu.memref_squeeze %dma_start3A_310 : memref<1x128x128xf32, #tpu.memory_space<vmem>> -> memref<128x128xf32, #tpu.memory_space<vmem>>
      tpu.enqueue_dma source(%dma_start3A_311 : memref<128x128xf32, #tpu.memory_space<vmem>>) target(%dma_start3A_307 : memref<128x128xf32, #tpu.memory_space<hbm>>) target_semaphore(%run_scoped3A_299 : memref<!tpu.dma_semaphore, #tpu.memory_space<semaphore_mem>>)
      %dma_wait3A_312 = arith.constant 0 : i32
      %dma_wait3A_313 = arith.constant 0 : i32
      %dma_wait3A_314 = tpu.memref_slice %arg6[%run_scoped3A_262, %dma_wait3A_312, %dma_wait3A_313] : memref<2x128x128xf32, #tpu.memory_space<vmem>> -> memref<1x128x128xf32, #tpu.memory_space<vmem>>
      %dma_wait3A_315 = tpu.memref_squeeze %dma_wait3A_314 : memref<1x128x128xf32, #tpu.memory_space<vmem>> -> memref<128x128xf32, #tpu.memory_space<vmem>>
      %dma_wait3A_316 = arith.constant 0 : i32
      %dma_wait3A_317 = tpu.memref_slice %arg4[%add3A_261, %dma_wait3A_316] : memref<53248x128xf32, #tpu.memory_space<hbm>> -> memref<128x128xf32, #tpu.memory_space<hbm>>
      %dma_wait3A_318 = arith.constant 0 : i32
      %dma_wait3A_319 = tpu.memref_slice %arg4[%add3A_261, %dma_wait3A_318] : memref<53248x128xf32, #tpu.memory_space<hbm>> -> memref<128x128xf32, #tpu.memory_space<hbm>>
      %dma_wait3A_320 = arith.constant 0 : i32
      %dma_wait3A_321 = arith.constant 0 : i32
      %dma_wait3A_322 = tpu.memref_slice %arg6[%run_scoped3A_262, %dma_wait3A_320, %dma_wait3A_321] : memref<2x128x128xf32, #tpu.memory_space<vmem>> -> memref<1x128x128xf32, #tpu.memory_space<vmem>>
      %dma_wait3A_323 = tpu.memref_squeeze %dma_wait3A_322 : memref<1x128x128xf32, #tpu.memory_space<vmem>> -> memref<128x128xf32, #tpu.memory_space<vmem>>
      tpu.wait_dma2 semaphore(%run_scoped3A_299 : memref<!tpu.dma_semaphore, #tpu.memory_space<semaphore_mem>>) src(%dma_wait3A_323 : memref<128x128xf32, #tpu.memory_space<vmem>>) dst(%dma_wait3A_319 : memref<128x128xf32, #tpu.memory_space<hbm>>)
      tpu.yield
    }) : () -> ()
    %dma_start3A_263 = arith.constant 0 : i32
    %dma_start3A_264 = arith.constant 0 : i32
    %dma_start3A_265 = arith.constant 0 : i32
    %dma_start3A_266 = tpu.memref_slice %arg6[%dma_start3A_263, %dma_start3A_264, %dma_start3A_265] : memref<2x128x128xf32, #tpu.memory_space<vmem>> -> memref<1x128x128xf32, #tpu.memory_space<vmem>>
    %dma_start3A_267 = tpu.memref_squeeze %dma_start3A_266 : memref<1x128x128xf32, #tpu.memory_space<vmem>> -> memref<128x128xf32, #tpu.memory_space<vmem>>
    %dma_start3A_268 = arith.constant 1536 : i32
    %dma_start3A_269 = tpu.memref_slice %arg5[%dma_start3A_268] : memref<1664xi32, #tpu.memory_space<vmem>> -> memref<128xi32, #tpu.memory_space<vmem>>
    %dma_start3A_270 = arith.constant 0 : i32
    %dma_start3A_271 = arith.constant 0 : i32
    %dma_start3A_272 = tpu.memref_slice %arg3[%dma_start3A_270, %dma_start3A_271] : memref<10000x128xf32, #tpu.memory_space<hbm>> -> memref<10000x128xf32, #tpu.memory_space<hbm>>
    tpu.enqueue_indirect_dma source(%dma_start3A_272 : memref<10000x128xf32, #tpu.memory_space<hbm>>) target(%dma_start3A_267 : memref<128x128xf32, #tpu.memory_space<vmem>>) offsets(%dma_start3A_269 : memref<128xi32, #tpu.memory_space<vmem>>) semaphore(%arg7 : memref<!tpu.dma_semaphore, #tpu.memory_space<semaphore_mem>>)
    %dma_wait3A_273 = arith.constant 1 : i32
    %dma_wait3A_274 = arith.constant 0 : i32
    %dma_wait3A_275 = arith.constant 0 : i32
    %dma_wait3A_276 = tpu.memref_slice %arg6[%dma_wait3A_273, %dma_wait3A_274, %dma_wait3A_275] : memref<2x128x128xf32, #tpu.memory_space<vmem>> -> memref<1x128x128xf32, #tpu.memory_space<vmem>>
    %dma_wait3A_277 = tpu.memref_squeeze %dma_wait3A_276 : memref<1x128x128xf32, #tpu.memory_space<vmem>> -> memref<128x128xf32, #tpu.memory_space<vmem>>
    %dma_wait3A_278 = arith.constant 1408 : i32
    %dma_wait3A_279 = tpu.memref_slice %arg5[%dma_wait3A_278] : memref<1664xi32, #tpu.memory_space<vmem>> -> memref<128xi32, #tpu.memory_space<vmem>>
    %dma_wait3A_280 = arith.constant 0 : i32
    %dma_wait3A_281 = arith.constant 0 : i32
    %dma_wait3A_282 = tpu.memref_slice %arg3[%dma_wait3A_280, %dma_wait3A_281] : memref<10000x128xf32, #tpu.memory_space<hbm>> -> memref<10000x128xf32, #tpu.memory_space<hbm>>
    tpu.wait_indirect_dma semaphore(%arg8 : memref<!tpu.dma_semaphore, #tpu.memory_space<semaphore_mem>>) src(%dma_wait3A_282 : memref<10000x128xf32, #tpu.memory_space<hbm>>) dst(%dma_wait3A_277 : memref<128x128xf32, #tpu.memory_space<vmem>>)
    %add3A_283 = arith.constant 1408 : i32
    %add3A_284 = arith.addi %mul3A_2, %add3A_283 : i32
    %run_scoped3A_285 = arith.constant 1 : i32
    "tpu.region"() ({
      %run_scoped3A_299 = tpu.sem_alloc : memref<!tpu.dma_semaphore, #tpu.memory_space<semaphore_mem>>
      %dma_start3A_300 = arith.constant 0 : i32
      %dma_start3A_301 = arith.constant 0 : i32
      %dma_start3A_302 = tpu.memref_slice %arg6[%run_scoped3A_285, %dma_start3A_300, %dma_start3A_301] : memref<2x128x128xf32, #tpu.memory_space<vmem>> -> memref<1x128x128xf32, #tpu.memory_space<vmem>>
      %dma_start3A_303 = tpu.memref_squeeze %dma_start3A_302 : memref<1x128x128xf32, #tpu.memory_space<vmem>> -> memref<128x128xf32, #tpu.memory_space<vmem>>
      %dma_start3A_304 = arith.constant 0 : i32
      %dma_start3A_305 = tpu.memref_slice %arg4[%add3A_284, %dma_start3A_304] : memref<53248x128xf32, #tpu.memory_space<hbm>> -> memref<128x128xf32, #tpu.memory_space<hbm>>
      %dma_start3A_306 = arith.constant 0 : i32
      %dma_start3A_307 = tpu.memref_slice %arg4[%add3A_284, %dma_start3A_306] : memref<53248x128xf32, #tpu.memory_space<hbm>> -> memref<128x128xf32, #tpu.memory_space<hbm>>
      %dma_start3A_308 = arith.constant 0 : i32
      %dma_start3A_309 = arith.constant 0 : i32
      %dma_start3A_310 = tpu.memref_slice %arg6[%run_scoped3A_285, %dma_start3A_308, %dma_start3A_309] : memref<2x128x128xf32, #tpu.memory_space<vmem>> -> memref<1x128x128xf32, #tpu.memory_space<vmem>>
      %dma_start3A_311 = tpu.memref_squeeze %dma_start3A_310 : memref<1x128x128xf32, #tpu.memory_space<vmem>> -> memref<128x128xf32, #tpu.memory_space<vmem>>
      tpu.enqueue_dma source(%dma_start3A_311 : memref<128x128xf32, #tpu.memory_space<vmem>>) target(%dma_start3A_307 : memref<128x128xf32, #tpu.memory_space<hbm>>) target_semaphore(%run_scoped3A_299 : memref<!tpu.dma_semaphore, #tpu.memory_space<semaphore_mem>>)
      %dma_wait3A_312 = arith.constant 0 : i32
      %dma_wait3A_313 = arith.constant 0 : i32
      %dma_wait3A_314 = tpu.memref_slice %arg6[%run_scoped3A_285, %dma_wait3A_312, %dma_wait3A_313] : memref<2x128x128xf32, #tpu.memory_space<vmem>> -> memref<1x128x128xf32, #tpu.memory_space<vmem>>
      %dma_wait3A_315 = tpu.memref_squeeze %dma_wait3A_314 : memref<1x128x128xf32, #tpu.memory_space<vmem>> -> memref<128x128xf32, #tpu.memory_space<vmem>>
      %dma_wait3A_316 = arith.constant 0 : i32
      %dma_wait3A_317 = tpu.memref_slice %arg4[%add3A_284, %dma_wait3A_316] : memref<53248x128xf32, #tpu.memory_space<hbm>> -> memref<128x128xf32, #tpu.memory_space<hbm>>
      %dma_wait3A_318 = arith.constant 0 : i32
      %dma_wait3A_319 = tpu.memref_slice %arg4[%add3A_284, %dma_wait3A_318] : memref<53248x128xf32, #tpu.memory_space<hbm>> -> memref<128x128xf32, #tpu.memory_space<hbm>>
      %dma_wait3A_320 = arith.constant 0 : i32
      %dma_wait3A_321 = arith.constant 0 : i32
      %dma_wait3A_322 = tpu.memref_slice %arg6[%run_scoped3A_285, %dma_wait3A_320, %dma_wait3A_321] : memref<2x128x128xf32, #tpu.memory_space<vmem>> -> memref<1x128x128xf32, #tpu.memory_space<vmem>>
      %dma_wait3A_323 = tpu.memref_squeeze %dma_wait3A_322 : memref<1x128x128xf32, #tpu.memory_space<vmem>> -> memref<128x128xf32, #tpu.memory_space<vmem>>
      tpu.wait_dma2 semaphore(%run_scoped3A_299 : memref<!tpu.dma_semaphore, #tpu.memory_space<semaphore_mem>>) src(%dma_wait3A_323 : memref<128x128xf32, #tpu.memory_space<vmem>>) dst(%dma_wait3A_319 : memref<128x128xf32, #tpu.memory_space<hbm>>)
      tpu.yield
    }) : () -> ()
    %dma_wait3A_286 = arith.constant 0 : i32
    %dma_wait3A_287 = arith.constant 0 : i32
    %dma_wait3A_288 = arith.constant 0 : i32
    %dma_wait3A_289 = tpu.memref_slice %arg6[%dma_wait3A_286, %dma_wait3A_287, %dma_wait3A_288] : memref<2x128x128xf32, #tpu.memory_space<vmem>> -> memref<1x128x128xf32, #tpu.memory_space<vmem>>
    %dma_wait3A_290 = tpu.memref_squeeze %dma_wait3A_289 : memref<1x128x128xf32, #tpu.memory_space<vmem>> -> memref<128x128xf32, #tpu.memory_space<vmem>>
    %dma_wait3A_291 = arith.constant 1536 : i32
    %dma_wait3A_292 = tpu.memref_slice %arg5[%dma_wait3A_291] : memref<1664xi32, #tpu.memory_space<vmem>> -> memref<128xi32, #tpu.memory_space<vmem>>
    %dma_wait3A_293 = arith.constant 0 : i32
    %dma_wait3A_294 = arith.constant 0 : i32
    %dma_wait3A_295 = tpu.memref_slice %arg3[%dma_wait3A_293, %dma_wait3A_294] : memref<10000x128xf32, #tpu.memory_space<hbm>> -> memref<10000x128xf32, #tpu.memory_space<hbm>>
    tpu.wait_indirect_dma semaphore(%arg7 : memref<!tpu.dma_semaphore, #tpu.memory_space<semaphore_mem>>) src(%dma_wait3A_295 : memref<10000x128xf32, #tpu.memory_space<hbm>>) dst(%dma_wait3A_290 : memref<128x128xf32, #tpu.memory_space<vmem>>)
    %add3A_296 = arith.constant 1536 : i32
    %add3A_297 = arith.addi %mul3A_2, %add3A_296 : i32
    %run_scoped3A_298 = arith.constant 0 : i32
    "tpu.region"() ({
      %run_scoped3A_299 = tpu.sem_alloc : memref<!tpu.dma_semaphore, #tpu.memory_space<semaphore_mem>>
      %dma_start3A_300 = arith.constant 0 : i32
      %dma_start3A_301 = arith.constant 0 : i32
      %dma_start3A_302 = tpu.memref_slice %arg6[%run_scoped3A_298, %dma_start3A_300, %dma_start3A_301] : memref<2x128x128xf32, #tpu.memory_space<vmem>> -> memref<1x128x128xf32, #tpu.memory_space<vmem>>
      %dma_start3A_303 = tpu.memref_squeeze %dma_start3A_302 : memref<1x128x128xf32, #tpu.memory_space<vmem>> -> memref<128x128xf32, #tpu.memory_space<vmem>>
      %dma_start3A_304 = arith.constant 0 : i32
      %dma_start3A_305 = tpu.memref_slice %arg4[%add3A_297, %dma_start3A_304] : memref<53248x128xf32, #tpu.memory_space<hbm>> -> memref<128x128xf32, #tpu.memory_space<hbm>>
      %dma_start3A_306 = arith.constant 0 : i32
      %dma_start3A_307 = tpu.memref_slice %arg4[%add3A_297, %dma_start3A_306] : memref<53248x128xf32, #tpu.memory_space<hbm>> -> memref<128x128xf32, #tpu.memory_space<hbm>>
      %dma_start3A_308 = arith.constant 0 : i32
      %dma_start3A_309 = arith.constant 0 : i32
      %dma_start3A_310 = tpu.memref_slice %arg6[%run_scoped3A_298, %dma_start3A_308, %dma_start3A_309] : memref<2x128x128xf32, #tpu.memory_space<vmem>> -> memref<1x128x128xf32, #tpu.memory_space<vmem>>
      %dma_start3A_311 = tpu.memref_squeeze %dma_start3A_310 : memref<1x128x128xf32, #tpu.memory_space<vmem>> -> memref<128x128xf32, #tpu.memory_space<vmem>>
      tpu.enqueue_dma source(%dma_start3A_311 : memref<128x128xf32, #tpu.memory_space<vmem>>) target(%dma_start3A_307 : memref<128x128xf32, #tpu.memory_space<hbm>>) target_semaphore(%run_scoped3A_299 : memref<!tpu.dma_semaphore, #tpu.memory_space<semaphore_mem>>)
      %dma_wait3A_312 = arith.constant 0 : i32
      %dma_wait3A_313 = arith.constant 0 : i32
      %dma_wait3A_314 = tpu.memref_slice %arg6[%run_scoped3A_298, %dma_wait3A_312, %dma_wait3A_313] : memref<2x128x128xf32, #tpu.memory_space<vmem>> -> memref<1x128x128xf32, #tpu.memory_space<vmem>>
      %dma_wait3A_315 = tpu.memref_squeeze %dma_wait3A_314 : memref<1x128x128xf32, #tpu.memory_space<vmem>> -> memref<128x128xf32, #tpu.memory_space<vmem>>
      %dma_wait3A_316 = arith.constant 0 : i32
      %dma_wait3A_317 = tpu.memref_slice %arg4[%add3A_297, %dma_wait3A_316] : memref<53248x128xf32, #tpu.memory_space<hbm>> -> memref<128x128xf32, #tpu.memory_space<hbm>>
      %dma_wait3A_318 = arith.constant 0 : i32
      %dma_wait3A_319 = tpu.memref_slice %arg4[%add3A_297, %dma_wait3A_318] : memref<53248x128xf32, #tpu.memory_space<hbm>> -> memref<128x128xf32, #tpu.memory_space<hbm>>
      %dma_wait3A_320 = arith.constant 0 : i32
      %dma_wait3A_321 = arith.constant 0 : i32
      %dma_wait3A_322 = tpu.memref_slice %arg6[%run_scoped3A_298, %dma_wait3A_320, %dma_wait3A_321] : memref<2x128x128xf32, #tpu.memory_space<vmem>> -> memref<1x128x128xf32, #tpu.memory_space<vmem>>
      %dma_wait3A_323 = tpu.memref_squeeze %dma_wait3A_322 : memref<1x128x128xf32, #tpu.memory_space<vmem>> -> memref<128x128xf32, #tpu.memory_space<vmem>>
      tpu.wait_dma2 semaphore(%run_scoped3A_299 : memref<!tpu.dma_semaphore, #tpu.memory_space<semaphore_mem>>) src(%dma_wait3A_323 : memref<128x128xf32, #tpu.memory_space<vmem>>) dst(%dma_wait3A_319 : memref<128x128xf32, #tpu.memory_space<hbm>>)
      tpu.yield
    }) : () -> ()
    return
  }
}

module attributes {stable_mosaic.version = 14 : i64} {
  func.func @_knn_body(%arg0: i32, %arg1: memref<400x3xf32, #tpu.memory_space<vmem>>, %arg2: memref<80x8x128xf32, #tpu.memory_space<vmem>>, %arg3: memref<80x8x128xf32, #tpu.memory_space<vmem>>, %arg4: memref<80x8x128xf32, #tpu.memory_space<vmem>>, %arg5: memref<400x1xi32, #tpu.memory_space<vmem>>) attributes {dimension_semantics = [#tpu.dimension_semantics<arbitrary>], iteration_bounds = array<i64: 125>, scalar_prefetch = 0 : i64, scratch_operands = 0 : i64, tpu.core_type = #tpu.core_type<tc>, window_params = [{transform_indices = @transform_0, window_bounds = array<i64: 400, 3>}, {pipeline_mode = #tpu.pipeline_mode<synchronous>, transform_indices = @transform_1, window_bounds = array<i64: 80, 8, 128>}, {pipeline_mode = #tpu.pipeline_mode<synchronous>, transform_indices = @transform_2, window_bounds = array<i64: 80, 8, 128>}, {pipeline_mode = #tpu.pipeline_mode<synchronous>, transform_indices = @transform_3, window_bounds = array<i64: 80, 8, 128>}, {transform_indices = @transform_4, window_bounds = array<i64: 400, 1>}]} {
    %get3A = arith.constant 0 : index
    %get3A_0 = arith.constant 0 : index
    %get3A_1 = vector.load %arg1[%get3A, %get3A_0] : memref<400x3xf32, #tpu.memory_space<vmem>>, vector<80x3xf32>
    %slice3A = vector.extract_strided_slice %get3A_1 {offsets = [0, 0], sizes = [80, 1], strides = [1, 1]} : vector<80x3xf32> to vector<80x1xf32>
    %reshape3A = vector.shape_cast %slice3A : vector<80x1xf32> to vector<10x8x1xf32>
    %broadcast_in_dim3A = vector.shape_cast %reshape3A : vector<10x8x1xf32> to vector<10x8x1xf32>
    %broadcast_in_dim3A_2 = vector.broadcast %broadcast_in_dim3A : vector<10x8x1xf32> to vector<10x8x128xf32>
    %slice3A_3 = vector.extract_strided_slice %get3A_1 {offsets = [0, 1], sizes = [80, 1], strides = [1, 1]} : vector<80x3xf32> to vector<80x1xf32>
    %reshape3A_4 = vector.shape_cast %slice3A_3 : vector<80x1xf32> to vector<10x8x1xf32>
    %broadcast_in_dim3A_5 = vector.shape_cast %reshape3A_4 : vector<10x8x1xf32> to vector<10x8x1xf32>
    %broadcast_in_dim3A_6 = vector.broadcast %broadcast_in_dim3A_5 : vector<10x8x1xf32> to vector<10x8x128xf32>
    %slice3A_7 = vector.extract_strided_slice %get3A_1 {offsets = [0, 2], sizes = [80, 1], strides = [1, 1]} : vector<80x3xf32> to vector<80x1xf32>
    %reshape3A_8 = vector.shape_cast %slice3A_7 : vector<80x1xf32> to vector<10x8x1xf32>
    %broadcast_in_dim3A_9 = vector.shape_cast %reshape3A_8 : vector<10x8x1xf32> to vector<10x8x1xf32>
    %broadcast_in_dim3A_10 = vector.broadcast %broadcast_in_dim3A_9 : vector<10x8x1xf32> to vector<10x8x128xf32>
    %broadcast_in_dim3A_11 = arith.constant 0x7F800000 : f32
    %broadcast_in_dim3A_12 = vector.broadcast %broadcast_in_dim3A_11 : f32 to vector<10x8x128xf32>
    %broadcast_in_dim3A_13 = arith.constant 0.000000e+00 : f32
    %broadcast_in_dim3A_14 = vector.broadcast %broadcast_in_dim3A_13 : f32 to vector<10x8x128xf32>
    %scan3A = arith.constant 0 : i32
    %scan3A_15 = arith.constant 4 : i32
    %scan3A_16 = arith.addi %scan3A, %scan3A_15 : i32
    %scan3A_17 = arith.constant 1 : i32
    %scan3A_18:2 = scf.for %scan3A_226 = %scan3A to %scan3A_16 step %scan3A_17 iter_args(%scan3A_227 = %broadcast_in_dim3A_12, %scan3A_228 = %broadcast_in_dim3A_14) -> (vector<10x8x128xf32>, vector<10x8x128xf32>)  : i32 {
      %convert_element_type3A_229 = arith.sitofp %scan3A_226 : i32 to f32
      %mul3A_230 = arith.constant 2.000000e+01 : f32
      %mul3A_231 = arith.mulf %convert_element_type3A_229, %mul3A_230 : f32
      %add3A_232 = arith.constant 0.000000e+00 : f32
      %add3A_233 = arith.addf %mul3A_231, %add3A_232 : f32
      %mul3A_234 = arith.constant 20 : i32
      %mul3A_235 = arith.muli %scan3A_226, %mul3A_234 : i32
      %add3A_236 = arith.constant 0 : i32
      %add3A_237 = arith.addi %add3A_236, %mul3A_235 : i32
      %add3A_238 = arith.constant 0 : i32
      %add3A_239 = arith.addi %add3A_237, %add3A_238 : i32
      %add3A_240 = arith.constant 0.000000e+00 : f32
      %add3A_241 = arith.addf %add3A_233, %add3A_240 : f32
      %get3A_242 = arith.index_cast %add3A_239 : i32 to index
      %get3A_243 = arith.constant 0 : index
      %get3A_244 = arith.constant 0 : index
      %get3A_245 = vector.load %arg2[%get3A_242, %get3A_243, %get3A_244] : memref<80x8x128xf32, #tpu.memory_space<vmem>>, vector<1x8x128xf32>
      %get3A_246 = arith.index_cast %add3A_239 : i32 to index
      %get3A_247 = arith.constant 0 : index
      %get3A_248 = arith.constant 0 : index
      %get3A_249 = vector.load %arg3[%get3A_246, %get3A_247, %get3A_248] : memref<80x8x128xf32, #tpu.memory_space<vmem>>, vector<1x8x128xf32>
      %get3A_250 = arith.index_cast %add3A_239 : i32 to index
      %get3A_251 = arith.constant 0 : index
      %get3A_252 = arith.constant 0 : index
      %get3A_253 = vector.load %arg4[%get3A_250, %get3A_251, %get3A_252] : memref<80x8x128xf32, #tpu.memory_space<vmem>>, vector<1x8x128xf32>
      %sub3A = vector.broadcast %get3A_245 : vector<1x8x128xf32> to vector<10x8x128xf32>
      %sub3A_254 = arith.subf %broadcast_in_dim3A_2, %sub3A : vector<10x8x128xf32>
      %sub3A_255 = vector.broadcast %get3A_249 : vector<1x8x128xf32> to vector<10x8x128xf32>
      %sub3A_256 = arith.subf %broadcast_in_dim3A_6, %sub3A_255 : vector<10x8x128xf32>
      %sub3A_257 = vector.broadcast %get3A_253 : vector<1x8x128xf32> to vector<10x8x128xf32>
      %sub3A_258 = arith.subf %broadcast_in_dim3A_10, %sub3A_257 : vector<10x8x128xf32>
      %mul3A_259 = arith.mulf %sub3A_254, %sub3A_254 : vector<10x8x128xf32>
      %mul3A_260 = arith.mulf %sub3A_256, %sub3A_256 : vector<10x8x128xf32>
      %add3A_261 = arith.addf %mul3A_259, %mul3A_260 : vector<10x8x128xf32>
      %mul3A_262 = arith.mulf %sub3A_258, %sub3A_258 : vector<10x8x128xf32>
      %add3A_263 = arith.addf %add3A_261, %mul3A_262 : vector<10x8x128xf32>
      %lt3A = arith.cmpf olt, %add3A_263, %scan3A_227 : vector<10x8x128xf32>
      %min3A = arith.minimumf %add3A_263, %scan3A_227 : vector<10x8x128xf32>
      %broadcast_in_dim3A_264 = vector.broadcast %add3A_241 : f32 to vector<10x8x128xf32>
      %select_n3A_265 = arith.select %lt3A, %broadcast_in_dim3A_264, %scan3A_228 : vector<10x8x128xi1>, vector<10x8x128xf32>
      %mul3A_266 = arith.constant 20 : i32
      %mul3A_267 = arith.muli %scan3A_226, %mul3A_266 : i32
      %add3A_268 = arith.constant 0 : i32
      %add3A_269 = arith.addi %add3A_268, %mul3A_267 : i32
      %add3A_270 = arith.constant 1 : i32
      %add3A_271 = arith.addi %add3A_269, %add3A_270 : i32
      %add3A_272 = arith.constant 1.000000e+00 : f32
      %add3A_273 = arith.addf %add3A_233, %add3A_272 : f32
      %get3A_274 = arith.index_cast %add3A_271 : i32 to index
      %get3A_275 = arith.constant 0 : index
      %get3A_276 = arith.constant 0 : index
      %get3A_277 = vector.load %arg2[%get3A_274, %get3A_275, %get3A_276] : memref<80x8x128xf32, #tpu.memory_space<vmem>>, vector<1x8x128xf32>
      %get3A_278 = arith.index_cast %add3A_271 : i32 to index
      %get3A_279 = arith.constant 0 : index
      %get3A_280 = arith.constant 0 : index
      %get3A_281 = vector.load %arg3[%get3A_278, %get3A_279, %get3A_280] : memref<80x8x128xf32, #tpu.memory_space<vmem>>, vector<1x8x128xf32>
      %get3A_282 = arith.index_cast %add3A_271 : i32 to index
      %get3A_283 = arith.constant 0 : index
      %get3A_284 = arith.constant 0 : index
      %get3A_285 = vector.load %arg4[%get3A_282, %get3A_283, %get3A_284] : memref<80x8x128xf32, #tpu.memory_space<vmem>>, vector<1x8x128xf32>
      %sub3A_286 = vector.broadcast %get3A_277 : vector<1x8x128xf32> to vector<10x8x128xf32>
      %sub3A_287 = arith.subf %broadcast_in_dim3A_2, %sub3A_286 : vector<10x8x128xf32>
      %sub3A_288 = vector.broadcast %get3A_281 : vector<1x8x128xf32> to vector<10x8x128xf32>
      %sub3A_289 = arith.subf %broadcast_in_dim3A_6, %sub3A_288 : vector<10x8x128xf32>
      %sub3A_290 = vector.broadcast %get3A_285 : vector<1x8x128xf32> to vector<10x8x128xf32>
      %sub3A_291 = arith.subf %broadcast_in_dim3A_10, %sub3A_290 : vector<10x8x128xf32>
      %mul3A_292 = arith.mulf %sub3A_287, %sub3A_287 : vector<10x8x128xf32>
      %mul3A_293 = arith.mulf %sub3A_289, %sub3A_289 : vector<10x8x128xf32>
      %add3A_294 = arith.addf %mul3A_292, %mul3A_293 : vector<10x8x128xf32>
      %mul3A_295 = arith.mulf %sub3A_291, %sub3A_291 : vector<10x8x128xf32>
      %add3A_296 = arith.addf %add3A_294, %mul3A_295 : vector<10x8x128xf32>
      %lt3A_297 = arith.cmpf olt, %add3A_296, %min3A : vector<10x8x128xf32>
      %min3A_298 = arith.minimumf %add3A_296, %min3A : vector<10x8x128xf32>
      %broadcast_in_dim3A_299 = vector.broadcast %add3A_273 : f32 to vector<10x8x128xf32>
      %select_n3A_300 = arith.select %lt3A_297, %broadcast_in_dim3A_299, %select_n3A_265 : vector<10x8x128xi1>, vector<10x8x128xf32>
      %mul3A_301 = arith.constant 20 : i32
      %mul3A_302 = arith.muli %scan3A_226, %mul3A_301 : i32
      %add3A_303 = arith.constant 0 : i32
      %add3A_304 = arith.addi %add3A_303, %mul3A_302 : i32
      %add3A_305 = arith.constant 2 : i32
      %add3A_306 = arith.addi %add3A_304, %add3A_305 : i32
      %add3A_307 = arith.constant 2.000000e+00 : f32
      %add3A_308 = arith.addf %add3A_233, %add3A_307 : f32
      %get3A_309 = arith.index_cast %add3A_306 : i32 to index
      %get3A_310 = arith.constant 0 : index
      %get3A_311 = arith.constant 0 : index
      %get3A_312 = vector.load %arg2[%get3A_309, %get3A_310, %get3A_311] : memref<80x8x128xf32, #tpu.memory_space<vmem>>, vector<1x8x128xf32>
      %get3A_313 = arith.index_cast %add3A_306 : i32 to index
      %get3A_314 = arith.constant 0 : index
      %get3A_315 = arith.constant 0 : index
      %get3A_316 = vector.load %arg3[%get3A_313, %get3A_314, %get3A_315] : memref<80x8x128xf32, #tpu.memory_space<vmem>>, vector<1x8x128xf32>
      %get3A_317 = arith.index_cast %add3A_306 : i32 to index
      %get3A_318 = arith.constant 0 : index
      %get3A_319 = arith.constant 0 : index
      %get3A_320 = vector.load %arg4[%get3A_317, %get3A_318, %get3A_319] : memref<80x8x128xf32, #tpu.memory_space<vmem>>, vector<1x8x128xf32>
      %sub3A_321 = vector.broadcast %get3A_312 : vector<1x8x128xf32> to vector<10x8x128xf32>
      %sub3A_322 = arith.subf %broadcast_in_dim3A_2, %sub3A_321 : vector<10x8x128xf32>
      %sub3A_323 = vector.broadcast %get3A_316 : vector<1x8x128xf32> to vector<10x8x128xf32>
      %sub3A_324 = arith.subf %broadcast_in_dim3A_6, %sub3A_323 : vector<10x8x128xf32>
      %sub3A_325 = vector.broadcast %get3A_320 : vector<1x8x128xf32> to vector<10x8x128xf32>
      %sub3A_326 = arith.subf %broadcast_in_dim3A_10, %sub3A_325 : vector<10x8x128xf32>
      %mul3A_327 = arith.mulf %sub3A_322, %sub3A_322 : vector<10x8x128xf32>
      %mul3A_328 = arith.mulf %sub3A_324, %sub3A_324 : vector<10x8x128xf32>
      %add3A_329 = arith.addf %mul3A_327, %mul3A_328 : vector<10x8x128xf32>
      %mul3A_330 = arith.mulf %sub3A_326, %sub3A_326 : vector<10x8x128xf32>
      %add3A_331 = arith.addf %add3A_329, %mul3A_330 : vector<10x8x128xf32>
      %lt3A_332 = arith.cmpf olt, %add3A_331, %min3A_298 : vector<10x8x128xf32>
      %min3A_333 = arith.minimumf %add3A_331, %min3A_298 : vector<10x8x128xf32>
      %broadcast_in_dim3A_334 = vector.broadcast %add3A_308 : f32 to vector<10x8x128xf32>
      %select_n3A_335 = arith.select %lt3A_332, %broadcast_in_dim3A_334, %select_n3A_300 : vector<10x8x128xi1>, vector<10x8x128xf32>
      %mul3A_336 = arith.constant 20 : i32
      %mul3A_337 = arith.muli %scan3A_226, %mul3A_336 : i32
      %add3A_338 = arith.constant 0 : i32
      %add3A_339 = arith.addi %add3A_338, %mul3A_337 : i32
      %add3A_340 = arith.constant 3 : i32
      %add3A_341 = arith.addi %add3A_339, %add3A_340 : i32
      %add3A_342 = arith.constant 3.000000e+00 : f32
      %add3A_343 = arith.addf %add3A_233, %add3A_342 : f32
      %get3A_344 = arith.index_cast %add3A_341 : i32 to index
      %get3A_345 = arith.constant 0 : index
      %get3A_346 = arith.constant 0 : index
      %get3A_347 = vector.load %arg2[%get3A_344, %get3A_345, %get3A_346] : memref<80x8x128xf32, #tpu.memory_space<vmem>>, vector<1x8x128xf32>
      %get3A_348 = arith.index_cast %add3A_341 : i32 to index
      %get3A_349 = arith.constant 0 : index
      %get3A_350 = arith.constant 0 : index
      %get3A_351 = vector.load %arg3[%get3A_348, %get3A_349, %get3A_350] : memref<80x8x128xf32, #tpu.memory_space<vmem>>, vector<1x8x128xf32>
      %get3A_352 = arith.index_cast %add3A_341 : i32 to index
      %get3A_353 = arith.constant 0 : index
      %get3A_354 = arith.constant 0 : index
      %get3A_355 = vector.load %arg4[%get3A_352, %get3A_353, %get3A_354] : memref<80x8x128xf32, #tpu.memory_space<vmem>>, vector<1x8x128xf32>
      %sub3A_356 = vector.broadcast %get3A_347 : vector<1x8x128xf32> to vector<10x8x128xf32>
      %sub3A_357 = arith.subf %broadcast_in_dim3A_2, %sub3A_356 : vector<10x8x128xf32>
      %sub3A_358 = vector.broadcast %get3A_351 : vector<1x8x128xf32> to vector<10x8x128xf32>
      %sub3A_359 = arith.subf %broadcast_in_dim3A_6, %sub3A_358 : vector<10x8x128xf32>
      %sub3A_360 = vector.broadcast %get3A_355 : vector<1x8x128xf32> to vector<10x8x128xf32>
      %sub3A_361 = arith.subf %broadcast_in_dim3A_10, %sub3A_360 : vector<10x8x128xf32>
      %mul3A_362 = arith.mulf %sub3A_357, %sub3A_357 : vector<10x8x128xf32>
      %mul3A_363 = arith.mulf %sub3A_359, %sub3A_359 : vector<10x8x128xf32>
      %add3A_364 = arith.addf %mul3A_362, %mul3A_363 : vector<10x8x128xf32>
      %mul3A_365 = arith.mulf %sub3A_361, %sub3A_361 : vector<10x8x128xf32>
      %add3A_366 = arith.addf %add3A_364, %mul3A_365 : vector<10x8x128xf32>
      %lt3A_367 = arith.cmpf olt, %add3A_366, %min3A_333 : vector<10x8x128xf32>
      %min3A_368 = arith.minimumf %add3A_366, %min3A_333 : vector<10x8x128xf32>
      %broadcast_in_dim3A_369 = vector.broadcast %add3A_343 : f32 to vector<10x8x128xf32>
      %select_n3A_370 = arith.select %lt3A_367, %broadcast_in_dim3A_369, %select_n3A_335 : vector<10x8x128xi1>, vector<10x8x128xf32>
      %mul3A_371 = arith.constant 20 : i32
      %mul3A_372 = arith.muli %scan3A_226, %mul3A_371 : i32
      %add3A_373 = arith.constant 0 : i32
      %add3A_374 = arith.addi %add3A_373, %mul3A_372 : i32
      %add3A_375 = arith.constant 4 : i32
      %add3A_376 = arith.addi %add3A_374, %add3A_375 : i32
      %add3A_377 = arith.constant 4.000000e+00 : f32
      %add3A_378 = arith.addf %add3A_233, %add3A_377 : f32
      %get3A_379 = arith.index_cast %add3A_376 : i32 to index
      %get3A_380 = arith.constant 0 : index
      %get3A_381 = arith.constant 0 : index
      %get3A_382 = vector.load %arg2[%get3A_379, %get3A_380, %get3A_381] : memref<80x8x128xf32, #tpu.memory_space<vmem>>, vector<1x8x128xf32>
      %get3A_383 = arith.index_cast %add3A_376 : i32 to index
      %get3A_384 = arith.constant 0 : index
      %get3A_385 = arith.constant 0 : index
      %get3A_386 = vector.load %arg3[%get3A_383, %get3A_384, %get3A_385] : memref<80x8x128xf32, #tpu.memory_space<vmem>>, vector<1x8x128xf32>
      %get3A_387 = arith.index_cast %add3A_376 : i32 to index
      %get3A_388 = arith.constant 0 : index
      %get3A_389 = arith.constant 0 : index
      %get3A_390 = vector.load %arg4[%get3A_387, %get3A_388, %get3A_389] : memref<80x8x128xf32, #tpu.memory_space<vmem>>, vector<1x8x128xf32>
      %sub3A_391 = vector.broadcast %get3A_382 : vector<1x8x128xf32> to vector<10x8x128xf32>
      %sub3A_392 = arith.subf %broadcast_in_dim3A_2, %sub3A_391 : vector<10x8x128xf32>
      %sub3A_393 = vector.broadcast %get3A_386 : vector<1x8x128xf32> to vector<10x8x128xf32>
      %sub3A_394 = arith.subf %broadcast_in_dim3A_6, %sub3A_393 : vector<10x8x128xf32>
      %sub3A_395 = vector.broadcast %get3A_390 : vector<1x8x128xf32> to vector<10x8x128xf32>
      %sub3A_396 = arith.subf %broadcast_in_dim3A_10, %sub3A_395 : vector<10x8x128xf32>
      %mul3A_397 = arith.mulf %sub3A_392, %sub3A_392 : vector<10x8x128xf32>
      %mul3A_398 = arith.mulf %sub3A_394, %sub3A_394 : vector<10x8x128xf32>
      %add3A_399 = arith.addf %mul3A_397, %mul3A_398 : vector<10x8x128xf32>
      %mul3A_400 = arith.mulf %sub3A_396, %sub3A_396 : vector<10x8x128xf32>
      %add3A_401 = arith.addf %add3A_399, %mul3A_400 : vector<10x8x128xf32>
      %lt3A_402 = arith.cmpf olt, %add3A_401, %min3A_368 : vector<10x8x128xf32>
      %min3A_403 = arith.minimumf %add3A_401, %min3A_368 : vector<10x8x128xf32>
      %broadcast_in_dim3A_404 = vector.broadcast %add3A_378 : f32 to vector<10x8x128xf32>
      %select_n3A_405 = arith.select %lt3A_402, %broadcast_in_dim3A_404, %select_n3A_370 : vector<10x8x128xi1>, vector<10x8x128xf32>
      %mul3A_406 = arith.constant 20 : i32
      %mul3A_407 = arith.muli %scan3A_226, %mul3A_406 : i32
      %add3A_408 = arith.constant 0 : i32
      %add3A_409 = arith.addi %add3A_408, %mul3A_407 : i32
      %add3A_410 = arith.constant 5 : i32
      %add3A_411 = arith.addi %add3A_409, %add3A_410 : i32
      %add3A_412 = arith.constant 5.000000e+00 : f32
      %add3A_413 = arith.addf %add3A_233, %add3A_412 : f32
      %get3A_414 = arith.index_cast %add3A_411 : i32 to index
      %get3A_415 = arith.constant 0 : index
      %get3A_416 = arith.constant 0 : index
      %get3A_417 = vector.load %arg2[%get3A_414, %get3A_415, %get3A_416] : memref<80x8x128xf32, #tpu.memory_space<vmem>>, vector<1x8x128xf32>
      %get3A_418 = arith.index_cast %add3A_411 : i32 to index
      %get3A_419 = arith.constant 0 : index
      %get3A_420 = arith.constant 0 : index
      %get3A_421 = vector.load %arg3[%get3A_418, %get3A_419, %get3A_420] : memref<80x8x128xf32, #tpu.memory_space<vmem>>, vector<1x8x128xf32>
      %get3A_422 = arith.index_cast %add3A_411 : i32 to index
      %get3A_423 = arith.constant 0 : index
      %get3A_424 = arith.constant 0 : index
      %get3A_425 = vector.load %arg4[%get3A_422, %get3A_423, %get3A_424] : memref<80x8x128xf32, #tpu.memory_space<vmem>>, vector<1x8x128xf32>
      %sub3A_426 = vector.broadcast %get3A_417 : vector<1x8x128xf32> to vector<10x8x128xf32>
      %sub3A_427 = arith.subf %broadcast_in_dim3A_2, %sub3A_426 : vector<10x8x128xf32>
      %sub3A_428 = vector.broadcast %get3A_421 : vector<1x8x128xf32> to vector<10x8x128xf32>
      %sub3A_429 = arith.subf %broadcast_in_dim3A_6, %sub3A_428 : vector<10x8x128xf32>
      %sub3A_430 = vector.broadcast %get3A_425 : vector<1x8x128xf32> to vector<10x8x128xf32>
      %sub3A_431 = arith.subf %broadcast_in_dim3A_10, %sub3A_430 : vector<10x8x128xf32>
      %mul3A_432 = arith.mulf %sub3A_427, %sub3A_427 : vector<10x8x128xf32>
      %mul3A_433 = arith.mulf %sub3A_429, %sub3A_429 : vector<10x8x128xf32>
      %add3A_434 = arith.addf %mul3A_432, %mul3A_433 : vector<10x8x128xf32>
      %mul3A_435 = arith.mulf %sub3A_431, %sub3A_431 : vector<10x8x128xf32>
      %add3A_436 = arith.addf %add3A_434, %mul3A_435 : vector<10x8x128xf32>
      %lt3A_437 = arith.cmpf olt, %add3A_436, %min3A_403 : vector<10x8x128xf32>
      %min3A_438 = arith.minimumf %add3A_436, %min3A_403 : vector<10x8x128xf32>
      %broadcast_in_dim3A_439 = vector.broadcast %add3A_413 : f32 to vector<10x8x128xf32>
      %select_n3A_440 = arith.select %lt3A_437, %broadcast_in_dim3A_439, %select_n3A_405 : vector<10x8x128xi1>, vector<10x8x128xf32>
      %mul3A_441 = arith.constant 20 : i32
      %mul3A_442 = arith.muli %scan3A_226, %mul3A_441 : i32
      %add3A_443 = arith.constant 0 : i32
      %add3A_444 = arith.addi %add3A_443, %mul3A_442 : i32
      %add3A_445 = arith.constant 6 : i32
      %add3A_446 = arith.addi %add3A_444, %add3A_445 : i32
      %add3A_447 = arith.constant 6.000000e+00 : f32
      %add3A_448 = arith.addf %add3A_233, %add3A_447 : f32
      %get3A_449 = arith.index_cast %add3A_446 : i32 to index
      %get3A_450 = arith.constant 0 : index
      %get3A_451 = arith.constant 0 : index
      %get3A_452 = vector.load %arg2[%get3A_449, %get3A_450, %get3A_451] : memref<80x8x128xf32, #tpu.memory_space<vmem>>, vector<1x8x128xf32>
      %get3A_453 = arith.index_cast %add3A_446 : i32 to index
      %get3A_454 = arith.constant 0 : index
      %get3A_455 = arith.constant 0 : index
      %get3A_456 = vector.load %arg3[%get3A_453, %get3A_454, %get3A_455] : memref<80x8x128xf32, #tpu.memory_space<vmem>>, vector<1x8x128xf32>
      %get3A_457 = arith.index_cast %add3A_446 : i32 to index
      %get3A_458 = arith.constant 0 : index
      %get3A_459 = arith.constant 0 : index
      %get3A_460 = vector.load %arg4[%get3A_457, %get3A_458, %get3A_459] : memref<80x8x128xf32, #tpu.memory_space<vmem>>, vector<1x8x128xf32>
      %sub3A_461 = vector.broadcast %get3A_452 : vector<1x8x128xf32> to vector<10x8x128xf32>
      %sub3A_462 = arith.subf %broadcast_in_dim3A_2, %sub3A_461 : vector<10x8x128xf32>
      %sub3A_463 = vector.broadcast %get3A_456 : vector<1x8x128xf32> to vector<10x8x128xf32>
      %sub3A_464 = arith.subf %broadcast_in_dim3A_6, %sub3A_463 : vector<10x8x128xf32>
      %sub3A_465 = vector.broadcast %get3A_460 : vector<1x8x128xf32> to vector<10x8x128xf32>
      %sub3A_466 = arith.subf %broadcast_in_dim3A_10, %sub3A_465 : vector<10x8x128xf32>
      %mul3A_467 = arith.mulf %sub3A_462, %sub3A_462 : vector<10x8x128xf32>
      %mul3A_468 = arith.mulf %sub3A_464, %sub3A_464 : vector<10x8x128xf32>
      %add3A_469 = arith.addf %mul3A_467, %mul3A_468 : vector<10x8x128xf32>
      %mul3A_470 = arith.mulf %sub3A_466, %sub3A_466 : vector<10x8x128xf32>
      %add3A_471 = arith.addf %add3A_469, %mul3A_470 : vector<10x8x128xf32>
      %lt3A_472 = arith.cmpf olt, %add3A_471, %min3A_438 : vector<10x8x128xf32>
      %min3A_473 = arith.minimumf %add3A_471, %min3A_438 : vector<10x8x128xf32>
      %broadcast_in_dim3A_474 = vector.broadcast %add3A_448 : f32 to vector<10x8x128xf32>
      %select_n3A_475 = arith.select %lt3A_472, %broadcast_in_dim3A_474, %select_n3A_440 : vector<10x8x128xi1>, vector<10x8x128xf32>
      %mul3A_476 = arith.constant 20 : i32
      %mul3A_477 = arith.muli %scan3A_226, %mul3A_476 : i32
      %add3A_478 = arith.constant 0 : i32
      %add3A_479 = arith.addi %add3A_478, %mul3A_477 : i32
      %add3A_480 = arith.constant 7 : i32
      %add3A_481 = arith.addi %add3A_479, %add3A_480 : i32
      %add3A_482 = arith.constant 7.000000e+00 : f32
      %add3A_483 = arith.addf %add3A_233, %add3A_482 : f32
      %get3A_484 = arith.index_cast %add3A_481 : i32 to index
      %get3A_485 = arith.constant 0 : index
      %get3A_486 = arith.constant 0 : index
      %get3A_487 = vector.load %arg2[%get3A_484, %get3A_485, %get3A_486] : memref<80x8x128xf32, #tpu.memory_space<vmem>>, vector<1x8x128xf32>
      %get3A_488 = arith.index_cast %add3A_481 : i32 to index
      %get3A_489 = arith.constant 0 : index
      %get3A_490 = arith.constant 0 : index
      %get3A_491 = vector.load %arg3[%get3A_488, %get3A_489, %get3A_490] : memref<80x8x128xf32, #tpu.memory_space<vmem>>, vector<1x8x128xf32>
      %get3A_492 = arith.index_cast %add3A_481 : i32 to index
      %get3A_493 = arith.constant 0 : index
      %get3A_494 = arith.constant 0 : index
      %get3A_495 = vector.load %arg4[%get3A_492, %get3A_493, %get3A_494] : memref<80x8x128xf32, #tpu.memory_space<vmem>>, vector<1x8x128xf32>
      %sub3A_496 = vector.broadcast %get3A_487 : vector<1x8x128xf32> to vector<10x8x128xf32>
      %sub3A_497 = arith.subf %broadcast_in_dim3A_2, %sub3A_496 : vector<10x8x128xf32>
      %sub3A_498 = vector.broadcast %get3A_491 : vector<1x8x128xf32> to vector<10x8x128xf32>
      %sub3A_499 = arith.subf %broadcast_in_dim3A_6, %sub3A_498 : vector<10x8x128xf32>
      %sub3A_500 = vector.broadcast %get3A_495 : vector<1x8x128xf32> to vector<10x8x128xf32>
      %sub3A_501 = arith.subf %broadcast_in_dim3A_10, %sub3A_500 : vector<10x8x128xf32>
      %mul3A_502 = arith.mulf %sub3A_497, %sub3A_497 : vector<10x8x128xf32>
      %mul3A_503 = arith.mulf %sub3A_499, %sub3A_499 : vector<10x8x128xf32>
      %add3A_504 = arith.addf %mul3A_502, %mul3A_503 : vector<10x8x128xf32>
      %mul3A_505 = arith.mulf %sub3A_501, %sub3A_501 : vector<10x8x128xf32>
      %add3A_506 = arith.addf %add3A_504, %mul3A_505 : vector<10x8x128xf32>
      %lt3A_507 = arith.cmpf olt, %add3A_506, %min3A_473 : vector<10x8x128xf32>
      %min3A_508 = arith.minimumf %add3A_506, %min3A_473 : vector<10x8x128xf32>
      %broadcast_in_dim3A_509 = vector.broadcast %add3A_483 : f32 to vector<10x8x128xf32>
      %select_n3A_510 = arith.select %lt3A_507, %broadcast_in_dim3A_509, %select_n3A_475 : vector<10x8x128xi1>, vector<10x8x128xf32>
      %mul3A_511 = arith.constant 20 : i32
      %mul3A_512 = arith.muli %scan3A_226, %mul3A_511 : i32
      %add3A_513 = arith.constant 0 : i32
      %add3A_514 = arith.addi %add3A_513, %mul3A_512 : i32
      %add3A_515 = arith.constant 8 : i32
      %add3A_516 = arith.addi %add3A_514, %add3A_515 : i32
      %add3A_517 = arith.constant 8.000000e+00 : f32
      %add3A_518 = arith.addf %add3A_233, %add3A_517 : f32
      %get3A_519 = arith.index_cast %add3A_516 : i32 to index
      %get3A_520 = arith.constant 0 : index
      %get3A_521 = arith.constant 0 : index
      %get3A_522 = vector.load %arg2[%get3A_519, %get3A_520, %get3A_521] : memref<80x8x128xf32, #tpu.memory_space<vmem>>, vector<1x8x128xf32>
      %get3A_523 = arith.index_cast %add3A_516 : i32 to index
      %get3A_524 = arith.constant 0 : index
      %get3A_525 = arith.constant 0 : index
      %get3A_526 = vector.load %arg3[%get3A_523, %get3A_524, %get3A_525] : memref<80x8x128xf32, #tpu.memory_space<vmem>>, vector<1x8x128xf32>
      %get3A_527 = arith.index_cast %add3A_516 : i32 to index
      %get3A_528 = arith.constant 0 : index
      %get3A_529 = arith.constant 0 : index
      %get3A_530 = vector.load %arg4[%get3A_527, %get3A_528, %get3A_529] : memref<80x8x128xf32, #tpu.memory_space<vmem>>, vector<1x8x128xf32>
      %sub3A_531 = vector.broadcast %get3A_522 : vector<1x8x128xf32> to vector<10x8x128xf32>
      %sub3A_532 = arith.subf %broadcast_in_dim3A_2, %sub3A_531 : vector<10x8x128xf32>
      %sub3A_533 = vector.broadcast %get3A_526 : vector<1x8x128xf32> to vector<10x8x128xf32>
      %sub3A_534 = arith.subf %broadcast_in_dim3A_6, %sub3A_533 : vector<10x8x128xf32>
      %sub3A_535 = vector.broadcast %get3A_530 : vector<1x8x128xf32> to vector<10x8x128xf32>
      %sub3A_536 = arith.subf %broadcast_in_dim3A_10, %sub3A_535 : vector<10x8x128xf32>
      %mul3A_537 = arith.mulf %sub3A_532, %sub3A_532 : vector<10x8x128xf32>
      %mul3A_538 = arith.mulf %sub3A_534, %sub3A_534 : vector<10x8x128xf32>
      %add3A_539 = arith.addf %mul3A_537, %mul3A_538 : vector<10x8x128xf32>
      %mul3A_540 = arith.mulf %sub3A_536, %sub3A_536 : vector<10x8x128xf32>
      %add3A_541 = arith.addf %add3A_539, %mul3A_540 : vector<10x8x128xf32>
      %lt3A_542 = arith.cmpf olt, %add3A_541, %min3A_508 : vector<10x8x128xf32>
      %min3A_543 = arith.minimumf %add3A_541, %min3A_508 : vector<10x8x128xf32>
      %broadcast_in_dim3A_544 = vector.broadcast %add3A_518 : f32 to vector<10x8x128xf32>
      %select_n3A_545 = arith.select %lt3A_542, %broadcast_in_dim3A_544, %select_n3A_510 : vector<10x8x128xi1>, vector<10x8x128xf32>
      %mul3A_546 = arith.constant 20 : i32
      %mul3A_547 = arith.muli %scan3A_226, %mul3A_546 : i32
      %add3A_548 = arith.constant 0 : i32
      %add3A_549 = arith.addi %add3A_548, %mul3A_547 : i32
      %add3A_550 = arith.constant 9 : i32
      %add3A_551 = arith.addi %add3A_549, %add3A_550 : i32
      %add3A_552 = arith.constant 9.000000e+00 : f32
      %add3A_553 = arith.addf %add3A_233, %add3A_552 : f32
      %get3A_554 = arith.index_cast %add3A_551 : i32 to index
      %get3A_555 = arith.constant 0 : index
      %get3A_556 = arith.constant 0 : index
      %get3A_557 = vector.load %arg2[%get3A_554, %get3A_555, %get3A_556] : memref<80x8x128xf32, #tpu.memory_space<vmem>>, vector<1x8x128xf32>
      %get3A_558 = arith.index_cast %add3A_551 : i32 to index
      %get3A_559 = arith.constant 0 : index
      %get3A_560 = arith.constant 0 : index
      %get3A_561 = vector.load %arg3[%get3A_558, %get3A_559, %get3A_560] : memref<80x8x128xf32, #tpu.memory_space<vmem>>, vector<1x8x128xf32>
      %get3A_562 = arith.index_cast %add3A_551 : i32 to index
      %get3A_563 = arith.constant 0 : index
      %get3A_564 = arith.constant 0 : index
      %get3A_565 = vector.load %arg4[%get3A_562, %get3A_563, %get3A_564] : memref<80x8x128xf32, #tpu.memory_space<vmem>>, vector<1x8x128xf32>
      %sub3A_566 = vector.broadcast %get3A_557 : vector<1x8x128xf32> to vector<10x8x128xf32>
      %sub3A_567 = arith.subf %broadcast_in_dim3A_2, %sub3A_566 : vector<10x8x128xf32>
      %sub3A_568 = vector.broadcast %get3A_561 : vector<1x8x128xf32> to vector<10x8x128xf32>
      %sub3A_569 = arith.subf %broadcast_in_dim3A_6, %sub3A_568 : vector<10x8x128xf32>
      %sub3A_570 = vector.broadcast %get3A_565 : vector<1x8x128xf32> to vector<10x8x128xf32>
      %sub3A_571 = arith.subf %broadcast_in_dim3A_10, %sub3A_570 : vector<10x8x128xf32>
      %mul3A_572 = arith.mulf %sub3A_567, %sub3A_567 : vector<10x8x128xf32>
      %mul3A_573 = arith.mulf %sub3A_569, %sub3A_569 : vector<10x8x128xf32>
      %add3A_574 = arith.addf %mul3A_572, %mul3A_573 : vector<10x8x128xf32>
      %mul3A_575 = arith.mulf %sub3A_571, %sub3A_571 : vector<10x8x128xf32>
      %add3A_576 = arith.addf %add3A_574, %mul3A_575 : vector<10x8x128xf32>
      %lt3A_577 = arith.cmpf olt, %add3A_576, %min3A_543 : vector<10x8x128xf32>
      %min3A_578 = arith.minimumf %add3A_576, %min3A_543 : vector<10x8x128xf32>
      %broadcast_in_dim3A_579 = vector.broadcast %add3A_553 : f32 to vector<10x8x128xf32>
      %select_n3A_580 = arith.select %lt3A_577, %broadcast_in_dim3A_579, %select_n3A_545 : vector<10x8x128xi1>, vector<10x8x128xf32>
      %mul3A_581 = arith.constant 20 : i32
      %mul3A_582 = arith.muli %scan3A_226, %mul3A_581 : i32
      %add3A_583 = arith.constant 0 : i32
      %add3A_584 = arith.addi %add3A_583, %mul3A_582 : i32
      %add3A_585 = arith.constant 10 : i32
      %add3A_586 = arith.addi %add3A_584, %add3A_585 : i32
      %add3A_587 = arith.constant 1.000000e+01 : f32
      %add3A_588 = arith.addf %add3A_233, %add3A_587 : f32
      %get3A_589 = arith.index_cast %add3A_586 : i32 to index
      %get3A_590 = arith.constant 0 : index
      %get3A_591 = arith.constant 0 : index
      %get3A_592 = vector.load %arg2[%get3A_589, %get3A_590, %get3A_591] : memref<80x8x128xf32, #tpu.memory_space<vmem>>, vector<1x8x128xf32>
      %get3A_593 = arith.index_cast %add3A_586 : i32 to index
      %get3A_594 = arith.constant 0 : index
      %get3A_595 = arith.constant 0 : index
      %get3A_596 = vector.load %arg3[%get3A_593, %get3A_594, %get3A_595] : memref<80x8x128xf32, #tpu.memory_space<vmem>>, vector<1x8x128xf32>
      %get3A_597 = arith.index_cast %add3A_586 : i32 to index
      %get3A_598 = arith.constant 0 : index
      %get3A_599 = arith.constant 0 : index
      %get3A_600 = vector.load %arg4[%get3A_597, %get3A_598, %get3A_599] : memref<80x8x128xf32, #tpu.memory_space<vmem>>, vector<1x8x128xf32>
      %sub3A_601 = vector.broadcast %get3A_592 : vector<1x8x128xf32> to vector<10x8x128xf32>
      %sub3A_602 = arith.subf %broadcast_in_dim3A_2, %sub3A_601 : vector<10x8x128xf32>
      %sub3A_603 = vector.broadcast %get3A_596 : vector<1x8x128xf32> to vector<10x8x128xf32>
      %sub3A_604 = arith.subf %broadcast_in_dim3A_6, %sub3A_603 : vector<10x8x128xf32>
      %sub3A_605 = vector.broadcast %get3A_600 : vector<1x8x128xf32> to vector<10x8x128xf32>
      %sub3A_606 = arith.subf %broadcast_in_dim3A_10, %sub3A_605 : vector<10x8x128xf32>
      %mul3A_607 = arith.mulf %sub3A_602, %sub3A_602 : vector<10x8x128xf32>
      %mul3A_608 = arith.mulf %sub3A_604, %sub3A_604 : vector<10x8x128xf32>
      %add3A_609 = arith.addf %mul3A_607, %mul3A_608 : vector<10x8x128xf32>
      %mul3A_610 = arith.mulf %sub3A_606, %sub3A_606 : vector<10x8x128xf32>
      %add3A_611 = arith.addf %add3A_609, %mul3A_610 : vector<10x8x128xf32>
      %lt3A_612 = arith.cmpf olt, %add3A_611, %min3A_578 : vector<10x8x128xf32>
      %min3A_613 = arith.minimumf %add3A_611, %min3A_578 : vector<10x8x128xf32>
      %broadcast_in_dim3A_614 = vector.broadcast %add3A_588 : f32 to vector<10x8x128xf32>
      %select_n3A_615 = arith.select %lt3A_612, %broadcast_in_dim3A_614, %select_n3A_580 : vector<10x8x128xi1>, vector<10x8x128xf32>
      %mul3A_616 = arith.constant 20 : i32
      %mul3A_617 = arith.muli %scan3A_226, %mul3A_616 : i32
      %add3A_618 = arith.constant 0 : i32
      %add3A_619 = arith.addi %add3A_618, %mul3A_617 : i32
      %add3A_620 = arith.constant 11 : i32
      %add3A_621 = arith.addi %add3A_619, %add3A_620 : i32
      %add3A_622 = arith.constant 1.100000e+01 : f32
      %add3A_623 = arith.addf %add3A_233, %add3A_622 : f32
      %get3A_624 = arith.index_cast %add3A_621 : i32 to index
      %get3A_625 = arith.constant 0 : index
      %get3A_626 = arith.constant 0 : index
      %get3A_627 = vector.load %arg2[%get3A_624, %get3A_625, %get3A_626] : memref<80x8x128xf32, #tpu.memory_space<vmem>>, vector<1x8x128xf32>
      %get3A_628 = arith.index_cast %add3A_621 : i32 to index
      %get3A_629 = arith.constant 0 : index
      %get3A_630 = arith.constant 0 : index
      %get3A_631 = vector.load %arg3[%get3A_628, %get3A_629, %get3A_630] : memref<80x8x128xf32, #tpu.memory_space<vmem>>, vector<1x8x128xf32>
      %get3A_632 = arith.index_cast %add3A_621 : i32 to index
      %get3A_633 = arith.constant 0 : index
      %get3A_634 = arith.constant 0 : index
      %get3A_635 = vector.load %arg4[%get3A_632, %get3A_633, %get3A_634] : memref<80x8x128xf32, #tpu.memory_space<vmem>>, vector<1x8x128xf32>
      %sub3A_636 = vector.broadcast %get3A_627 : vector<1x8x128xf32> to vector<10x8x128xf32>
      %sub3A_637 = arith.subf %broadcast_in_dim3A_2, %sub3A_636 : vector<10x8x128xf32>
      %sub3A_638 = vector.broadcast %get3A_631 : vector<1x8x128xf32> to vector<10x8x128xf32>
      %sub3A_639 = arith.subf %broadcast_in_dim3A_6, %sub3A_638 : vector<10x8x128xf32>
      %sub3A_640 = vector.broadcast %get3A_635 : vector<1x8x128xf32> to vector<10x8x128xf32>
      %sub3A_641 = arith.subf %broadcast_in_dim3A_10, %sub3A_640 : vector<10x8x128xf32>
      %mul3A_642 = arith.mulf %sub3A_637, %sub3A_637 : vector<10x8x128xf32>
      %mul3A_643 = arith.mulf %sub3A_639, %sub3A_639 : vector<10x8x128xf32>
      %add3A_644 = arith.addf %mul3A_642, %mul3A_643 : vector<10x8x128xf32>
      %mul3A_645 = arith.mulf %sub3A_641, %sub3A_641 : vector<10x8x128xf32>
      %add3A_646 = arith.addf %add3A_644, %mul3A_645 : vector<10x8x128xf32>
      %lt3A_647 = arith.cmpf olt, %add3A_646, %min3A_613 : vector<10x8x128xf32>
      %min3A_648 = arith.minimumf %add3A_646, %min3A_613 : vector<10x8x128xf32>
      %broadcast_in_dim3A_649 = vector.broadcast %add3A_623 : f32 to vector<10x8x128xf32>
      %select_n3A_650 = arith.select %lt3A_647, %broadcast_in_dim3A_649, %select_n3A_615 : vector<10x8x128xi1>, vector<10x8x128xf32>
      %mul3A_651 = arith.constant 20 : i32
      %mul3A_652 = arith.muli %scan3A_226, %mul3A_651 : i32
      %add3A_653 = arith.constant 0 : i32
      %add3A_654 = arith.addi %add3A_653, %mul3A_652 : i32
      %add3A_655 = arith.constant 12 : i32
      %add3A_656 = arith.addi %add3A_654, %add3A_655 : i32
      %add3A_657 = arith.constant 1.200000e+01 : f32
      %add3A_658 = arith.addf %add3A_233, %add3A_657 : f32
      %get3A_659 = arith.index_cast %add3A_656 : i32 to index
      %get3A_660 = arith.constant 0 : index
      %get3A_661 = arith.constant 0 : index
      %get3A_662 = vector.load %arg2[%get3A_659, %get3A_660, %get3A_661] : memref<80x8x128xf32, #tpu.memory_space<vmem>>, vector<1x8x128xf32>
      %get3A_663 = arith.index_cast %add3A_656 : i32 to index
      %get3A_664 = arith.constant 0 : index
      %get3A_665 = arith.constant 0 : index
      %get3A_666 = vector.load %arg3[%get3A_663, %get3A_664, %get3A_665] : memref<80x8x128xf32, #tpu.memory_space<vmem>>, vector<1x8x128xf32>
      %get3A_667 = arith.index_cast %add3A_656 : i32 to index
      %get3A_668 = arith.constant 0 : index
      %get3A_669 = arith.constant 0 : index
      %get3A_670 = vector.load %arg4[%get3A_667, %get3A_668, %get3A_669] : memref<80x8x128xf32, #tpu.memory_space<vmem>>, vector<1x8x128xf32>
      %sub3A_671 = vector.broadcast %get3A_662 : vector<1x8x128xf32> to vector<10x8x128xf32>
      %sub3A_672 = arith.subf %broadcast_in_dim3A_2, %sub3A_671 : vector<10x8x128xf32>
      %sub3A_673 = vector.broadcast %get3A_666 : vector<1x8x128xf32> to vector<10x8x128xf32>
      %sub3A_674 = arith.subf %broadcast_in_dim3A_6, %sub3A_673 : vector<10x8x128xf32>
      %sub3A_675 = vector.broadcast %get3A_670 : vector<1x8x128xf32> to vector<10x8x128xf32>
      %sub3A_676 = arith.subf %broadcast_in_dim3A_10, %sub3A_675 : vector<10x8x128xf32>
      %mul3A_677 = arith.mulf %sub3A_672, %sub3A_672 : vector<10x8x128xf32>
      %mul3A_678 = arith.mulf %sub3A_674, %sub3A_674 : vector<10x8x128xf32>
      %add3A_679 = arith.addf %mul3A_677, %mul3A_678 : vector<10x8x128xf32>
      %mul3A_680 = arith.mulf %sub3A_676, %sub3A_676 : vector<10x8x128xf32>
      %add3A_681 = arith.addf %add3A_679, %mul3A_680 : vector<10x8x128xf32>
      %lt3A_682 = arith.cmpf olt, %add3A_681, %min3A_648 : vector<10x8x128xf32>
      %min3A_683 = arith.minimumf %add3A_681, %min3A_648 : vector<10x8x128xf32>
      %broadcast_in_dim3A_684 = vector.broadcast %add3A_658 : f32 to vector<10x8x128xf32>
      %select_n3A_685 = arith.select %lt3A_682, %broadcast_in_dim3A_684, %select_n3A_650 : vector<10x8x128xi1>, vector<10x8x128xf32>
      %mul3A_686 = arith.constant 20 : i32
      %mul3A_687 = arith.muli %scan3A_226, %mul3A_686 : i32
      %add3A_688 = arith.constant 0 : i32
      %add3A_689 = arith.addi %add3A_688, %mul3A_687 : i32
      %add3A_690 = arith.constant 13 : i32
      %add3A_691 = arith.addi %add3A_689, %add3A_690 : i32
      %add3A_692 = arith.constant 1.300000e+01 : f32
      %add3A_693 = arith.addf %add3A_233, %add3A_692 : f32
      %get3A_694 = arith.index_cast %add3A_691 : i32 to index
      %get3A_695 = arith.constant 0 : index
      %get3A_696 = arith.constant 0 : index
      %get3A_697 = vector.load %arg2[%get3A_694, %get3A_695, %get3A_696] : memref<80x8x128xf32, #tpu.memory_space<vmem>>, vector<1x8x128xf32>
      %get3A_698 = arith.index_cast %add3A_691 : i32 to index
      %get3A_699 = arith.constant 0 : index
      %get3A_700 = arith.constant 0 : index
      %get3A_701 = vector.load %arg3[%get3A_698, %get3A_699, %get3A_700] : memref<80x8x128xf32, #tpu.memory_space<vmem>>, vector<1x8x128xf32>
      %get3A_702 = arith.index_cast %add3A_691 : i32 to index
      %get3A_703 = arith.constant 0 : index
      %get3A_704 = arith.constant 0 : index
      %get3A_705 = vector.load %arg4[%get3A_702, %get3A_703, %get3A_704] : memref<80x8x128xf32, #tpu.memory_space<vmem>>, vector<1x8x128xf32>
      %sub3A_706 = vector.broadcast %get3A_697 : vector<1x8x128xf32> to vector<10x8x128xf32>
      %sub3A_707 = arith.subf %broadcast_in_dim3A_2, %sub3A_706 : vector<10x8x128xf32>
      %sub3A_708 = vector.broadcast %get3A_701 : vector<1x8x128xf32> to vector<10x8x128xf32>
      %sub3A_709 = arith.subf %broadcast_in_dim3A_6, %sub3A_708 : vector<10x8x128xf32>
      %sub3A_710 = vector.broadcast %get3A_705 : vector<1x8x128xf32> to vector<10x8x128xf32>
      %sub3A_711 = arith.subf %broadcast_in_dim3A_10, %sub3A_710 : vector<10x8x128xf32>
      %mul3A_712 = arith.mulf %sub3A_707, %sub3A_707 : vector<10x8x128xf32>
      %mul3A_713 = arith.mulf %sub3A_709, %sub3A_709 : vector<10x8x128xf32>
      %add3A_714 = arith.addf %mul3A_712, %mul3A_713 : vector<10x8x128xf32>
      %mul3A_715 = arith.mulf %sub3A_711, %sub3A_711 : vector<10x8x128xf32>
      %add3A_716 = arith.addf %add3A_714, %mul3A_715 : vector<10x8x128xf32>
      %lt3A_717 = arith.cmpf olt, %add3A_716, %min3A_683 : vector<10x8x128xf32>
      %min3A_718 = arith.minimumf %add3A_716, %min3A_683 : vector<10x8x128xf32>
      %broadcast_in_dim3A_719 = vector.broadcast %add3A_693 : f32 to vector<10x8x128xf32>
      %select_n3A_720 = arith.select %lt3A_717, %broadcast_in_dim3A_719, %select_n3A_685 : vector<10x8x128xi1>, vector<10x8x128xf32>
      %mul3A_721 = arith.constant 20 : i32
      %mul3A_722 = arith.muli %scan3A_226, %mul3A_721 : i32
      %add3A_723 = arith.constant 0 : i32
      %add3A_724 = arith.addi %add3A_723, %mul3A_722 : i32
      %add3A_725 = arith.constant 14 : i32
      %add3A_726 = arith.addi %add3A_724, %add3A_725 : i32
      %add3A_727 = arith.constant 1.400000e+01 : f32
      %add3A_728 = arith.addf %add3A_233, %add3A_727 : f32
      %get3A_729 = arith.index_cast %add3A_726 : i32 to index
      %get3A_730 = arith.constant 0 : index
      %get3A_731 = arith.constant 0 : index
      %get3A_732 = vector.load %arg2[%get3A_729, %get3A_730, %get3A_731] : memref<80x8x128xf32, #tpu.memory_space<vmem>>, vector<1x8x128xf32>
      %get3A_733 = arith.index_cast %add3A_726 : i32 to index
      %get3A_734 = arith.constant 0 : index
      %get3A_735 = arith.constant 0 : index
      %get3A_736 = vector.load %arg3[%get3A_733, %get3A_734, %get3A_735] : memref<80x8x128xf32, #tpu.memory_space<vmem>>, vector<1x8x128xf32>
      %get3A_737 = arith.index_cast %add3A_726 : i32 to index
      %get3A_738 = arith.constant 0 : index
      %get3A_739 = arith.constant 0 : index
      %get3A_740 = vector.load %arg4[%get3A_737, %get3A_738, %get3A_739] : memref<80x8x128xf32, #tpu.memory_space<vmem>>, vector<1x8x128xf32>
      %sub3A_741 = vector.broadcast %get3A_732 : vector<1x8x128xf32> to vector<10x8x128xf32>
      %sub3A_742 = arith.subf %broadcast_in_dim3A_2, %sub3A_741 : vector<10x8x128xf32>
      %sub3A_743 = vector.broadcast %get3A_736 : vector<1x8x128xf32> to vector<10x8x128xf32>
      %sub3A_744 = arith.subf %broadcast_in_dim3A_6, %sub3A_743 : vector<10x8x128xf32>
      %sub3A_745 = vector.broadcast %get3A_740 : vector<1x8x128xf32> to vector<10x8x128xf32>
      %sub3A_746 = arith.subf %broadcast_in_dim3A_10, %sub3A_745 : vector<10x8x128xf32>
      %mul3A_747 = arith.mulf %sub3A_742, %sub3A_742 : vector<10x8x128xf32>
      %mul3A_748 = arith.mulf %sub3A_744, %sub3A_744 : vector<10x8x128xf32>
      %add3A_749 = arith.addf %mul3A_747, %mul3A_748 : vector<10x8x128xf32>
      %mul3A_750 = arith.mulf %sub3A_746, %sub3A_746 : vector<10x8x128xf32>
      %add3A_751 = arith.addf %add3A_749, %mul3A_750 : vector<10x8x128xf32>
      %lt3A_752 = arith.cmpf olt, %add3A_751, %min3A_718 : vector<10x8x128xf32>
      %min3A_753 = arith.minimumf %add3A_751, %min3A_718 : vector<10x8x128xf32>
      %broadcast_in_dim3A_754 = vector.broadcast %add3A_728 : f32 to vector<10x8x128xf32>
      %select_n3A_755 = arith.select %lt3A_752, %broadcast_in_dim3A_754, %select_n3A_720 : vector<10x8x128xi1>, vector<10x8x128xf32>
      %mul3A_756 = arith.constant 20 : i32
      %mul3A_757 = arith.muli %scan3A_226, %mul3A_756 : i32
      %add3A_758 = arith.constant 0 : i32
      %add3A_759 = arith.addi %add3A_758, %mul3A_757 : i32
      %add3A_760 = arith.constant 15 : i32
      %add3A_761 = arith.addi %add3A_759, %add3A_760 : i32
      %add3A_762 = arith.constant 1.500000e+01 : f32
      %add3A_763 = arith.addf %add3A_233, %add3A_762 : f32
      %get3A_764 = arith.index_cast %add3A_761 : i32 to index
      %get3A_765 = arith.constant 0 : index
      %get3A_766 = arith.constant 0 : index
      %get3A_767 = vector.load %arg2[%get3A_764, %get3A_765, %get3A_766] : memref<80x8x128xf32, #tpu.memory_space<vmem>>, vector<1x8x128xf32>
      %get3A_768 = arith.index_cast %add3A_761 : i32 to index
      %get3A_769 = arith.constant 0 : index
      %get3A_770 = arith.constant 0 : index
      %get3A_771 = vector.load %arg3[%get3A_768, %get3A_769, %get3A_770] : memref<80x8x128xf32, #tpu.memory_space<vmem>>, vector<1x8x128xf32>
      %get3A_772 = arith.index_cast %add3A_761 : i32 to index
      %get3A_773 = arith.constant 0 : index
      %get3A_774 = arith.constant 0 : index
      %get3A_775 = vector.load %arg4[%get3A_772, %get3A_773, %get3A_774] : memref<80x8x128xf32, #tpu.memory_space<vmem>>, vector<1x8x128xf32>
      %sub3A_776 = vector.broadcast %get3A_767 : vector<1x8x128xf32> to vector<10x8x128xf32>
      %sub3A_777 = arith.subf %broadcast_in_dim3A_2, %sub3A_776 : vector<10x8x128xf32>
      %sub3A_778 = vector.broadcast %get3A_771 : vector<1x8x128xf32> to vector<10x8x128xf32>
      %sub3A_779 = arith.subf %broadcast_in_dim3A_6, %sub3A_778 : vector<10x8x128xf32>
      %sub3A_780 = vector.broadcast %get3A_775 : vector<1x8x128xf32> to vector<10x8x128xf32>
      %sub3A_781 = arith.subf %broadcast_in_dim3A_10, %sub3A_780 : vector<10x8x128xf32>
      %mul3A_782 = arith.mulf %sub3A_777, %sub3A_777 : vector<10x8x128xf32>
      %mul3A_783 = arith.mulf %sub3A_779, %sub3A_779 : vector<10x8x128xf32>
      %add3A_784 = arith.addf %mul3A_782, %mul3A_783 : vector<10x8x128xf32>
      %mul3A_785 = arith.mulf %sub3A_781, %sub3A_781 : vector<10x8x128xf32>
      %add3A_786 = arith.addf %add3A_784, %mul3A_785 : vector<10x8x128xf32>
      %lt3A_787 = arith.cmpf olt, %add3A_786, %min3A_753 : vector<10x8x128xf32>
      %min3A_788 = arith.minimumf %add3A_786, %min3A_753 : vector<10x8x128xf32>
      %broadcast_in_dim3A_789 = vector.broadcast %add3A_763 : f32 to vector<10x8x128xf32>
      %select_n3A_790 = arith.select %lt3A_787, %broadcast_in_dim3A_789, %select_n3A_755 : vector<10x8x128xi1>, vector<10x8x128xf32>
      %mul3A_791 = arith.constant 20 : i32
      %mul3A_792 = arith.muli %scan3A_226, %mul3A_791 : i32
      %add3A_793 = arith.constant 0 : i32
      %add3A_794 = arith.addi %add3A_793, %mul3A_792 : i32
      %add3A_795 = arith.constant 16 : i32
      %add3A_796 = arith.addi %add3A_794, %add3A_795 : i32
      %add3A_797 = arith.constant 1.600000e+01 : f32
      %add3A_798 = arith.addf %add3A_233, %add3A_797 : f32
      %get3A_799 = arith.index_cast %add3A_796 : i32 to index
      %get3A_800 = arith.constant 0 : index
      %get3A_801 = arith.constant 0 : index
      %get3A_802 = vector.load %arg2[%get3A_799, %get3A_800, %get3A_801] : memref<80x8x128xf32, #tpu.memory_space<vmem>>, vector<1x8x128xf32>
      %get3A_803 = arith.index_cast %add3A_796 : i32 to index
      %get3A_804 = arith.constant 0 : index
      %get3A_805 = arith.constant 0 : index
      %get3A_806 = vector.load %arg3[%get3A_803, %get3A_804, %get3A_805] : memref<80x8x128xf32, #tpu.memory_space<vmem>>, vector<1x8x128xf32>
      %get3A_807 = arith.index_cast %add3A_796 : i32 to index
      %get3A_808 = arith.constant 0 : index
      %get3A_809 = arith.constant 0 : index
      %get3A_810 = vector.load %arg4[%get3A_807, %get3A_808, %get3A_809] : memref<80x8x128xf32, #tpu.memory_space<vmem>>, vector<1x8x128xf32>
      %sub3A_811 = vector.broadcast %get3A_802 : vector<1x8x128xf32> to vector<10x8x128xf32>
      %sub3A_812 = arith.subf %broadcast_in_dim3A_2, %sub3A_811 : vector<10x8x128xf32>
      %sub3A_813 = vector.broadcast %get3A_806 : vector<1x8x128xf32> to vector<10x8x128xf32>
      %sub3A_814 = arith.subf %broadcast_in_dim3A_6, %sub3A_813 : vector<10x8x128xf32>
      %sub3A_815 = vector.broadcast %get3A_810 : vector<1x8x128xf32> to vector<10x8x128xf32>
      %sub3A_816 = arith.subf %broadcast_in_dim3A_10, %sub3A_815 : vector<10x8x128xf32>
      %mul3A_817 = arith.mulf %sub3A_812, %sub3A_812 : vector<10x8x128xf32>
      %mul3A_818 = arith.mulf %sub3A_814, %sub3A_814 : vector<10x8x128xf32>
      %add3A_819 = arith.addf %mul3A_817, %mul3A_818 : vector<10x8x128xf32>
      %mul3A_820 = arith.mulf %sub3A_816, %sub3A_816 : vector<10x8x128xf32>
      %add3A_821 = arith.addf %add3A_819, %mul3A_820 : vector<10x8x128xf32>
      %lt3A_822 = arith.cmpf olt, %add3A_821, %min3A_788 : vector<10x8x128xf32>
      %min3A_823 = arith.minimumf %add3A_821, %min3A_788 : vector<10x8x128xf32>
      %broadcast_in_dim3A_824 = vector.broadcast %add3A_798 : f32 to vector<10x8x128xf32>
      %select_n3A_825 = arith.select %lt3A_822, %broadcast_in_dim3A_824, %select_n3A_790 : vector<10x8x128xi1>, vector<10x8x128xf32>
      %mul3A_826 = arith.constant 20 : i32
      %mul3A_827 = arith.muli %scan3A_226, %mul3A_826 : i32
      %add3A_828 = arith.constant 0 : i32
      %add3A_829 = arith.addi %add3A_828, %mul3A_827 : i32
      %add3A_830 = arith.constant 17 : i32
      %add3A_831 = arith.addi %add3A_829, %add3A_830 : i32
      %add3A_832 = arith.constant 1.700000e+01 : f32
      %add3A_833 = arith.addf %add3A_233, %add3A_832 : f32
      %get3A_834 = arith.index_cast %add3A_831 : i32 to index
      %get3A_835 = arith.constant 0 : index
      %get3A_836 = arith.constant 0 : index
      %get3A_837 = vector.load %arg2[%get3A_834, %get3A_835, %get3A_836] : memref<80x8x128xf32, #tpu.memory_space<vmem>>, vector<1x8x128xf32>
      %get3A_838 = arith.index_cast %add3A_831 : i32 to index
      %get3A_839 = arith.constant 0 : index
      %get3A_840 = arith.constant 0 : index
      %get3A_841 = vector.load %arg3[%get3A_838, %get3A_839, %get3A_840] : memref<80x8x128xf32, #tpu.memory_space<vmem>>, vector<1x8x128xf32>
      %get3A_842 = arith.index_cast %add3A_831 : i32 to index
      %get3A_843 = arith.constant 0 : index
      %get3A_844 = arith.constant 0 : index
      %get3A_845 = vector.load %arg4[%get3A_842, %get3A_843, %get3A_844] : memref<80x8x128xf32, #tpu.memory_space<vmem>>, vector<1x8x128xf32>
      %sub3A_846 = vector.broadcast %get3A_837 : vector<1x8x128xf32> to vector<10x8x128xf32>
      %sub3A_847 = arith.subf %broadcast_in_dim3A_2, %sub3A_846 : vector<10x8x128xf32>
      %sub3A_848 = vector.broadcast %get3A_841 : vector<1x8x128xf32> to vector<10x8x128xf32>
      %sub3A_849 = arith.subf %broadcast_in_dim3A_6, %sub3A_848 : vector<10x8x128xf32>
      %sub3A_850 = vector.broadcast %get3A_845 : vector<1x8x128xf32> to vector<10x8x128xf32>
      %sub3A_851 = arith.subf %broadcast_in_dim3A_10, %sub3A_850 : vector<10x8x128xf32>
      %mul3A_852 = arith.mulf %sub3A_847, %sub3A_847 : vector<10x8x128xf32>
      %mul3A_853 = arith.mulf %sub3A_849, %sub3A_849 : vector<10x8x128xf32>
      %add3A_854 = arith.addf %mul3A_852, %mul3A_853 : vector<10x8x128xf32>
      %mul3A_855 = arith.mulf %sub3A_851, %sub3A_851 : vector<10x8x128xf32>
      %add3A_856 = arith.addf %add3A_854, %mul3A_855 : vector<10x8x128xf32>
      %lt3A_857 = arith.cmpf olt, %add3A_856, %min3A_823 : vector<10x8x128xf32>
      %min3A_858 = arith.minimumf %add3A_856, %min3A_823 : vector<10x8x128xf32>
      %broadcast_in_dim3A_859 = vector.broadcast %add3A_833 : f32 to vector<10x8x128xf32>
      %select_n3A_860 = arith.select %lt3A_857, %broadcast_in_dim3A_859, %select_n3A_825 : vector<10x8x128xi1>, vector<10x8x128xf32>
      %mul3A_861 = arith.constant 20 : i32
      %mul3A_862 = arith.muli %scan3A_226, %mul3A_861 : i32
      %add3A_863 = arith.constant 0 : i32
      %add3A_864 = arith.addi %add3A_863, %mul3A_862 : i32
      %add3A_865 = arith.constant 18 : i32
      %add3A_866 = arith.addi %add3A_864, %add3A_865 : i32
      %add3A_867 = arith.constant 1.800000e+01 : f32
      %add3A_868 = arith.addf %add3A_233, %add3A_867 : f32
      %get3A_869 = arith.index_cast %add3A_866 : i32 to index
      %get3A_870 = arith.constant 0 : index
      %get3A_871 = arith.constant 0 : index
      %get3A_872 = vector.load %arg2[%get3A_869, %get3A_870, %get3A_871] : memref<80x8x128xf32, #tpu.memory_space<vmem>>, vector<1x8x128xf32>
      %get3A_873 = arith.index_cast %add3A_866 : i32 to index
      %get3A_874 = arith.constant 0 : index
      %get3A_875 = arith.constant 0 : index
      %get3A_876 = vector.load %arg3[%get3A_873, %get3A_874, %get3A_875] : memref<80x8x128xf32, #tpu.memory_space<vmem>>, vector<1x8x128xf32>
      %get3A_877 = arith.index_cast %add3A_866 : i32 to index
      %get3A_878 = arith.constant 0 : index
      %get3A_879 = arith.constant 0 : index
      %get3A_880 = vector.load %arg4[%get3A_877, %get3A_878, %get3A_879] : memref<80x8x128xf32, #tpu.memory_space<vmem>>, vector<1x8x128xf32>
      %sub3A_881 = vector.broadcast %get3A_872 : vector<1x8x128xf32> to vector<10x8x128xf32>
      %sub3A_882 = arith.subf %broadcast_in_dim3A_2, %sub3A_881 : vector<10x8x128xf32>
      %sub3A_883 = vector.broadcast %get3A_876 : vector<1x8x128xf32> to vector<10x8x128xf32>
      %sub3A_884 = arith.subf %broadcast_in_dim3A_6, %sub3A_883 : vector<10x8x128xf32>
      %sub3A_885 = vector.broadcast %get3A_880 : vector<1x8x128xf32> to vector<10x8x128xf32>
      %sub3A_886 = arith.subf %broadcast_in_dim3A_10, %sub3A_885 : vector<10x8x128xf32>
      %mul3A_887 = arith.mulf %sub3A_882, %sub3A_882 : vector<10x8x128xf32>
      %mul3A_888 = arith.mulf %sub3A_884, %sub3A_884 : vector<10x8x128xf32>
      %add3A_889 = arith.addf %mul3A_887, %mul3A_888 : vector<10x8x128xf32>
      %mul3A_890 = arith.mulf %sub3A_886, %sub3A_886 : vector<10x8x128xf32>
      %add3A_891 = arith.addf %add3A_889, %mul3A_890 : vector<10x8x128xf32>
      %lt3A_892 = arith.cmpf olt, %add3A_891, %min3A_858 : vector<10x8x128xf32>
      %min3A_893 = arith.minimumf %add3A_891, %min3A_858 : vector<10x8x128xf32>
      %broadcast_in_dim3A_894 = vector.broadcast %add3A_868 : f32 to vector<10x8x128xf32>
      %select_n3A_895 = arith.select %lt3A_892, %broadcast_in_dim3A_894, %select_n3A_860 : vector<10x8x128xi1>, vector<10x8x128xf32>
      %mul3A_896 = arith.constant 20 : i32
      %mul3A_897 = arith.muli %scan3A_226, %mul3A_896 : i32
      %add3A_898 = arith.constant 0 : i32
      %add3A_899 = arith.addi %add3A_898, %mul3A_897 : i32
      %add3A_900 = arith.constant 19 : i32
      %add3A_901 = arith.addi %add3A_899, %add3A_900 : i32
      %add3A_902 = arith.constant 1.900000e+01 : f32
      %add3A_903 = arith.addf %add3A_233, %add3A_902 : f32
      %get3A_904 = arith.index_cast %add3A_901 : i32 to index
      %get3A_905 = arith.constant 0 : index
      %get3A_906 = arith.constant 0 : index
      %get3A_907 = vector.load %arg2[%get3A_904, %get3A_905, %get3A_906] : memref<80x8x128xf32, #tpu.memory_space<vmem>>, vector<1x8x128xf32>
      %get3A_908 = arith.index_cast %add3A_901 : i32 to index
      %get3A_909 = arith.constant 0 : index
      %get3A_910 = arith.constant 0 : index
      %get3A_911 = vector.load %arg3[%get3A_908, %get3A_909, %get3A_910] : memref<80x8x128xf32, #tpu.memory_space<vmem>>, vector<1x8x128xf32>
      %get3A_912 = arith.index_cast %add3A_901 : i32 to index
      %get3A_913 = arith.constant 0 : index
      %get3A_914 = arith.constant 0 : index
      %get3A_915 = vector.load %arg4[%get3A_912, %get3A_913, %get3A_914] : memref<80x8x128xf32, #tpu.memory_space<vmem>>, vector<1x8x128xf32>
      %sub3A_916 = vector.broadcast %get3A_907 : vector<1x8x128xf32> to vector<10x8x128xf32>
      %sub3A_917 = arith.subf %broadcast_in_dim3A_2, %sub3A_916 : vector<10x8x128xf32>
      %sub3A_918 = vector.broadcast %get3A_911 : vector<1x8x128xf32> to vector<10x8x128xf32>
      %sub3A_919 = arith.subf %broadcast_in_dim3A_6, %sub3A_918 : vector<10x8x128xf32>
      %sub3A_920 = vector.broadcast %get3A_915 : vector<1x8x128xf32> to vector<10x8x128xf32>
      %sub3A_921 = arith.subf %broadcast_in_dim3A_10, %sub3A_920 : vector<10x8x128xf32>
      %mul3A_922 = arith.mulf %sub3A_917, %sub3A_917 : vector<10x8x128xf32>
      %mul3A_923 = arith.mulf %sub3A_919, %sub3A_919 : vector<10x8x128xf32>
      %add3A_924 = arith.addf %mul3A_922, %mul3A_923 : vector<10x8x128xf32>
      %mul3A_925 = arith.mulf %sub3A_921, %sub3A_921 : vector<10x8x128xf32>
      %add3A_926 = arith.addf %add3A_924, %mul3A_925 : vector<10x8x128xf32>
      %lt3A_927 = arith.cmpf olt, %add3A_926, %min3A_893 : vector<10x8x128xf32>
      %min3A_928 = arith.minimumf %add3A_926, %min3A_893 : vector<10x8x128xf32>
      %broadcast_in_dim3A_929 = vector.broadcast %add3A_903 : f32 to vector<10x8x128xf32>
      %select_n3A_930 = arith.select %lt3A_927, %broadcast_in_dim3A_929, %select_n3A_895 : vector<10x8x128xi1>, vector<10x8x128xf32>
      scf.yield %min3A_928, %select_n3A_930 : vector<10x8x128xf32>, vector<10x8x128xf32>
    }
    %scan3A_19 = arith.constant 4 : i32
    %reshape3A_20 = vector.shape_cast %scan3A_18#0 : vector<10x8x128xf32> to vector<80x128xf32>
    %reshape3A_21 = vector.shape_cast %scan3A_18#1 : vector<10x8x128xf32> to vector<80x128xf32>
    %iota3A = tpu.iota {dimensions = array<i32: 1>} : vector<80x128xi32>
    %convert_element_type3A = arith.sitofp %iota3A : vector<80x128xi32> to vector<80x128xf32>
    %mul3A = arith.constant 1.280000e+02 : f32
    %mul3A_22 = vector.broadcast %mul3A : f32 to vector<80x128xf32>
    %mul3A_23 = arith.mulf %reshape3A_21, %mul3A_22 : vector<80x128xf32>
    %add3A = arith.addf %mul3A_23, %convert_element_type3A : vector<80x128xf32>
    %reduce_min3A = arith.constant dense<0x7F800000> : vector<80xf32>
    %reduce_min3A_24 = vector.multi_reduction <minimumf>, %reshape3A_20, %reduce_min3A [1] : vector<80x128xf32> to vector<80xf32>
    %broadcast_in_dim3A_25 = vector.shape_cast %reduce_min3A_24 : vector<80xf32> to vector<80x1xf32>
    %eq3A = vector.broadcast %broadcast_in_dim3A_25 : vector<80x1xf32> to vector<80x128xf32>
    %eq3A_26 = arith.cmpf oeq, %reshape3A_20, %eq3A : vector<80x128xf32>
    %jit3A = arith.constant 1.07374182E+9 : f32
    %broadcast_in_dim3A_27 = vector.broadcast %jit3A : f32 to vector<80x128xf32>
    %select_n3A = arith.select %eq3A_26, %add3A, %broadcast_in_dim3A_27 : vector<80x128xi1>, vector<80x128xf32>
    %reduce_min3A_28 = arith.constant dense<0x7F800000> : vector<80xf32>
    %reduce_min3A_29 = vector.multi_reduction <minimumf>, %select_n3A, %reduce_min3A_28 [1] : vector<80x128xf32> to vector<80xf32>
    %broadcast_in_dim3A_30 = vector.shape_cast %reduce_min3A_29 : vector<80xf32> to vector<80x1xf32>
    %convert_element_type3A_31 = arith.fptosi %broadcast_in_dim3A_30 : vector<80x1xf32> to vector<80x1xi32>
    %swap3A = arith.constant 0 : index
    %swap3A_32 = arith.constant 0 : index
    %swap3A_33 = vector.load %arg5[%swap3A, %swap3A_32] : memref<400x1xi32, #tpu.memory_space<vmem>>, vector<80x1xi32>
    tpu.vector_store %arg5[%swap3A, %swap3A_32], %convert_element_type3A_31 {strides = array<i32>} : memref<400x1xi32, #tpu.memory_space<vmem>>, vector<80x1xi32>,
    %get3A_34 = arith.constant 80 : index
    %get3A_35 = arith.constant 0 : index
    %get3A_36 = vector.load %arg1[%get3A_34, %get3A_35] : memref<400x3xf32, #tpu.memory_space<vmem>>, vector<80x3xf32>
    %slice3A_37 = vector.extract_strided_slice %get3A_36 {offsets = [0, 0], sizes = [80, 1], strides = [1, 1]} : vector<80x3xf32> to vector<80x1xf32>
    %reshape3A_38 = vector.shape_cast %slice3A_37 : vector<80x1xf32> to vector<10x8x1xf32>
    %broadcast_in_dim3A_39 = vector.shape_cast %reshape3A_38 : vector<10x8x1xf32> to vector<10x8x1xf32>
    %broadcast_in_dim3A_40 = vector.broadcast %broadcast_in_dim3A_39 : vector<10x8x1xf32> to vector<10x8x128xf32>
    %slice3A_41 = vector.extract_strided_slice %get3A_36 {offsets = [0, 1], sizes = [80, 1], strides = [1, 1]} : vector<80x3xf32> to vector<80x1xf32>
    %reshape3A_42 = vector.shape_cast %slice3A_41 : vector<80x1xf32> to vector<10x8x1xf32>
    %broadcast_in_dim3A_43 = vector.shape_cast %reshape3A_42 : vector<10x8x1xf32> to vector<10x8x1xf32>
    %broadcast_in_dim3A_44 = vector.broadcast %broadcast_in_dim3A_43 : vector<10x8x1xf32> to vector<10x8x128xf32>
    %slice3A_45 = vector.extract_strided_slice %get3A_36 {offsets = [0, 2], sizes = [80, 1], strides = [1, 1]} : vector<80x3xf32> to vector<80x1xf32>
    %reshape3A_46 = vector.shape_cast %slice3A_45 : vector<80x1xf32> to vector<10x8x1xf32>
    %broadcast_in_dim3A_47 = vector.shape_cast %reshape3A_46 : vector<10x8x1xf32> to vector<10x8x1xf32>
    %broadcast_in_dim3A_48 = vector.broadcast %broadcast_in_dim3A_47 : vector<10x8x1xf32> to vector<10x8x128xf32>
    %broadcast_in_dim3A_49 = arith.constant 0x7F800000 : f32
    %broadcast_in_dim3A_50 = vector.broadcast %broadcast_in_dim3A_49 : f32 to vector<10x8x128xf32>
    %broadcast_in_dim3A_51 = arith.constant 0.000000e+00 : f32
    %broadcast_in_dim3A_52 = vector.broadcast %broadcast_in_dim3A_51 : f32 to vector<10x8x128xf32>
    %scan3A_53 = arith.constant 0 : i32
    %scan3A_54 = arith.constant 4 : i32
    %scan3A_55 = arith.addi %scan3A_53, %scan3A_54 : i32
    %scan3A_56 = arith.constant 1 : i32
    %scan3A_57:2 = scf.for %scan3A_226 = %scan3A_53 to %scan3A_55 step %scan3A_56 iter_args(%scan3A_227 = %broadcast_in_dim3A_50, %scan3A_228 = %broadcast_in_dim3A_52) -> (vector<10x8x128xf32>, vector<10x8x128xf32>)  : i32 {
      %convert_element_type3A_229 = arith.sitofp %scan3A_226 : i32 to f32
      %mul3A_230 = arith.constant 2.000000e+01 : f32
      %mul3A_231 = arith.mulf %convert_element_type3A_229, %mul3A_230 : f32
      %add3A_232 = arith.constant 0.000000e+00 : f32
      %add3A_233 = arith.addf %mul3A_231, %add3A_232 : f32
      %mul3A_234 = arith.constant 20 : i32
      %mul3A_235 = arith.muli %scan3A_226, %mul3A_234 : i32
      %add3A_236 = arith.constant 0 : i32
      %add3A_237 = arith.addi %add3A_236, %mul3A_235 : i32
      %add3A_238 = arith.constant 0 : i32
      %add3A_239 = arith.addi %add3A_237, %add3A_238 : i32
      %add3A_240 = arith.constant 0.000000e+00 : f32
      %add3A_241 = arith.addf %add3A_233, %add3A_240 : f32
      %get3A_242 = arith.index_cast %add3A_239 : i32 to index
      %get3A_243 = arith.constant 0 : index
      %get3A_244 = arith.constant 0 : index
      %get3A_245 = vector.load %arg2[%get3A_242, %get3A_243, %get3A_244] : memref<80x8x128xf32, #tpu.memory_space<vmem>>, vector<1x8x128xf32>
      %get3A_246 = arith.index_cast %add3A_239 : i32 to index
      %get3A_247 = arith.constant 0 : index
      %get3A_248 = arith.constant 0 : index
      %get3A_249 = vector.load %arg3[%get3A_246, %get3A_247, %get3A_248] : memref<80x8x128xf32, #tpu.memory_space<vmem>>, vector<1x8x128xf32>
      %get3A_250 = arith.index_cast %add3A_239 : i32 to index
      %get3A_251 = arith.constant 0 : index
      %get3A_252 = arith.constant 0 : index
      %get3A_253 = vector.load %arg4[%get3A_250, %get3A_251, %get3A_252] : memref<80x8x128xf32, #tpu.memory_space<vmem>>, vector<1x8x128xf32>
      %sub3A = vector.broadcast %get3A_245 : vector<1x8x128xf32> to vector<10x8x128xf32>
      %sub3A_254 = arith.subf %broadcast_in_dim3A_40, %sub3A : vector<10x8x128xf32>
      %sub3A_255 = vector.broadcast %get3A_249 : vector<1x8x128xf32> to vector<10x8x128xf32>
      %sub3A_256 = arith.subf %broadcast_in_dim3A_44, %sub3A_255 : vector<10x8x128xf32>
      %sub3A_257 = vector.broadcast %get3A_253 : vector<1x8x128xf32> to vector<10x8x128xf32>
      %sub3A_258 = arith.subf %broadcast_in_dim3A_48, %sub3A_257 : vector<10x8x128xf32>
      %mul3A_259 = arith.mulf %sub3A_254, %sub3A_254 : vector<10x8x128xf32>
      %mul3A_260 = arith.mulf %sub3A_256, %sub3A_256 : vector<10x8x128xf32>
      %add3A_261 = arith.addf %mul3A_259, %mul3A_260 : vector<10x8x128xf32>
      %mul3A_262 = arith.mulf %sub3A_258, %sub3A_258 : vector<10x8x128xf32>
      %add3A_263 = arith.addf %add3A_261, %mul3A_262 : vector<10x8x128xf32>
      %lt3A = arith.cmpf olt, %add3A_263, %scan3A_227 : vector<10x8x128xf32>
      %min3A = arith.minimumf %add3A_263, %scan3A_227 : vector<10x8x128xf32>
      %broadcast_in_dim3A_264 = vector.broadcast %add3A_241 : f32 to vector<10x8x128xf32>
      %select_n3A_265 = arith.select %lt3A, %broadcast_in_dim3A_264, %scan3A_228 : vector<10x8x128xi1>, vector<10x8x128xf32>
      %mul3A_266 = arith.constant 20 : i32
      %mul3A_267 = arith.muli %scan3A_226, %mul3A_266 : i32
      %add3A_268 = arith.constant 0 : i32
      %add3A_269 = arith.addi %add3A_268, %mul3A_267 : i32
      %add3A_270 = arith.constant 1 : i32
      %add3A_271 = arith.addi %add3A_269, %add3A_270 : i32
      %add3A_272 = arith.constant 1.000000e+00 : f32
      %add3A_273 = arith.addf %add3A_233, %add3A_272 : f32
      %get3A_274 = arith.index_cast %add3A_271 : i32 to index
      %get3A_275 = arith.constant 0 : index
      %get3A_276 = arith.constant 0 : index
      %get3A_277 = vector.load %arg2[%get3A_274, %get3A_275, %get3A_276] : memref<80x8x128xf32, #tpu.memory_space<vmem>>, vector<1x8x128xf32>
      %get3A_278 = arith.index_cast %add3A_271 : i32 to index
      %get3A_279 = arith.constant 0 : index
      %get3A_280 = arith.constant 0 : index
      %get3A_281 = vector.load %arg3[%get3A_278, %get3A_279, %get3A_280] : memref<80x8x128xf32, #tpu.memory_space<vmem>>, vector<1x8x128xf32>
      %get3A_282 = arith.index_cast %add3A_271 : i32 to index
      %get3A_283 = arith.constant 0 : index
      %get3A_284 = arith.constant 0 : index
      %get3A_285 = vector.load %arg4[%get3A_282, %get3A_283, %get3A_284] : memref<80x8x128xf32, #tpu.memory_space<vmem>>, vector<1x8x128xf32>
      %sub3A_286 = vector.broadcast %get3A_277 : vector<1x8x128xf32> to vector<10x8x128xf32>
      %sub3A_287 = arith.subf %broadcast_in_dim3A_40, %sub3A_286 : vector<10x8x128xf32>
      %sub3A_288 = vector.broadcast %get3A_281 : vector<1x8x128xf32> to vector<10x8x128xf32>
      %sub3A_289 = arith.subf %broadcast_in_dim3A_44, %sub3A_288 : vector<10x8x128xf32>
      %sub3A_290 = vector.broadcast %get3A_285 : vector<1x8x128xf32> to vector<10x8x128xf32>
      %sub3A_291 = arith.subf %broadcast_in_dim3A_48, %sub3A_290 : vector<10x8x128xf32>
      %mul3A_292 = arith.mulf %sub3A_287, %sub3A_287 : vector<10x8x128xf32>
      %mul3A_293 = arith.mulf %sub3A_289, %sub3A_289 : vector<10x8x128xf32>
      %add3A_294 = arith.addf %mul3A_292, %mul3A_293 : vector<10x8x128xf32>
      %mul3A_295 = arith.mulf %sub3A_291, %sub3A_291 : vector<10x8x128xf32>
      %add3A_296 = arith.addf %add3A_294, %mul3A_295 : vector<10x8x128xf32>
      %lt3A_297 = arith.cmpf olt, %add3A_296, %min3A : vector<10x8x128xf32>
      %min3A_298 = arith.minimumf %add3A_296, %min3A : vector<10x8x128xf32>
      %broadcast_in_dim3A_299 = vector.broadcast %add3A_273 : f32 to vector<10x8x128xf32>
      %select_n3A_300 = arith.select %lt3A_297, %broadcast_in_dim3A_299, %select_n3A_265 : vector<10x8x128xi1>, vector<10x8x128xf32>
      %mul3A_301 = arith.constant 20 : i32
      %mul3A_302 = arith.muli %scan3A_226, %mul3A_301 : i32
      %add3A_303 = arith.constant 0 : i32
      %add3A_304 = arith.addi %add3A_303, %mul3A_302 : i32
      %add3A_305 = arith.constant 2 : i32
      %add3A_306 = arith.addi %add3A_304, %add3A_305 : i32
      %add3A_307 = arith.constant 2.000000e+00 : f32
      %add3A_308 = arith.addf %add3A_233, %add3A_307 : f32
      %get3A_309 = arith.index_cast %add3A_306 : i32 to index
      %get3A_310 = arith.constant 0 : index
      %get3A_311 = arith.constant 0 : index
      %get3A_312 = vector.load %arg2[%get3A_309, %get3A_310, %get3A_311] : memref<80x8x128xf32, #tpu.memory_space<vmem>>, vector<1x8x128xf32>
      %get3A_313 = arith.index_cast %add3A_306 : i32 to index
      %get3A_314 = arith.constant 0 : index
      %get3A_315 = arith.constant 0 : index
      %get3A_316 = vector.load %arg3[%get3A_313, %get3A_314, %get3A_315] : memref<80x8x128xf32, #tpu.memory_space<vmem>>, vector<1x8x128xf32>
      %get3A_317 = arith.index_cast %add3A_306 : i32 to index
      %get3A_318 = arith.constant 0 : index
      %get3A_319 = arith.constant 0 : index
      %get3A_320 = vector.load %arg4[%get3A_317, %get3A_318, %get3A_319] : memref<80x8x128xf32, #tpu.memory_space<vmem>>, vector<1x8x128xf32>
      %sub3A_321 = vector.broadcast %get3A_312 : vector<1x8x128xf32> to vector<10x8x128xf32>
      %sub3A_322 = arith.subf %broadcast_in_dim3A_40, %sub3A_321 : vector<10x8x128xf32>
      %sub3A_323 = vector.broadcast %get3A_316 : vector<1x8x128xf32> to vector<10x8x128xf32>
      %sub3A_324 = arith.subf %broadcast_in_dim3A_44, %sub3A_323 : vector<10x8x128xf32>
      %sub3A_325 = vector.broadcast %get3A_320 : vector<1x8x128xf32> to vector<10x8x128xf32>
      %sub3A_326 = arith.subf %broadcast_in_dim3A_48, %sub3A_325 : vector<10x8x128xf32>
      %mul3A_327 = arith.mulf %sub3A_322, %sub3A_322 : vector<10x8x128xf32>
      %mul3A_328 = arith.mulf %sub3A_324, %sub3A_324 : vector<10x8x128xf32>
      %add3A_329 = arith.addf %mul3A_327, %mul3A_328 : vector<10x8x128xf32>
      %mul3A_330 = arith.mulf %sub3A_326, %sub3A_326 : vector<10x8x128xf32>
      %add3A_331 = arith.addf %add3A_329, %mul3A_330 : vector<10x8x128xf32>
      %lt3A_332 = arith.cmpf olt, %add3A_331, %min3A_298 : vector<10x8x128xf32>
      %min3A_333 = arith.minimumf %add3A_331, %min3A_298 : vector<10x8x128xf32>
      %broadcast_in_dim3A_334 = vector.broadcast %add3A_308 : f32 to vector<10x8x128xf32>
      %select_n3A_335 = arith.select %lt3A_332, %broadcast_in_dim3A_334, %select_n3A_300 : vector<10x8x128xi1>, vector<10x8x128xf32>
      %mul3A_336 = arith.constant 20 : i32
      %mul3A_337 = arith.muli %scan3A_226, %mul3A_336 : i32
      %add3A_338 = arith.constant 0 : i32
      %add3A_339 = arith.addi %add3A_338, %mul3A_337 : i32
      %add3A_340 = arith.constant 3 : i32
      %add3A_341 = arith.addi %add3A_339, %add3A_340 : i32
      %add3A_342 = arith.constant 3.000000e+00 : f32
      %add3A_343 = arith.addf %add3A_233, %add3A_342 : f32
      %get3A_344 = arith.index_cast %add3A_341 : i32 to index
      %get3A_345 = arith.constant 0 : index
      %get3A_346 = arith.constant 0 : index
      %get3A_347 = vector.load %arg2[%get3A_344, %get3A_345, %get3A_346] : memref<80x8x128xf32, #tpu.memory_space<vmem>>, vector<1x8x128xf32>
      %get3A_348 = arith.index_cast %add3A_341 : i32 to index
      %get3A_349 = arith.constant 0 : index
      %get3A_350 = arith.constant 0 : index
      %get3A_351 = vector.load %arg3[%get3A_348, %get3A_349, %get3A_350] : memref<80x8x128xf32, #tpu.memory_space<vmem>>, vector<1x8x128xf32>
      %get3A_352 = arith.index_cast %add3A_341 : i32 to index
      %get3A_353 = arith.constant 0 : index
      %get3A_354 = arith.constant 0 : index
      %get3A_355 = vector.load %arg4[%get3A_352, %get3A_353, %get3A_354] : memref<80x8x128xf32, #tpu.memory_space<vmem>>, vector<1x8x128xf32>
      %sub3A_356 = vector.broadcast %get3A_347 : vector<1x8x128xf32> to vector<10x8x128xf32>
      %sub3A_357 = arith.subf %broadcast_in_dim3A_40, %sub3A_356 : vector<10x8x128xf32>
      %sub3A_358 = vector.broadcast %get3A_351 : vector<1x8x128xf32> to vector<10x8x128xf32>
      %sub3A_359 = arith.subf %broadcast_in_dim3A_44, %sub3A_358 : vector<10x8x128xf32>
      %sub3A_360 = vector.broadcast %get3A_355 : vector<1x8x128xf32> to vector<10x8x128xf32>
      %sub3A_361 = arith.subf %broadcast_in_dim3A_48, %sub3A_360 : vector<10x8x128xf32>
      %mul3A_362 = arith.mulf %sub3A_357, %sub3A_357 : vector<10x8x128xf32>
      %mul3A_363 = arith.mulf %sub3A_359, %sub3A_359 : vector<10x8x128xf32>
      %add3A_364 = arith.addf %mul3A_362, %mul3A_363 : vector<10x8x128xf32>
      %mul3A_365 = arith.mulf %sub3A_361, %sub3A_361 : vector<10x8x128xf32>
      %add3A_366 = arith.addf %add3A_364, %mul3A_365 : vector<10x8x128xf32>
      %lt3A_367 = arith.cmpf olt, %add3A_366, %min3A_333 : vector<10x8x128xf32>
      %min3A_368 = arith.minimumf %add3A_366, %min3A_333 : vector<10x8x128xf32>
      %broadcast_in_dim3A_369 = vector.broadcast %add3A_343 : f32 to vector<10x8x128xf32>
      %select_n3A_370 = arith.select %lt3A_367, %broadcast_in_dim3A_369, %select_n3A_335 : vector<10x8x128xi1>, vector<10x8x128xf32>
      %mul3A_371 = arith.constant 20 : i32
      %mul3A_372 = arith.muli %scan3A_226, %mul3A_371 : i32
      %add3A_373 = arith.constant 0 : i32
      %add3A_374 = arith.addi %add3A_373, %mul3A_372 : i32
      %add3A_375 = arith.constant 4 : i32
      %add3A_376 = arith.addi %add3A_374, %add3A_375 : i32
      %add3A_377 = arith.constant 4.000000e+00 : f32
      %add3A_378 = arith.addf %add3A_233, %add3A_377 : f32
      %get3A_379 = arith.index_cast %add3A_376 : i32 to index
      %get3A_380 = arith.constant 0 : index
      %get3A_381 = arith.constant 0 : index
      %get3A_382 = vector.load %arg2[%get3A_379, %get3A_380, %get3A_381] : memref<80x8x128xf32, #tpu.memory_space<vmem>>, vector<1x8x128xf32>
      %get3A_383 = arith.index_cast %add3A_376 : i32 to index
      %get3A_384 = arith.constant 0 : index
      %get3A_385 = arith.constant 0 : index
      %get3A_386 = vector.load %arg3[%get3A_383, %get3A_384, %get3A_385] : memref<80x8x128xf32, #tpu.memory_space<vmem>>, vector<1x8x128xf32>
      %get3A_387 = arith.index_cast %add3A_376 : i32 to index
      %get3A_388 = arith.constant 0 : index
      %get3A_389 = arith.constant 0 : index
      %get3A_390 = vector.load %arg4[%get3A_387, %get3A_388, %get3A_389] : memref<80x8x128xf32, #tpu.memory_space<vmem>>, vector<1x8x128xf32>
      %sub3A_391 = vector.broadcast %get3A_382 : vector<1x8x128xf32> to vector<10x8x128xf32>
      %sub3A_392 = arith.subf %broadcast_in_dim3A_40, %sub3A_391 : vector<10x8x128xf32>
      %sub3A_393 = vector.broadcast %get3A_386 : vector<1x8x128xf32> to vector<10x8x128xf32>
      %sub3A_394 = arith.subf %broadcast_in_dim3A_44, %sub3A_393 : vector<10x8x128xf32>
      %sub3A_395 = vector.broadcast %get3A_390 : vector<1x8x128xf32> to vector<10x8x128xf32>
      %sub3A_396 = arith.subf %broadcast_in_dim3A_48, %sub3A_395 : vector<10x8x128xf32>
      %mul3A_397 = arith.mulf %sub3A_392, %sub3A_392 : vector<10x8x128xf32>
      %mul3A_398 = arith.mulf %sub3A_394, %sub3A_394 : vector<10x8x128xf32>
      %add3A_399 = arith.addf %mul3A_397, %mul3A_398 : vector<10x8x128xf32>
      %mul3A_400 = arith.mulf %sub3A_396, %sub3A_396 : vector<10x8x128xf32>
      %add3A_401 = arith.addf %add3A_399, %mul3A_400 : vector<10x8x128xf32>
      %lt3A_402 = arith.cmpf olt, %add3A_401, %min3A_368 : vector<10x8x128xf32>
      %min3A_403 = arith.minimumf %add3A_401, %min3A_368 : vector<10x8x128xf32>
      %broadcast_in_dim3A_404 = vector.broadcast %add3A_378 : f32 to vector<10x8x128xf32>
      %select_n3A_405 = arith.select %lt3A_402, %broadcast_in_dim3A_404, %select_n3A_370 : vector<10x8x128xi1>, vector<10x8x128xf32>
      %mul3A_406 = arith.constant 20 : i32
      %mul3A_407 = arith.muli %scan3A_226, %mul3A_406 : i32
      %add3A_408 = arith.constant 0 : i32
      %add3A_409 = arith.addi %add3A_408, %mul3A_407 : i32
      %add3A_410 = arith.constant 5 : i32
      %add3A_411 = arith.addi %add3A_409, %add3A_410 : i32
      %add3A_412 = arith.constant 5.000000e+00 : f32
      %add3A_413 = arith.addf %add3A_233, %add3A_412 : f32
      %get3A_414 = arith.index_cast %add3A_411 : i32 to index
      %get3A_415 = arith.constant 0 : index
      %get3A_416 = arith.constant 0 : index
      %get3A_417 = vector.load %arg2[%get3A_414, %get3A_415, %get3A_416] : memref<80x8x128xf32, #tpu.memory_space<vmem>>, vector<1x8x128xf32>
      %get3A_418 = arith.index_cast %add3A_411 : i32 to index
      %get3A_419 = arith.constant 0 : index
      %get3A_420 = arith.constant 0 : index
      %get3A_421 = vector.load %arg3[%get3A_418, %get3A_419, %get3A_420] : memref<80x8x128xf32, #tpu.memory_space<vmem>>, vector<1x8x128xf32>
      %get3A_422 = arith.index_cast %add3A_411 : i32 to index
      %get3A_423 = arith.constant 0 : index
      %get3A_424 = arith.constant 0 : index
      %get3A_425 = vector.load %arg4[%get3A_422, %get3A_423, %get3A_424] : memref<80x8x128xf32, #tpu.memory_space<vmem>>, vector<1x8x128xf32>
      %sub3A_426 = vector.broadcast %get3A_417 : vector<1x8x128xf32> to vector<10x8x128xf32>
      %sub3A_427 = arith.subf %broadcast_in_dim3A_40, %sub3A_426 : vector<10x8x128xf32>
      %sub3A_428 = vector.broadcast %get3A_421 : vector<1x8x128xf32> to vector<10x8x128xf32>
      %sub3A_429 = arith.subf %broadcast_in_dim3A_44, %sub3A_428 : vector<10x8x128xf32>
      %sub3A_430 = vector.broadcast %get3A_425 : vector<1x8x128xf32> to vector<10x8x128xf32>
      %sub3A_431 = arith.subf %broadcast_in_dim3A_48, %sub3A_430 : vector<10x8x128xf32>
      %mul3A_432 = arith.mulf %sub3A_427, %sub3A_427 : vector<10x8x128xf32>
      %mul3A_433 = arith.mulf %sub3A_429, %sub3A_429 : vector<10x8x128xf32>
      %add3A_434 = arith.addf %mul3A_432, %mul3A_433 : vector<10x8x128xf32>
      %mul3A_435 = arith.mulf %sub3A_431, %sub3A_431 : vector<10x8x128xf32>
      %add3A_436 = arith.addf %add3A_434, %mul3A_435 : vector<10x8x128xf32>
      %lt3A_437 = arith.cmpf olt, %add3A_436, %min3A_403 : vector<10x8x128xf32>
      %min3A_438 = arith.minimumf %add3A_436, %min3A_403 : vector<10x8x128xf32>
      %broadcast_in_dim3A_439 = vector.broadcast %add3A_413 : f32 to vector<10x8x128xf32>
      %select_n3A_440 = arith.select %lt3A_437, %broadcast_in_dim3A_439, %select_n3A_405 : vector<10x8x128xi1>, vector<10x8x128xf32>
      %mul3A_441 = arith.constant 20 : i32
      %mul3A_442 = arith.muli %scan3A_226, %mul3A_441 : i32
      %add3A_443 = arith.constant 0 : i32
      %add3A_444 = arith.addi %add3A_443, %mul3A_442 : i32
      %add3A_445 = arith.constant 6 : i32
      %add3A_446 = arith.addi %add3A_444, %add3A_445 : i32
      %add3A_447 = arith.constant 6.000000e+00 : f32
      %add3A_448 = arith.addf %add3A_233, %add3A_447 : f32
      %get3A_449 = arith.index_cast %add3A_446 : i32 to index
      %get3A_450 = arith.constant 0 : index
      %get3A_451 = arith.constant 0 : index
      %get3A_452 = vector.load %arg2[%get3A_449, %get3A_450, %get3A_451] : memref<80x8x128xf32, #tpu.memory_space<vmem>>, vector<1x8x128xf32>
      %get3A_453 = arith.index_cast %add3A_446 : i32 to index
      %get3A_454 = arith.constant 0 : index
      %get3A_455 = arith.constant 0 : index
      %get3A_456 = vector.load %arg3[%get3A_453, %get3A_454, %get3A_455] : memref<80x8x128xf32, #tpu.memory_space<vmem>>, vector<1x8x128xf32>
      %get3A_457 = arith.index_cast %add3A_446 : i32 to index
      %get3A_458 = arith.constant 0 : index
      %get3A_459 = arith.constant 0 : index
      %get3A_460 = vector.load %arg4[%get3A_457, %get3A_458, %get3A_459] : memref<80x8x128xf32, #tpu.memory_space<vmem>>, vector<1x8x128xf32>
      %sub3A_461 = vector.broadcast %get3A_452 : vector<1x8x128xf32> to vector<10x8x128xf32>
      %sub3A_462 = arith.subf %broadcast_in_dim3A_40, %sub3A_461 : vector<10x8x128xf32>
      %sub3A_463 = vector.broadcast %get3A_456 : vector<1x8x128xf32> to vector<10x8x128xf32>
      %sub3A_464 = arith.subf %broadcast_in_dim3A_44, %sub3A_463 : vector<10x8x128xf32>
      %sub3A_465 = vector.broadcast %get3A_460 : vector<1x8x128xf32> to vector<10x8x128xf32>
      %sub3A_466 = arith.subf %broadcast_in_dim3A_48, %sub3A_465 : vector<10x8x128xf32>
      %mul3A_467 = arith.mulf %sub3A_462, %sub3A_462 : vector<10x8x128xf32>
      %mul3A_468 = arith.mulf %sub3A_464, %sub3A_464 : vector<10x8x128xf32>
      %add3A_469 = arith.addf %mul3A_467, %mul3A_468 : vector<10x8x128xf32>
      %mul3A_470 = arith.mulf %sub3A_466, %sub3A_466 : vector<10x8x128xf32>
      %add3A_471 = arith.addf %add3A_469, %mul3A_470 : vector<10x8x128xf32>
      %lt3A_472 = arith.cmpf olt, %add3A_471, %min3A_438 : vector<10x8x128xf32>
      %min3A_473 = arith.minimumf %add3A_471, %min3A_438 : vector<10x8x128xf32>
      %broadcast_in_dim3A_474 = vector.broadcast %add3A_448 : f32 to vector<10x8x128xf32>
      %select_n3A_475 = arith.select %lt3A_472, %broadcast_in_dim3A_474, %select_n3A_440 : vector<10x8x128xi1>, vector<10x8x128xf32>
      %mul3A_476 = arith.constant 20 : i32
      %mul3A_477 = arith.muli %scan3A_226, %mul3A_476 : i32
      %add3A_478 = arith.constant 0 : i32
      %add3A_479 = arith.addi %add3A_478, %mul3A_477 : i32
      %add3A_480 = arith.constant 7 : i32
      %add3A_481 = arith.addi %add3A_479, %add3A_480 : i32
      %add3A_482 = arith.constant 7.000000e+00 : f32
      %add3A_483 = arith.addf %add3A_233, %add3A_482 : f32
      %get3A_484 = arith.index_cast %add3A_481 : i32 to index
      %get3A_485 = arith.constant 0 : index
      %get3A_486 = arith.constant 0 : index
      %get3A_487 = vector.load %arg2[%get3A_484, %get3A_485, %get3A_486] : memref<80x8x128xf32, #tpu.memory_space<vmem>>, vector<1x8x128xf32>
      %get3A_488 = arith.index_cast %add3A_481 : i32 to index
      %get3A_489 = arith.constant 0 : index
      %get3A_490 = arith.constant 0 : index
      %get3A_491 = vector.load %arg3[%get3A_488, %get3A_489, %get3A_490] : memref<80x8x128xf32, #tpu.memory_space<vmem>>, vector<1x8x128xf32>
      %get3A_492 = arith.index_cast %add3A_481 : i32 to index
      %get3A_493 = arith.constant 0 : index
      %get3A_494 = arith.constant 0 : index
      %get3A_495 = vector.load %arg4[%get3A_492, %get3A_493, %get3A_494] : memref<80x8x128xf32, #tpu.memory_space<vmem>>, vector<1x8x128xf32>
      %sub3A_496 = vector.broadcast %get3A_487 : vector<1x8x128xf32> to vector<10x8x128xf32>
      %sub3A_497 = arith.subf %broadcast_in_dim3A_40, %sub3A_496 : vector<10x8x128xf32>
      %sub3A_498 = vector.broadcast %get3A_491 : vector<1x8x128xf32> to vector<10x8x128xf32>
      %sub3A_499 = arith.subf %broadcast_in_dim3A_44, %sub3A_498 : vector<10x8x128xf32>
      %sub3A_500 = vector.broadcast %get3A_495 : vector<1x8x128xf32> to vector<10x8x128xf32>
      %sub3A_501 = arith.subf %broadcast_in_dim3A_48, %sub3A_500 : vector<10x8x128xf32>
      %mul3A_502 = arith.mulf %sub3A_497, %sub3A_497 : vector<10x8x128xf32>
      %mul3A_503 = arith.mulf %sub3A_499, %sub3A_499 : vector<10x8x128xf32>
      %add3A_504 = arith.addf %mul3A_502, %mul3A_503 : vector<10x8x128xf32>
      %mul3A_505 = arith.mulf %sub3A_501, %sub3A_501 : vector<10x8x128xf32>
      %add3A_506 = arith.addf %add3A_504, %mul3A_505 : vector<10x8x128xf32>
      %lt3A_507 = arith.cmpf olt, %add3A_506, %min3A_473 : vector<10x8x128xf32>
      %min3A_508 = arith.minimumf %add3A_506, %min3A_473 : vector<10x8x128xf32>
      %broadcast_in_dim3A_509 = vector.broadcast %add3A_483 : f32 to vector<10x8x128xf32>
      %select_n3A_510 = arith.select %lt3A_507, %broadcast_in_dim3A_509, %select_n3A_475 : vector<10x8x128xi1>, vector<10x8x128xf32>
      %mul3A_511 = arith.constant 20 : i32
      %mul3A_512 = arith.muli %scan3A_226, %mul3A_511 : i32
      %add3A_513 = arith.constant 0 : i32
      %add3A_514 = arith.addi %add3A_513, %mul3A_512 : i32
      %add3A_515 = arith.constant 8 : i32
      %add3A_516 = arith.addi %add3A_514, %add3A_515 : i32
      %add3A_517 = arith.constant 8.000000e+00 : f32
      %add3A_518 = arith.addf %add3A_233, %add3A_517 : f32
      %get3A_519 = arith.index_cast %add3A_516 : i32 to index
      %get3A_520 = arith.constant 0 : index
      %get3A_521 = arith.constant 0 : index
      %get3A_522 = vector.load %arg2[%get3A_519, %get3A_520, %get3A_521] : memref<80x8x128xf32, #tpu.memory_space<vmem>>, vector<1x8x128xf32>
      %get3A_523 = arith.index_cast %add3A_516 : i32 to index
      %get3A_524 = arith.constant 0 : index
      %get3A_525 = arith.constant 0 : index
      %get3A_526 = vector.load %arg3[%get3A_523, %get3A_524, %get3A_525] : memref<80x8x128xf32, #tpu.memory_space<vmem>>, vector<1x8x128xf32>
      %get3A_527 = arith.index_cast %add3A_516 : i32 to index
      %get3A_528 = arith.constant 0 : index
      %get3A_529 = arith.constant 0 : index
      %get3A_530 = vector.load %arg4[%get3A_527, %get3A_528, %get3A_529] : memref<80x8x128xf32, #tpu.memory_space<vmem>>, vector<1x8x128xf32>
      %sub3A_531 = vector.broadcast %get3A_522 : vector<1x8x128xf32> to vector<10x8x128xf32>
      %sub3A_532 = arith.subf %broadcast_in_dim3A_40, %sub3A_531 : vector<10x8x128xf32>
      %sub3A_533 = vector.broadcast %get3A_526 : vector<1x8x128xf32> to vector<10x8x128xf32>
      %sub3A_534 = arith.subf %broadcast_in_dim3A_44, %sub3A_533 : vector<10x8x128xf32>
      %sub3A_535 = vector.broadcast %get3A_530 : vector<1x8x128xf32> to vector<10x8x128xf32>
      %sub3A_536 = arith.subf %broadcast_in_dim3A_48, %sub3A_535 : vector<10x8x128xf32>
      %mul3A_537 = arith.mulf %sub3A_532, %sub3A_532 : vector<10x8x128xf32>
      %mul3A_538 = arith.mulf %sub3A_534, %sub3A_534 : vector<10x8x128xf32>
      %add3A_539 = arith.addf %mul3A_537, %mul3A_538 : vector<10x8x128xf32>
      %mul3A_540 = arith.mulf %sub3A_536, %sub3A_536 : vector<10x8x128xf32>
      %add3A_541 = arith.addf %add3A_539, %mul3A_540 : vector<10x8x128xf32>
      %lt3A_542 = arith.cmpf olt, %add3A_541, %min3A_508 : vector<10x8x128xf32>
      %min3A_543 = arith.minimumf %add3A_541, %min3A_508 : vector<10x8x128xf32>
      %broadcast_in_dim3A_544 = vector.broadcast %add3A_518 : f32 to vector<10x8x128xf32>
      %select_n3A_545 = arith.select %lt3A_542, %broadcast_in_dim3A_544, %select_n3A_510 : vector<10x8x128xi1>, vector<10x8x128xf32>
      %mul3A_546 = arith.constant 20 : i32
      %mul3A_547 = arith.muli %scan3A_226, %mul3A_546 : i32
      %add3A_548 = arith.constant 0 : i32
      %add3A_549 = arith.addi %add3A_548, %mul3A_547 : i32
      %add3A_550 = arith.constant 9 : i32
      %add3A_551 = arith.addi %add3A_549, %add3A_550 : i32
      %add3A_552 = arith.constant 9.000000e+00 : f32
      %add3A_553 = arith.addf %add3A_233, %add3A_552 : f32
      %get3A_554 = arith.index_cast %add3A_551 : i32 to index
      %get3A_555 = arith.constant 0 : index
      %get3A_556 = arith.constant 0 : index
      %get3A_557 = vector.load %arg2[%get3A_554, %get3A_555, %get3A_556] : memref<80x8x128xf32, #tpu.memory_space<vmem>>, vector<1x8x128xf32>
      %get3A_558 = arith.index_cast %add3A_551 : i32 to index
      %get3A_559 = arith.constant 0 : index
      %get3A_560 = arith.constant 0 : index
      %get3A_561 = vector.load %arg3[%get3A_558, %get3A_559, %get3A_560] : memref<80x8x128xf32, #tpu.memory_space<vmem>>, vector<1x8x128xf32>
      %get3A_562 = arith.index_cast %add3A_551 : i32 to index
      %get3A_563 = arith.constant 0 : index
      %get3A_564 = arith.constant 0 : index
      %get3A_565 = vector.load %arg4[%get3A_562, %get3A_563, %get3A_564] : memref<80x8x128xf32, #tpu.memory_space<vmem>>, vector<1x8x128xf32>
      %sub3A_566 = vector.broadcast %get3A_557 : vector<1x8x128xf32> to vector<10x8x128xf32>
      %sub3A_567 = arith.subf %broadcast_in_dim3A_40, %sub3A_566 : vector<10x8x128xf32>
      %sub3A_568 = vector.broadcast %get3A_561 : vector<1x8x128xf32> to vector<10x8x128xf32>
      %sub3A_569 = arith.subf %broadcast_in_dim3A_44, %sub3A_568 : vector<10x8x128xf32>
      %sub3A_570 = vector.broadcast %get3A_565 : vector<1x8x128xf32> to vector<10x8x128xf32>
      %sub3A_571 = arith.subf %broadcast_in_dim3A_48, %sub3A_570 : vector<10x8x128xf32>
      %mul3A_572 = arith.mulf %sub3A_567, %sub3A_567 : vector<10x8x128xf32>
      %mul3A_573 = arith.mulf %sub3A_569, %sub3A_569 : vector<10x8x128xf32>
      %add3A_574 = arith.addf %mul3A_572, %mul3A_573 : vector<10x8x128xf32>
      %mul3A_575 = arith.mulf %sub3A_571, %sub3A_571 : vector<10x8x128xf32>
      %add3A_576 = arith.addf %add3A_574, %mul3A_575 : vector<10x8x128xf32>
      %lt3A_577 = arith.cmpf olt, %add3A_576, %min3A_543 : vector<10x8x128xf32>
      %min3A_578 = arith.minimumf %add3A_576, %min3A_543 : vector<10x8x128xf32>
      %broadcast_in_dim3A_579 = vector.broadcast %add3A_553 : f32 to vector<10x8x128xf32>
      %select_n3A_580 = arith.select %lt3A_577, %broadcast_in_dim3A_579, %select_n3A_545 : vector<10x8x128xi1>, vector<10x8x128xf32>
      %mul3A_581 = arith.constant 20 : i32
      %mul3A_582 = arith.muli %scan3A_226, %mul3A_581 : i32
      %add3A_583 = arith.constant 0 : i32
      %add3A_584 = arith.addi %add3A_583, %mul3A_582 : i32
      %add3A_585 = arith.constant 10 : i32
      %add3A_586 = arith.addi %add3A_584, %add3A_585 : i32
      %add3A_587 = arith.constant 1.000000e+01 : f32
      %add3A_588 = arith.addf %add3A_233, %add3A_587 : f32
      %get3A_589 = arith.index_cast %add3A_586 : i32 to index
      %get3A_590 = arith.constant 0 : index
      %get3A_591 = arith.constant 0 : index
      %get3A_592 = vector.load %arg2[%get3A_589, %get3A_590, %get3A_591] : memref<80x8x128xf32, #tpu.memory_space<vmem>>, vector<1x8x128xf32>
      %get3A_593 = arith.index_cast %add3A_586 : i32 to index
      %get3A_594 = arith.constant 0 : index
      %get3A_595 = arith.constant 0 : index
      %get3A_596 = vector.load %arg3[%get3A_593, %get3A_594, %get3A_595] : memref<80x8x128xf32, #tpu.memory_space<vmem>>, vector<1x8x128xf32>
      %get3A_597 = arith.index_cast %add3A_586 : i32 to index
      %get3A_598 = arith.constant 0 : index
      %get3A_599 = arith.constant 0 : index
      %get3A_600 = vector.load %arg4[%get3A_597, %get3A_598, %get3A_599] : memref<80x8x128xf32, #tpu.memory_space<vmem>>, vector<1x8x128xf32>
      %sub3A_601 = vector.broadcast %get3A_592 : vector<1x8x128xf32> to vector<10x8x128xf32>
      %sub3A_602 = arith.subf %broadcast_in_dim3A_40, %sub3A_601 : vector<10x8x128xf32>
      %sub3A_603 = vector.broadcast %get3A_596 : vector<1x8x128xf32> to vector<10x8x128xf32>
      %sub3A_604 = arith.subf %broadcast_in_dim3A_44, %sub3A_603 : vector<10x8x128xf32>
      %sub3A_605 = vector.broadcast %get3A_600 : vector<1x8x128xf32> to vector<10x8x128xf32>
      %sub3A_606 = arith.subf %broadcast_in_dim3A_48, %sub3A_605 : vector<10x8x128xf32>
      %mul3A_607 = arith.mulf %sub3A_602, %sub3A_602 : vector<10x8x128xf32>
      %mul3A_608 = arith.mulf %sub3A_604, %sub3A_604 : vector<10x8x128xf32>
      %add3A_609 = arith.addf %mul3A_607, %mul3A_608 : vector<10x8x128xf32>
      %mul3A_610 = arith.mulf %sub3A_606, %sub3A_606 : vector<10x8x128xf32>
      %add3A_611 = arith.addf %add3A_609, %mul3A_610 : vector<10x8x128xf32>
      %lt3A_612 = arith.cmpf olt, %add3A_611, %min3A_578 : vector<10x8x128xf32>
      %min3A_613 = arith.minimumf %add3A_611, %min3A_578 : vector<10x8x128xf32>
      %broadcast_in_dim3A_614 = vector.broadcast %add3A_588 : f32 to vector<10x8x128xf32>
      %select_n3A_615 = arith.select %lt3A_612, %broadcast_in_dim3A_614, %select_n3A_580 : vector<10x8x128xi1>, vector<10x8x128xf32>
      %mul3A_616 = arith.constant 20 : i32
      %mul3A_617 = arith.muli %scan3A_226, %mul3A_616 : i32
      %add3A_618 = arith.constant 0 : i32
      %add3A_619 = arith.addi %add3A_618, %mul3A_617 : i32
      %add3A_620 = arith.constant 11 : i32
      %add3A_621 = arith.addi %add3A_619, %add3A_620 : i32
      %add3A_622 = arith.constant 1.100000e+01 : f32
      %add3A_623 = arith.addf %add3A_233, %add3A_622 : f32
      %get3A_624 = arith.index_cast %add3A_621 : i32 to index
      %get3A_625 = arith.constant 0 : index
      %get3A_626 = arith.constant 0 : index
      %get3A_627 = vector.load %arg2[%get3A_624, %get3A_625, %get3A_626] : memref<80x8x128xf32, #tpu.memory_space<vmem>>, vector<1x8x128xf32>
      %get3A_628 = arith.index_cast %add3A_621 : i32 to index
      %get3A_629 = arith.constant 0 : index
      %get3A_630 = arith.constant 0 : index
      %get3A_631 = vector.load %arg3[%get3A_628, %get3A_629, %get3A_630] : memref<80x8x128xf32, #tpu.memory_space<vmem>>, vector<1x8x128xf32>
      %get3A_632 = arith.index_cast %add3A_621 : i32 to index
      %get3A_633 = arith.constant 0 : index
      %get3A_634 = arith.constant 0 : index
      %get3A_635 = vector.load %arg4[%get3A_632, %get3A_633, %get3A_634] : memref<80x8x128xf32, #tpu.memory_space<vmem>>, vector<1x8x128xf32>
      %sub3A_636 = vector.broadcast %get3A_627 : vector<1x8x128xf32> to vector<10x8x128xf32>
      %sub3A_637 = arith.subf %broadcast_in_dim3A_40, %sub3A_636 : vector<10x8x128xf32>
      %sub3A_638 = vector.broadcast %get3A_631 : vector<1x8x128xf32> to vector<10x8x128xf32>
      %sub3A_639 = arith.subf %broadcast_in_dim3A_44, %sub3A_638 : vector<10x8x128xf32>
      %sub3A_640 = vector.broadcast %get3A_635 : vector<1x8x128xf32> to vector<10x8x128xf32>
      %sub3A_641 = arith.subf %broadcast_in_dim3A_48, %sub3A_640 : vector<10x8x128xf32>
      %mul3A_642 = arith.mulf %sub3A_637, %sub3A_637 : vector<10x8x128xf32>
      %mul3A_643 = arith.mulf %sub3A_639, %sub3A_639 : vector<10x8x128xf32>
      %add3A_644 = arith.addf %mul3A_642, %mul3A_643 : vector<10x8x128xf32>
      %mul3A_645 = arith.mulf %sub3A_641, %sub3A_641 : vector<10x8x128xf32>
      %add3A_646 = arith.addf %add3A_644, %mul3A_645 : vector<10x8x128xf32>
      %lt3A_647 = arith.cmpf olt, %add3A_646, %min3A_613 : vector<10x8x128xf32>
      %min3A_648 = arith.minimumf %add3A_646, %min3A_613 : vector<10x8x128xf32>
      %broadcast_in_dim3A_649 = vector.broadcast %add3A_623 : f32 to vector<10x8x128xf32>
      %select_n3A_650 = arith.select %lt3A_647, %broadcast_in_dim3A_649, %select_n3A_615 : vector<10x8x128xi1>, vector<10x8x128xf32>
      %mul3A_651 = arith.constant 20 : i32
      %mul3A_652 = arith.muli %scan3A_226, %mul3A_651 : i32
      %add3A_653 = arith.constant 0 : i32
      %add3A_654 = arith.addi %add3A_653, %mul3A_652 : i32
      %add3A_655 = arith.constant 12 : i32
      %add3A_656 = arith.addi %add3A_654, %add3A_655 : i32
      %add3A_657 = arith.constant 1.200000e+01 : f32
      %add3A_658 = arith.addf %add3A_233, %add3A_657 : f32
      %get3A_659 = arith.index_cast %add3A_656 : i32 to index
      %get3A_660 = arith.constant 0 : index
      %get3A_661 = arith.constant 0 : index
      %get3A_662 = vector.load %arg2[%get3A_659, %get3A_660, %get3A_661] : memref<80x8x128xf32, #tpu.memory_space<vmem>>, vector<1x8x128xf32>
      %get3A_663 = arith.index_cast %add3A_656 : i32 to index
      %get3A_664 = arith.constant 0 : index
      %get3A_665 = arith.constant 0 : index
      %get3A_666 = vector.load %arg3[%get3A_663, %get3A_664, %get3A_665] : memref<80x8x128xf32, #tpu.memory_space<vmem>>, vector<1x8x128xf32>
      %get3A_667 = arith.index_cast %add3A_656 : i32 to index
      %get3A_668 = arith.constant 0 : index
      %get3A_669 = arith.constant 0 : index
      %get3A_670 = vector.load %arg4[%get3A_667, %get3A_668, %get3A_669] : memref<80x8x128xf32, #tpu.memory_space<vmem>>, vector<1x8x128xf32>
      %sub3A_671 = vector.broadcast %get3A_662 : vector<1x8x128xf32> to vector<10x8x128xf32>
      %sub3A_672 = arith.subf %broadcast_in_dim3A_40, %sub3A_671 : vector<10x8x128xf32>
      %sub3A_673 = vector.broadcast %get3A_666 : vector<1x8x128xf32> to vector<10x8x128xf32>
      %sub3A_674 = arith.subf %broadcast_in_dim3A_44, %sub3A_673 : vector<10x8x128xf32>
      %sub3A_675 = vector.broadcast %get3A_670 : vector<1x8x128xf32> to vector<10x8x128xf32>
      %sub3A_676 = arith.subf %broadcast_in_dim3A_48, %sub3A_675 : vector<10x8x128xf32>
      %mul3A_677 = arith.mulf %sub3A_672, %sub3A_672 : vector<10x8x128xf32>
      %mul3A_678 = arith.mulf %sub3A_674, %sub3A_674 : vector<10x8x128xf32>
      %add3A_679 = arith.addf %mul3A_677, %mul3A_678 : vector<10x8x128xf32>
      %mul3A_680 = arith.mulf %sub3A_676, %sub3A_676 : vector<10x8x128xf32>
      %add3A_681 = arith.addf %add3A_679, %mul3A_680 : vector<10x8x128xf32>
      %lt3A_682 = arith.cmpf olt, %add3A_681, %min3A_648 : vector<10x8x128xf32>
      %min3A_683 = arith.minimumf %add3A_681, %min3A_648 : vector<10x8x128xf32>
      %broadcast_in_dim3A_684 = vector.broadcast %add3A_658 : f32 to vector<10x8x128xf32>
      %select_n3A_685 = arith.select %lt3A_682, %broadcast_in_dim3A_684, %select_n3A_650 : vector<10x8x128xi1>, vector<10x8x128xf32>
      %mul3A_686 = arith.constant 20 : i32
      %mul3A_687 = arith.muli %scan3A_226, %mul3A_686 : i32
      %add3A_688 = arith.constant 0 : i32
      %add3A_689 = arith.addi %add3A_688, %mul3A_687 : i32
      %add3A_690 = arith.constant 13 : i32
      %add3A_691 = arith.addi %add3A_689, %add3A_690 : i32
      %add3A_692 = arith.constant 1.300000e+01 : f32
      %add3A_693 = arith.addf %add3A_233, %add3A_692 : f32
      %get3A_694 = arith.index_cast %add3A_691 : i32 to index
      %get3A_695 = arith.constant 0 : index
      %get3A_696 = arith.constant 0 : index
      %get3A_697 = vector.load %arg2[%get3A_694, %get3A_695, %get3A_696] : memref<80x8x128xf32, #tpu.memory_space<vmem>>, vector<1x8x128xf32>
      %get3A_698 = arith.index_cast %add3A_691 : i32 to index
      %get3A_699 = arith.constant 0 : index
      %get3A_700 = arith.constant 0 : index
      %get3A_701 = vector.load %arg3[%get3A_698, %get3A_699, %get3A_700] : memref<80x8x128xf32, #tpu.memory_space<vmem>>, vector<1x8x128xf32>
      %get3A_702 = arith.index_cast %add3A_691 : i32 to index
      %get3A_703 = arith.constant 0 : index
      %get3A_704 = arith.constant 0 : index
      %get3A_705 = vector.load %arg4[%get3A_702, %get3A_703, %get3A_704] : memref<80x8x128xf32, #tpu.memory_space<vmem>>, vector<1x8x128xf32>
      %sub3A_706 = vector.broadcast %get3A_697 : vector<1x8x128xf32> to vector<10x8x128xf32>
      %sub3A_707 = arith.subf %broadcast_in_dim3A_40, %sub3A_706 : vector<10x8x128xf32>
      %sub3A_708 = vector.broadcast %get3A_701 : vector<1x8x128xf32> to vector<10x8x128xf32>
      %sub3A_709 = arith.subf %broadcast_in_dim3A_44, %sub3A_708 : vector<10x8x128xf32>
      %sub3A_710 = vector.broadcast %get3A_705 : vector<1x8x128xf32> to vector<10x8x128xf32>
      %sub3A_711 = arith.subf %broadcast_in_dim3A_48, %sub3A_710 : vector<10x8x128xf32>
      %mul3A_712 = arith.mulf %sub3A_707, %sub3A_707 : vector<10x8x128xf32>
      %mul3A_713 = arith.mulf %sub3A_709, %sub3A_709 : vector<10x8x128xf32>
      %add3A_714 = arith.addf %mul3A_712, %mul3A_713 : vector<10x8x128xf32>
      %mul3A_715 = arith.mulf %sub3A_711, %sub3A_711 : vector<10x8x128xf32>
      %add3A_716 = arith.addf %add3A_714, %mul3A_715 : vector<10x8x128xf32>
      %lt3A_717 = arith.cmpf olt, %add3A_716, %min3A_683 : vector<10x8x128xf32>
      %min3A_718 = arith.minimumf %add3A_716, %min3A_683 : vector<10x8x128xf32>
      %broadcast_in_dim3A_719 = vector.broadcast %add3A_693 : f32 to vector<10x8x128xf32>
      %select_n3A_720 = arith.select %lt3A_717, %broadcast_in_dim3A_719, %select_n3A_685 : vector<10x8x128xi1>, vector<10x8x128xf32>
      %mul3A_721 = arith.constant 20 : i32
      %mul3A_722 = arith.muli %scan3A_226, %mul3A_721 : i32
      %add3A_723 = arith.constant 0 : i32
      %add3A_724 = arith.addi %add3A_723, %mul3A_722 : i32
      %add3A_725 = arith.constant 14 : i32
      %add3A_726 = arith.addi %add3A_724, %add3A_725 : i32
      %add3A_727 = arith.constant 1.400000e+01 : f32
      %add3A_728 = arith.addf %add3A_233, %add3A_727 : f32
      %get3A_729 = arith.index_cast %add3A_726 : i32 to index
      %get3A_730 = arith.constant 0 : index
      %get3A_731 = arith.constant 0 : index
      %get3A_732 = vector.load %arg2[%get3A_729, %get3A_730, %get3A_731] : memref<80x8x128xf32, #tpu.memory_space<vmem>>, vector<1x8x128xf32>
      %get3A_733 = arith.index_cast %add3A_726 : i32 to index
      %get3A_734 = arith.constant 0 : index
      %get3A_735 = arith.constant 0 : index
      %get3A_736 = vector.load %arg3[%get3A_733, %get3A_734, %get3A_735] : memref<80x8x128xf32, #tpu.memory_space<vmem>>, vector<1x8x128xf32>
      %get3A_737 = arith.index_cast %add3A_726 : i32 to index
      %get3A_738 = arith.constant 0 : index
      %get3A_739 = arith.constant 0 : index
      %get3A_740 = vector.load %arg4[%get3A_737, %get3A_738, %get3A_739] : memref<80x8x128xf32, #tpu.memory_space<vmem>>, vector<1x8x128xf32>
      %sub3A_741 = vector.broadcast %get3A_732 : vector<1x8x128xf32> to vector<10x8x128xf32>
      %sub3A_742 = arith.subf %broadcast_in_dim3A_40, %sub3A_741 : vector<10x8x128xf32>
      %sub3A_743 = vector.broadcast %get3A_736 : vector<1x8x128xf32> to vector<10x8x128xf32>
      %sub3A_744 = arith.subf %broadcast_in_dim3A_44, %sub3A_743 : vector<10x8x128xf32>
      %sub3A_745 = vector.broadcast %get3A_740 : vector<1x8x128xf32> to vector<10x8x128xf32>
      %sub3A_746 = arith.subf %broadcast_in_dim3A_48, %sub3A_745 : vector<10x8x128xf32>
      %mul3A_747 = arith.mulf %sub3A_742, %sub3A_742 : vector<10x8x128xf32>
      %mul3A_748 = arith.mulf %sub3A_744, %sub3A_744 : vector<10x8x128xf32>
      %add3A_749 = arith.addf %mul3A_747, %mul3A_748 : vector<10x8x128xf32>
      %mul3A_750 = arith.mulf %sub3A_746, %sub3A_746 : vector<10x8x128xf32>
      %add3A_751 = arith.addf %add3A_749, %mul3A_750 : vector<10x8x128xf32>
      %lt3A_752 = arith.cmpf olt, %add3A_751, %min3A_718 : vector<10x8x128xf32>
      %min3A_753 = arith.minimumf %add3A_751, %min3A_718 : vector<10x8x128xf32>
      %broadcast_in_dim3A_754 = vector.broadcast %add3A_728 : f32 to vector<10x8x128xf32>
      %select_n3A_755 = arith.select %lt3A_752, %broadcast_in_dim3A_754, %select_n3A_720 : vector<10x8x128xi1>, vector<10x8x128xf32>
      %mul3A_756 = arith.constant 20 : i32
      %mul3A_757 = arith.muli %scan3A_226, %mul3A_756 : i32
      %add3A_758 = arith.constant 0 : i32
      %add3A_759 = arith.addi %add3A_758, %mul3A_757 : i32
      %add3A_760 = arith.constant 15 : i32
      %add3A_761 = arith.addi %add3A_759, %add3A_760 : i32
      %add3A_762 = arith.constant 1.500000e+01 : f32
      %add3A_763 = arith.addf %add3A_233, %add3A_762 : f32
      %get3A_764 = arith.index_cast %add3A_761 : i32 to index
      %get3A_765 = arith.constant 0 : index
      %get3A_766 = arith.constant 0 : index
      %get3A_767 = vector.load %arg2[%get3A_764, %get3A_765, %get3A_766] : memref<80x8x128xf32, #tpu.memory_space<vmem>>, vector<1x8x128xf32>
      %get3A_768 = arith.index_cast %add3A_761 : i32 to index
      %get3A_769 = arith.constant 0 : index
      %get3A_770 = arith.constant 0 : index
      %get3A_771 = vector.load %arg3[%get3A_768, %get3A_769, %get3A_770] : memref<80x8x128xf32, #tpu.memory_space<vmem>>, vector<1x8x128xf32>
      %get3A_772 = arith.index_cast %add3A_761 : i32 to index
      %get3A_773 = arith.constant 0 : index
      %get3A_774 = arith.constant 0 : index
      %get3A_775 = vector.load %arg4[%get3A_772, %get3A_773, %get3A_774] : memref<80x8x128xf32, #tpu.memory_space<vmem>>, vector<1x8x128xf32>
      %sub3A_776 = vector.broadcast %get3A_767 : vector<1x8x128xf32> to vector<10x8x128xf32>
      %sub3A_777 = arith.subf %broadcast_in_dim3A_40, %sub3A_776 : vector<10x8x128xf32>
      %sub3A_778 = vector.broadcast %get3A_771 : vector<1x8x128xf32> to vector<10x8x128xf32>
      %sub3A_779 = arith.subf %broadcast_in_dim3A_44, %sub3A_778 : vector<10x8x128xf32>
      %sub3A_780 = vector.broadcast %get3A_775 : vector<1x8x128xf32> to vector<10x8x128xf32>
      %sub3A_781 = arith.subf %broadcast_in_dim3A_48, %sub3A_780 : vector<10x8x128xf32>
      %mul3A_782 = arith.mulf %sub3A_777, %sub3A_777 : vector<10x8x128xf32>
      %mul3A_783 = arith.mulf %sub3A_779, %sub3A_779 : vector<10x8x128xf32>
      %add3A_784 = arith.addf %mul3A_782, %mul3A_783 : vector<10x8x128xf32>
      %mul3A_785 = arith.mulf %sub3A_781, %sub3A_781 : vector<10x8x128xf32>
      %add3A_786 = arith.addf %add3A_784, %mul3A_785 : vector<10x8x128xf32>
      %lt3A_787 = arith.cmpf olt, %add3A_786, %min3A_753 : vector<10x8x128xf32>
      %min3A_788 = arith.minimumf %add3A_786, %min3A_753 : vector<10x8x128xf32>
      %broadcast_in_dim3A_789 = vector.broadcast %add3A_763 : f32 to vector<10x8x128xf32>
      %select_n3A_790 = arith.select %lt3A_787, %broadcast_in_dim3A_789, %select_n3A_755 : vector<10x8x128xi1>, vector<10x8x128xf32>
      %mul3A_791 = arith.constant 20 : i32
      %mul3A_792 = arith.muli %scan3A_226, %mul3A_791 : i32
      %add3A_793 = arith.constant 0 : i32
      %add3A_794 = arith.addi %add3A_793, %mul3A_792 : i32
      %add3A_795 = arith.constant 16 : i32
      %add3A_796 = arith.addi %add3A_794, %add3A_795 : i32
      %add3A_797 = arith.constant 1.600000e+01 : f32
      %add3A_798 = arith.addf %add3A_233, %add3A_797 : f32
      %get3A_799 = arith.index_cast %add3A_796 : i32 to index
      %get3A_800 = arith.constant 0 : index
      %get3A_801 = arith.constant 0 : index
      %get3A_802 = vector.load %arg2[%get3A_799, %get3A_800, %get3A_801] : memref<80x8x128xf32, #tpu.memory_space<vmem>>, vector<1x8x128xf32>
      %get3A_803 = arith.index_cast %add3A_796 : i32 to index
      %get3A_804 = arith.constant 0 : index
      %get3A_805 = arith.constant 0 : index
      %get3A_806 = vector.load %arg3[%get3A_803, %get3A_804, %get3A_805] : memref<80x8x128xf32, #tpu.memory_space<vmem>>, vector<1x8x128xf32>
      %get3A_807 = arith.index_cast %add3A_796 : i32 to index
      %get3A_808 = arith.constant 0 : index
      %get3A_809 = arith.constant 0 : index
      %get3A_810 = vector.load %arg4[%get3A_807, %get3A_808, %get3A_809] : memref<80x8x128xf32, #tpu.memory_space<vmem>>, vector<1x8x128xf32>
      %sub3A_811 = vector.broadcast %get3A_802 : vector<1x8x128xf32> to vector<10x8x128xf32>
      %sub3A_812 = arith.subf %broadcast_in_dim3A_40, %sub3A_811 : vector<10x8x128xf32>
      %sub3A_813 = vector.broadcast %get3A_806 : vector<1x8x128xf32> to vector<10x8x128xf32>
      %sub3A_814 = arith.subf %broadcast_in_dim3A_44, %sub3A_813 : vector<10x8x128xf32>
      %sub3A_815 = vector.broadcast %get3A_810 : vector<1x8x128xf32> to vector<10x8x128xf32>
      %sub3A_816 = arith.subf %broadcast_in_dim3A_48, %sub3A_815 : vector<10x8x128xf32>
      %mul3A_817 = arith.mulf %sub3A_812, %sub3A_812 : vector<10x8x128xf32>
      %mul3A_818 = arith.mulf %sub3A_814, %sub3A_814 : vector<10x8x128xf32>
      %add3A_819 = arith.addf %mul3A_817, %mul3A_818 : vector<10x8x128xf32>
      %mul3A_820 = arith.mulf %sub3A_816, %sub3A_816 : vector<10x8x128xf32>
      %add3A_821 = arith.addf %add3A_819, %mul3A_820 : vector<10x8x128xf32>
      %lt3A_822 = arith.cmpf olt, %add3A_821, %min3A_788 : vector<10x8x128xf32>
      %min3A_823 = arith.minimumf %add3A_821, %min3A_788 : vector<10x8x128xf32>
      %broadcast_in_dim3A_824 = vector.broadcast %add3A_798 : f32 to vector<10x8x128xf32>
      %select_n3A_825 = arith.select %lt3A_822, %broadcast_in_dim3A_824, %select_n3A_790 : vector<10x8x128xi1>, vector<10x8x128xf32>
      %mul3A_826 = arith.constant 20 : i32
      %mul3A_827 = arith.muli %scan3A_226, %mul3A_826 : i32
      %add3A_828 = arith.constant 0 : i32
      %add3A_829 = arith.addi %add3A_828, %mul3A_827 : i32
      %add3A_830 = arith.constant 17 : i32
      %add3A_831 = arith.addi %add3A_829, %add3A_830 : i32
      %add3A_832 = arith.constant 1.700000e+01 : f32
      %add3A_833 = arith.addf %add3A_233, %add3A_832 : f32
      %get3A_834 = arith.index_cast %add3A_831 : i32 to index
      %get3A_835 = arith.constant 0 : index
      %get3A_836 = arith.constant 0 : index
      %get3A_837 = vector.load %arg2[%get3A_834, %get3A_835, %get3A_836] : memref<80x8x128xf32, #tpu.memory_space<vmem>>, vector<1x8x128xf32>
      %get3A_838 = arith.index_cast %add3A_831 : i32 to index
      %get3A_839 = arith.constant 0 : index
      %get3A_840 = arith.constant 0 : index
      %get3A_841 = vector.load %arg3[%get3A_838, %get3A_839, %get3A_840] : memref<80x8x128xf32, #tpu.memory_space<vmem>>, vector<1x8x128xf32>
      %get3A_842 = arith.index_cast %add3A_831 : i32 to index
      %get3A_843 = arith.constant 0 : index
      %get3A_844 = arith.constant 0 : index
      %get3A_845 = vector.load %arg4[%get3A_842, %get3A_843, %get3A_844] : memref<80x8x128xf32, #tpu.memory_space<vmem>>, vector<1x8x128xf32>
      %sub3A_846 = vector.broadcast %get3A_837 : vector<1x8x128xf32> to vector<10x8x128xf32>
      %sub3A_847 = arith.subf %broadcast_in_dim3A_40, %sub3A_846 : vector<10x8x128xf32>
      %sub3A_848 = vector.broadcast %get3A_841 : vector<1x8x128xf32> to vector<10x8x128xf32>
      %sub3A_849 = arith.subf %broadcast_in_dim3A_44, %sub3A_848 : vector<10x8x128xf32>
      %sub3A_850 = vector.broadcast %get3A_845 : vector<1x8x128xf32> to vector<10x8x128xf32>
      %sub3A_851 = arith.subf %broadcast_in_dim3A_48, %sub3A_850 : vector<10x8x128xf32>
      %mul3A_852 = arith.mulf %sub3A_847, %sub3A_847 : vector<10x8x128xf32>
      %mul3A_853 = arith.mulf %sub3A_849, %sub3A_849 : vector<10x8x128xf32>
      %add3A_854 = arith.addf %mul3A_852, %mul3A_853 : vector<10x8x128xf32>
      %mul3A_855 = arith.mulf %sub3A_851, %sub3A_851 : vector<10x8x128xf32>
      %add3A_856 = arith.addf %add3A_854, %mul3A_855 : vector<10x8x128xf32>
      %lt3A_857 = arith.cmpf olt, %add3A_856, %min3A_823 : vector<10x8x128xf32>
      %min3A_858 = arith.minimumf %add3A_856, %min3A_823 : vector<10x8x128xf32>
      %broadcast_in_dim3A_859 = vector.broadcast %add3A_833 : f32 to vector<10x8x128xf32>
      %select_n3A_860 = arith.select %lt3A_857, %broadcast_in_dim3A_859, %select_n3A_825 : vector<10x8x128xi1>, vector<10x8x128xf32>
      %mul3A_861 = arith.constant 20 : i32
      %mul3A_862 = arith.muli %scan3A_226, %mul3A_861 : i32
      %add3A_863 = arith.constant 0 : i32
      %add3A_864 = arith.addi %add3A_863, %mul3A_862 : i32
      %add3A_865 = arith.constant 18 : i32
      %add3A_866 = arith.addi %add3A_864, %add3A_865 : i32
      %add3A_867 = arith.constant 1.800000e+01 : f32
      %add3A_868 = arith.addf %add3A_233, %add3A_867 : f32
      %get3A_869 = arith.index_cast %add3A_866 : i32 to index
      %get3A_870 = arith.constant 0 : index
      %get3A_871 = arith.constant 0 : index
      %get3A_872 = vector.load %arg2[%get3A_869, %get3A_870, %get3A_871] : memref<80x8x128xf32, #tpu.memory_space<vmem>>, vector<1x8x128xf32>
      %get3A_873 = arith.index_cast %add3A_866 : i32 to index
      %get3A_874 = arith.constant 0 : index
      %get3A_875 = arith.constant 0 : index
      %get3A_876 = vector.load %arg3[%get3A_873, %get3A_874, %get3A_875] : memref<80x8x128xf32, #tpu.memory_space<vmem>>, vector<1x8x128xf32>
      %get3A_877 = arith.index_cast %add3A_866 : i32 to index
      %get3A_878 = arith.constant 0 : index
      %get3A_879 = arith.constant 0 : index
      %get3A_880 = vector.load %arg4[%get3A_877, %get3A_878, %get3A_879] : memref<80x8x128xf32, #tpu.memory_space<vmem>>, vector<1x8x128xf32>
      %sub3A_881 = vector.broadcast %get3A_872 : vector<1x8x128xf32> to vector<10x8x128xf32>
      %sub3A_882 = arith.subf %broadcast_in_dim3A_40, %sub3A_881 : vector<10x8x128xf32>
      %sub3A_883 = vector.broadcast %get3A_876 : vector<1x8x128xf32> to vector<10x8x128xf32>
      %sub3A_884 = arith.subf %broadcast_in_dim3A_44, %sub3A_883 : vector<10x8x128xf32>
      %sub3A_885 = vector.broadcast %get3A_880 : vector<1x8x128xf32> to vector<10x8x128xf32>
      %sub3A_886 = arith.subf %broadcast_in_dim3A_48, %sub3A_885 : vector<10x8x128xf32>
      %mul3A_887 = arith.mulf %sub3A_882, %sub3A_882 : vector<10x8x128xf32>
      %mul3A_888 = arith.mulf %sub3A_884, %sub3A_884 : vector<10x8x128xf32>
      %add3A_889 = arith.addf %mul3A_887, %mul3A_888 : vector<10x8x128xf32>
      %mul3A_890 = arith.mulf %sub3A_886, %sub3A_886 : vector<10x8x128xf32>
      %add3A_891 = arith.addf %add3A_889, %mul3A_890 : vector<10x8x128xf32>
      %lt3A_892 = arith.cmpf olt, %add3A_891, %min3A_858 : vector<10x8x128xf32>
      %min3A_893 = arith.minimumf %add3A_891, %min3A_858 : vector<10x8x128xf32>
      %broadcast_in_dim3A_894 = vector.broadcast %add3A_868 : f32 to vector<10x8x128xf32>
      %select_n3A_895 = arith.select %lt3A_892, %broadcast_in_dim3A_894, %select_n3A_860 : vector<10x8x128xi1>, vector<10x8x128xf32>
      %mul3A_896 = arith.constant 20 : i32
      %mul3A_897 = arith.muli %scan3A_226, %mul3A_896 : i32
      %add3A_898 = arith.constant 0 : i32
      %add3A_899 = arith.addi %add3A_898, %mul3A_897 : i32
      %add3A_900 = arith.constant 19 : i32
      %add3A_901 = arith.addi %add3A_899, %add3A_900 : i32
      %add3A_902 = arith.constant 1.900000e+01 : f32
      %add3A_903 = arith.addf %add3A_233, %add3A_902 : f32
      %get3A_904 = arith.index_cast %add3A_901 : i32 to index
      %get3A_905 = arith.constant 0 : index
      %get3A_906 = arith.constant 0 : index
      %get3A_907 = vector.load %arg2[%get3A_904, %get3A_905, %get3A_906] : memref<80x8x128xf32, #tpu.memory_space<vmem>>, vector<1x8x128xf32>
      %get3A_908 = arith.index_cast %add3A_901 : i32 to index
      %get3A_909 = arith.constant 0 : index
      %get3A_910 = arith.constant 0 : index
      %get3A_911 = vector.load %arg3[%get3A_908, %get3A_909, %get3A_910] : memref<80x8x128xf32, #tpu.memory_space<vmem>>, vector<1x8x128xf32>
      %get3A_912 = arith.index_cast %add3A_901 : i32 to index
      %get3A_913 = arith.constant 0 : index
      %get3A_914 = arith.constant 0 : index
      %get3A_915 = vector.load %arg4[%get3A_912, %get3A_913, %get3A_914] : memref<80x8x128xf32, #tpu.memory_space<vmem>>, vector<1x8x128xf32>
      %sub3A_916 = vector.broadcast %get3A_907 : vector<1x8x128xf32> to vector<10x8x128xf32>
      %sub3A_917 = arith.subf %broadcast_in_dim3A_40, %sub3A_916 : vector<10x8x128xf32>
      %sub3A_918 = vector.broadcast %get3A_911 : vector<1x8x128xf32> to vector<10x8x128xf32>
      %sub3A_919 = arith.subf %broadcast_in_dim3A_44, %sub3A_918 : vector<10x8x128xf32>
      %sub3A_920 = vector.broadcast %get3A_915 : vector<1x8x128xf32> to vector<10x8x128xf32>
      %sub3A_921 = arith.subf %broadcast_in_dim3A_48, %sub3A_920 : vector<10x8x128xf32>
      %mul3A_922 = arith.mulf %sub3A_917, %sub3A_917 : vector<10x8x128xf32>
      %mul3A_923 = arith.mulf %sub3A_919, %sub3A_919 : vector<10x8x128xf32>
      %add3A_924 = arith.addf %mul3A_922, %mul3A_923 : vector<10x8x128xf32>
      %mul3A_925 = arith.mulf %sub3A_921, %sub3A_921 : vector<10x8x128xf32>
      %add3A_926 = arith.addf %add3A_924, %mul3A_925 : vector<10x8x128xf32>
      %lt3A_927 = arith.cmpf olt, %add3A_926, %min3A_893 : vector<10x8x128xf32>
      %min3A_928 = arith.minimumf %add3A_926, %min3A_893 : vector<10x8x128xf32>
      %broadcast_in_dim3A_929 = vector.broadcast %add3A_903 : f32 to vector<10x8x128xf32>
      %select_n3A_930 = arith.select %lt3A_927, %broadcast_in_dim3A_929, %select_n3A_895 : vector<10x8x128xi1>, vector<10x8x128xf32>
      scf.yield %min3A_928, %select_n3A_930 : vector<10x8x128xf32>, vector<10x8x128xf32>
    }
    %scan3A_58 = arith.constant 4 : i32
    %reshape3A_59 = vector.shape_cast %scan3A_57#0 : vector<10x8x128xf32> to vector<80x128xf32>
    %reshape3A_60 = vector.shape_cast %scan3A_57#1 : vector<10x8x128xf32> to vector<80x128xf32>
    %iota3A_61 = tpu.iota {dimensions = array<i32: 1>} : vector<80x128xi32>
    %convert_element_type3A_62 = arith.sitofp %iota3A_61 : vector<80x128xi32> to vector<80x128xf32>
    %mul3A_63 = arith.constant 1.280000e+02 : f32
    %mul3A_64 = vector.broadcast %mul3A_63 : f32 to vector<80x128xf32>
    %mul3A_65 = arith.mulf %reshape3A_60, %mul3A_64 : vector<80x128xf32>
    %add3A_66 = arith.addf %mul3A_65, %convert_element_type3A_62 : vector<80x128xf32>
    %reduce_min3A_67 = arith.constant dense<0x7F800000> : vector<80xf32>
    %reduce_min3A_68 = vector.multi_reduction <minimumf>, %reshape3A_59, %reduce_min3A_67 [1] : vector<80x128xf32> to vector<80xf32>
    %broadcast_in_dim3A_69 = vector.shape_cast %reduce_min3A_68 : vector<80xf32> to vector<80x1xf32>
    %eq3A_70 = vector.broadcast %broadcast_in_dim3A_69 : vector<80x1xf32> to vector<80x128xf32>
    %eq3A_71 = arith.cmpf oeq, %reshape3A_59, %eq3A_70 : vector<80x128xf32>
    %jit3A_72 = arith.constant 1.07374182E+9 : f32
    %broadcast_in_dim3A_73 = vector.broadcast %jit3A_72 : f32 to vector<80x128xf32>
    %select_n3A_74 = arith.select %eq3A_71, %add3A_66, %broadcast_in_dim3A_73 : vector<80x128xi1>, vector<80x128xf32>
    %reduce_min3A_75 = arith.constant dense<0x7F800000> : vector<80xf32>
    %reduce_min3A_76 = vector.multi_reduction <minimumf>, %select_n3A_74, %reduce_min3A_75 [1] : vector<80x128xf32> to vector<80xf32>
    %broadcast_in_dim3A_77 = vector.shape_cast %reduce_min3A_76 : vector<80xf32> to vector<80x1xf32>
    %convert_element_type3A_78 = arith.fptosi %broadcast_in_dim3A_77 : vector<80x1xf32> to vector<80x1xi32>
    %swap3A_79 = arith.constant 80 : index
    %swap3A_80 = arith.constant 0 : index
    %swap3A_81 = vector.load %arg5[%swap3A_79, %swap3A_80] : memref<400x1xi32, #tpu.memory_space<vmem>>, vector<80x1xi32>
    tpu.vector_store %arg5[%swap3A_79, %swap3A_80], %convert_element_type3A_78 {strides = array<i32>} : memref<400x1xi32, #tpu.memory_space<vmem>>, vector<80x1xi32>,
    %get3A_82 = arith.constant 160 : index
    %get3A_83 = arith.constant 0 : index
    %get3A_84 = vector.load %arg1[%get3A_82, %get3A_83] : memref<400x3xf32, #tpu.memory_space<vmem>>, vector<80x3xf32>
    %slice3A_85 = vector.extract_strided_slice %get3A_84 {offsets = [0, 0], sizes = [80, 1], strides = [1, 1]} : vector<80x3xf32> to vector<80x1xf32>
    %reshape3A_86 = vector.shape_cast %slice3A_85 : vector<80x1xf32> to vector<10x8x1xf32>
    %broadcast_in_dim3A_87 = vector.shape_cast %reshape3A_86 : vector<10x8x1xf32> to vector<10x8x1xf32>
    %broadcast_in_dim3A_88 = vector.broadcast %broadcast_in_dim3A_87 : vector<10x8x1xf32> to vector<10x8x128xf32>
    %slice3A_89 = vector.extract_strided_slice %get3A_84 {offsets = [0, 1], sizes = [80, 1], strides = [1, 1]} : vector<80x3xf32> to vector<80x1xf32>
    %reshape3A_90 = vector.shape_cast %slice3A_89 : vector<80x1xf32> to vector<10x8x1xf32>
    %broadcast_in_dim3A_91 = vector.shape_cast %reshape3A_90 : vector<10x8x1xf32> to vector<10x8x1xf32>
    %broadcast_in_dim3A_92 = vector.broadcast %broadcast_in_dim3A_91 : vector<10x8x1xf32> to vector<10x8x128xf32>
    %slice3A_93 = vector.extract_strided_slice %get3A_84 {offsets = [0, 2], sizes = [80, 1], strides = [1, 1]} : vector<80x3xf32> to vector<80x1xf32>
    %reshape3A_94 = vector.shape_cast %slice3A_93 : vector<80x1xf32> to vector<10x8x1xf32>
    %broadcast_in_dim3A_95 = vector.shape_cast %reshape3A_94 : vector<10x8x1xf32> to vector<10x8x1xf32>
    %broadcast_in_dim3A_96 = vector.broadcast %broadcast_in_dim3A_95 : vector<10x8x1xf32> to vector<10x8x128xf32>
    %broadcast_in_dim3A_97 = arith.constant 0x7F800000 : f32
    %broadcast_in_dim3A_98 = vector.broadcast %broadcast_in_dim3A_97 : f32 to vector<10x8x128xf32>
    %broadcast_in_dim3A_99 = arith.constant 0.000000e+00 : f32
    %broadcast_in_dim3A_100 = vector.broadcast %broadcast_in_dim3A_99 : f32 to vector<10x8x128xf32>
    %scan3A_101 = arith.constant 0 : i32
    %scan3A_102 = arith.constant 4 : i32
    %scan3A_103 = arith.addi %scan3A_101, %scan3A_102 : i32
    %scan3A_104 = arith.constant 1 : i32
    %scan3A_105:2 = scf.for %scan3A_226 = %scan3A_101 to %scan3A_103 step %scan3A_104 iter_args(%scan3A_227 = %broadcast_in_dim3A_98, %scan3A_228 = %broadcast_in_dim3A_100) -> (vector<10x8x128xf32>, vector<10x8x128xf32>)  : i32 {
      %convert_element_type3A_229 = arith.sitofp %scan3A_226 : i32 to f32
      %mul3A_230 = arith.constant 2.000000e+01 : f32
      %mul3A_231 = arith.mulf %convert_element_type3A_229, %mul3A_230 : f32
      %add3A_232 = arith.constant 0.000000e+00 : f32
      %add3A_233 = arith.addf %mul3A_231, %add3A_232 : f32
      %mul3A_234 = arith.constant 20 : i32
      %mul3A_235 = arith.muli %scan3A_226, %mul3A_234 : i32
      %add3A_236 = arith.constant 0 : i32
      %add3A_237 = arith.addi %add3A_236, %mul3A_235 : i32
      %add3A_238 = arith.constant 0 : i32
      %add3A_239 = arith.addi %add3A_237, %add3A_238 : i32
      %add3A_240 = arith.constant 0.000000e+00 : f32
      %add3A_241 = arith.addf %add3A_233, %add3A_240 : f32
      %get3A_242 = arith.index_cast %add3A_239 : i32 to index
      %get3A_243 = arith.constant 0 : index
      %get3A_244 = arith.constant 0 : index
      %get3A_245 = vector.load %arg2[%get3A_242, %get3A_243, %get3A_244] : memref<80x8x128xf32, #tpu.memory_space<vmem>>, vector<1x8x128xf32>
      %get3A_246 = arith.index_cast %add3A_239 : i32 to index
      %get3A_247 = arith.constant 0 : index
      %get3A_248 = arith.constant 0 : index
      %get3A_249 = vector.load %arg3[%get3A_246, %get3A_247, %get3A_248] : memref<80x8x128xf32, #tpu.memory_space<vmem>>, vector<1x8x128xf32>
      %get3A_250 = arith.index_cast %add3A_239 : i32 to index
      %get3A_251 = arith.constant 0 : index
      %get3A_252 = arith.constant 0 : index
      %get3A_253 = vector.load %arg4[%get3A_250, %get3A_251, %get3A_252] : memref<80x8x128xf32, #tpu.memory_space<vmem>>, vector<1x8x128xf32>
      %sub3A = vector.broadcast %get3A_245 : vector<1x8x128xf32> to vector<10x8x128xf32>
      %sub3A_254 = arith.subf %broadcast_in_dim3A_88, %sub3A : vector<10x8x128xf32>
      %sub3A_255 = vector.broadcast %get3A_249 : vector<1x8x128xf32> to vector<10x8x128xf32>
      %sub3A_256 = arith.subf %broadcast_in_dim3A_92, %sub3A_255 : vector<10x8x128xf32>
      %sub3A_257 = vector.broadcast %get3A_253 : vector<1x8x128xf32> to vector<10x8x128xf32>
      %sub3A_258 = arith.subf %broadcast_in_dim3A_96, %sub3A_257 : vector<10x8x128xf32>
      %mul3A_259 = arith.mulf %sub3A_254, %sub3A_254 : vector<10x8x128xf32>
      %mul3A_260 = arith.mulf %sub3A_256, %sub3A_256 : vector<10x8x128xf32>
      %add3A_261 = arith.addf %mul3A_259, %mul3A_260 : vector<10x8x128xf32>
      %mul3A_262 = arith.mulf %sub3A_258, %sub3A_258 : vector<10x8x128xf32>
      %add3A_263 = arith.addf %add3A_261, %mul3A_262 : vector<10x8x128xf32>
      %lt3A = arith.cmpf olt, %add3A_263, %scan3A_227 : vector<10x8x128xf32>
      %min3A = arith.minimumf %add3A_263, %scan3A_227 : vector<10x8x128xf32>
      %broadcast_in_dim3A_264 = vector.broadcast %add3A_241 : f32 to vector<10x8x128xf32>
      %select_n3A_265 = arith.select %lt3A, %broadcast_in_dim3A_264, %scan3A_228 : vector<10x8x128xi1>, vector<10x8x128xf32>
      %mul3A_266 = arith.constant 20 : i32
      %mul3A_267 = arith.muli %scan3A_226, %mul3A_266 : i32
      %add3A_268 = arith.constant 0 : i32
      %add3A_269 = arith.addi %add3A_268, %mul3A_267 : i32
      %add3A_270 = arith.constant 1 : i32
      %add3A_271 = arith.addi %add3A_269, %add3A_270 : i32
      %add3A_272 = arith.constant 1.000000e+00 : f32
      %add3A_273 = arith.addf %add3A_233, %add3A_272 : f32
      %get3A_274 = arith.index_cast %add3A_271 : i32 to index
      %get3A_275 = arith.constant 0 : index
      %get3A_276 = arith.constant 0 : index
      %get3A_277 = vector.load %arg2[%get3A_274, %get3A_275, %get3A_276] : memref<80x8x128xf32, #tpu.memory_space<vmem>>, vector<1x8x128xf32>
      %get3A_278 = arith.index_cast %add3A_271 : i32 to index
      %get3A_279 = arith.constant 0 : index
      %get3A_280 = arith.constant 0 : index
      %get3A_281 = vector.load %arg3[%get3A_278, %get3A_279, %get3A_280] : memref<80x8x128xf32, #tpu.memory_space<vmem>>, vector<1x8x128xf32>
      %get3A_282 = arith.index_cast %add3A_271 : i32 to index
      %get3A_283 = arith.constant 0 : index
      %get3A_284 = arith.constant 0 : index
      %get3A_285 = vector.load %arg4[%get3A_282, %get3A_283, %get3A_284] : memref<80x8x128xf32, #tpu.memory_space<vmem>>, vector<1x8x128xf32>
      %sub3A_286 = vector.broadcast %get3A_277 : vector<1x8x128xf32> to vector<10x8x128xf32>
      %sub3A_287 = arith.subf %broadcast_in_dim3A_88, %sub3A_286 : vector<10x8x128xf32>
      %sub3A_288 = vector.broadcast %get3A_281 : vector<1x8x128xf32> to vector<10x8x128xf32>
      %sub3A_289 = arith.subf %broadcast_in_dim3A_92, %sub3A_288 : vector<10x8x128xf32>
      %sub3A_290 = vector.broadcast %get3A_285 : vector<1x8x128xf32> to vector<10x8x128xf32>
      %sub3A_291 = arith.subf %broadcast_in_dim3A_96, %sub3A_290 : vector<10x8x128xf32>
      %mul3A_292 = arith.mulf %sub3A_287, %sub3A_287 : vector<10x8x128xf32>
      %mul3A_293 = arith.mulf %sub3A_289, %sub3A_289 : vector<10x8x128xf32>
      %add3A_294 = arith.addf %mul3A_292, %mul3A_293 : vector<10x8x128xf32>
      %mul3A_295 = arith.mulf %sub3A_291, %sub3A_291 : vector<10x8x128xf32>
      %add3A_296 = arith.addf %add3A_294, %mul3A_295 : vector<10x8x128xf32>
      %lt3A_297 = arith.cmpf olt, %add3A_296, %min3A : vector<10x8x128xf32>
      %min3A_298 = arith.minimumf %add3A_296, %min3A : vector<10x8x128xf32>
      %broadcast_in_dim3A_299 = vector.broadcast %add3A_273 : f32 to vector<10x8x128xf32>
      %select_n3A_300 = arith.select %lt3A_297, %broadcast_in_dim3A_299, %select_n3A_265 : vector<10x8x128xi1>, vector<10x8x128xf32>
      %mul3A_301 = arith.constant 20 : i32
      %mul3A_302 = arith.muli %scan3A_226, %mul3A_301 : i32
      %add3A_303 = arith.constant 0 : i32
      %add3A_304 = arith.addi %add3A_303, %mul3A_302 : i32
      %add3A_305 = arith.constant 2 : i32
      %add3A_306 = arith.addi %add3A_304, %add3A_305 : i32
      %add3A_307 = arith.constant 2.000000e+00 : f32
      %add3A_308 = arith.addf %add3A_233, %add3A_307 : f32
      %get3A_309 = arith.index_cast %add3A_306 : i32 to index
      %get3A_310 = arith.constant 0 : index
      %get3A_311 = arith.constant 0 : index
      %get3A_312 = vector.load %arg2[%get3A_309, %get3A_310, %get3A_311] : memref<80x8x128xf32, #tpu.memory_space<vmem>>, vector<1x8x128xf32>
      %get3A_313 = arith.index_cast %add3A_306 : i32 to index
      %get3A_314 = arith.constant 0 : index
      %get3A_315 = arith.constant 0 : index
      %get3A_316 = vector.load %arg3[%get3A_313, %get3A_314, %get3A_315] : memref<80x8x128xf32, #tpu.memory_space<vmem>>, vector<1x8x128xf32>
      %get3A_317 = arith.index_cast %add3A_306 : i32 to index
      %get3A_318 = arith.constant 0 : index
      %get3A_319 = arith.constant 0 : index
      %get3A_320 = vector.load %arg4[%get3A_317, %get3A_318, %get3A_319] : memref<80x8x128xf32, #tpu.memory_space<vmem>>, vector<1x8x128xf32>
      %sub3A_321 = vector.broadcast %get3A_312 : vector<1x8x128xf32> to vector<10x8x128xf32>
      %sub3A_322 = arith.subf %broadcast_in_dim3A_88, %sub3A_321 : vector<10x8x128xf32>
      %sub3A_323 = vector.broadcast %get3A_316 : vector<1x8x128xf32> to vector<10x8x128xf32>
      %sub3A_324 = arith.subf %broadcast_in_dim3A_92, %sub3A_323 : vector<10x8x128xf32>
      %sub3A_325 = vector.broadcast %get3A_320 : vector<1x8x128xf32> to vector<10x8x128xf32>
      %sub3A_326 = arith.subf %broadcast_in_dim3A_96, %sub3A_325 : vector<10x8x128xf32>
      %mul3A_327 = arith.mulf %sub3A_322, %sub3A_322 : vector<10x8x128xf32>
      %mul3A_328 = arith.mulf %sub3A_324, %sub3A_324 : vector<10x8x128xf32>
      %add3A_329 = arith.addf %mul3A_327, %mul3A_328 : vector<10x8x128xf32>
      %mul3A_330 = arith.mulf %sub3A_326, %sub3A_326 : vector<10x8x128xf32>
      %add3A_331 = arith.addf %add3A_329, %mul3A_330 : vector<10x8x128xf32>
      %lt3A_332 = arith.cmpf olt, %add3A_331, %min3A_298 : vector<10x8x128xf32>
      %min3A_333 = arith.minimumf %add3A_331, %min3A_298 : vector<10x8x128xf32>
      %broadcast_in_dim3A_334 = vector.broadcast %add3A_308 : f32 to vector<10x8x128xf32>
      %select_n3A_335 = arith.select %lt3A_332, %broadcast_in_dim3A_334, %select_n3A_300 : vector<10x8x128xi1>, vector<10x8x128xf32>
      %mul3A_336 = arith.constant 20 : i32
      %mul3A_337 = arith.muli %scan3A_226, %mul3A_336 : i32
      %add3A_338 = arith.constant 0 : i32
      %add3A_339 = arith.addi %add3A_338, %mul3A_337 : i32
      %add3A_340 = arith.constant 3 : i32
      %add3A_341 = arith.addi %add3A_339, %add3A_340 : i32
      %add3A_342 = arith.constant 3.000000e+00 : f32
      %add3A_343 = arith.addf %add3A_233, %add3A_342 : f32
      %get3A_344 = arith.index_cast %add3A_341 : i32 to index
      %get3A_345 = arith.constant 0 : index
      %get3A_346 = arith.constant 0 : index
      %get3A_347 = vector.load %arg2[%get3A_344, %get3A_345, %get3A_346] : memref<80x8x128xf32, #tpu.memory_space<vmem>>, vector<1x8x128xf32>
      %get3A_348 = arith.index_cast %add3A_341 : i32 to index
      %get3A_349 = arith.constant 0 : index
      %get3A_350 = arith.constant 0 : index
      %get3A_351 = vector.load %arg3[%get3A_348, %get3A_349, %get3A_350] : memref<80x8x128xf32, #tpu.memory_space<vmem>>, vector<1x8x128xf32>
      %get3A_352 = arith.index_cast %add3A_341 : i32 to index
      %get3A_353 = arith.constant 0 : index
      %get3A_354 = arith.constant 0 : index
      %get3A_355 = vector.load %arg4[%get3A_352, %get3A_353, %get3A_354] : memref<80x8x128xf32, #tpu.memory_space<vmem>>, vector<1x8x128xf32>
      %sub3A_356 = vector.broadcast %get3A_347 : vector<1x8x128xf32> to vector<10x8x128xf32>
      %sub3A_357 = arith.subf %broadcast_in_dim3A_88, %sub3A_356 : vector<10x8x128xf32>
      %sub3A_358 = vector.broadcast %get3A_351 : vector<1x8x128xf32> to vector<10x8x128xf32>
      %sub3A_359 = arith.subf %broadcast_in_dim3A_92, %sub3A_358 : vector<10x8x128xf32>
      %sub3A_360 = vector.broadcast %get3A_355 : vector<1x8x128xf32> to vector<10x8x128xf32>
      %sub3A_361 = arith.subf %broadcast_in_dim3A_96, %sub3A_360 : vector<10x8x128xf32>
      %mul3A_362 = arith.mulf %sub3A_357, %sub3A_357 : vector<10x8x128xf32>
      %mul3A_363 = arith.mulf %sub3A_359, %sub3A_359 : vector<10x8x128xf32>
      %add3A_364 = arith.addf %mul3A_362, %mul3A_363 : vector<10x8x128xf32>
      %mul3A_365 = arith.mulf %sub3A_361, %sub3A_361 : vector<10x8x128xf32>
      %add3A_366 = arith.addf %add3A_364, %mul3A_365 : vector<10x8x128xf32>
      %lt3A_367 = arith.cmpf olt, %add3A_366, %min3A_333 : vector<10x8x128xf32>
      %min3A_368 = arith.minimumf %add3A_366, %min3A_333 : vector<10x8x128xf32>
      %broadcast_in_dim3A_369 = vector.broadcast %add3A_343 : f32 to vector<10x8x128xf32>
      %select_n3A_370 = arith.select %lt3A_367, %broadcast_in_dim3A_369, %select_n3A_335 : vector<10x8x128xi1>, vector<10x8x128xf32>
      %mul3A_371 = arith.constant 20 : i32
      %mul3A_372 = arith.muli %scan3A_226, %mul3A_371 : i32
      %add3A_373 = arith.constant 0 : i32
      %add3A_374 = arith.addi %add3A_373, %mul3A_372 : i32
      %add3A_375 = arith.constant 4 : i32
      %add3A_376 = arith.addi %add3A_374, %add3A_375 : i32
      %add3A_377 = arith.constant 4.000000e+00 : f32
      %add3A_378 = arith.addf %add3A_233, %add3A_377 : f32
      %get3A_379 = arith.index_cast %add3A_376 : i32 to index
      %get3A_380 = arith.constant 0 : index
      %get3A_381 = arith.constant 0 : index
      %get3A_382 = vector.load %arg2[%get3A_379, %get3A_380, %get3A_381] : memref<80x8x128xf32, #tpu.memory_space<vmem>>, vector<1x8x128xf32>
      %get3A_383 = arith.index_cast %add3A_376 : i32 to index
      %get3A_384 = arith.constant 0 : index
      %get3A_385 = arith.constant 0 : index
      %get3A_386 = vector.load %arg3[%get3A_383, %get3A_384, %get3A_385] : memref<80x8x128xf32, #tpu.memory_space<vmem>>, vector<1x8x128xf32>
      %get3A_387 = arith.index_cast %add3A_376 : i32 to index
      %get3A_388 = arith.constant 0 : index
      %get3A_389 = arith.constant 0 : index
      %get3A_390 = vector.load %arg4[%get3A_387, %get3A_388, %get3A_389] : memref<80x8x128xf32, #tpu.memory_space<vmem>>, vector<1x8x128xf32>
      %sub3A_391 = vector.broadcast %get3A_382 : vector<1x8x128xf32> to vector<10x8x128xf32>
      %sub3A_392 = arith.subf %broadcast_in_dim3A_88, %sub3A_391 : vector<10x8x128xf32>
      %sub3A_393 = vector.broadcast %get3A_386 : vector<1x8x128xf32> to vector<10x8x128xf32>
      %sub3A_394 = arith.subf %broadcast_in_dim3A_92, %sub3A_393 : vector<10x8x128xf32>
      %sub3A_395 = vector.broadcast %get3A_390 : vector<1x8x128xf32> to vector<10x8x128xf32>
      %sub3A_396 = arith.subf %broadcast_in_dim3A_96, %sub3A_395 : vector<10x8x128xf32>
      %mul3A_397 = arith.mulf %sub3A_392, %sub3A_392 : vector<10x8x128xf32>
      %mul3A_398 = arith.mulf %sub3A_394, %sub3A_394 : vector<10x8x128xf32>
      %add3A_399 = arith.addf %mul3A_397, %mul3A_398 : vector<10x8x128xf32>
      %mul3A_400 = arith.mulf %sub3A_396, %sub3A_396 : vector<10x8x128xf32>
      %add3A_401 = arith.addf %add3A_399, %mul3A_400 : vector<10x8x128xf32>
      %lt3A_402 = arith.cmpf olt, %add3A_401, %min3A_368 : vector<10x8x128xf32>
      %min3A_403 = arith.minimumf %add3A_401, %min3A_368 : vector<10x8x128xf32>
      %broadcast_in_dim3A_404 = vector.broadcast %add3A_378 : f32 to vector<10x8x128xf32>
      %select_n3A_405 = arith.select %lt3A_402, %broadcast_in_dim3A_404, %select_n3A_370 : vector<10x8x128xi1>, vector<10x8x128xf32>
      %mul3A_406 = arith.constant 20 : i32
      %mul3A_407 = arith.muli %scan3A_226, %mul3A_406 : i32
      %add3A_408 = arith.constant 0 : i32
      %add3A_409 = arith.addi %add3A_408, %mul3A_407 : i32
      %add3A_410 = arith.constant 5 : i32
      %add3A_411 = arith.addi %add3A_409, %add3A_410 : i32
      %add3A_412 = arith.constant 5.000000e+00 : f32
      %add3A_413 = arith.addf %add3A_233, %add3A_412 : f32
      %get3A_414 = arith.index_cast %add3A_411 : i32 to index
      %get3A_415 = arith.constant 0 : index
      %get3A_416 = arith.constant 0 : index
      %get3A_417 = vector.load %arg2[%get3A_414, %get3A_415, %get3A_416] : memref<80x8x128xf32, #tpu.memory_space<vmem>>, vector<1x8x128xf32>
      %get3A_418 = arith.index_cast %add3A_411 : i32 to index
      %get3A_419 = arith.constant 0 : index
      %get3A_420 = arith.constant 0 : index
      %get3A_421 = vector.load %arg3[%get3A_418, %get3A_419, %get3A_420] : memref<80x8x128xf32, #tpu.memory_space<vmem>>, vector<1x8x128xf32>
      %get3A_422 = arith.index_cast %add3A_411 : i32 to index
      %get3A_423 = arith.constant 0 : index
      %get3A_424 = arith.constant 0 : index
      %get3A_425 = vector.load %arg4[%get3A_422, %get3A_423, %get3A_424] : memref<80x8x128xf32, #tpu.memory_space<vmem>>, vector<1x8x128xf32>
      %sub3A_426 = vector.broadcast %get3A_417 : vector<1x8x128xf32> to vector<10x8x128xf32>
      %sub3A_427 = arith.subf %broadcast_in_dim3A_88, %sub3A_426 : vector<10x8x128xf32>
      %sub3A_428 = vector.broadcast %get3A_421 : vector<1x8x128xf32> to vector<10x8x128xf32>
      %sub3A_429 = arith.subf %broadcast_in_dim3A_92, %sub3A_428 : vector<10x8x128xf32>
      %sub3A_430 = vector.broadcast %get3A_425 : vector<1x8x128xf32> to vector<10x8x128xf32>
      %sub3A_431 = arith.subf %broadcast_in_dim3A_96, %sub3A_430 : vector<10x8x128xf32>
      %mul3A_432 = arith.mulf %sub3A_427, %sub3A_427 : vector<10x8x128xf32>
      %mul3A_433 = arith.mulf %sub3A_429, %sub3A_429 : vector<10x8x128xf32>
      %add3A_434 = arith.addf %mul3A_432, %mul3A_433 : vector<10x8x128xf32>
      %mul3A_435 = arith.mulf %sub3A_431, %sub3A_431 : vector<10x8x128xf32>
      %add3A_436 = arith.addf %add3A_434, %mul3A_435 : vector<10x8x128xf32>
      %lt3A_437 = arith.cmpf olt, %add3A_436, %min3A_403 : vector<10x8x128xf32>
      %min3A_438 = arith.minimumf %add3A_436, %min3A_403 : vector<10x8x128xf32>
      %broadcast_in_dim3A_439 = vector.broadcast %add3A_413 : f32 to vector<10x8x128xf32>
      %select_n3A_440 = arith.select %lt3A_437, %broadcast_in_dim3A_439, %select_n3A_405 : vector<10x8x128xi1>, vector<10x8x128xf32>
      %mul3A_441 = arith.constant 20 : i32
      %mul3A_442 = arith.muli %scan3A_226, %mul3A_441 : i32
      %add3A_443 = arith.constant 0 : i32
      %add3A_444 = arith.addi %add3A_443, %mul3A_442 : i32
      %add3A_445 = arith.constant 6 : i32
      %add3A_446 = arith.addi %add3A_444, %add3A_445 : i32
      %add3A_447 = arith.constant 6.000000e+00 : f32
      %add3A_448 = arith.addf %add3A_233, %add3A_447 : f32
      %get3A_449 = arith.index_cast %add3A_446 : i32 to index
      %get3A_450 = arith.constant 0 : index
      %get3A_451 = arith.constant 0 : index
      %get3A_452 = vector.load %arg2[%get3A_449, %get3A_450, %get3A_451] : memref<80x8x128xf32, #tpu.memory_space<vmem>>, vector<1x8x128xf32>
      %get3A_453 = arith.index_cast %add3A_446 : i32 to index
      %get3A_454 = arith.constant 0 : index
      %get3A_455 = arith.constant 0 : index
      %get3A_456 = vector.load %arg3[%get3A_453, %get3A_454, %get3A_455] : memref<80x8x128xf32, #tpu.memory_space<vmem>>, vector<1x8x128xf32>
      %get3A_457 = arith.index_cast %add3A_446 : i32 to index
      %get3A_458 = arith.constant 0 : index
      %get3A_459 = arith.constant 0 : index
      %get3A_460 = vector.load %arg4[%get3A_457, %get3A_458, %get3A_459] : memref<80x8x128xf32, #tpu.memory_space<vmem>>, vector<1x8x128xf32>
      %sub3A_461 = vector.broadcast %get3A_452 : vector<1x8x128xf32> to vector<10x8x128xf32>
      %sub3A_462 = arith.subf %broadcast_in_dim3A_88, %sub3A_461 : vector<10x8x128xf32>
      %sub3A_463 = vector.broadcast %get3A_456 : vector<1x8x128xf32> to vector<10x8x128xf32>
      %sub3A_464 = arith.subf %broadcast_in_dim3A_92, %sub3A_463 : vector<10x8x128xf32>
      %sub3A_465 = vector.broadcast %get3A_460 : vector<1x8x128xf32> to vector<10x8x128xf32>
      %sub3A_466 = arith.subf %broadcast_in_dim3A_96, %sub3A_465 : vector<10x8x128xf32>
      %mul3A_467 = arith.mulf %sub3A_462, %sub3A_462 : vector<10x8x128xf32>
      %mul3A_468 = arith.mulf %sub3A_464, %sub3A_464 : vector<10x8x128xf32>
      %add3A_469 = arith.addf %mul3A_467, %mul3A_468 : vector<10x8x128xf32>
      %mul3A_470 = arith.mulf %sub3A_466, %sub3A_466 : vector<10x8x128xf32>
      %add3A_471 = arith.addf %add3A_469, %mul3A_470 : vector<10x8x128xf32>
      %lt3A_472 = arith.cmpf olt, %add3A_471, %min3A_438 : vector<10x8x128xf32>
      %min3A_473 = arith.minimumf %add3A_471, %min3A_438 : vector<10x8x128xf32>
      %broadcast_in_dim3A_474 = vector.broadcast %add3A_448 : f32 to vector<10x8x128xf32>
      %select_n3A_475 = arith.select %lt3A_472, %broadcast_in_dim3A_474, %select_n3A_440 : vector<10x8x128xi1>, vector<10x8x128xf32>
      %mul3A_476 = arith.constant 20 : i32
      %mul3A_477 = arith.muli %scan3A_226, %mul3A_476 : i32
      %add3A_478 = arith.constant 0 : i32
      %add3A_479 = arith.addi %add3A_478, %mul3A_477 : i32
      %add3A_480 = arith.constant 7 : i32
      %add3A_481 = arith.addi %add3A_479, %add3A_480 : i32
      %add3A_482 = arith.constant 7.000000e+00 : f32
      %add3A_483 = arith.addf %add3A_233, %add3A_482 : f32
      %get3A_484 = arith.index_cast %add3A_481 : i32 to index
      %get3A_485 = arith.constant 0 : index
      %get3A_486 = arith.constant 0 : index
      %get3A_487 = vector.load %arg2[%get3A_484, %get3A_485, %get3A_486] : memref<80x8x128xf32, #tpu.memory_space<vmem>>, vector<1x8x128xf32>
      %get3A_488 = arith.index_cast %add3A_481 : i32 to index
      %get3A_489 = arith.constant 0 : index
      %get3A_490 = arith.constant 0 : index
      %get3A_491 = vector.load %arg3[%get3A_488, %get3A_489, %get3A_490] : memref<80x8x128xf32, #tpu.memory_space<vmem>>, vector<1x8x128xf32>
      %get3A_492 = arith.index_cast %add3A_481 : i32 to index
      %get3A_493 = arith.constant 0 : index
      %get3A_494 = arith.constant 0 : index
      %get3A_495 = vector.load %arg4[%get3A_492, %get3A_493, %get3A_494] : memref<80x8x128xf32, #tpu.memory_space<vmem>>, vector<1x8x128xf32>
      %sub3A_496 = vector.broadcast %get3A_487 : vector<1x8x128xf32> to vector<10x8x128xf32>
      %sub3A_497 = arith.subf %broadcast_in_dim3A_88, %sub3A_496 : vector<10x8x128xf32>
      %sub3A_498 = vector.broadcast %get3A_491 : vector<1x8x128xf32> to vector<10x8x128xf32>
      %sub3A_499 = arith.subf %broadcast_in_dim3A_92, %sub3A_498 : vector<10x8x128xf32>
      %sub3A_500 = vector.broadcast %get3A_495 : vector<1x8x128xf32> to vector<10x8x128xf32>
      %sub3A_501 = arith.subf %broadcast_in_dim3A_96, %sub3A_500 : vector<10x8x128xf32>
      %mul3A_502 = arith.mulf %sub3A_497, %sub3A_497 : vector<10x8x128xf32>
      %mul3A_503 = arith.mulf %sub3A_499, %sub3A_499 : vector<10x8x128xf32>
      %add3A_504 = arith.addf %mul3A_502, %mul3A_503 : vector<10x8x128xf32>
      %mul3A_505 = arith.mulf %sub3A_501, %sub3A_501 : vector<10x8x128xf32>
      %add3A_506 = arith.addf %add3A_504, %mul3A_505 : vector<10x8x128xf32>
      %lt3A_507 = arith.cmpf olt, %add3A_506, %min3A_473 : vector<10x8x128xf32>
      %min3A_508 = arith.minimumf %add3A_506, %min3A_473 : vector<10x8x128xf32>
      %broadcast_in_dim3A_509 = vector.broadcast %add3A_483 : f32 to vector<10x8x128xf32>
      %select_n3A_510 = arith.select %lt3A_507, %broadcast_in_dim3A_509, %select_n3A_475 : vector<10x8x128xi1>, vector<10x8x128xf32>
      %mul3A_511 = arith.constant 20 : i32
      %mul3A_512 = arith.muli %scan3A_226, %mul3A_511 : i32
      %add3A_513 = arith.constant 0 : i32
      %add3A_514 = arith.addi %add3A_513, %mul3A_512 : i32
      %add3A_515 = arith.constant 8 : i32
      %add3A_516 = arith.addi %add3A_514, %add3A_515 : i32
      %add3A_517 = arith.constant 8.000000e+00 : f32
      %add3A_518 = arith.addf %add3A_233, %add3A_517 : f32
      %get3A_519 = arith.index_cast %add3A_516 : i32 to index
      %get3A_520 = arith.constant 0 : index
      %get3A_521 = arith.constant 0 : index
      %get3A_522 = vector.load %arg2[%get3A_519, %get3A_520, %get3A_521] : memref<80x8x128xf32, #tpu.memory_space<vmem>>, vector<1x8x128xf32>
      %get3A_523 = arith.index_cast %add3A_516 : i32 to index
      %get3A_524 = arith.constant 0 : index
      %get3A_525 = arith.constant 0 : index
      %get3A_526 = vector.load %arg3[%get3A_523, %get3A_524, %get3A_525] : memref<80x8x128xf32, #tpu.memory_space<vmem>>, vector<1x8x128xf32>
      %get3A_527 = arith.index_cast %add3A_516 : i32 to index
      %get3A_528 = arith.constant 0 : index
      %get3A_529 = arith.constant 0 : index
      %get3A_530 = vector.load %arg4[%get3A_527, %get3A_528, %get3A_529] : memref<80x8x128xf32, #tpu.memory_space<vmem>>, vector<1x8x128xf32>
      %sub3A_531 = vector.broadcast %get3A_522 : vector<1x8x128xf32> to vector<10x8x128xf32>
      %sub3A_532 = arith.subf %broadcast_in_dim3A_88, %sub3A_531 : vector<10x8x128xf32>
      %sub3A_533 = vector.broadcast %get3A_526 : vector<1x8x128xf32> to vector<10x8x128xf32>
      %sub3A_534 = arith.subf %broadcast_in_dim3A_92, %sub3A_533 : vector<10x8x128xf32>
      %sub3A_535 = vector.broadcast %get3A_530 : vector<1x8x128xf32> to vector<10x8x128xf32>
      %sub3A_536 = arith.subf %broadcast_in_dim3A_96, %sub3A_535 : vector<10x8x128xf32>
      %mul3A_537 = arith.mulf %sub3A_532, %sub3A_532 : vector<10x8x128xf32>
      %mul3A_538 = arith.mulf %sub3A_534, %sub3A_534 : vector<10x8x128xf32>
      %add3A_539 = arith.addf %mul3A_537, %mul3A_538 : vector<10x8x128xf32>
      %mul3A_540 = arith.mulf %sub3A_536, %sub3A_536 : vector<10x8x128xf32>
      %add3A_541 = arith.addf %add3A_539, %mul3A_540 : vector<10x8x128xf32>
      %lt3A_542 = arith.cmpf olt, %add3A_541, %min3A_508 : vector<10x8x128xf32>
      %min3A_543 = arith.minimumf %add3A_541, %min3A_508 : vector<10x8x128xf32>
      %broadcast_in_dim3A_544 = vector.broadcast %add3A_518 : f32 to vector<10x8x128xf32>
      %select_n3A_545 = arith.select %lt3A_542, %broadcast_in_dim3A_544, %select_n3A_510 : vector<10x8x128xi1>, vector<10x8x128xf32>
      %mul3A_546 = arith.constant 20 : i32
      %mul3A_547 = arith.muli %scan3A_226, %mul3A_546 : i32
      %add3A_548 = arith.constant 0 : i32
      %add3A_549 = arith.addi %add3A_548, %mul3A_547 : i32
      %add3A_550 = arith.constant 9 : i32
      %add3A_551 = arith.addi %add3A_549, %add3A_550 : i32
      %add3A_552 = arith.constant 9.000000e+00 : f32
      %add3A_553 = arith.addf %add3A_233, %add3A_552 : f32
      %get3A_554 = arith.index_cast %add3A_551 : i32 to index
      %get3A_555 = arith.constant 0 : index
      %get3A_556 = arith.constant 0 : index
      %get3A_557 = vector.load %arg2[%get3A_554, %get3A_555, %get3A_556] : memref<80x8x128xf32, #tpu.memory_space<vmem>>, vector<1x8x128xf32>
      %get3A_558 = arith.index_cast %add3A_551 : i32 to index
      %get3A_559 = arith.constant 0 : index
      %get3A_560 = arith.constant 0 : index
      %get3A_561 = vector.load %arg3[%get3A_558, %get3A_559, %get3A_560] : memref<80x8x128xf32, #tpu.memory_space<vmem>>, vector<1x8x128xf32>
      %get3A_562 = arith.index_cast %add3A_551 : i32 to index
      %get3A_563 = arith.constant 0 : index
      %get3A_564 = arith.constant 0 : index
      %get3A_565 = vector.load %arg4[%get3A_562, %get3A_563, %get3A_564] : memref<80x8x128xf32, #tpu.memory_space<vmem>>, vector<1x8x128xf32>
      %sub3A_566 = vector.broadcast %get3A_557 : vector<1x8x128xf32> to vector<10x8x128xf32>
      %sub3A_567 = arith.subf %broadcast_in_dim3A_88, %sub3A_566 : vector<10x8x128xf32>
      %sub3A_568 = vector.broadcast %get3A_561 : vector<1x8x128xf32> to vector<10x8x128xf32>
      %sub3A_569 = arith.subf %broadcast_in_dim3A_92, %sub3A_568 : vector<10x8x128xf32>
      %sub3A_570 = vector.broadcast %get3A_565 : vector<1x8x128xf32> to vector<10x8x128xf32>
      %sub3A_571 = arith.subf %broadcast_in_dim3A_96, %sub3A_570 : vector<10x8x128xf32>
      %mul3A_572 = arith.mulf %sub3A_567, %sub3A_567 : vector<10x8x128xf32>
      %mul3A_573 = arith.mulf %sub3A_569, %sub3A_569 : vector<10x8x128xf32>
      %add3A_574 = arith.addf %mul3A_572, %mul3A_573 : vector<10x8x128xf32>
      %mul3A_575 = arith.mulf %sub3A_571, %sub3A_571 : vector<10x8x128xf32>
      %add3A_576 = arith.addf %add3A_574, %mul3A_575 : vector<10x8x128xf32>
      %lt3A_577 = arith.cmpf olt, %add3A_576, %min3A_543 : vector<10x8x128xf32>
      %min3A_578 = arith.minimumf %add3A_576, %min3A_543 : vector<10x8x128xf32>
      %broadcast_in_dim3A_579 = vector.broadcast %add3A_553 : f32 to vector<10x8x128xf32>
      %select_n3A_580 = arith.select %lt3A_577, %broadcast_in_dim3A_579, %select_n3A_545 : vector<10x8x128xi1>, vector<10x8x128xf32>
      %mul3A_581 = arith.constant 20 : i32
      %mul3A_582 = arith.muli %scan3A_226, %mul3A_581 : i32
      %add3A_583 = arith.constant 0 : i32
      %add3A_584 = arith.addi %add3A_583, %mul3A_582 : i32
      %add3A_585 = arith.constant 10 : i32
      %add3A_586 = arith.addi %add3A_584, %add3A_585 : i32
      %add3A_587 = arith.constant 1.000000e+01 : f32
      %add3A_588 = arith.addf %add3A_233, %add3A_587 : f32
      %get3A_589 = arith.index_cast %add3A_586 : i32 to index
      %get3A_590 = arith.constant 0 : index
      %get3A_591 = arith.constant 0 : index
      %get3A_592 = vector.load %arg2[%get3A_589, %get3A_590, %get3A_591] : memref<80x8x128xf32, #tpu.memory_space<vmem>>, vector<1x8x128xf32>
      %get3A_593 = arith.index_cast %add3A_586 : i32 to index
      %get3A_594 = arith.constant 0 : index
      %get3A_595 = arith.constant 0 : index
      %get3A_596 = vector.load %arg3[%get3A_593, %get3A_594, %get3A_595] : memref<80x8x128xf32, #tpu.memory_space<vmem>>, vector<1x8x128xf32>
      %get3A_597 = arith.index_cast %add3A_586 : i32 to index
      %get3A_598 = arith.constant 0 : index
      %get3A_599 = arith.constant 0 : index
      %get3A_600 = vector.load %arg4[%get3A_597, %get3A_598, %get3A_599] : memref<80x8x128xf32, #tpu.memory_space<vmem>>, vector<1x8x128xf32>
      %sub3A_601 = vector.broadcast %get3A_592 : vector<1x8x128xf32> to vector<10x8x128xf32>
      %sub3A_602 = arith.subf %broadcast_in_dim3A_88, %sub3A_601 : vector<10x8x128xf32>
      %sub3A_603 = vector.broadcast %get3A_596 : vector<1x8x128xf32> to vector<10x8x128xf32>
      %sub3A_604 = arith.subf %broadcast_in_dim3A_92, %sub3A_603 : vector<10x8x128xf32>
      %sub3A_605 = vector.broadcast %get3A_600 : vector<1x8x128xf32> to vector<10x8x128xf32>
      %sub3A_606 = arith.subf %broadcast_in_dim3A_96, %sub3A_605 : vector<10x8x128xf32>
      %mul3A_607 = arith.mulf %sub3A_602, %sub3A_602 : vector<10x8x128xf32>
      %mul3A_608 = arith.mulf %sub3A_604, %sub3A_604 : vector<10x8x128xf32>
      %add3A_609 = arith.addf %mul3A_607, %mul3A_608 : vector<10x8x128xf32>
      %mul3A_610 = arith.mulf %sub3A_606, %sub3A_606 : vector<10x8x128xf32>
      %add3A_611 = arith.addf %add3A_609, %mul3A_610 : vector<10x8x128xf32>
      %lt3A_612 = arith.cmpf olt, %add3A_611, %min3A_578 : vector<10x8x128xf32>
      %min3A_613 = arith.minimumf %add3A_611, %min3A_578 : vector<10x8x128xf32>
      %broadcast_in_dim3A_614 = vector.broadcast %add3A_588 : f32 to vector<10x8x128xf32>
      %select_n3A_615 = arith.select %lt3A_612, %broadcast_in_dim3A_614, %select_n3A_580 : vector<10x8x128xi1>, vector<10x8x128xf32>
      %mul3A_616 = arith.constant 20 : i32
      %mul3A_617 = arith.muli %scan3A_226, %mul3A_616 : i32
      %add3A_618 = arith.constant 0 : i32
      %add3A_619 = arith.addi %add3A_618, %mul3A_617 : i32
      %add3A_620 = arith.constant 11 : i32
      %add3A_621 = arith.addi %add3A_619, %add3A_620 : i32
      %add3A_622 = arith.constant 1.100000e+01 : f32
      %add3A_623 = arith.addf %add3A_233, %add3A_622 : f32
      %get3A_624 = arith.index_cast %add3A_621 : i32 to index
      %get3A_625 = arith.constant 0 : index
      %get3A_626 = arith.constant 0 : index
      %get3A_627 = vector.load %arg2[%get3A_624, %get3A_625, %get3A_626] : memref<80x8x128xf32, #tpu.memory_space<vmem>>, vector<1x8x128xf32>
      %get3A_628 = arith.index_cast %add3A_621 : i32 to index
      %get3A_629 = arith.constant 0 : index
      %get3A_630 = arith.constant 0 : index
      %get3A_631 = vector.load %arg3[%get3A_628, %get3A_629, %get3A_630] : memref<80x8x128xf32, #tpu.memory_space<vmem>>, vector<1x8x128xf32>
      %get3A_632 = arith.index_cast %add3A_621 : i32 to index
      %get3A_633 = arith.constant 0 : index
      %get3A_634 = arith.constant 0 : index
      %get3A_635 = vector.load %arg4[%get3A_632, %get3A_633, %get3A_634] : memref<80x8x128xf32, #tpu.memory_space<vmem>>, vector<1x8x128xf32>
      %sub3A_636 = vector.broadcast %get3A_627 : vector<1x8x128xf32> to vector<10x8x128xf32>
      %sub3A_637 = arith.subf %broadcast_in_dim3A_88, %sub3A_636 : vector<10x8x128xf32>
      %sub3A_638 = vector.broadcast %get3A_631 : vector<1x8x128xf32> to vector<10x8x128xf32>
      %sub3A_639 = arith.subf %broadcast_in_dim3A_92, %sub3A_638 : vector<10x8x128xf32>
      %sub3A_640 = vector.broadcast %get3A_635 : vector<1x8x128xf32> to vector<10x8x128xf32>
      %sub3A_641 = arith.subf %broadcast_in_dim3A_96, %sub3A_640 : vector<10x8x128xf32>
      %mul3A_642 = arith.mulf %sub3A_637, %sub3A_637 : vector<10x8x128xf32>
      %mul3A_643 = arith.mulf %sub3A_639, %sub3A_639 : vector<10x8x128xf32>
      %add3A_644 = arith.addf %mul3A_642, %mul3A_643 : vector<10x8x128xf32>
      %mul3A_645 = arith.mulf %sub3A_641, %sub3A_641 : vector<10x8x128xf32>
      %add3A_646 = arith.addf %add3A_644, %mul3A_645 : vector<10x8x128xf32>
      %lt3A_647 = arith.cmpf olt, %add3A_646, %min3A_613 : vector<10x8x128xf32>
      %min3A_648 = arith.minimumf %add3A_646, %min3A_613 : vector<10x8x128xf32>
      %broadcast_in_dim3A_649 = vector.broadcast %add3A_623 : f32 to vector<10x8x128xf32>
      %select_n3A_650 = arith.select %lt3A_647, %broadcast_in_dim3A_649, %select_n3A_615 : vector<10x8x128xi1>, vector<10x8x128xf32>
      %mul3A_651 = arith.constant 20 : i32
      %mul3A_652 = arith.muli %scan3A_226, %mul3A_651 : i32
      %add3A_653 = arith.constant 0 : i32
      %add3A_654 = arith.addi %add3A_653, %mul3A_652 : i32
      %add3A_655 = arith.constant 12 : i32
      %add3A_656 = arith.addi %add3A_654, %add3A_655 : i32
      %add3A_657 = arith.constant 1.200000e+01 : f32
      %add3A_658 = arith.addf %add3A_233, %add3A_657 : f32
      %get3A_659 = arith.index_cast %add3A_656 : i32 to index
      %get3A_660 = arith.constant 0 : index
      %get3A_661 = arith.constant 0 : index
      %get3A_662 = vector.load %arg2[%get3A_659, %get3A_660, %get3A_661] : memref<80x8x128xf32, #tpu.memory_space<vmem>>, vector<1x8x128xf32>
      %get3A_663 = arith.index_cast %add3A_656 : i32 to index
      %get3A_664 = arith.constant 0 : index
      %get3A_665 = arith.constant 0 : index
      %get3A_666 = vector.load %arg3[%get3A_663, %get3A_664, %get3A_665] : memref<80x8x128xf32, #tpu.memory_space<vmem>>, vector<1x8x128xf32>
      %get3A_667 = arith.index_cast %add3A_656 : i32 to index
      %get3A_668 = arith.constant 0 : index
      %get3A_669 = arith.constant 0 : index
      %get3A_670 = vector.load %arg4[%get3A_667, %get3A_668, %get3A_669] : memref<80x8x128xf32, #tpu.memory_space<vmem>>, vector<1x8x128xf32>
      %sub3A_671 = vector.broadcast %get3A_662 : vector<1x8x128xf32> to vector<10x8x128xf32>
      %sub3A_672 = arith.subf %broadcast_in_dim3A_88, %sub3A_671 : vector<10x8x128xf32>
      %sub3A_673 = vector.broadcast %get3A_666 : vector<1x8x128xf32> to vector<10x8x128xf32>
      %sub3A_674 = arith.subf %broadcast_in_dim3A_92, %sub3A_673 : vector<10x8x128xf32>
      %sub3A_675 = vector.broadcast %get3A_670 : vector<1x8x128xf32> to vector<10x8x128xf32>
      %sub3A_676 = arith.subf %broadcast_in_dim3A_96, %sub3A_675 : vector<10x8x128xf32>
      %mul3A_677 = arith.mulf %sub3A_672, %sub3A_672 : vector<10x8x128xf32>
      %mul3A_678 = arith.mulf %sub3A_674, %sub3A_674 : vector<10x8x128xf32>
      %add3A_679 = arith.addf %mul3A_677, %mul3A_678 : vector<10x8x128xf32>
      %mul3A_680 = arith.mulf %sub3A_676, %sub3A_676 : vector<10x8x128xf32>
      %add3A_681 = arith.addf %add3A_679, %mul3A_680 : vector<10x8x128xf32>
      %lt3A_682 = arith.cmpf olt, %add3A_681, %min3A_648 : vector<10x8x128xf32>
      %min3A_683 = arith.minimumf %add3A_681, %min3A_648 : vector<10x8x128xf32>
      %broadcast_in_dim3A_684 = vector.broadcast %add3A_658 : f32 to vector<10x8x128xf32>
      %select_n3A_685 = arith.select %lt3A_682, %broadcast_in_dim3A_684, %select_n3A_650 : vector<10x8x128xi1>, vector<10x8x128xf32>
      %mul3A_686 = arith.constant 20 : i32
      %mul3A_687 = arith.muli %scan3A_226, %mul3A_686 : i32
      %add3A_688 = arith.constant 0 : i32
      %add3A_689 = arith.addi %add3A_688, %mul3A_687 : i32
      %add3A_690 = arith.constant 13 : i32
      %add3A_691 = arith.addi %add3A_689, %add3A_690 : i32
      %add3A_692 = arith.constant 1.300000e+01 : f32
      %add3A_693 = arith.addf %add3A_233, %add3A_692 : f32
      %get3A_694 = arith.index_cast %add3A_691 : i32 to index
      %get3A_695 = arith.constant 0 : index
      %get3A_696 = arith.constant 0 : index
      %get3A_697 = vector.load %arg2[%get3A_694, %get3A_695, %get3A_696] : memref<80x8x128xf32, #tpu.memory_space<vmem>>, vector<1x8x128xf32>
      %get3A_698 = arith.index_cast %add3A_691 : i32 to index
      %get3A_699 = arith.constant 0 : index
      %get3A_700 = arith.constant 0 : index
      %get3A_701 = vector.load %arg3[%get3A_698, %get3A_699, %get3A_700] : memref<80x8x128xf32, #tpu.memory_space<vmem>>, vector<1x8x128xf32>
      %get3A_702 = arith.index_cast %add3A_691 : i32 to index
      %get3A_703 = arith.constant 0 : index
      %get3A_704 = arith.constant 0 : index
      %get3A_705 = vector.load %arg4[%get3A_702, %get3A_703, %get3A_704] : memref<80x8x128xf32, #tpu.memory_space<vmem>>, vector<1x8x128xf32>
      %sub3A_706 = vector.broadcast %get3A_697 : vector<1x8x128xf32> to vector<10x8x128xf32>
      %sub3A_707 = arith.subf %broadcast_in_dim3A_88, %sub3A_706 : vector<10x8x128xf32>
      %sub3A_708 = vector.broadcast %get3A_701 : vector<1x8x128xf32> to vector<10x8x128xf32>
      %sub3A_709 = arith.subf %broadcast_in_dim3A_92, %sub3A_708 : vector<10x8x128xf32>
      %sub3A_710 = vector.broadcast %get3A_705 : vector<1x8x128xf32> to vector<10x8x128xf32>
      %sub3A_711 = arith.subf %broadcast_in_dim3A_96, %sub3A_710 : vector<10x8x128xf32>
      %mul3A_712 = arith.mulf %sub3A_707, %sub3A_707 : vector<10x8x128xf32>
      %mul3A_713 = arith.mulf %sub3A_709, %sub3A_709 : vector<10x8x128xf32>
      %add3A_714 = arith.addf %mul3A_712, %mul3A_713 : vector<10x8x128xf32>
      %mul3A_715 = arith.mulf %sub3A_711, %sub3A_711 : vector<10x8x128xf32>
      %add3A_716 = arith.addf %add3A_714, %mul3A_715 : vector<10x8x128xf32>
      %lt3A_717 = arith.cmpf olt, %add3A_716, %min3A_683 : vector<10x8x128xf32>
      %min3A_718 = arith.minimumf %add3A_716, %min3A_683 : vector<10x8x128xf32>
      %broadcast_in_dim3A_719 = vector.broadcast %add3A_693 : f32 to vector<10x8x128xf32>
      %select_n3A_720 = arith.select %lt3A_717, %broadcast_in_dim3A_719, %select_n3A_685 : vector<10x8x128xi1>, vector<10x8x128xf32>
      %mul3A_721 = arith.constant 20 : i32
      %mul3A_722 = arith.muli %scan3A_226, %mul3A_721 : i32
      %add3A_723 = arith.constant 0 : i32
      %add3A_724 = arith.addi %add3A_723, %mul3A_722 : i32
      %add3A_725 = arith.constant 14 : i32
      %add3A_726 = arith.addi %add3A_724, %add3A_725 : i32
      %add3A_727 = arith.constant 1.400000e+01 : f32
      %add3A_728 = arith.addf %add3A_233, %add3A_727 : f32
      %get3A_729 = arith.index_cast %add3A_726 : i32 to index
      %get3A_730 = arith.constant 0 : index
      %get3A_731 = arith.constant 0 : index
      %get3A_732 = vector.load %arg2[%get3A_729, %get3A_730, %get3A_731] : memref<80x8x128xf32, #tpu.memory_space<vmem>>, vector<1x8x128xf32>
      %get3A_733 = arith.index_cast %add3A_726 : i32 to index
      %get3A_734 = arith.constant 0 : index
      %get3A_735 = arith.constant 0 : index
      %get3A_736 = vector.load %arg3[%get3A_733, %get3A_734, %get3A_735] : memref<80x8x128xf32, #tpu.memory_space<vmem>>, vector<1x8x128xf32>
      %get3A_737 = arith.index_cast %add3A_726 : i32 to index
      %get3A_738 = arith.constant 0 : index
      %get3A_739 = arith.constant 0 : index
      %get3A_740 = vector.load %arg4[%get3A_737, %get3A_738, %get3A_739] : memref<80x8x128xf32, #tpu.memory_space<vmem>>, vector<1x8x128xf32>
      %sub3A_741 = vector.broadcast %get3A_732 : vector<1x8x128xf32> to vector<10x8x128xf32>
      %sub3A_742 = arith.subf %broadcast_in_dim3A_88, %sub3A_741 : vector<10x8x128xf32>
      %sub3A_743 = vector.broadcast %get3A_736 : vector<1x8x128xf32> to vector<10x8x128xf32>
      %sub3A_744 = arith.subf %broadcast_in_dim3A_92, %sub3A_743 : vector<10x8x128xf32>
      %sub3A_745 = vector.broadcast %get3A_740 : vector<1x8x128xf32> to vector<10x8x128xf32>
      %sub3A_746 = arith.subf %broadcast_in_dim3A_96, %sub3A_745 : vector<10x8x128xf32>
      %mul3A_747 = arith.mulf %sub3A_742, %sub3A_742 : vector<10x8x128xf32>
      %mul3A_748 = arith.mulf %sub3A_744, %sub3A_744 : vector<10x8x128xf32>
      %add3A_749 = arith.addf %mul3A_747, %mul3A_748 : vector<10x8x128xf32>
      %mul3A_750 = arith.mulf %sub3A_746, %sub3A_746 : vector<10x8x128xf32>
      %add3A_751 = arith.addf %add3A_749, %mul3A_750 : vector<10x8x128xf32>
      %lt3A_752 = arith.cmpf olt, %add3A_751, %min3A_718 : vector<10x8x128xf32>
      %min3A_753 = arith.minimumf %add3A_751, %min3A_718 : vector<10x8x128xf32>
      %broadcast_in_dim3A_754 = vector.broadcast %add3A_728 : f32 to vector<10x8x128xf32>
      %select_n3A_755 = arith.select %lt3A_752, %broadcast_in_dim3A_754, %select_n3A_720 : vector<10x8x128xi1>, vector<10x8x128xf32>
      %mul3A_756 = arith.constant 20 : i32
      %mul3A_757 = arith.muli %scan3A_226, %mul3A_756 : i32
      %add3A_758 = arith.constant 0 : i32
      %add3A_759 = arith.addi %add3A_758, %mul3A_757 : i32
      %add3A_760 = arith.constant 15 : i32
      %add3A_761 = arith.addi %add3A_759, %add3A_760 : i32
      %add3A_762 = arith.constant 1.500000e+01 : f32
      %add3A_763 = arith.addf %add3A_233, %add3A_762 : f32
      %get3A_764 = arith.index_cast %add3A_761 : i32 to index
      %get3A_765 = arith.constant 0 : index
      %get3A_766 = arith.constant 0 : index
      %get3A_767 = vector.load %arg2[%get3A_764, %get3A_765, %get3A_766] : memref<80x8x128xf32, #tpu.memory_space<vmem>>, vector<1x8x128xf32>
      %get3A_768 = arith.index_cast %add3A_761 : i32 to index
      %get3A_769 = arith.constant 0 : index
      %get3A_770 = arith.constant 0 : index
      %get3A_771 = vector.load %arg3[%get3A_768, %get3A_769, %get3A_770] : memref<80x8x128xf32, #tpu.memory_space<vmem>>, vector<1x8x128xf32>
      %get3A_772 = arith.index_cast %add3A_761 : i32 to index
      %get3A_773 = arith.constant 0 : index
      %get3A_774 = arith.constant 0 : index
      %get3A_775 = vector.load %arg4[%get3A_772, %get3A_773, %get3A_774] : memref<80x8x128xf32, #tpu.memory_space<vmem>>, vector<1x8x128xf32>
      %sub3A_776 = vector.broadcast %get3A_767 : vector<1x8x128xf32> to vector<10x8x128xf32>
      %sub3A_777 = arith.subf %broadcast_in_dim3A_88, %sub3A_776 : vector<10x8x128xf32>
      %sub3A_778 = vector.broadcast %get3A_771 : vector<1x8x128xf32> to vector<10x8x128xf32>
      %sub3A_779 = arith.subf %broadcast_in_dim3A_92, %sub3A_778 : vector<10x8x128xf32>
      %sub3A_780 = vector.broadcast %get3A_775 : vector<1x8x128xf32> to vector<10x8x128xf32>
      %sub3A_781 = arith.subf %broadcast_in_dim3A_96, %sub3A_780 : vector<10x8x128xf32>
      %mul3A_782 = arith.mulf %sub3A_777, %sub3A_777 : vector<10x8x128xf32>
      %mul3A_783 = arith.mulf %sub3A_779, %sub3A_779 : vector<10x8x128xf32>
      %add3A_784 = arith.addf %mul3A_782, %mul3A_783 : vector<10x8x128xf32>
      %mul3A_785 = arith.mulf %sub3A_781, %sub3A_781 : vector<10x8x128xf32>
      %add3A_786 = arith.addf %add3A_784, %mul3A_785 : vector<10x8x128xf32>
      %lt3A_787 = arith.cmpf olt, %add3A_786, %min3A_753 : vector<10x8x128xf32>
      %min3A_788 = arith.minimumf %add3A_786, %min3A_753 : vector<10x8x128xf32>
      %broadcast_in_dim3A_789 = vector.broadcast %add3A_763 : f32 to vector<10x8x128xf32>
      %select_n3A_790 = arith.select %lt3A_787, %broadcast_in_dim3A_789, %select_n3A_755 : vector<10x8x128xi1>, vector<10x8x128xf32>
      %mul3A_791 = arith.constant 20 : i32
      %mul3A_792 = arith.muli %scan3A_226, %mul3A_791 : i32
      %add3A_793 = arith.constant 0 : i32
      %add3A_794 = arith.addi %add3A_793, %mul3A_792 : i32
      %add3A_795 = arith.constant 16 : i32
      %add3A_796 = arith.addi %add3A_794, %add3A_795 : i32
      %add3A_797 = arith.constant 1.600000e+01 : f32
      %add3A_798 = arith.addf %add3A_233, %add3A_797 : f32
      %get3A_799 = arith.index_cast %add3A_796 : i32 to index
      %get3A_800 = arith.constant 0 : index
      %get3A_801 = arith.constant 0 : index
      %get3A_802 = vector.load %arg2[%get3A_799, %get3A_800, %get3A_801] : memref<80x8x128xf32, #tpu.memory_space<vmem>>, vector<1x8x128xf32>
      %get3A_803 = arith.index_cast %add3A_796 : i32 to index
      %get3A_804 = arith.constant 0 : index
      %get3A_805 = arith.constant 0 : index
      %get3A_806 = vector.load %arg3[%get3A_803, %get3A_804, %get3A_805] : memref<80x8x128xf32, #tpu.memory_space<vmem>>, vector<1x8x128xf32>
      %get3A_807 = arith.index_cast %add3A_796 : i32 to index
      %get3A_808 = arith.constant 0 : index
      %get3A_809 = arith.constant 0 : index
      %get3A_810 = vector.load %arg4[%get3A_807, %get3A_808, %get3A_809] : memref<80x8x128xf32, #tpu.memory_space<vmem>>, vector<1x8x128xf32>
      %sub3A_811 = vector.broadcast %get3A_802 : vector<1x8x128xf32> to vector<10x8x128xf32>
      %sub3A_812 = arith.subf %broadcast_in_dim3A_88, %sub3A_811 : vector<10x8x128xf32>
      %sub3A_813 = vector.broadcast %get3A_806 : vector<1x8x128xf32> to vector<10x8x128xf32>
      %sub3A_814 = arith.subf %broadcast_in_dim3A_92, %sub3A_813 : vector<10x8x128xf32>
      %sub3A_815 = vector.broadcast %get3A_810 : vector<1x8x128xf32> to vector<10x8x128xf32>
      %sub3A_816 = arith.subf %broadcast_in_dim3A_96, %sub3A_815 : vector<10x8x128xf32>
      %mul3A_817 = arith.mulf %sub3A_812, %sub3A_812 : vector<10x8x128xf32>
      %mul3A_818 = arith.mulf %sub3A_814, %sub3A_814 : vector<10x8x128xf32>
      %add3A_819 = arith.addf %mul3A_817, %mul3A_818 : vector<10x8x128xf32>
      %mul3A_820 = arith.mulf %sub3A_816, %sub3A_816 : vector<10x8x128xf32>
      %add3A_821 = arith.addf %add3A_819, %mul3A_820 : vector<10x8x128xf32>
      %lt3A_822 = arith.cmpf olt, %add3A_821, %min3A_788 : vector<10x8x128xf32>
      %min3A_823 = arith.minimumf %add3A_821, %min3A_788 : vector<10x8x128xf32>
      %broadcast_in_dim3A_824 = vector.broadcast %add3A_798 : f32 to vector<10x8x128xf32>
      %select_n3A_825 = arith.select %lt3A_822, %broadcast_in_dim3A_824, %select_n3A_790 : vector<10x8x128xi1>, vector<10x8x128xf32>
      %mul3A_826 = arith.constant 20 : i32
      %mul3A_827 = arith.muli %scan3A_226, %mul3A_826 : i32
      %add3A_828 = arith.constant 0 : i32
      %add3A_829 = arith.addi %add3A_828, %mul3A_827 : i32
      %add3A_830 = arith.constant 17 : i32
      %add3A_831 = arith.addi %add3A_829, %add3A_830 : i32
      %add3A_832 = arith.constant 1.700000e+01 : f32
      %add3A_833 = arith.addf %add3A_233, %add3A_832 : f32
      %get3A_834 = arith.index_cast %add3A_831 : i32 to index
      %get3A_835 = arith.constant 0 : index
      %get3A_836 = arith.constant 0 : index
      %get3A_837 = vector.load %arg2[%get3A_834, %get3A_835, %get3A_836] : memref<80x8x128xf32, #tpu.memory_space<vmem>>, vector<1x8x128xf32>
      %get3A_838 = arith.index_cast %add3A_831 : i32 to index
      %get3A_839 = arith.constant 0 : index
      %get3A_840 = arith.constant 0 : index
      %get3A_841 = vector.load %arg3[%get3A_838, %get3A_839, %get3A_840] : memref<80x8x128xf32, #tpu.memory_space<vmem>>, vector<1x8x128xf32>
      %get3A_842 = arith.index_cast %add3A_831 : i32 to index
      %get3A_843 = arith.constant 0 : index
      %get3A_844 = arith.constant 0 : index
      %get3A_845 = vector.load %arg4[%get3A_842, %get3A_843, %get3A_844] : memref<80x8x128xf32, #tpu.memory_space<vmem>>, vector<1x8x128xf32>
      %sub3A_846 = vector.broadcast %get3A_837 : vector<1x8x128xf32> to vector<10x8x128xf32>
      %sub3A_847 = arith.subf %broadcast_in_dim3A_88, %sub3A_846 : vector<10x8x128xf32>
      %sub3A_848 = vector.broadcast %get3A_841 : vector<1x8x128xf32> to vector<10x8x128xf32>
      %sub3A_849 = arith.subf %broadcast_in_dim3A_92, %sub3A_848 : vector<10x8x128xf32>
      %sub3A_850 = vector.broadcast %get3A_845 : vector<1x8x128xf32> to vector<10x8x128xf32>
      %sub3A_851 = arith.subf %broadcast_in_dim3A_96, %sub3A_850 : vector<10x8x128xf32>
      %mul3A_852 = arith.mulf %sub3A_847, %sub3A_847 : vector<10x8x128xf32>
      %mul3A_853 = arith.mulf %sub3A_849, %sub3A_849 : vector<10x8x128xf32>
      %add3A_854 = arith.addf %mul3A_852, %mul3A_853 : vector<10x8x128xf32>
      %mul3A_855 = arith.mulf %sub3A_851, %sub3A_851 : vector<10x8x128xf32>
      %add3A_856 = arith.addf %add3A_854, %mul3A_855 : vector<10x8x128xf32>
      %lt3A_857 = arith.cmpf olt, %add3A_856, %min3A_823 : vector<10x8x128xf32>
      %min3A_858 = arith.minimumf %add3A_856, %min3A_823 : vector<10x8x128xf32>
      %broadcast_in_dim3A_859 = vector.broadcast %add3A_833 : f32 to vector<10x8x128xf32>
      %select_n3A_860 = arith.select %lt3A_857, %broadcast_in_dim3A_859, %select_n3A_825 : vector<10x8x128xi1>, vector<10x8x128xf32>
      %mul3A_861 = arith.constant 20 : i32
      %mul3A_862 = arith.muli %scan3A_226, %mul3A_861 : i32
      %add3A_863 = arith.constant 0 : i32
      %add3A_864 = arith.addi %add3A_863, %mul3A_862 : i32
      %add3A_865 = arith.constant 18 : i32
      %add3A_866 = arith.addi %add3A_864, %add3A_865 : i32
      %add3A_867 = arith.constant 1.800000e+01 : f32
      %add3A_868 = arith.addf %add3A_233, %add3A_867 : f32
      %get3A_869 = arith.index_cast %add3A_866 : i32 to index
      %get3A_870 = arith.constant 0 : index
      %get3A_871 = arith.constant 0 : index
      %get3A_872 = vector.load %arg2[%get3A_869, %get3A_870, %get3A_871] : memref<80x8x128xf32, #tpu.memory_space<vmem>>, vector<1x8x128xf32>
      %get3A_873 = arith.index_cast %add3A_866 : i32 to index
      %get3A_874 = arith.constant 0 : index
      %get3A_875 = arith.constant 0 : index
      %get3A_876 = vector.load %arg3[%get3A_873, %get3A_874, %get3A_875] : memref<80x8x128xf32, #tpu.memory_space<vmem>>, vector<1x8x128xf32>
      %get3A_877 = arith.index_cast %add3A_866 : i32 to index
      %get3A_878 = arith.constant 0 : index
      %get3A_879 = arith.constant 0 : index
      %get3A_880 = vector.load %arg4[%get3A_877, %get3A_878, %get3A_879] : memref<80x8x128xf32, #tpu.memory_space<vmem>>, vector<1x8x128xf32>
      %sub3A_881 = vector.broadcast %get3A_872 : vector<1x8x128xf32> to vector<10x8x128xf32>
      %sub3A_882 = arith.subf %broadcast_in_dim3A_88, %sub3A_881 : vector<10x8x128xf32>
      %sub3A_883 = vector.broadcast %get3A_876 : vector<1x8x128xf32> to vector<10x8x128xf32>
      %sub3A_884 = arith.subf %broadcast_in_dim3A_92, %sub3A_883 : vector<10x8x128xf32>
      %sub3A_885 = vector.broadcast %get3A_880 : vector<1x8x128xf32> to vector<10x8x128xf32>
      %sub3A_886 = arith.subf %broadcast_in_dim3A_96, %sub3A_885 : vector<10x8x128xf32>
      %mul3A_887 = arith.mulf %sub3A_882, %sub3A_882 : vector<10x8x128xf32>
      %mul3A_888 = arith.mulf %sub3A_884, %sub3A_884 : vector<10x8x128xf32>
      %add3A_889 = arith.addf %mul3A_887, %mul3A_888 : vector<10x8x128xf32>
      %mul3A_890 = arith.mulf %sub3A_886, %sub3A_886 : vector<10x8x128xf32>
      %add3A_891 = arith.addf %add3A_889, %mul3A_890 : vector<10x8x128xf32>
      %lt3A_892 = arith.cmpf olt, %add3A_891, %min3A_858 : vector<10x8x128xf32>
      %min3A_893 = arith.minimumf %add3A_891, %min3A_858 : vector<10x8x128xf32>
      %broadcast_in_dim3A_894 = vector.broadcast %add3A_868 : f32 to vector<10x8x128xf32>
      %select_n3A_895 = arith.select %lt3A_892, %broadcast_in_dim3A_894, %select_n3A_860 : vector<10x8x128xi1>, vector<10x8x128xf32>
      %mul3A_896 = arith.constant 20 : i32
      %mul3A_897 = arith.muli %scan3A_226, %mul3A_896 : i32
      %add3A_898 = arith.constant 0 : i32
      %add3A_899 = arith.addi %add3A_898, %mul3A_897 : i32
      %add3A_900 = arith.constant 19 : i32
      %add3A_901 = arith.addi %add3A_899, %add3A_900 : i32
      %add3A_902 = arith.constant 1.900000e+01 : f32
      %add3A_903 = arith.addf %add3A_233, %add3A_902 : f32
      %get3A_904 = arith.index_cast %add3A_901 : i32 to index
      %get3A_905 = arith.constant 0 : index
      %get3A_906 = arith.constant 0 : index
      %get3A_907 = vector.load %arg2[%get3A_904, %get3A_905, %get3A_906] : memref<80x8x128xf32, #tpu.memory_space<vmem>>, vector<1x8x128xf32>
      %get3A_908 = arith.index_cast %add3A_901 : i32 to index
      %get3A_909 = arith.constant 0 : index
      %get3A_910 = arith.constant 0 : index
      %get3A_911 = vector.load %arg3[%get3A_908, %get3A_909, %get3A_910] : memref<80x8x128xf32, #tpu.memory_space<vmem>>, vector<1x8x128xf32>
      %get3A_912 = arith.index_cast %add3A_901 : i32 to index
      %get3A_913 = arith.constant 0 : index
      %get3A_914 = arith.constant 0 : index
      %get3A_915 = vector.load %arg4[%get3A_912, %get3A_913, %get3A_914] : memref<80x8x128xf32, #tpu.memory_space<vmem>>, vector<1x8x128xf32>
      %sub3A_916 = vector.broadcast %get3A_907 : vector<1x8x128xf32> to vector<10x8x128xf32>
      %sub3A_917 = arith.subf %broadcast_in_dim3A_88, %sub3A_916 : vector<10x8x128xf32>
      %sub3A_918 = vector.broadcast %get3A_911 : vector<1x8x128xf32> to vector<10x8x128xf32>
      %sub3A_919 = arith.subf %broadcast_in_dim3A_92, %sub3A_918 : vector<10x8x128xf32>
      %sub3A_920 = vector.broadcast %get3A_915 : vector<1x8x128xf32> to vector<10x8x128xf32>
      %sub3A_921 = arith.subf %broadcast_in_dim3A_96, %sub3A_920 : vector<10x8x128xf32>
      %mul3A_922 = arith.mulf %sub3A_917, %sub3A_917 : vector<10x8x128xf32>
      %mul3A_923 = arith.mulf %sub3A_919, %sub3A_919 : vector<10x8x128xf32>
      %add3A_924 = arith.addf %mul3A_922, %mul3A_923 : vector<10x8x128xf32>
      %mul3A_925 = arith.mulf %sub3A_921, %sub3A_921 : vector<10x8x128xf32>
      %add3A_926 = arith.addf %add3A_924, %mul3A_925 : vector<10x8x128xf32>
      %lt3A_927 = arith.cmpf olt, %add3A_926, %min3A_893 : vector<10x8x128xf32>
      %min3A_928 = arith.minimumf %add3A_926, %min3A_893 : vector<10x8x128xf32>
      %broadcast_in_dim3A_929 = vector.broadcast %add3A_903 : f32 to vector<10x8x128xf32>
      %select_n3A_930 = arith.select %lt3A_927, %broadcast_in_dim3A_929, %select_n3A_895 : vector<10x8x128xi1>, vector<10x8x128xf32>
      scf.yield %min3A_928, %select_n3A_930 : vector<10x8x128xf32>, vector<10x8x128xf32>
    }
    %scan3A_106 = arith.constant 4 : i32
    %reshape3A_107 = vector.shape_cast %scan3A_105#0 : vector<10x8x128xf32> to vector<80x128xf32>
    %reshape3A_108 = vector.shape_cast %scan3A_105#1 : vector<10x8x128xf32> to vector<80x128xf32>
    %iota3A_109 = tpu.iota {dimensions = array<i32: 1>} : vector<80x128xi32>
    %convert_element_type3A_110 = arith.sitofp %iota3A_109 : vector<80x128xi32> to vector<80x128xf32>
    %mul3A_111 = arith.constant 1.280000e+02 : f32
    %mul3A_112 = vector.broadcast %mul3A_111 : f32 to vector<80x128xf32>
    %mul3A_113 = arith.mulf %reshape3A_108, %mul3A_112 : vector<80x128xf32>
    %add3A_114 = arith.addf %mul3A_113, %convert_element_type3A_110 : vector<80x128xf32>
    %reduce_min3A_115 = arith.constant dense<0x7F800000> : vector<80xf32>
    %reduce_min3A_116 = vector.multi_reduction <minimumf>, %reshape3A_107, %reduce_min3A_115 [1] : vector<80x128xf32> to vector<80xf32>
    %broadcast_in_dim3A_117 = vector.shape_cast %reduce_min3A_116 : vector<80xf32> to vector<80x1xf32>
    %eq3A_118 = vector.broadcast %broadcast_in_dim3A_117 : vector<80x1xf32> to vector<80x128xf32>
    %eq3A_119 = arith.cmpf oeq, %reshape3A_107, %eq3A_118 : vector<80x128xf32>
    %jit3A_120 = arith.constant 1.07374182E+9 : f32
    %broadcast_in_dim3A_121 = vector.broadcast %jit3A_120 : f32 to vector<80x128xf32>
    %select_n3A_122 = arith.select %eq3A_119, %add3A_114, %broadcast_in_dim3A_121 : vector<80x128xi1>, vector<80x128xf32>
    %reduce_min3A_123 = arith.constant dense<0x7F800000> : vector<80xf32>
    %reduce_min3A_124 = vector.multi_reduction <minimumf>, %select_n3A_122, %reduce_min3A_123 [1] : vector<80x128xf32> to vector<80xf32>
    %broadcast_in_dim3A_125 = vector.shape_cast %reduce_min3A_124 : vector<80xf32> to vector<80x1xf32>
    %convert_element_type3A_126 = arith.fptosi %broadcast_in_dim3A_125 : vector<80x1xf32> to vector<80x1xi32>
    %swap3A_127 = arith.constant 160 : index
    %swap3A_128 = arith.constant 0 : index
    %swap3A_129 = vector.load %arg5[%swap3A_127, %swap3A_128] : memref<400x1xi32, #tpu.memory_space<vmem>>, vector<80x1xi32>
    tpu.vector_store %arg5[%swap3A_127, %swap3A_128], %convert_element_type3A_126 {strides = array<i32>} : memref<400x1xi32, #tpu.memory_space<vmem>>, vector<80x1xi32>,
    %get3A_130 = arith.constant 240 : index
    %get3A_131 = arith.constant 0 : index
    %get3A_132 = vector.load %arg1[%get3A_130, %get3A_131] : memref<400x3xf32, #tpu.memory_space<vmem>>, vector<80x3xf32>
    %slice3A_133 = vector.extract_strided_slice %get3A_132 {offsets = [0, 0], sizes = [80, 1], strides = [1, 1]} : vector<80x3xf32> to vector<80x1xf32>
    %reshape3A_134 = vector.shape_cast %slice3A_133 : vector<80x1xf32> to vector<10x8x1xf32>
    %broadcast_in_dim3A_135 = vector.shape_cast %reshape3A_134 : vector<10x8x1xf32> to vector<10x8x1xf32>
    %broadcast_in_dim3A_136 = vector.broadcast %broadcast_in_dim3A_135 : vector<10x8x1xf32> to vector<10x8x128xf32>
    %slice3A_137 = vector.extract_strided_slice %get3A_132 {offsets = [0, 1], sizes = [80, 1], strides = [1, 1]} : vector<80x3xf32> to vector<80x1xf32>
    %reshape3A_138 = vector.shape_cast %slice3A_137 : vector<80x1xf32> to vector<10x8x1xf32>
    %broadcast_in_dim3A_139 = vector.shape_cast %reshape3A_138 : vector<10x8x1xf32> to vector<10x8x1xf32>
    %broadcast_in_dim3A_140 = vector.broadcast %broadcast_in_dim3A_139 : vector<10x8x1xf32> to vector<10x8x128xf32>
    %slice3A_141 = vector.extract_strided_slice %get3A_132 {offsets = [0, 2], sizes = [80, 1], strides = [1, 1]} : vector<80x3xf32> to vector<80x1xf32>
    %reshape3A_142 = vector.shape_cast %slice3A_141 : vector<80x1xf32> to vector<10x8x1xf32>
    %broadcast_in_dim3A_143 = vector.shape_cast %reshape3A_142 : vector<10x8x1xf32> to vector<10x8x1xf32>
    %broadcast_in_dim3A_144 = vector.broadcast %broadcast_in_dim3A_143 : vector<10x8x1xf32> to vector<10x8x128xf32>
    %broadcast_in_dim3A_145 = arith.constant 0x7F800000 : f32
    %broadcast_in_dim3A_146 = vector.broadcast %broadcast_in_dim3A_145 : f32 to vector<10x8x128xf32>
    %broadcast_in_dim3A_147 = arith.constant 0.000000e+00 : f32
    %broadcast_in_dim3A_148 = vector.broadcast %broadcast_in_dim3A_147 : f32 to vector<10x8x128xf32>
    %scan3A_149 = arith.constant 0 : i32
    %scan3A_150 = arith.constant 4 : i32
    %scan3A_151 = arith.addi %scan3A_149, %scan3A_150 : i32
    %scan3A_152 = arith.constant 1 : i32
    %scan3A_153:2 = scf.for %scan3A_226 = %scan3A_149 to %scan3A_151 step %scan3A_152 iter_args(%scan3A_227 = %broadcast_in_dim3A_146, %scan3A_228 = %broadcast_in_dim3A_148) -> (vector<10x8x128xf32>, vector<10x8x128xf32>)  : i32 {
      %convert_element_type3A_229 = arith.sitofp %scan3A_226 : i32 to f32
      %mul3A_230 = arith.constant 2.000000e+01 : f32
      %mul3A_231 = arith.mulf %convert_element_type3A_229, %mul3A_230 : f32
      %add3A_232 = arith.constant 0.000000e+00 : f32
      %add3A_233 = arith.addf %mul3A_231, %add3A_232 : f32
      %mul3A_234 = arith.constant 20 : i32
      %mul3A_235 = arith.muli %scan3A_226, %mul3A_234 : i32
      %add3A_236 = arith.constant 0 : i32
      %add3A_237 = arith.addi %add3A_236, %mul3A_235 : i32
      %add3A_238 = arith.constant 0 : i32
      %add3A_239 = arith.addi %add3A_237, %add3A_238 : i32
      %add3A_240 = arith.constant 0.000000e+00 : f32
      %add3A_241 = arith.addf %add3A_233, %add3A_240 : f32
      %get3A_242 = arith.index_cast %add3A_239 : i32 to index
      %get3A_243 = arith.constant 0 : index
      %get3A_244 = arith.constant 0 : index
      %get3A_245 = vector.load %arg2[%get3A_242, %get3A_243, %get3A_244] : memref<80x8x128xf32, #tpu.memory_space<vmem>>, vector<1x8x128xf32>
      %get3A_246 = arith.index_cast %add3A_239 : i32 to index
      %get3A_247 = arith.constant 0 : index
      %get3A_248 = arith.constant 0 : index
      %get3A_249 = vector.load %arg3[%get3A_246, %get3A_247, %get3A_248] : memref<80x8x128xf32, #tpu.memory_space<vmem>>, vector<1x8x128xf32>
      %get3A_250 = arith.index_cast %add3A_239 : i32 to index
      %get3A_251 = arith.constant 0 : index
      %get3A_252 = arith.constant 0 : index
      %get3A_253 = vector.load %arg4[%get3A_250, %get3A_251, %get3A_252] : memref<80x8x128xf32, #tpu.memory_space<vmem>>, vector<1x8x128xf32>
      %sub3A = vector.broadcast %get3A_245 : vector<1x8x128xf32> to vector<10x8x128xf32>
      %sub3A_254 = arith.subf %broadcast_in_dim3A_136, %sub3A : vector<10x8x128xf32>
      %sub3A_255 = vector.broadcast %get3A_249 : vector<1x8x128xf32> to vector<10x8x128xf32>
      %sub3A_256 = arith.subf %broadcast_in_dim3A_140, %sub3A_255 : vector<10x8x128xf32>
      %sub3A_257 = vector.broadcast %get3A_253 : vector<1x8x128xf32> to vector<10x8x128xf32>
      %sub3A_258 = arith.subf %broadcast_in_dim3A_144, %sub3A_257 : vector<10x8x128xf32>
      %mul3A_259 = arith.mulf %sub3A_254, %sub3A_254 : vector<10x8x128xf32>
      %mul3A_260 = arith.mulf %sub3A_256, %sub3A_256 : vector<10x8x128xf32>
      %add3A_261 = arith.addf %mul3A_259, %mul3A_260 : vector<10x8x128xf32>
      %mul3A_262 = arith.mulf %sub3A_258, %sub3A_258 : vector<10x8x128xf32>
      %add3A_263 = arith.addf %add3A_261, %mul3A_262 : vector<10x8x128xf32>
      %lt3A = arith.cmpf olt, %add3A_263, %scan3A_227 : vector<10x8x128xf32>
      %min3A = arith.minimumf %add3A_263, %scan3A_227 : vector<10x8x128xf32>
      %broadcast_in_dim3A_264 = vector.broadcast %add3A_241 : f32 to vector<10x8x128xf32>
      %select_n3A_265 = arith.select %lt3A, %broadcast_in_dim3A_264, %scan3A_228 : vector<10x8x128xi1>, vector<10x8x128xf32>
      %mul3A_266 = arith.constant 20 : i32
      %mul3A_267 = arith.muli %scan3A_226, %mul3A_266 : i32
      %add3A_268 = arith.constant 0 : i32
      %add3A_269 = arith.addi %add3A_268, %mul3A_267 : i32
      %add3A_270 = arith.constant 1 : i32
      %add3A_271 = arith.addi %add3A_269, %add3A_270 : i32
      %add3A_272 = arith.constant 1.000000e+00 : f32
      %add3A_273 = arith.addf %add3A_233, %add3A_272 : f32
      %get3A_274 = arith.index_cast %add3A_271 : i32 to index
      %get3A_275 = arith.constant 0 : index
      %get3A_276 = arith.constant 0 : index
      %get3A_277 = vector.load %arg2[%get3A_274, %get3A_275, %get3A_276] : memref<80x8x128xf32, #tpu.memory_space<vmem>>, vector<1x8x128xf32>
      %get3A_278 = arith.index_cast %add3A_271 : i32 to index
      %get3A_279 = arith.constant 0 : index
      %get3A_280 = arith.constant 0 : index
      %get3A_281 = vector.load %arg3[%get3A_278, %get3A_279, %get3A_280] : memref<80x8x128xf32, #tpu.memory_space<vmem>>, vector<1x8x128xf32>
      %get3A_282 = arith.index_cast %add3A_271 : i32 to index
      %get3A_283 = arith.constant 0 : index
      %get3A_284 = arith.constant 0 : index
      %get3A_285 = vector.load %arg4[%get3A_282, %get3A_283, %get3A_284] : memref<80x8x128xf32, #tpu.memory_space<vmem>>, vector<1x8x128xf32>
      %sub3A_286 = vector.broadcast %get3A_277 : vector<1x8x128xf32> to vector<10x8x128xf32>
      %sub3A_287 = arith.subf %broadcast_in_dim3A_136, %sub3A_286 : vector<10x8x128xf32>
      %sub3A_288 = vector.broadcast %get3A_281 : vector<1x8x128xf32> to vector<10x8x128xf32>
      %sub3A_289 = arith.subf %broadcast_in_dim3A_140, %sub3A_288 : vector<10x8x128xf32>
      %sub3A_290 = vector.broadcast %get3A_285 : vector<1x8x128xf32> to vector<10x8x128xf32>
      %sub3A_291 = arith.subf %broadcast_in_dim3A_144, %sub3A_290 : vector<10x8x128xf32>
      %mul3A_292 = arith.mulf %sub3A_287, %sub3A_287 : vector<10x8x128xf32>
      %mul3A_293 = arith.mulf %sub3A_289, %sub3A_289 : vector<10x8x128xf32>
      %add3A_294 = arith.addf %mul3A_292, %mul3A_293 : vector<10x8x128xf32>
      %mul3A_295 = arith.mulf %sub3A_291, %sub3A_291 : vector<10x8x128xf32>
      %add3A_296 = arith.addf %add3A_294, %mul3A_295 : vector<10x8x128xf32>
      %lt3A_297 = arith.cmpf olt, %add3A_296, %min3A : vector<10x8x128xf32>
      %min3A_298 = arith.minimumf %add3A_296, %min3A : vector<10x8x128xf32>
      %broadcast_in_dim3A_299 = vector.broadcast %add3A_273 : f32 to vector<10x8x128xf32>
      %select_n3A_300 = arith.select %lt3A_297, %broadcast_in_dim3A_299, %select_n3A_265 : vector<10x8x128xi1>, vector<10x8x128xf32>
      %mul3A_301 = arith.constant 20 : i32
      %mul3A_302 = arith.muli %scan3A_226, %mul3A_301 : i32
      %add3A_303 = arith.constant 0 : i32
      %add3A_304 = arith.addi %add3A_303, %mul3A_302 : i32
      %add3A_305 = arith.constant 2 : i32
      %add3A_306 = arith.addi %add3A_304, %add3A_305 : i32
      %add3A_307 = arith.constant 2.000000e+00 : f32
      %add3A_308 = arith.addf %add3A_233, %add3A_307 : f32
      %get3A_309 = arith.index_cast %add3A_306 : i32 to index
      %get3A_310 = arith.constant 0 : index
      %get3A_311 = arith.constant 0 : index
      %get3A_312 = vector.load %arg2[%get3A_309, %get3A_310, %get3A_311] : memref<80x8x128xf32, #tpu.memory_space<vmem>>, vector<1x8x128xf32>
      %get3A_313 = arith.index_cast %add3A_306 : i32 to index
      %get3A_314 = arith.constant 0 : index
      %get3A_315 = arith.constant 0 : index
      %get3A_316 = vector.load %arg3[%get3A_313, %get3A_314, %get3A_315] : memref<80x8x128xf32, #tpu.memory_space<vmem>>, vector<1x8x128xf32>
      %get3A_317 = arith.index_cast %add3A_306 : i32 to index
      %get3A_318 = arith.constant 0 : index
      %get3A_319 = arith.constant 0 : index
      %get3A_320 = vector.load %arg4[%get3A_317, %get3A_318, %get3A_319] : memref<80x8x128xf32, #tpu.memory_space<vmem>>, vector<1x8x128xf32>
      %sub3A_321 = vector.broadcast %get3A_312 : vector<1x8x128xf32> to vector<10x8x128xf32>
      %sub3A_322 = arith.subf %broadcast_in_dim3A_136, %sub3A_321 : vector<10x8x128xf32>
      %sub3A_323 = vector.broadcast %get3A_316 : vector<1x8x128xf32> to vector<10x8x128xf32>
      %sub3A_324 = arith.subf %broadcast_in_dim3A_140, %sub3A_323 : vector<10x8x128xf32>
      %sub3A_325 = vector.broadcast %get3A_320 : vector<1x8x128xf32> to vector<10x8x128xf32>
      %sub3A_326 = arith.subf %broadcast_in_dim3A_144, %sub3A_325 : vector<10x8x128xf32>
      %mul3A_327 = arith.mulf %sub3A_322, %sub3A_322 : vector<10x8x128xf32>
      %mul3A_328 = arith.mulf %sub3A_324, %sub3A_324 : vector<10x8x128xf32>
      %add3A_329 = arith.addf %mul3A_327, %mul3A_328 : vector<10x8x128xf32>
      %mul3A_330 = arith.mulf %sub3A_326, %sub3A_326 : vector<10x8x128xf32>
      %add3A_331 = arith.addf %add3A_329, %mul3A_330 : vector<10x8x128xf32>
      %lt3A_332 = arith.cmpf olt, %add3A_331, %min3A_298 : vector<10x8x128xf32>
      %min3A_333 = arith.minimumf %add3A_331, %min3A_298 : vector<10x8x128xf32>
      %broadcast_in_dim3A_334 = vector.broadcast %add3A_308 : f32 to vector<10x8x128xf32>
      %select_n3A_335 = arith.select %lt3A_332, %broadcast_in_dim3A_334, %select_n3A_300 : vector<10x8x128xi1>, vector<10x8x128xf32>
      %mul3A_336 = arith.constant 20 : i32
      %mul3A_337 = arith.muli %scan3A_226, %mul3A_336 : i32
      %add3A_338 = arith.constant 0 : i32
      %add3A_339 = arith.addi %add3A_338, %mul3A_337 : i32
      %add3A_340 = arith.constant 3 : i32
      %add3A_341 = arith.addi %add3A_339, %add3A_340 : i32
      %add3A_342 = arith.constant 3.000000e+00 : f32
      %add3A_343 = arith.addf %add3A_233, %add3A_342 : f32
      %get3A_344 = arith.index_cast %add3A_341 : i32 to index
      %get3A_345 = arith.constant 0 : index
      %get3A_346 = arith.constant 0 : index
      %get3A_347 = vector.load %arg2[%get3A_344, %get3A_345, %get3A_346] : memref<80x8x128xf32, #tpu.memory_space<vmem>>, vector<1x8x128xf32>
      %get3A_348 = arith.index_cast %add3A_341 : i32 to index
      %get3A_349 = arith.constant 0 : index
      %get3A_350 = arith.constant 0 : index
      %get3A_351 = vector.load %arg3[%get3A_348, %get3A_349, %get3A_350] : memref<80x8x128xf32, #tpu.memory_space<vmem>>, vector<1x8x128xf32>
      %get3A_352 = arith.index_cast %add3A_341 : i32 to index
      %get3A_353 = arith.constant 0 : index
      %get3A_354 = arith.constant 0 : index
      %get3A_355 = vector.load %arg4[%get3A_352, %get3A_353, %get3A_354] : memref<80x8x128xf32, #tpu.memory_space<vmem>>, vector<1x8x128xf32>
      %sub3A_356 = vector.broadcast %get3A_347 : vector<1x8x128xf32> to vector<10x8x128xf32>
      %sub3A_357 = arith.subf %broadcast_in_dim3A_136, %sub3A_356 : vector<10x8x128xf32>
      %sub3A_358 = vector.broadcast %get3A_351 : vector<1x8x128xf32> to vector<10x8x128xf32>
      %sub3A_359 = arith.subf %broadcast_in_dim3A_140, %sub3A_358 : vector<10x8x128xf32>
      %sub3A_360 = vector.broadcast %get3A_355 : vector<1x8x128xf32> to vector<10x8x128xf32>
      %sub3A_361 = arith.subf %broadcast_in_dim3A_144, %sub3A_360 : vector<10x8x128xf32>
      %mul3A_362 = arith.mulf %sub3A_357, %sub3A_357 : vector<10x8x128xf32>
      %mul3A_363 = arith.mulf %sub3A_359, %sub3A_359 : vector<10x8x128xf32>
      %add3A_364 = arith.addf %mul3A_362, %mul3A_363 : vector<10x8x128xf32>
      %mul3A_365 = arith.mulf %sub3A_361, %sub3A_361 : vector<10x8x128xf32>
      %add3A_366 = arith.addf %add3A_364, %mul3A_365 : vector<10x8x128xf32>
      %lt3A_367 = arith.cmpf olt, %add3A_366, %min3A_333 : vector<10x8x128xf32>
      %min3A_368 = arith.minimumf %add3A_366, %min3A_333 : vector<10x8x128xf32>
      %broadcast_in_dim3A_369 = vector.broadcast %add3A_343 : f32 to vector<10x8x128xf32>
      %select_n3A_370 = arith.select %lt3A_367, %broadcast_in_dim3A_369, %select_n3A_335 : vector<10x8x128xi1>, vector<10x8x128xf32>
      %mul3A_371 = arith.constant 20 : i32
      %mul3A_372 = arith.muli %scan3A_226, %mul3A_371 : i32
      %add3A_373 = arith.constant 0 : i32
      %add3A_374 = arith.addi %add3A_373, %mul3A_372 : i32
      %add3A_375 = arith.constant 4 : i32
      %add3A_376 = arith.addi %add3A_374, %add3A_375 : i32
      %add3A_377 = arith.constant 4.000000e+00 : f32
      %add3A_378 = arith.addf %add3A_233, %add3A_377 : f32
      %get3A_379 = arith.index_cast %add3A_376 : i32 to index
      %get3A_380 = arith.constant 0 : index
      %get3A_381 = arith.constant 0 : index
      %get3A_382 = vector.load %arg2[%get3A_379, %get3A_380, %get3A_381] : memref<80x8x128xf32, #tpu.memory_space<vmem>>, vector<1x8x128xf32>
      %get3A_383 = arith.index_cast %add3A_376 : i32 to index
      %get3A_384 = arith.constant 0 : index
      %get3A_385 = arith.constant 0 : index
      %get3A_386 = vector.load %arg3[%get3A_383, %get3A_384, %get3A_385] : memref<80x8x128xf32, #tpu.memory_space<vmem>>, vector<1x8x128xf32>
      %get3A_387 = arith.index_cast %add3A_376 : i32 to index
      %get3A_388 = arith.constant 0 : index
      %get3A_389 = arith.constant 0 : index
      %get3A_390 = vector.load %arg4[%get3A_387, %get3A_388, %get3A_389] : memref<80x8x128xf32, #tpu.memory_space<vmem>>, vector<1x8x128xf32>
      %sub3A_391 = vector.broadcast %get3A_382 : vector<1x8x128xf32> to vector<10x8x128xf32>
      %sub3A_392 = arith.subf %broadcast_in_dim3A_136, %sub3A_391 : vector<10x8x128xf32>
      %sub3A_393 = vector.broadcast %get3A_386 : vector<1x8x128xf32> to vector<10x8x128xf32>
      %sub3A_394 = arith.subf %broadcast_in_dim3A_140, %sub3A_393 : vector<10x8x128xf32>
      %sub3A_395 = vector.broadcast %get3A_390 : vector<1x8x128xf32> to vector<10x8x128xf32>
      %sub3A_396 = arith.subf %broadcast_in_dim3A_144, %sub3A_395 : vector<10x8x128xf32>
      %mul3A_397 = arith.mulf %sub3A_392, %sub3A_392 : vector<10x8x128xf32>
      %mul3A_398 = arith.mulf %sub3A_394, %sub3A_394 : vector<10x8x128xf32>
      %add3A_399 = arith.addf %mul3A_397, %mul3A_398 : vector<10x8x128xf32>
      %mul3A_400 = arith.mulf %sub3A_396, %sub3A_396 : vector<10x8x128xf32>
      %add3A_401 = arith.addf %add3A_399, %mul3A_400 : vector<10x8x128xf32>
      %lt3A_402 = arith.cmpf olt, %add3A_401, %min3A_368 : vector<10x8x128xf32>
      %min3A_403 = arith.minimumf %add3A_401, %min3A_368 : vector<10x8x128xf32>
      %broadcast_in_dim3A_404 = vector.broadcast %add3A_378 : f32 to vector<10x8x128xf32>
      %select_n3A_405 = arith.select %lt3A_402, %broadcast_in_dim3A_404, %select_n3A_370 : vector<10x8x128xi1>, vector<10x8x128xf32>
      %mul3A_406 = arith.constant 20 : i32
      %mul3A_407 = arith.muli %scan3A_226, %mul3A_406 : i32
      %add3A_408 = arith.constant 0 : i32
      %add3A_409 = arith.addi %add3A_408, %mul3A_407 : i32
      %add3A_410 = arith.constant 5 : i32
      %add3A_411 = arith.addi %add3A_409, %add3A_410 : i32
      %add3A_412 = arith.constant 5.000000e+00 : f32
      %add3A_413 = arith.addf %add3A_233, %add3A_412 : f32
      %get3A_414 = arith.index_cast %add3A_411 : i32 to index
      %get3A_415 = arith.constant 0 : index
      %get3A_416 = arith.constant 0 : index
      %get3A_417 = vector.load %arg2[%get3A_414, %get3A_415, %get3A_416] : memref<80x8x128xf32, #tpu.memory_space<vmem>>, vector<1x8x128xf32>
      %get3A_418 = arith.index_cast %add3A_411 : i32 to index
      %get3A_419 = arith.constant 0 : index
      %get3A_420 = arith.constant 0 : index
      %get3A_421 = vector.load %arg3[%get3A_418, %get3A_419, %get3A_420] : memref<80x8x128xf32, #tpu.memory_space<vmem>>, vector<1x8x128xf32>
      %get3A_422 = arith.index_cast %add3A_411 : i32 to index
      %get3A_423 = arith.constant 0 : index
      %get3A_424 = arith.constant 0 : index
      %get3A_425 = vector.load %arg4[%get3A_422, %get3A_423, %get3A_424] : memref<80x8x128xf32, #tpu.memory_space<vmem>>, vector<1x8x128xf32>
      %sub3A_426 = vector.broadcast %get3A_417 : vector<1x8x128xf32> to vector<10x8x128xf32>
      %sub3A_427 = arith.subf %broadcast_in_dim3A_136, %sub3A_426 : vector<10x8x128xf32>
      %sub3A_428 = vector.broadcast %get3A_421 : vector<1x8x128xf32> to vector<10x8x128xf32>
      %sub3A_429 = arith.subf %broadcast_in_dim3A_140, %sub3A_428 : vector<10x8x128xf32>
      %sub3A_430 = vector.broadcast %get3A_425 : vector<1x8x128xf32> to vector<10x8x128xf32>
      %sub3A_431 = arith.subf %broadcast_in_dim3A_144, %sub3A_430 : vector<10x8x128xf32>
      %mul3A_432 = arith.mulf %sub3A_427, %sub3A_427 : vector<10x8x128xf32>
      %mul3A_433 = arith.mulf %sub3A_429, %sub3A_429 : vector<10x8x128xf32>
      %add3A_434 = arith.addf %mul3A_432, %mul3A_433 : vector<10x8x128xf32>
      %mul3A_435 = arith.mulf %sub3A_431, %sub3A_431 : vector<10x8x128xf32>
      %add3A_436 = arith.addf %add3A_434, %mul3A_435 : vector<10x8x128xf32>
      %lt3A_437 = arith.cmpf olt, %add3A_436, %min3A_403 : vector<10x8x128xf32>
      %min3A_438 = arith.minimumf %add3A_436, %min3A_403 : vector<10x8x128xf32>
      %broadcast_in_dim3A_439 = vector.broadcast %add3A_413 : f32 to vector<10x8x128xf32>
      %select_n3A_440 = arith.select %lt3A_437, %broadcast_in_dim3A_439, %select_n3A_405 : vector<10x8x128xi1>, vector<10x8x128xf32>
      %mul3A_441 = arith.constant 20 : i32
      %mul3A_442 = arith.muli %scan3A_226, %mul3A_441 : i32
      %add3A_443 = arith.constant 0 : i32
      %add3A_444 = arith.addi %add3A_443, %mul3A_442 : i32
      %add3A_445 = arith.constant 6 : i32
      %add3A_446 = arith.addi %add3A_444, %add3A_445 : i32
      %add3A_447 = arith.constant 6.000000e+00 : f32
      %add3A_448 = arith.addf %add3A_233, %add3A_447 : f32
      %get3A_449 = arith.index_cast %add3A_446 : i32 to index
      %get3A_450 = arith.constant 0 : index
      %get3A_451 = arith.constant 0 : index
      %get3A_452 = vector.load %arg2[%get3A_449, %get3A_450, %get3A_451] : memref<80x8x128xf32, #tpu.memory_space<vmem>>, vector<1x8x128xf32>
      %get3A_453 = arith.index_cast %add3A_446 : i32 to index
      %get3A_454 = arith.constant 0 : index
      %get3A_455 = arith.constant 0 : index
      %get3A_456 = vector.load %arg3[%get3A_453, %get3A_454, %get3A_455] : memref<80x8x128xf32, #tpu.memory_space<vmem>>, vector<1x8x128xf32>
      %get3A_457 = arith.index_cast %add3A_446 : i32 to index
      %get3A_458 = arith.constant 0 : index
      %get3A_459 = arith.constant 0 : index
      %get3A_460 = vector.load %arg4[%get3A_457, %get3A_458, %get3A_459] : memref<80x8x128xf32, #tpu.memory_space<vmem>>, vector<1x8x128xf32>
      %sub3A_461 = vector.broadcast %get3A_452 : vector<1x8x128xf32> to vector<10x8x128xf32>
      %sub3A_462 = arith.subf %broadcast_in_dim3A_136, %sub3A_461 : vector<10x8x128xf32>
      %sub3A_463 = vector.broadcast %get3A_456 : vector<1x8x128xf32> to vector<10x8x128xf32>
      %sub3A_464 = arith.subf %broadcast_in_dim3A_140, %sub3A_463 : vector<10x8x128xf32>
      %sub3A_465 = vector.broadcast %get3A_460 : vector<1x8x128xf32> to vector<10x8x128xf32>
      %sub3A_466 = arith.subf %broadcast_in_dim3A_144, %sub3A_465 : vector<10x8x128xf32>
      %mul3A_467 = arith.mulf %sub3A_462, %sub3A_462 : vector<10x8x128xf32>
      %mul3A_468 = arith.mulf %sub3A_464, %sub3A_464 : vector<10x8x128xf32>
      %add3A_469 = arith.addf %mul3A_467, %mul3A_468 : vector<10x8x128xf32>
      %mul3A_470 = arith.mulf %sub3A_466, %sub3A_466 : vector<10x8x128xf32>
      %add3A_471 = arith.addf %add3A_469, %mul3A_470 : vector<10x8x128xf32>
      %lt3A_472 = arith.cmpf olt, %add3A_471, %min3A_438 : vector<10x8x128xf32>
      %min3A_473 = arith.minimumf %add3A_471, %min3A_438 : vector<10x8x128xf32>
      %broadcast_in_dim3A_474 = vector.broadcast %add3A_448 : f32 to vector<10x8x128xf32>
      %select_n3A_475 = arith.select %lt3A_472, %broadcast_in_dim3A_474, %select_n3A_440 : vector<10x8x128xi1>, vector<10x8x128xf32>
      %mul3A_476 = arith.constant 20 : i32
      %mul3A_477 = arith.muli %scan3A_226, %mul3A_476 : i32
      %add3A_478 = arith.constant 0 : i32
      %add3A_479 = arith.addi %add3A_478, %mul3A_477 : i32
      %add3A_480 = arith.constant 7 : i32
      %add3A_481 = arith.addi %add3A_479, %add3A_480 : i32
      %add3A_482 = arith.constant 7.000000e+00 : f32
      %add3A_483 = arith.addf %add3A_233, %add3A_482 : f32
      %get3A_484 = arith.index_cast %add3A_481 : i32 to index
      %get3A_485 = arith.constant 0 : index
      %get3A_486 = arith.constant 0 : index
      %get3A_487 = vector.load %arg2[%get3A_484, %get3A_485, %get3A_486] : memref<80x8x128xf32, #tpu.memory_space<vmem>>, vector<1x8x128xf32>
      %get3A_488 = arith.index_cast %add3A_481 : i32 to index
      %get3A_489 = arith.constant 0 : index
      %get3A_490 = arith.constant 0 : index
      %get3A_491 = vector.load %arg3[%get3A_488, %get3A_489, %get3A_490] : memref<80x8x128xf32, #tpu.memory_space<vmem>>, vector<1x8x128xf32>
      %get3A_492 = arith.index_cast %add3A_481 : i32 to index
      %get3A_493 = arith.constant 0 : index
      %get3A_494 = arith.constant 0 : index
      %get3A_495 = vector.load %arg4[%get3A_492, %get3A_493, %get3A_494] : memref<80x8x128xf32, #tpu.memory_space<vmem>>, vector<1x8x128xf32>
      %sub3A_496 = vector.broadcast %get3A_487 : vector<1x8x128xf32> to vector<10x8x128xf32>
      %sub3A_497 = arith.subf %broadcast_in_dim3A_136, %sub3A_496 : vector<10x8x128xf32>
      %sub3A_498 = vector.broadcast %get3A_491 : vector<1x8x128xf32> to vector<10x8x128xf32>
      %sub3A_499 = arith.subf %broadcast_in_dim3A_140, %sub3A_498 : vector<10x8x128xf32>
      %sub3A_500 = vector.broadcast %get3A_495 : vector<1x8x128xf32> to vector<10x8x128xf32>
      %sub3A_501 = arith.subf %broadcast_in_dim3A_144, %sub3A_500 : vector<10x8x128xf32>
      %mul3A_502 = arith.mulf %sub3A_497, %sub3A_497 : vector<10x8x128xf32>
      %mul3A_503 = arith.mulf %sub3A_499, %sub3A_499 : vector<10x8x128xf32>
      %add3A_504 = arith.addf %mul3A_502, %mul3A_503 : vector<10x8x128xf32>
      %mul3A_505 = arith.mulf %sub3A_501, %sub3A_501 : vector<10x8x128xf32>
      %add3A_506 = arith.addf %add3A_504, %mul3A_505 : vector<10x8x128xf32>
      %lt3A_507 = arith.cmpf olt, %add3A_506, %min3A_473 : vector<10x8x128xf32>
      %min3A_508 = arith.minimumf %add3A_506, %min3A_473 : vector<10x8x128xf32>
      %broadcast_in_dim3A_509 = vector.broadcast %add3A_483 : f32 to vector<10x8x128xf32>
      %select_n3A_510 = arith.select %lt3A_507, %broadcast_in_dim3A_509, %select_n3A_475 : vector<10x8x128xi1>, vector<10x8x128xf32>
      %mul3A_511 = arith.constant 20 : i32
      %mul3A_512 = arith.muli %scan3A_226, %mul3A_511 : i32
      %add3A_513 = arith.constant 0 : i32
      %add3A_514 = arith.addi %add3A_513, %mul3A_512 : i32
      %add3A_515 = arith.constant 8 : i32
      %add3A_516 = arith.addi %add3A_514, %add3A_515 : i32
      %add3A_517 = arith.constant 8.000000e+00 : f32
      %add3A_518 = arith.addf %add3A_233, %add3A_517 : f32
      %get3A_519 = arith.index_cast %add3A_516 : i32 to index
      %get3A_520 = arith.constant 0 : index
      %get3A_521 = arith.constant 0 : index
      %get3A_522 = vector.load %arg2[%get3A_519, %get3A_520, %get3A_521] : memref<80x8x128xf32, #tpu.memory_space<vmem>>, vector<1x8x128xf32>
      %get3A_523 = arith.index_cast %add3A_516 : i32 to index
      %get3A_524 = arith.constant 0 : index
      %get3A_525 = arith.constant 0 : index
      %get3A_526 = vector.load %arg3[%get3A_523, %get3A_524, %get3A_525] : memref<80x8x128xf32, #tpu.memory_space<vmem>>, vector<1x8x128xf32>
      %get3A_527 = arith.index_cast %add3A_516 : i32 to index
      %get3A_528 = arith.constant 0 : index
      %get3A_529 = arith.constant 0 : index
      %get3A_530 = vector.load %arg4[%get3A_527, %get3A_528, %get3A_529] : memref<80x8x128xf32, #tpu.memory_space<vmem>>, vector<1x8x128xf32>
      %sub3A_531 = vector.broadcast %get3A_522 : vector<1x8x128xf32> to vector<10x8x128xf32>
      %sub3A_532 = arith.subf %broadcast_in_dim3A_136, %sub3A_531 : vector<10x8x128xf32>
      %sub3A_533 = vector.broadcast %get3A_526 : vector<1x8x128xf32> to vector<10x8x128xf32>
      %sub3A_534 = arith.subf %broadcast_in_dim3A_140, %sub3A_533 : vector<10x8x128xf32>
      %sub3A_535 = vector.broadcast %get3A_530 : vector<1x8x128xf32> to vector<10x8x128xf32>
      %sub3A_536 = arith.subf %broadcast_in_dim3A_144, %sub3A_535 : vector<10x8x128xf32>
      %mul3A_537 = arith.mulf %sub3A_532, %sub3A_532 : vector<10x8x128xf32>
      %mul3A_538 = arith.mulf %sub3A_534, %sub3A_534 : vector<10x8x128xf32>
      %add3A_539 = arith.addf %mul3A_537, %mul3A_538 : vector<10x8x128xf32>
      %mul3A_540 = arith.mulf %sub3A_536, %sub3A_536 : vector<10x8x128xf32>
      %add3A_541 = arith.addf %add3A_539, %mul3A_540 : vector<10x8x128xf32>
      %lt3A_542 = arith.cmpf olt, %add3A_541, %min3A_508 : vector<10x8x128xf32>
      %min3A_543 = arith.minimumf %add3A_541, %min3A_508 : vector<10x8x128xf32>
      %broadcast_in_dim3A_544 = vector.broadcast %add3A_518 : f32 to vector<10x8x128xf32>
      %select_n3A_545 = arith.select %lt3A_542, %broadcast_in_dim3A_544, %select_n3A_510 : vector<10x8x128xi1>, vector<10x8x128xf32>
      %mul3A_546 = arith.constant 20 : i32
      %mul3A_547 = arith.muli %scan3A_226, %mul3A_546 : i32
      %add3A_548 = arith.constant 0 : i32
      %add3A_549 = arith.addi %add3A_548, %mul3A_547 : i32
      %add3A_550 = arith.constant 9 : i32
      %add3A_551 = arith.addi %add3A_549, %add3A_550 : i32
      %add3A_552 = arith.constant 9.000000e+00 : f32
      %add3A_553 = arith.addf %add3A_233, %add3A_552 : f32
      %get3A_554 = arith.index_cast %add3A_551 : i32 to index
      %get3A_555 = arith.constant 0 : index
      %get3A_556 = arith.constant 0 : index
      %get3A_557 = vector.load %arg2[%get3A_554, %get3A_555, %get3A_556] : memref<80x8x128xf32, #tpu.memory_space<vmem>>, vector<1x8x128xf32>
      %get3A_558 = arith.index_cast %add3A_551 : i32 to index
      %get3A_559 = arith.constant 0 : index
      %get3A_560 = arith.constant 0 : index
      %get3A_561 = vector.load %arg3[%get3A_558, %get3A_559, %get3A_560] : memref<80x8x128xf32, #tpu.memory_space<vmem>>, vector<1x8x128xf32>
      %get3A_562 = arith.index_cast %add3A_551 : i32 to index
      %get3A_563 = arith.constant 0 : index
      %get3A_564 = arith.constant 0 : index
      %get3A_565 = vector.load %arg4[%get3A_562, %get3A_563, %get3A_564] : memref<80x8x128xf32, #tpu.memory_space<vmem>>, vector<1x8x128xf32>
      %sub3A_566 = vector.broadcast %get3A_557 : vector<1x8x128xf32> to vector<10x8x128xf32>
      %sub3A_567 = arith.subf %broadcast_in_dim3A_136, %sub3A_566 : vector<10x8x128xf32>
      %sub3A_568 = vector.broadcast %get3A_561 : vector<1x8x128xf32> to vector<10x8x128xf32>
      %sub3A_569 = arith.subf %broadcast_in_dim3A_140, %sub3A_568 : vector<10x8x128xf32>
      %sub3A_570 = vector.broadcast %get3A_565 : vector<1x8x128xf32> to vector<10x8x128xf32>
      %sub3A_571 = arith.subf %broadcast_in_dim3A_144, %sub3A_570 : vector<10x8x128xf32>
      %mul3A_572 = arith.mulf %sub3A_567, %sub3A_567 : vector<10x8x128xf32>
      %mul3A_573 = arith.mulf %sub3A_569, %sub3A_569 : vector<10x8x128xf32>
      %add3A_574 = arith.addf %mul3A_572, %mul3A_573 : vector<10x8x128xf32>
      %mul3A_575 = arith.mulf %sub3A_571, %sub3A_571 : vector<10x8x128xf32>
      %add3A_576 = arith.addf %add3A_574, %mul3A_575 : vector<10x8x128xf32>
      %lt3A_577 = arith.cmpf olt, %add3A_576, %min3A_543 : vector<10x8x128xf32>
      %min3A_578 = arith.minimumf %add3A_576, %min3A_543 : vector<10x8x128xf32>
      %broadcast_in_dim3A_579 = vector.broadcast %add3A_553 : f32 to vector<10x8x128xf32>
      %select_n3A_580 = arith.select %lt3A_577, %broadcast_in_dim3A_579, %select_n3A_545 : vector<10x8x128xi1>, vector<10x8x128xf32>
      %mul3A_581 = arith.constant 20 : i32
      %mul3A_582 = arith.muli %scan3A_226, %mul3A_581 : i32
      %add3A_583 = arith.constant 0 : i32
      %add3A_584 = arith.addi %add3A_583, %mul3A_582 : i32
      %add3A_585 = arith.constant 10 : i32
      %add3A_586 = arith.addi %add3A_584, %add3A_585 : i32
      %add3A_587 = arith.constant 1.000000e+01 : f32
      %add3A_588 = arith.addf %add3A_233, %add3A_587 : f32
      %get3A_589 = arith.index_cast %add3A_586 : i32 to index
      %get3A_590 = arith.constant 0 : index
      %get3A_591 = arith.constant 0 : index
      %get3A_592 = vector.load %arg2[%get3A_589, %get3A_590, %get3A_591] : memref<80x8x128xf32, #tpu.memory_space<vmem>>, vector<1x8x128xf32>
      %get3A_593 = arith.index_cast %add3A_586 : i32 to index
      %get3A_594 = arith.constant 0 : index
      %get3A_595 = arith.constant 0 : index
      %get3A_596 = vector.load %arg3[%get3A_593, %get3A_594, %get3A_595] : memref<80x8x128xf32, #tpu.memory_space<vmem>>, vector<1x8x128xf32>
      %get3A_597 = arith.index_cast %add3A_586 : i32 to index
      %get3A_598 = arith.constant 0 : index
      %get3A_599 = arith.constant 0 : index
      %get3A_600 = vector.load %arg4[%get3A_597, %get3A_598, %get3A_599] : memref<80x8x128xf32, #tpu.memory_space<vmem>>, vector<1x8x128xf32>
      %sub3A_601 = vector.broadcast %get3A_592 : vector<1x8x128xf32> to vector<10x8x128xf32>
      %sub3A_602 = arith.subf %broadcast_in_dim3A_136, %sub3A_601 : vector<10x8x128xf32>
      %sub3A_603 = vector.broadcast %get3A_596 : vector<1x8x128xf32> to vector<10x8x128xf32>
      %sub3A_604 = arith.subf %broadcast_in_dim3A_140, %sub3A_603 : vector<10x8x128xf32>
      %sub3A_605 = vector.broadcast %get3A_600 : vector<1x8x128xf32> to vector<10x8x128xf32>
      %sub3A_606 = arith.subf %broadcast_in_dim3A_144, %sub3A_605 : vector<10x8x128xf32>
      %mul3A_607 = arith.mulf %sub3A_602, %sub3A_602 : vector<10x8x128xf32>
      %mul3A_608 = arith.mulf %sub3A_604, %sub3A_604 : vector<10x8x128xf32>
      %add3A_609 = arith.addf %mul3A_607, %mul3A_608 : vector<10x8x128xf32>
      %mul3A_610 = arith.mulf %sub3A_606, %sub3A_606 : vector<10x8x128xf32>
      %add3A_611 = arith.addf %add3A_609, %mul3A_610 : vector<10x8x128xf32>
      %lt3A_612 = arith.cmpf olt, %add3A_611, %min3A_578 : vector<10x8x128xf32>
      %min3A_613 = arith.minimumf %add3A_611, %min3A_578 : vector<10x8x128xf32>
      %broadcast_in_dim3A_614 = vector.broadcast %add3A_588 : f32 to vector<10x8x128xf32>
      %select_n3A_615 = arith.select %lt3A_612, %broadcast_in_dim3A_614, %select_n3A_580 : vector<10x8x128xi1>, vector<10x8x128xf32>
      %mul3A_616 = arith.constant 20 : i32
      %mul3A_617 = arith.muli %scan3A_226, %mul3A_616 : i32
      %add3A_618 = arith.constant 0 : i32
      %add3A_619 = arith.addi %add3A_618, %mul3A_617 : i32
      %add3A_620 = arith.constant 11 : i32
      %add3A_621 = arith.addi %add3A_619, %add3A_620 : i32
      %add3A_622 = arith.constant 1.100000e+01 : f32
      %add3A_623 = arith.addf %add3A_233, %add3A_622 : f32
      %get3A_624 = arith.index_cast %add3A_621 : i32 to index
      %get3A_625 = arith.constant 0 : index
      %get3A_626 = arith.constant 0 : index
      %get3A_627 = vector.load %arg2[%get3A_624, %get3A_625, %get3A_626] : memref<80x8x128xf32, #tpu.memory_space<vmem>>, vector<1x8x128xf32>
      %get3A_628 = arith.index_cast %add3A_621 : i32 to index
      %get3A_629 = arith.constant 0 : index
      %get3A_630 = arith.constant 0 : index
      %get3A_631 = vector.load %arg3[%get3A_628, %get3A_629, %get3A_630] : memref<80x8x128xf32, #tpu.memory_space<vmem>>, vector<1x8x128xf32>
      %get3A_632 = arith.index_cast %add3A_621 : i32 to index
      %get3A_633 = arith.constant 0 : index
      %get3A_634 = arith.constant 0 : index
      %get3A_635 = vector.load %arg4[%get3A_632, %get3A_633, %get3A_634] : memref<80x8x128xf32, #tpu.memory_space<vmem>>, vector<1x8x128xf32>
      %sub3A_636 = vector.broadcast %get3A_627 : vector<1x8x128xf32> to vector<10x8x128xf32>
      %sub3A_637 = arith.subf %broadcast_in_dim3A_136, %sub3A_636 : vector<10x8x128xf32>
      %sub3A_638 = vector.broadcast %get3A_631 : vector<1x8x128xf32> to vector<10x8x128xf32>
      %sub3A_639 = arith.subf %broadcast_in_dim3A_140, %sub3A_638 : vector<10x8x128xf32>
      %sub3A_640 = vector.broadcast %get3A_635 : vector<1x8x128xf32> to vector<10x8x128xf32>
      %sub3A_641 = arith.subf %broadcast_in_dim3A_144, %sub3A_640 : vector<10x8x128xf32>
      %mul3A_642 = arith.mulf %sub3A_637, %sub3A_637 : vector<10x8x128xf32>
      %mul3A_643 = arith.mulf %sub3A_639, %sub3A_639 : vector<10x8x128xf32>
      %add3A_644 = arith.addf %mul3A_642, %mul3A_643 : vector<10x8x128xf32>
      %mul3A_645 = arith.mulf %sub3A_641, %sub3A_641 : vector<10x8x128xf32>
      %add3A_646 = arith.addf %add3A_644, %mul3A_645 : vector<10x8x128xf32>
      %lt3A_647 = arith.cmpf olt, %add3A_646, %min3A_613 : vector<10x8x128xf32>
      %min3A_648 = arith.minimumf %add3A_646, %min3A_613 : vector<10x8x128xf32>
      %broadcast_in_dim3A_649 = vector.broadcast %add3A_623 : f32 to vector<10x8x128xf32>
      %select_n3A_650 = arith.select %lt3A_647, %broadcast_in_dim3A_649, %select_n3A_615 : vector<10x8x128xi1>, vector<10x8x128xf32>
      %mul3A_651 = arith.constant 20 : i32
      %mul3A_652 = arith.muli %scan3A_226, %mul3A_651 : i32
      %add3A_653 = arith.constant 0 : i32
      %add3A_654 = arith.addi %add3A_653, %mul3A_652 : i32
      %add3A_655 = arith.constant 12 : i32
      %add3A_656 = arith.addi %add3A_654, %add3A_655 : i32
      %add3A_657 = arith.constant 1.200000e+01 : f32
      %add3A_658 = arith.addf %add3A_233, %add3A_657 : f32
      %get3A_659 = arith.index_cast %add3A_656 : i32 to index
      %get3A_660 = arith.constant 0 : index
      %get3A_661 = arith.constant 0 : index
      %get3A_662 = vector.load %arg2[%get3A_659, %get3A_660, %get3A_661] : memref<80x8x128xf32, #tpu.memory_space<vmem>>, vector<1x8x128xf32>
      %get3A_663 = arith.index_cast %add3A_656 : i32 to index
      %get3A_664 = arith.constant 0 : index
      %get3A_665 = arith.constant 0 : index
      %get3A_666 = vector.load %arg3[%get3A_663, %get3A_664, %get3A_665] : memref<80x8x128xf32, #tpu.memory_space<vmem>>, vector<1x8x128xf32>
      %get3A_667 = arith.index_cast %add3A_656 : i32 to index
      %get3A_668 = arith.constant 0 : index
      %get3A_669 = arith.constant 0 : index
      %get3A_670 = vector.load %arg4[%get3A_667, %get3A_668, %get3A_669] : memref<80x8x128xf32, #tpu.memory_space<vmem>>, vector<1x8x128xf32>
      %sub3A_671 = vector.broadcast %get3A_662 : vector<1x8x128xf32> to vector<10x8x128xf32>
      %sub3A_672 = arith.subf %broadcast_in_dim3A_136, %sub3A_671 : vector<10x8x128xf32>
      %sub3A_673 = vector.broadcast %get3A_666 : vector<1x8x128xf32> to vector<10x8x128xf32>
      %sub3A_674 = arith.subf %broadcast_in_dim3A_140, %sub3A_673 : vector<10x8x128xf32>
      %sub3A_675 = vector.broadcast %get3A_670 : vector<1x8x128xf32> to vector<10x8x128xf32>
      %sub3A_676 = arith.subf %broadcast_in_dim3A_144, %sub3A_675 : vector<10x8x128xf32>
      %mul3A_677 = arith.mulf %sub3A_672, %sub3A_672 : vector<10x8x128xf32>
      %mul3A_678 = arith.mulf %sub3A_674, %sub3A_674 : vector<10x8x128xf32>
      %add3A_679 = arith.addf %mul3A_677, %mul3A_678 : vector<10x8x128xf32>
      %mul3A_680 = arith.mulf %sub3A_676, %sub3A_676 : vector<10x8x128xf32>
      %add3A_681 = arith.addf %add3A_679, %mul3A_680 : vector<10x8x128xf32>
      %lt3A_682 = arith.cmpf olt, %add3A_681, %min3A_648 : vector<10x8x128xf32>
      %min3A_683 = arith.minimumf %add3A_681, %min3A_648 : vector<10x8x128xf32>
      %broadcast_in_dim3A_684 = vector.broadcast %add3A_658 : f32 to vector<10x8x128xf32>
      %select_n3A_685 = arith.select %lt3A_682, %broadcast_in_dim3A_684, %select_n3A_650 : vector<10x8x128xi1>, vector<10x8x128xf32>
      %mul3A_686 = arith.constant 20 : i32
      %mul3A_687 = arith.muli %scan3A_226, %mul3A_686 : i32
      %add3A_688 = arith.constant 0 : i32
      %add3A_689 = arith.addi %add3A_688, %mul3A_687 : i32
      %add3A_690 = arith.constant 13 : i32
      %add3A_691 = arith.addi %add3A_689, %add3A_690 : i32
      %add3A_692 = arith.constant 1.300000e+01 : f32
      %add3A_693 = arith.addf %add3A_233, %add3A_692 : f32
      %get3A_694 = arith.index_cast %add3A_691 : i32 to index
      %get3A_695 = arith.constant 0 : index
      %get3A_696 = arith.constant 0 : index
      %get3A_697 = vector.load %arg2[%get3A_694, %get3A_695, %get3A_696] : memref<80x8x128xf32, #tpu.memory_space<vmem>>, vector<1x8x128xf32>
      %get3A_698 = arith.index_cast %add3A_691 : i32 to index
      %get3A_699 = arith.constant 0 : index
      %get3A_700 = arith.constant 0 : index
      %get3A_701 = vector.load %arg3[%get3A_698, %get3A_699, %get3A_700] : memref<80x8x128xf32, #tpu.memory_space<vmem>>, vector<1x8x128xf32>
      %get3A_702 = arith.index_cast %add3A_691 : i32 to index
      %get3A_703 = arith.constant 0 : index
      %get3A_704 = arith.constant 0 : index
      %get3A_705 = vector.load %arg4[%get3A_702, %get3A_703, %get3A_704] : memref<80x8x128xf32, #tpu.memory_space<vmem>>, vector<1x8x128xf32>
      %sub3A_706 = vector.broadcast %get3A_697 : vector<1x8x128xf32> to vector<10x8x128xf32>
      %sub3A_707 = arith.subf %broadcast_in_dim3A_136, %sub3A_706 : vector<10x8x128xf32>
      %sub3A_708 = vector.broadcast %get3A_701 : vector<1x8x128xf32> to vector<10x8x128xf32>
      %sub3A_709 = arith.subf %broadcast_in_dim3A_140, %sub3A_708 : vector<10x8x128xf32>
      %sub3A_710 = vector.broadcast %get3A_705 : vector<1x8x128xf32> to vector<10x8x128xf32>
      %sub3A_711 = arith.subf %broadcast_in_dim3A_144, %sub3A_710 : vector<10x8x128xf32>
      %mul3A_712 = arith.mulf %sub3A_707, %sub3A_707 : vector<10x8x128xf32>
      %mul3A_713 = arith.mulf %sub3A_709, %sub3A_709 : vector<10x8x128xf32>
      %add3A_714 = arith.addf %mul3A_712, %mul3A_713 : vector<10x8x128xf32>
      %mul3A_715 = arith.mulf %sub3A_711, %sub3A_711 : vector<10x8x128xf32>
      %add3A_716 = arith.addf %add3A_714, %mul3A_715 : vector<10x8x128xf32>
      %lt3A_717 = arith.cmpf olt, %add3A_716, %min3A_683 : vector<10x8x128xf32>
      %min3A_718 = arith.minimumf %add3A_716, %min3A_683 : vector<10x8x128xf32>
      %broadcast_in_dim3A_719 = vector.broadcast %add3A_693 : f32 to vector<10x8x128xf32>
      %select_n3A_720 = arith.select %lt3A_717, %broadcast_in_dim3A_719, %select_n3A_685 : vector<10x8x128xi1>, vector<10x8x128xf32>
      %mul3A_721 = arith.constant 20 : i32
      %mul3A_722 = arith.muli %scan3A_226, %mul3A_721 : i32
      %add3A_723 = arith.constant 0 : i32
      %add3A_724 = arith.addi %add3A_723, %mul3A_722 : i32
      %add3A_725 = arith.constant 14 : i32
      %add3A_726 = arith.addi %add3A_724, %add3A_725 : i32
      %add3A_727 = arith.constant 1.400000e+01 : f32
      %add3A_728 = arith.addf %add3A_233, %add3A_727 : f32
      %get3A_729 = arith.index_cast %add3A_726 : i32 to index
      %get3A_730 = arith.constant 0 : index
      %get3A_731 = arith.constant 0 : index
      %get3A_732 = vector.load %arg2[%get3A_729, %get3A_730, %get3A_731] : memref<80x8x128xf32, #tpu.memory_space<vmem>>, vector<1x8x128xf32>
      %get3A_733 = arith.index_cast %add3A_726 : i32 to index
      %get3A_734 = arith.constant 0 : index
      %get3A_735 = arith.constant 0 : index
      %get3A_736 = vector.load %arg3[%get3A_733, %get3A_734, %get3A_735] : memref<80x8x128xf32, #tpu.memory_space<vmem>>, vector<1x8x128xf32>
      %get3A_737 = arith.index_cast %add3A_726 : i32 to index
      %get3A_738 = arith.constant 0 : index
      %get3A_739 = arith.constant 0 : index
      %get3A_740 = vector.load %arg4[%get3A_737, %get3A_738, %get3A_739] : memref<80x8x128xf32, #tpu.memory_space<vmem>>, vector<1x8x128xf32>
      %sub3A_741 = vector.broadcast %get3A_732 : vector<1x8x128xf32> to vector<10x8x128xf32>
      %sub3A_742 = arith.subf %broadcast_in_dim3A_136, %sub3A_741 : vector<10x8x128xf32>
      %sub3A_743 = vector.broadcast %get3A_736 : vector<1x8x128xf32> to vector<10x8x128xf32>
      %sub3A_744 = arith.subf %broadcast_in_dim3A_140, %sub3A_743 : vector<10x8x128xf32>
      %sub3A_745 = vector.broadcast %get3A_740 : vector<1x8x128xf32> to vector<10x8x128xf32>
      %sub3A_746 = arith.subf %broadcast_in_dim3A_144, %sub3A_745 : vector<10x8x128xf32>
      %mul3A_747 = arith.mulf %sub3A_742, %sub3A_742 : vector<10x8x128xf32>
      %mul3A_748 = arith.mulf %sub3A_744, %sub3A_744 : vector<10x8x128xf32>
      %add3A_749 = arith.addf %mul3A_747, %mul3A_748 : vector<10x8x128xf32>
      %mul3A_750 = arith.mulf %sub3A_746, %sub3A_746 : vector<10x8x128xf32>
      %add3A_751 = arith.addf %add3A_749, %mul3A_750 : vector<10x8x128xf32>
      %lt3A_752 = arith.cmpf olt, %add3A_751, %min3A_718 : vector<10x8x128xf32>
      %min3A_753 = arith.minimumf %add3A_751, %min3A_718 : vector<10x8x128xf32>
      %broadcast_in_dim3A_754 = vector.broadcast %add3A_728 : f32 to vector<10x8x128xf32>
      %select_n3A_755 = arith.select %lt3A_752, %broadcast_in_dim3A_754, %select_n3A_720 : vector<10x8x128xi1>, vector<10x8x128xf32>
      %mul3A_756 = arith.constant 20 : i32
      %mul3A_757 = arith.muli %scan3A_226, %mul3A_756 : i32
      %add3A_758 = arith.constant 0 : i32
      %add3A_759 = arith.addi %add3A_758, %mul3A_757 : i32
      %add3A_760 = arith.constant 15 : i32
      %add3A_761 = arith.addi %add3A_759, %add3A_760 : i32
      %add3A_762 = arith.constant 1.500000e+01 : f32
      %add3A_763 = arith.addf %add3A_233, %add3A_762 : f32
      %get3A_764 = arith.index_cast %add3A_761 : i32 to index
      %get3A_765 = arith.constant 0 : index
      %get3A_766 = arith.constant 0 : index
      %get3A_767 = vector.load %arg2[%get3A_764, %get3A_765, %get3A_766] : memref<80x8x128xf32, #tpu.memory_space<vmem>>, vector<1x8x128xf32>
      %get3A_768 = arith.index_cast %add3A_761 : i32 to index
      %get3A_769 = arith.constant 0 : index
      %get3A_770 = arith.constant 0 : index
      %get3A_771 = vector.load %arg3[%get3A_768, %get3A_769, %get3A_770] : memref<80x8x128xf32, #tpu.memory_space<vmem>>, vector<1x8x128xf32>
      %get3A_772 = arith.index_cast %add3A_761 : i32 to index
      %get3A_773 = arith.constant 0 : index
      %get3A_774 = arith.constant 0 : index
      %get3A_775 = vector.load %arg4[%get3A_772, %get3A_773, %get3A_774] : memref<80x8x128xf32, #tpu.memory_space<vmem>>, vector<1x8x128xf32>
      %sub3A_776 = vector.broadcast %get3A_767 : vector<1x8x128xf32> to vector<10x8x128xf32>
      %sub3A_777 = arith.subf %broadcast_in_dim3A_136, %sub3A_776 : vector<10x8x128xf32>
      %sub3A_778 = vector.broadcast %get3A_771 : vector<1x8x128xf32> to vector<10x8x128xf32>
      %sub3A_779 = arith.subf %broadcast_in_dim3A_140, %sub3A_778 : vector<10x8x128xf32>
      %sub3A_780 = vector.broadcast %get3A_775 : vector<1x8x128xf32> to vector<10x8x128xf32>
      %sub3A_781 = arith.subf %broadcast_in_dim3A_144, %sub3A_780 : vector<10x8x128xf32>
      %mul3A_782 = arith.mulf %sub3A_777, %sub3A_777 : vector<10x8x128xf32>
      %mul3A_783 = arith.mulf %sub3A_779, %sub3A_779 : vector<10x8x128xf32>
      %add3A_784 = arith.addf %mul3A_782, %mul3A_783 : vector<10x8x128xf32>
      %mul3A_785 = arith.mulf %sub3A_781, %sub3A_781 : vector<10x8x128xf32>
      %add3A_786 = arith.addf %add3A_784, %mul3A_785 : vector<10x8x128xf32>
      %lt3A_787 = arith.cmpf olt, %add3A_786, %min3A_753 : vector<10x8x128xf32>
      %min3A_788 = arith.minimumf %add3A_786, %min3A_753 : vector<10x8x128xf32>
      %broadcast_in_dim3A_789 = vector.broadcast %add3A_763 : f32 to vector<10x8x128xf32>
      %select_n3A_790 = arith.select %lt3A_787, %broadcast_in_dim3A_789, %select_n3A_755 : vector<10x8x128xi1>, vector<10x8x128xf32>
      %mul3A_791 = arith.constant 20 : i32
      %mul3A_792 = arith.muli %scan3A_226, %mul3A_791 : i32
      %add3A_793 = arith.constant 0 : i32
      %add3A_794 = arith.addi %add3A_793, %mul3A_792 : i32
      %add3A_795 = arith.constant 16 : i32
      %add3A_796 = arith.addi %add3A_794, %add3A_795 : i32
      %add3A_797 = arith.constant 1.600000e+01 : f32
      %add3A_798 = arith.addf %add3A_233, %add3A_797 : f32
      %get3A_799 = arith.index_cast %add3A_796 : i32 to index
      %get3A_800 = arith.constant 0 : index
      %get3A_801 = arith.constant 0 : index
      %get3A_802 = vector.load %arg2[%get3A_799, %get3A_800, %get3A_801] : memref<80x8x128xf32, #tpu.memory_space<vmem>>, vector<1x8x128xf32>
      %get3A_803 = arith.index_cast %add3A_796 : i32 to index
      %get3A_804 = arith.constant 0 : index
      %get3A_805 = arith.constant 0 : index
      %get3A_806 = vector.load %arg3[%get3A_803, %get3A_804, %get3A_805] : memref<80x8x128xf32, #tpu.memory_space<vmem>>, vector<1x8x128xf32>
      %get3A_807 = arith.index_cast %add3A_796 : i32 to index
      %get3A_808 = arith.constant 0 : index
      %get3A_809 = arith.constant 0 : index
      %get3A_810 = vector.load %arg4[%get3A_807, %get3A_808, %get3A_809] : memref<80x8x128xf32, #tpu.memory_space<vmem>>, vector<1x8x128xf32>
      %sub3A_811 = vector.broadcast %get3A_802 : vector<1x8x128xf32> to vector<10x8x128xf32>
      %sub3A_812 = arith.subf %broadcast_in_dim3A_136, %sub3A_811 : vector<10x8x128xf32>
      %sub3A_813 = vector.broadcast %get3A_806 : vector<1x8x128xf32> to vector<10x8x128xf32>
      %sub3A_814 = arith.subf %broadcast_in_dim3A_140, %sub3A_813 : vector<10x8x128xf32>
      %sub3A_815 = vector.broadcast %get3A_810 : vector<1x8x128xf32> to vector<10x8x128xf32>
      %sub3A_816 = arith.subf %broadcast_in_dim3A_144, %sub3A_815 : vector<10x8x128xf32>
      %mul3A_817 = arith.mulf %sub3A_812, %sub3A_812 : vector<10x8x128xf32>
      %mul3A_818 = arith.mulf %sub3A_814, %sub3A_814 : vector<10x8x128xf32>
      %add3A_819 = arith.addf %mul3A_817, %mul3A_818 : vector<10x8x128xf32>
      %mul3A_820 = arith.mulf %sub3A_816, %sub3A_816 : vector<10x8x128xf32>
      %add3A_821 = arith.addf %add3A_819, %mul3A_820 : vector<10x8x128xf32>
      %lt3A_822 = arith.cmpf olt, %add3A_821, %min3A_788 : vector<10x8x128xf32>
      %min3A_823 = arith.minimumf %add3A_821, %min3A_788 : vector<10x8x128xf32>
      %broadcast_in_dim3A_824 = vector.broadcast %add3A_798 : f32 to vector<10x8x128xf32>
      %select_n3A_825 = arith.select %lt3A_822, %broadcast_in_dim3A_824, %select_n3A_790 : vector<10x8x128xi1>, vector<10x8x128xf32>
      %mul3A_826 = arith.constant 20 : i32
      %mul3A_827 = arith.muli %scan3A_226, %mul3A_826 : i32
      %add3A_828 = arith.constant 0 : i32
      %add3A_829 = arith.addi %add3A_828, %mul3A_827 : i32
      %add3A_830 = arith.constant 17 : i32
      %add3A_831 = arith.addi %add3A_829, %add3A_830 : i32
      %add3A_832 = arith.constant 1.700000e+01 : f32
      %add3A_833 = arith.addf %add3A_233, %add3A_832 : f32
      %get3A_834 = arith.index_cast %add3A_831 : i32 to index
      %get3A_835 = arith.constant 0 : index
      %get3A_836 = arith.constant 0 : index
      %get3A_837 = vector.load %arg2[%get3A_834, %get3A_835, %get3A_836] : memref<80x8x128xf32, #tpu.memory_space<vmem>>, vector<1x8x128xf32>
      %get3A_838 = arith.index_cast %add3A_831 : i32 to index
      %get3A_839 = arith.constant 0 : index
      %get3A_840 = arith.constant 0 : index
      %get3A_841 = vector.load %arg3[%get3A_838, %get3A_839, %get3A_840] : memref<80x8x128xf32, #tpu.memory_space<vmem>>, vector<1x8x128xf32>
      %get3A_842 = arith.index_cast %add3A_831 : i32 to index
      %get3A_843 = arith.constant 0 : index
      %get3A_844 = arith.constant 0 : index
      %get3A_845 = vector.load %arg4[%get3A_842, %get3A_843, %get3A_844] : memref<80x8x128xf32, #tpu.memory_space<vmem>>, vector<1x8x128xf32>
      %sub3A_846 = vector.broadcast %get3A_837 : vector<1x8x128xf32> to vector<10x8x128xf32>
      %sub3A_847 = arith.subf %broadcast_in_dim3A_136, %sub3A_846 : vector<10x8x128xf32>
      %sub3A_848 = vector.broadcast %get3A_841 : vector<1x8x128xf32> to vector<10x8x128xf32>
      %sub3A_849 = arith.subf %broadcast_in_dim3A_140, %sub3A_848 : vector<10x8x128xf32>
      %sub3A_850 = vector.broadcast %get3A_845 : vector<1x8x128xf32> to vector<10x8x128xf32>
      %sub3A_851 = arith.subf %broadcast_in_dim3A_144, %sub3A_850 : vector<10x8x128xf32>
      %mul3A_852 = arith.mulf %sub3A_847, %sub3A_847 : vector<10x8x128xf32>
      %mul3A_853 = arith.mulf %sub3A_849, %sub3A_849 : vector<10x8x128xf32>
      %add3A_854 = arith.addf %mul3A_852, %mul3A_853 : vector<10x8x128xf32>
      %mul3A_855 = arith.mulf %sub3A_851, %sub3A_851 : vector<10x8x128xf32>
      %add3A_856 = arith.addf %add3A_854, %mul3A_855 : vector<10x8x128xf32>
      %lt3A_857 = arith.cmpf olt, %add3A_856, %min3A_823 : vector<10x8x128xf32>
      %min3A_858 = arith.minimumf %add3A_856, %min3A_823 : vector<10x8x128xf32>
      %broadcast_in_dim3A_859 = vector.broadcast %add3A_833 : f32 to vector<10x8x128xf32>
      %select_n3A_860 = arith.select %lt3A_857, %broadcast_in_dim3A_859, %select_n3A_825 : vector<10x8x128xi1>, vector<10x8x128xf32>
      %mul3A_861 = arith.constant 20 : i32
      %mul3A_862 = arith.muli %scan3A_226, %mul3A_861 : i32
      %add3A_863 = arith.constant 0 : i32
      %add3A_864 = arith.addi %add3A_863, %mul3A_862 : i32
      %add3A_865 = arith.constant 18 : i32
      %add3A_866 = arith.addi %add3A_864, %add3A_865 : i32
      %add3A_867 = arith.constant 1.800000e+01 : f32
      %add3A_868 = arith.addf %add3A_233, %add3A_867 : f32
      %get3A_869 = arith.index_cast %add3A_866 : i32 to index
      %get3A_870 = arith.constant 0 : index
      %get3A_871 = arith.constant 0 : index
      %get3A_872 = vector.load %arg2[%get3A_869, %get3A_870, %get3A_871] : memref<80x8x128xf32, #tpu.memory_space<vmem>>, vector<1x8x128xf32>
      %get3A_873 = arith.index_cast %add3A_866 : i32 to index
      %get3A_874 = arith.constant 0 : index
      %get3A_875 = arith.constant 0 : index
      %get3A_876 = vector.load %arg3[%get3A_873, %get3A_874, %get3A_875] : memref<80x8x128xf32, #tpu.memory_space<vmem>>, vector<1x8x128xf32>
      %get3A_877 = arith.index_cast %add3A_866 : i32 to index
      %get3A_878 = arith.constant 0 : index
      %get3A_879 = arith.constant 0 : index
      %get3A_880 = vector.load %arg4[%get3A_877, %get3A_878, %get3A_879] : memref<80x8x128xf32, #tpu.memory_space<vmem>>, vector<1x8x128xf32>
      %sub3A_881 = vector.broadcast %get3A_872 : vector<1x8x128xf32> to vector<10x8x128xf32>
      %sub3A_882 = arith.subf %broadcast_in_dim3A_136, %sub3A_881 : vector<10x8x128xf32>
      %sub3A_883 = vector.broadcast %get3A_876 : vector<1x8x128xf32> to vector<10x8x128xf32>
      %sub3A_884 = arith.subf %broadcast_in_dim3A_140, %sub3A_883 : vector<10x8x128xf32>
      %sub3A_885 = vector.broadcast %get3A_880 : vector<1x8x128xf32> to vector<10x8x128xf32>
      %sub3A_886 = arith.subf %broadcast_in_dim3A_144, %sub3A_885 : vector<10x8x128xf32>
      %mul3A_887 = arith.mulf %sub3A_882, %sub3A_882 : vector<10x8x128xf32>
      %mul3A_888 = arith.mulf %sub3A_884, %sub3A_884 : vector<10x8x128xf32>
      %add3A_889 = arith.addf %mul3A_887, %mul3A_888 : vector<10x8x128xf32>
      %mul3A_890 = arith.mulf %sub3A_886, %sub3A_886 : vector<10x8x128xf32>
      %add3A_891 = arith.addf %add3A_889, %mul3A_890 : vector<10x8x128xf32>
      %lt3A_892 = arith.cmpf olt, %add3A_891, %min3A_858 : vector<10x8x128xf32>
      %min3A_893 = arith.minimumf %add3A_891, %min3A_858 : vector<10x8x128xf32>
      %broadcast_in_dim3A_894 = vector.broadcast %add3A_868 : f32 to vector<10x8x128xf32>
      %select_n3A_895 = arith.select %lt3A_892, %broadcast_in_dim3A_894, %select_n3A_860 : vector<10x8x128xi1>, vector<10x8x128xf32>
      %mul3A_896 = arith.constant 20 : i32
      %mul3A_897 = arith.muli %scan3A_226, %mul3A_896 : i32
      %add3A_898 = arith.constant 0 : i32
      %add3A_899 = arith.addi %add3A_898, %mul3A_897 : i32
      %add3A_900 = arith.constant 19 : i32
      %add3A_901 = arith.addi %add3A_899, %add3A_900 : i32
      %add3A_902 = arith.constant 1.900000e+01 : f32
      %add3A_903 = arith.addf %add3A_233, %add3A_902 : f32
      %get3A_904 = arith.index_cast %add3A_901 : i32 to index
      %get3A_905 = arith.constant 0 : index
      %get3A_906 = arith.constant 0 : index
      %get3A_907 = vector.load %arg2[%get3A_904, %get3A_905, %get3A_906] : memref<80x8x128xf32, #tpu.memory_space<vmem>>, vector<1x8x128xf32>
      %get3A_908 = arith.index_cast %add3A_901 : i32 to index
      %get3A_909 = arith.constant 0 : index
      %get3A_910 = arith.constant 0 : index
      %get3A_911 = vector.load %arg3[%get3A_908, %get3A_909, %get3A_910] : memref<80x8x128xf32, #tpu.memory_space<vmem>>, vector<1x8x128xf32>
      %get3A_912 = arith.index_cast %add3A_901 : i32 to index
      %get3A_913 = arith.constant 0 : index
      %get3A_914 = arith.constant 0 : index
      %get3A_915 = vector.load %arg4[%get3A_912, %get3A_913, %get3A_914] : memref<80x8x128xf32, #tpu.memory_space<vmem>>, vector<1x8x128xf32>
      %sub3A_916 = vector.broadcast %get3A_907 : vector<1x8x128xf32> to vector<10x8x128xf32>
      %sub3A_917 = arith.subf %broadcast_in_dim3A_136, %sub3A_916 : vector<10x8x128xf32>
      %sub3A_918 = vector.broadcast %get3A_911 : vector<1x8x128xf32> to vector<10x8x128xf32>
      %sub3A_919 = arith.subf %broadcast_in_dim3A_140, %sub3A_918 : vector<10x8x128xf32>
      %sub3A_920 = vector.broadcast %get3A_915 : vector<1x8x128xf32> to vector<10x8x128xf32>
      %sub3A_921 = arith.subf %broadcast_in_dim3A_144, %sub3A_920 : vector<10x8x128xf32>
      %mul3A_922 = arith.mulf %sub3A_917, %sub3A_917 : vector<10x8x128xf32>
      %mul3A_923 = arith.mulf %sub3A_919, %sub3A_919 : vector<10x8x128xf32>
      %add3A_924 = arith.addf %mul3A_922, %mul3A_923 : vector<10x8x128xf32>
      %mul3A_925 = arith.mulf %sub3A_921, %sub3A_921 : vector<10x8x128xf32>
      %add3A_926 = arith.addf %add3A_924, %mul3A_925 : vector<10x8x128xf32>
      %lt3A_927 = arith.cmpf olt, %add3A_926, %min3A_893 : vector<10x8x128xf32>
      %min3A_928 = arith.minimumf %add3A_926, %min3A_893 : vector<10x8x128xf32>
      %broadcast_in_dim3A_929 = vector.broadcast %add3A_903 : f32 to vector<10x8x128xf32>
      %select_n3A_930 = arith.select %lt3A_927, %broadcast_in_dim3A_929, %select_n3A_895 : vector<10x8x128xi1>, vector<10x8x128xf32>
      scf.yield %min3A_928, %select_n3A_930 : vector<10x8x128xf32>, vector<10x8x128xf32>
    }
    %scan3A_154 = arith.constant 4 : i32
    %reshape3A_155 = vector.shape_cast %scan3A_153#0 : vector<10x8x128xf32> to vector<80x128xf32>
    %reshape3A_156 = vector.shape_cast %scan3A_153#1 : vector<10x8x128xf32> to vector<80x128xf32>
    %iota3A_157 = tpu.iota {dimensions = array<i32: 1>} : vector<80x128xi32>
    %convert_element_type3A_158 = arith.sitofp %iota3A_157 : vector<80x128xi32> to vector<80x128xf32>
    %mul3A_159 = arith.constant 1.280000e+02 : f32
    %mul3A_160 = vector.broadcast %mul3A_159 : f32 to vector<80x128xf32>
    %mul3A_161 = arith.mulf %reshape3A_156, %mul3A_160 : vector<80x128xf32>
    %add3A_162 = arith.addf %mul3A_161, %convert_element_type3A_158 : vector<80x128xf32>
    %reduce_min3A_163 = arith.constant dense<0x7F800000> : vector<80xf32>
    %reduce_min3A_164 = vector.multi_reduction <minimumf>, %reshape3A_155, %reduce_min3A_163 [1] : vector<80x128xf32> to vector<80xf32>
    %broadcast_in_dim3A_165 = vector.shape_cast %reduce_min3A_164 : vector<80xf32> to vector<80x1xf32>
    %eq3A_166 = vector.broadcast %broadcast_in_dim3A_165 : vector<80x1xf32> to vector<80x128xf32>
    %eq3A_167 = arith.cmpf oeq, %reshape3A_155, %eq3A_166 : vector<80x128xf32>
    %jit3A_168 = arith.constant 1.07374182E+9 : f32
    %broadcast_in_dim3A_169 = vector.broadcast %jit3A_168 : f32 to vector<80x128xf32>
    %select_n3A_170 = arith.select %eq3A_167, %add3A_162, %broadcast_in_dim3A_169 : vector<80x128xi1>, vector<80x128xf32>
    %reduce_min3A_171 = arith.constant dense<0x7F800000> : vector<80xf32>
    %reduce_min3A_172 = vector.multi_reduction <minimumf>, %select_n3A_170, %reduce_min3A_171 [1] : vector<80x128xf32> to vector<80xf32>
    %broadcast_in_dim3A_173 = vector.shape_cast %reduce_min3A_172 : vector<80xf32> to vector<80x1xf32>
    %convert_element_type3A_174 = arith.fptosi %broadcast_in_dim3A_173 : vector<80x1xf32> to vector<80x1xi32>
    %swap3A_175 = arith.constant 240 : index
    %swap3A_176 = arith.constant 0 : index
    %swap3A_177 = vector.load %arg5[%swap3A_175, %swap3A_176] : memref<400x1xi32, #tpu.memory_space<vmem>>, vector<80x1xi32>
    tpu.vector_store %arg5[%swap3A_175, %swap3A_176], %convert_element_type3A_174 {strides = array<i32>} : memref<400x1xi32, #tpu.memory_space<vmem>>, vector<80x1xi32>,
    %get3A_178 = arith.constant 320 : index
    %get3A_179 = arith.constant 0 : index
    %get3A_180 = vector.load %arg1[%get3A_178, %get3A_179] : memref<400x3xf32, #tpu.memory_space<vmem>>, vector<80x3xf32>
    %slice3A_181 = vector.extract_strided_slice %get3A_180 {offsets = [0, 0], sizes = [80, 1], strides = [1, 1]} : vector<80x3xf32> to vector<80x1xf32>
    %reshape3A_182 = vector.shape_cast %slice3A_181 : vector<80x1xf32> to vector<10x8x1xf32>
    %broadcast_in_dim3A_183 = vector.shape_cast %reshape3A_182 : vector<10x8x1xf32> to vector<10x8x1xf32>
    %broadcast_in_dim3A_184 = vector.broadcast %broadcast_in_dim3A_183 : vector<10x8x1xf32> to vector<10x8x128xf32>
    %slice3A_185 = vector.extract_strided_slice %get3A_180 {offsets = [0, 1], sizes = [80, 1], strides = [1, 1]} : vector<80x3xf32> to vector<80x1xf32>
    %reshape3A_186 = vector.shape_cast %slice3A_185 : vector<80x1xf32> to vector<10x8x1xf32>
    %broadcast_in_dim3A_187 = vector.shape_cast %reshape3A_186 : vector<10x8x1xf32> to vector<10x8x1xf32>
    %broadcast_in_dim3A_188 = vector.broadcast %broadcast_in_dim3A_187 : vector<10x8x1xf32> to vector<10x8x128xf32>
    %slice3A_189 = vector.extract_strided_slice %get3A_180 {offsets = [0, 2], sizes = [80, 1], strides = [1, 1]} : vector<80x3xf32> to vector<80x1xf32>
    %reshape3A_190 = vector.shape_cast %slice3A_189 : vector<80x1xf32> to vector<10x8x1xf32>
    %broadcast_in_dim3A_191 = vector.shape_cast %reshape3A_190 : vector<10x8x1xf32> to vector<10x8x1xf32>
    %broadcast_in_dim3A_192 = vector.broadcast %broadcast_in_dim3A_191 : vector<10x8x1xf32> to vector<10x8x128xf32>
    %broadcast_in_dim3A_193 = arith.constant 0x7F800000 : f32
    %broadcast_in_dim3A_194 = vector.broadcast %broadcast_in_dim3A_193 : f32 to vector<10x8x128xf32>
    %broadcast_in_dim3A_195 = arith.constant 0.000000e+00 : f32
    %broadcast_in_dim3A_196 = vector.broadcast %broadcast_in_dim3A_195 : f32 to vector<10x8x128xf32>
    %scan3A_197 = arith.constant 0 : i32
    %scan3A_198 = arith.constant 4 : i32
    %scan3A_199 = arith.addi %scan3A_197, %scan3A_198 : i32
    %scan3A_200 = arith.constant 1 : i32
    %scan3A_201:2 = scf.for %scan3A_226 = %scan3A_197 to %scan3A_199 step %scan3A_200 iter_args(%scan3A_227 = %broadcast_in_dim3A_194, %scan3A_228 = %broadcast_in_dim3A_196) -> (vector<10x8x128xf32>, vector<10x8x128xf32>)  : i32 {
      %convert_element_type3A_229 = arith.sitofp %scan3A_226 : i32 to f32
      %mul3A_230 = arith.constant 2.000000e+01 : f32
      %mul3A_231 = arith.mulf %convert_element_type3A_229, %mul3A_230 : f32
      %add3A_232 = arith.constant 0.000000e+00 : f32
      %add3A_233 = arith.addf %mul3A_231, %add3A_232 : f32
      %mul3A_234 = arith.constant 20 : i32
      %mul3A_235 = arith.muli %scan3A_226, %mul3A_234 : i32
      %add3A_236 = arith.constant 0 : i32
      %add3A_237 = arith.addi %add3A_236, %mul3A_235 : i32
      %add3A_238 = arith.constant 0 : i32
      %add3A_239 = arith.addi %add3A_237, %add3A_238 : i32
      %add3A_240 = arith.constant 0.000000e+00 : f32
      %add3A_241 = arith.addf %add3A_233, %add3A_240 : f32
      %get3A_242 = arith.index_cast %add3A_239 : i32 to index
      %get3A_243 = arith.constant 0 : index
      %get3A_244 = arith.constant 0 : index
      %get3A_245 = vector.load %arg2[%get3A_242, %get3A_243, %get3A_244] : memref<80x8x128xf32, #tpu.memory_space<vmem>>, vector<1x8x128xf32>
      %get3A_246 = arith.index_cast %add3A_239 : i32 to index
      %get3A_247 = arith.constant 0 : index
      %get3A_248 = arith.constant 0 : index
      %get3A_249 = vector.load %arg3[%get3A_246, %get3A_247, %get3A_248] : memref<80x8x128xf32, #tpu.memory_space<vmem>>, vector<1x8x128xf32>
      %get3A_250 = arith.index_cast %add3A_239 : i32 to index
      %get3A_251 = arith.constant 0 : index
      %get3A_252 = arith.constant 0 : index
      %get3A_253 = vector.load %arg4[%get3A_250, %get3A_251, %get3A_252] : memref<80x8x128xf32, #tpu.memory_space<vmem>>, vector<1x8x128xf32>
      %sub3A = vector.broadcast %get3A_245 : vector<1x8x128xf32> to vector<10x8x128xf32>
      %sub3A_254 = arith.subf %broadcast_in_dim3A_184, %sub3A : vector<10x8x128xf32>
      %sub3A_255 = vector.broadcast %get3A_249 : vector<1x8x128xf32> to vector<10x8x128xf32>
      %sub3A_256 = arith.subf %broadcast_in_dim3A_188, %sub3A_255 : vector<10x8x128xf32>
      %sub3A_257 = vector.broadcast %get3A_253 : vector<1x8x128xf32> to vector<10x8x128xf32>
      %sub3A_258 = arith.subf %broadcast_in_dim3A_192, %sub3A_257 : vector<10x8x128xf32>
      %mul3A_259 = arith.mulf %sub3A_254, %sub3A_254 : vector<10x8x128xf32>
      %mul3A_260 = arith.mulf %sub3A_256, %sub3A_256 : vector<10x8x128xf32>
      %add3A_261 = arith.addf %mul3A_259, %mul3A_260 : vector<10x8x128xf32>
      %mul3A_262 = arith.mulf %sub3A_258, %sub3A_258 : vector<10x8x128xf32>
      %add3A_263 = arith.addf %add3A_261, %mul3A_262 : vector<10x8x128xf32>
      %lt3A = arith.cmpf olt, %add3A_263, %scan3A_227 : vector<10x8x128xf32>
      %min3A = arith.minimumf %add3A_263, %scan3A_227 : vector<10x8x128xf32>
      %broadcast_in_dim3A_264 = vector.broadcast %add3A_241 : f32 to vector<10x8x128xf32>
      %select_n3A_265 = arith.select %lt3A, %broadcast_in_dim3A_264, %scan3A_228 : vector<10x8x128xi1>, vector<10x8x128xf32>
      %mul3A_266 = arith.constant 20 : i32
      %mul3A_267 = arith.muli %scan3A_226, %mul3A_266 : i32
      %add3A_268 = arith.constant 0 : i32
      %add3A_269 = arith.addi %add3A_268, %mul3A_267 : i32
      %add3A_270 = arith.constant 1 : i32
      %add3A_271 = arith.addi %add3A_269, %add3A_270 : i32
      %add3A_272 = arith.constant 1.000000e+00 : f32
      %add3A_273 = arith.addf %add3A_233, %add3A_272 : f32
      %get3A_274 = arith.index_cast %add3A_271 : i32 to index
      %get3A_275 = arith.constant 0 : index
      %get3A_276 = arith.constant 0 : index
      %get3A_277 = vector.load %arg2[%get3A_274, %get3A_275, %get3A_276] : memref<80x8x128xf32, #tpu.memory_space<vmem>>, vector<1x8x128xf32>
      %get3A_278 = arith.index_cast %add3A_271 : i32 to index
      %get3A_279 = arith.constant 0 : index
      %get3A_280 = arith.constant 0 : index
      %get3A_281 = vector.load %arg3[%get3A_278, %get3A_279, %get3A_280] : memref<80x8x128xf32, #tpu.memory_space<vmem>>, vector<1x8x128xf32>
      %get3A_282 = arith.index_cast %add3A_271 : i32 to index
      %get3A_283 = arith.constant 0 : index
      %get3A_284 = arith.constant 0 : index
      %get3A_285 = vector.load %arg4[%get3A_282, %get3A_283, %get3A_284] : memref<80x8x128xf32, #tpu.memory_space<vmem>>, vector<1x8x128xf32>
      %sub3A_286 = vector.broadcast %get3A_277 : vector<1x8x128xf32> to vector<10x8x128xf32>
      %sub3A_287 = arith.subf %broadcast_in_dim3A_184, %sub3A_286 : vector<10x8x128xf32>
      %sub3A_288 = vector.broadcast %get3A_281 : vector<1x8x128xf32> to vector<10x8x128xf32>
      %sub3A_289 = arith.subf %broadcast_in_dim3A_188, %sub3A_288 : vector<10x8x128xf32>
      %sub3A_290 = vector.broadcast %get3A_285 : vector<1x8x128xf32> to vector<10x8x128xf32>
      %sub3A_291 = arith.subf %broadcast_in_dim3A_192, %sub3A_290 : vector<10x8x128xf32>
      %mul3A_292 = arith.mulf %sub3A_287, %sub3A_287 : vector<10x8x128xf32>
      %mul3A_293 = arith.mulf %sub3A_289, %sub3A_289 : vector<10x8x128xf32>
      %add3A_294 = arith.addf %mul3A_292, %mul3A_293 : vector<10x8x128xf32>
      %mul3A_295 = arith.mulf %sub3A_291, %sub3A_291 : vector<10x8x128xf32>
      %add3A_296 = arith.addf %add3A_294, %mul3A_295 : vector<10x8x128xf32>
      %lt3A_297 = arith.cmpf olt, %add3A_296, %min3A : vector<10x8x128xf32>
      %min3A_298 = arith.minimumf %add3A_296, %min3A : vector<10x8x128xf32>
      %broadcast_in_dim3A_299 = vector.broadcast %add3A_273 : f32 to vector<10x8x128xf32>
      %select_n3A_300 = arith.select %lt3A_297, %broadcast_in_dim3A_299, %select_n3A_265 : vector<10x8x128xi1>, vector<10x8x128xf32>
      %mul3A_301 = arith.constant 20 : i32
      %mul3A_302 = arith.muli %scan3A_226, %mul3A_301 : i32
      %add3A_303 = arith.constant 0 : i32
      %add3A_304 = arith.addi %add3A_303, %mul3A_302 : i32
      %add3A_305 = arith.constant 2 : i32
      %add3A_306 = arith.addi %add3A_304, %add3A_305 : i32
      %add3A_307 = arith.constant 2.000000e+00 : f32
      %add3A_308 = arith.addf %add3A_233, %add3A_307 : f32
      %get3A_309 = arith.index_cast %add3A_306 : i32 to index
      %get3A_310 = arith.constant 0 : index
      %get3A_311 = arith.constant 0 : index
      %get3A_312 = vector.load %arg2[%get3A_309, %get3A_310, %get3A_311] : memref<80x8x128xf32, #tpu.memory_space<vmem>>, vector<1x8x128xf32>
      %get3A_313 = arith.index_cast %add3A_306 : i32 to index
      %get3A_314 = arith.constant 0 : index
      %get3A_315 = arith.constant 0 : index
      %get3A_316 = vector.load %arg3[%get3A_313, %get3A_314, %get3A_315] : memref<80x8x128xf32, #tpu.memory_space<vmem>>, vector<1x8x128xf32>
      %get3A_317 = arith.index_cast %add3A_306 : i32 to index
      %get3A_318 = arith.constant 0 : index
      %get3A_319 = arith.constant 0 : index
      %get3A_320 = vector.load %arg4[%get3A_317, %get3A_318, %get3A_319] : memref<80x8x128xf32, #tpu.memory_space<vmem>>, vector<1x8x128xf32>
      %sub3A_321 = vector.broadcast %get3A_312 : vector<1x8x128xf32> to vector<10x8x128xf32>
      %sub3A_322 = arith.subf %broadcast_in_dim3A_184, %sub3A_321 : vector<10x8x128xf32>
      %sub3A_323 = vector.broadcast %get3A_316 : vector<1x8x128xf32> to vector<10x8x128xf32>
      %sub3A_324 = arith.subf %broadcast_in_dim3A_188, %sub3A_323 : vector<10x8x128xf32>
      %sub3A_325 = vector.broadcast %get3A_320 : vector<1x8x128xf32> to vector<10x8x128xf32>
      %sub3A_326 = arith.subf %broadcast_in_dim3A_192, %sub3A_325 : vector<10x8x128xf32>
      %mul3A_327 = arith.mulf %sub3A_322, %sub3A_322 : vector<10x8x128xf32>
      %mul3A_328 = arith.mulf %sub3A_324, %sub3A_324 : vector<10x8x128xf32>
      %add3A_329 = arith.addf %mul3A_327, %mul3A_328 : vector<10x8x128xf32>
      %mul3A_330 = arith.mulf %sub3A_326, %sub3A_326 : vector<10x8x128xf32>
      %add3A_331 = arith.addf %add3A_329, %mul3A_330 : vector<10x8x128xf32>
      %lt3A_332 = arith.cmpf olt, %add3A_331, %min3A_298 : vector<10x8x128xf32>
      %min3A_333 = arith.minimumf %add3A_331, %min3A_298 : vector<10x8x128xf32>
      %broadcast_in_dim3A_334 = vector.broadcast %add3A_308 : f32 to vector<10x8x128xf32>
      %select_n3A_335 = arith.select %lt3A_332, %broadcast_in_dim3A_334, %select_n3A_300 : vector<10x8x128xi1>, vector<10x8x128xf32>
      %mul3A_336 = arith.constant 20 : i32
      %mul3A_337 = arith.muli %scan3A_226, %mul3A_336 : i32
      %add3A_338 = arith.constant 0 : i32
      %add3A_339 = arith.addi %add3A_338, %mul3A_337 : i32
      %add3A_340 = arith.constant 3 : i32
      %add3A_341 = arith.addi %add3A_339, %add3A_340 : i32
      %add3A_342 = arith.constant 3.000000e+00 : f32
      %add3A_343 = arith.addf %add3A_233, %add3A_342 : f32
      %get3A_344 = arith.index_cast %add3A_341 : i32 to index
      %get3A_345 = arith.constant 0 : index
      %get3A_346 = arith.constant 0 : index
      %get3A_347 = vector.load %arg2[%get3A_344, %get3A_345, %get3A_346] : memref<80x8x128xf32, #tpu.memory_space<vmem>>, vector<1x8x128xf32>
      %get3A_348 = arith.index_cast %add3A_341 : i32 to index
      %get3A_349 = arith.constant 0 : index
      %get3A_350 = arith.constant 0 : index
      %get3A_351 = vector.load %arg3[%get3A_348, %get3A_349, %get3A_350] : memref<80x8x128xf32, #tpu.memory_space<vmem>>, vector<1x8x128xf32>
      %get3A_352 = arith.index_cast %add3A_341 : i32 to index
      %get3A_353 = arith.constant 0 : index
      %get3A_354 = arith.constant 0 : index
      %get3A_355 = vector.load %arg4[%get3A_352, %get3A_353, %get3A_354] : memref<80x8x128xf32, #tpu.memory_space<vmem>>, vector<1x8x128xf32>
      %sub3A_356 = vector.broadcast %get3A_347 : vector<1x8x128xf32> to vector<10x8x128xf32>
      %sub3A_357 = arith.subf %broadcast_in_dim3A_184, %sub3A_356 : vector<10x8x128xf32>
      %sub3A_358 = vector.broadcast %get3A_351 : vector<1x8x128xf32> to vector<10x8x128xf32>
      %sub3A_359 = arith.subf %broadcast_in_dim3A_188, %sub3A_358 : vector<10x8x128xf32>
      %sub3A_360 = vector.broadcast %get3A_355 : vector<1x8x128xf32> to vector<10x8x128xf32>
      %sub3A_361 = arith.subf %broadcast_in_dim3A_192, %sub3A_360 : vector<10x8x128xf32>
      %mul3A_362 = arith.mulf %sub3A_357, %sub3A_357 : vector<10x8x128xf32>
      %mul3A_363 = arith.mulf %sub3A_359, %sub3A_359 : vector<10x8x128xf32>
      %add3A_364 = arith.addf %mul3A_362, %mul3A_363 : vector<10x8x128xf32>
      %mul3A_365 = arith.mulf %sub3A_361, %sub3A_361 : vector<10x8x128xf32>
      %add3A_366 = arith.addf %add3A_364, %mul3A_365 : vector<10x8x128xf32>
      %lt3A_367 = arith.cmpf olt, %add3A_366, %min3A_333 : vector<10x8x128xf32>
      %min3A_368 = arith.minimumf %add3A_366, %min3A_333 : vector<10x8x128xf32>
      %broadcast_in_dim3A_369 = vector.broadcast %add3A_343 : f32 to vector<10x8x128xf32>
      %select_n3A_370 = arith.select %lt3A_367, %broadcast_in_dim3A_369, %select_n3A_335 : vector<10x8x128xi1>, vector<10x8x128xf32>
      %mul3A_371 = arith.constant 20 : i32
      %mul3A_372 = arith.muli %scan3A_226, %mul3A_371 : i32
      %add3A_373 = arith.constant 0 : i32
      %add3A_374 = arith.addi %add3A_373, %mul3A_372 : i32
      %add3A_375 = arith.constant 4 : i32
      %add3A_376 = arith.addi %add3A_374, %add3A_375 : i32
      %add3A_377 = arith.constant 4.000000e+00 : f32
      %add3A_378 = arith.addf %add3A_233, %add3A_377 : f32
      %get3A_379 = arith.index_cast %add3A_376 : i32 to index
      %get3A_380 = arith.constant 0 : index
      %get3A_381 = arith.constant 0 : index
      %get3A_382 = vector.load %arg2[%get3A_379, %get3A_380, %get3A_381] : memref<80x8x128xf32, #tpu.memory_space<vmem>>, vector<1x8x128xf32>
      %get3A_383 = arith.index_cast %add3A_376 : i32 to index
      %get3A_384 = arith.constant 0 : index
      %get3A_385 = arith.constant 0 : index
      %get3A_386 = vector.load %arg3[%get3A_383, %get3A_384, %get3A_385] : memref<80x8x128xf32, #tpu.memory_space<vmem>>, vector<1x8x128xf32>
      %get3A_387 = arith.index_cast %add3A_376 : i32 to index
      %get3A_388 = arith.constant 0 : index
      %get3A_389 = arith.constant 0 : index
      %get3A_390 = vector.load %arg4[%get3A_387, %get3A_388, %get3A_389] : memref<80x8x128xf32, #tpu.memory_space<vmem>>, vector<1x8x128xf32>
      %sub3A_391 = vector.broadcast %get3A_382 : vector<1x8x128xf32> to vector<10x8x128xf32>
      %sub3A_392 = arith.subf %broadcast_in_dim3A_184, %sub3A_391 : vector<10x8x128xf32>
      %sub3A_393 = vector.broadcast %get3A_386 : vector<1x8x128xf32> to vector<10x8x128xf32>
      %sub3A_394 = arith.subf %broadcast_in_dim3A_188, %sub3A_393 : vector<10x8x128xf32>
      %sub3A_395 = vector.broadcast %get3A_390 : vector<1x8x128xf32> to vector<10x8x128xf32>
      %sub3A_396 = arith.subf %broadcast_in_dim3A_192, %sub3A_395 : vector<10x8x128xf32>
      %mul3A_397 = arith.mulf %sub3A_392, %sub3A_392 : vector<10x8x128xf32>
      %mul3A_398 = arith.mulf %sub3A_394, %sub3A_394 : vector<10x8x128xf32>
      %add3A_399 = arith.addf %mul3A_397, %mul3A_398 : vector<10x8x128xf32>
      %mul3A_400 = arith.mulf %sub3A_396, %sub3A_396 : vector<10x8x128xf32>
      %add3A_401 = arith.addf %add3A_399, %mul3A_400 : vector<10x8x128xf32>
      %lt3A_402 = arith.cmpf olt, %add3A_401, %min3A_368 : vector<10x8x128xf32>
      %min3A_403 = arith.minimumf %add3A_401, %min3A_368 : vector<10x8x128xf32>
      %broadcast_in_dim3A_404 = vector.broadcast %add3A_378 : f32 to vector<10x8x128xf32>
      %select_n3A_405 = arith.select %lt3A_402, %broadcast_in_dim3A_404, %select_n3A_370 : vector<10x8x128xi1>, vector<10x8x128xf32>
      %mul3A_406 = arith.constant 20 : i32
      %mul3A_407 = arith.muli %scan3A_226, %mul3A_406 : i32
      %add3A_408 = arith.constant 0 : i32
      %add3A_409 = arith.addi %add3A_408, %mul3A_407 : i32
      %add3A_410 = arith.constant 5 : i32
      %add3A_411 = arith.addi %add3A_409, %add3A_410 : i32
      %add3A_412 = arith.constant 5.000000e+00 : f32
      %add3A_413 = arith.addf %add3A_233, %add3A_412 : f32
      %get3A_414 = arith.index_cast %add3A_411 : i32 to index
      %get3A_415 = arith.constant 0 : index
      %get3A_416 = arith.constant 0 : index
      %get3A_417 = vector.load %arg2[%get3A_414, %get3A_415, %get3A_416] : memref<80x8x128xf32, #tpu.memory_space<vmem>>, vector<1x8x128xf32>
      %get3A_418 = arith.index_cast %add3A_411 : i32 to index
      %get3A_419 = arith.constant 0 : index
      %get3A_420 = arith.constant 0 : index
      %get3A_421 = vector.load %arg3[%get3A_418, %get3A_419, %get3A_420] : memref<80x8x128xf32, #tpu.memory_space<vmem>>, vector<1x8x128xf32>
      %get3A_422 = arith.index_cast %add3A_411 : i32 to index
      %get3A_423 = arith.constant 0 : index
      %get3A_424 = arith.constant 0 : index
      %get3A_425 = vector.load %arg4[%get3A_422, %get3A_423, %get3A_424] : memref<80x8x128xf32, #tpu.memory_space<vmem>>, vector<1x8x128xf32>
      %sub3A_426 = vector.broadcast %get3A_417 : vector<1x8x128xf32> to vector<10x8x128xf32>
      %sub3A_427 = arith.subf %broadcast_in_dim3A_184, %sub3A_426 : vector<10x8x128xf32>
      %sub3A_428 = vector.broadcast %get3A_421 : vector<1x8x128xf32> to vector<10x8x128xf32>
      %sub3A_429 = arith.subf %broadcast_in_dim3A_188, %sub3A_428 : vector<10x8x128xf32>
      %sub3A_430 = vector.broadcast %get3A_425 : vector<1x8x128xf32> to vector<10x8x128xf32>
      %sub3A_431 = arith.subf %broadcast_in_dim3A_192, %sub3A_430 : vector<10x8x128xf32>
      %mul3A_432 = arith.mulf %sub3A_427, %sub3A_427 : vector<10x8x128xf32>
      %mul3A_433 = arith.mulf %sub3A_429, %sub3A_429 : vector<10x8x128xf32>
      %add3A_434 = arith.addf %mul3A_432, %mul3A_433 : vector<10x8x128xf32>
      %mul3A_435 = arith.mulf %sub3A_431, %sub3A_431 : vector<10x8x128xf32>
      %add3A_436 = arith.addf %add3A_434, %mul3A_435 : vector<10x8x128xf32>
      %lt3A_437 = arith.cmpf olt, %add3A_436, %min3A_403 : vector<10x8x128xf32>
      %min3A_438 = arith.minimumf %add3A_436, %min3A_403 : vector<10x8x128xf32>
      %broadcast_in_dim3A_439 = vector.broadcast %add3A_413 : f32 to vector<10x8x128xf32>
      %select_n3A_440 = arith.select %lt3A_437, %broadcast_in_dim3A_439, %select_n3A_405 : vector<10x8x128xi1>, vector<10x8x128xf32>
      %mul3A_441 = arith.constant 20 : i32
      %mul3A_442 = arith.muli %scan3A_226, %mul3A_441 : i32
      %add3A_443 = arith.constant 0 : i32
      %add3A_444 = arith.addi %add3A_443, %mul3A_442 : i32
      %add3A_445 = arith.constant 6 : i32
      %add3A_446 = arith.addi %add3A_444, %add3A_445 : i32
      %add3A_447 = arith.constant 6.000000e+00 : f32
      %add3A_448 = arith.addf %add3A_233, %add3A_447 : f32
      %get3A_449 = arith.index_cast %add3A_446 : i32 to index
      %get3A_450 = arith.constant 0 : index
      %get3A_451 = arith.constant 0 : index
      %get3A_452 = vector.load %arg2[%get3A_449, %get3A_450, %get3A_451] : memref<80x8x128xf32, #tpu.memory_space<vmem>>, vector<1x8x128xf32>
      %get3A_453 = arith.index_cast %add3A_446 : i32 to index
      %get3A_454 = arith.constant 0 : index
      %get3A_455 = arith.constant 0 : index
      %get3A_456 = vector.load %arg3[%get3A_453, %get3A_454, %get3A_455] : memref<80x8x128xf32, #tpu.memory_space<vmem>>, vector<1x8x128xf32>
      %get3A_457 = arith.index_cast %add3A_446 : i32 to index
      %get3A_458 = arith.constant 0 : index
      %get3A_459 = arith.constant 0 : index
      %get3A_460 = vector.load %arg4[%get3A_457, %get3A_458, %get3A_459] : memref<80x8x128xf32, #tpu.memory_space<vmem>>, vector<1x8x128xf32>
      %sub3A_461 = vector.broadcast %get3A_452 : vector<1x8x128xf32> to vector<10x8x128xf32>
      %sub3A_462 = arith.subf %broadcast_in_dim3A_184, %sub3A_461 : vector<10x8x128xf32>
      %sub3A_463 = vector.broadcast %get3A_456 : vector<1x8x128xf32> to vector<10x8x128xf32>
      %sub3A_464 = arith.subf %broadcast_in_dim3A_188, %sub3A_463 : vector<10x8x128xf32>
      %sub3A_465 = vector.broadcast %get3A_460 : vector<1x8x128xf32> to vector<10x8x128xf32>
      %sub3A_466 = arith.subf %broadcast_in_dim3A_192, %sub3A_465 : vector<10x8x128xf32>
      %mul3A_467 = arith.mulf %sub3A_462, %sub3A_462 : vector<10x8x128xf32>
      %mul3A_468 = arith.mulf %sub3A_464, %sub3A_464 : vector<10x8x128xf32>
      %add3A_469 = arith.addf %mul3A_467, %mul3A_468 : vector<10x8x128xf32>
      %mul3A_470 = arith.mulf %sub3A_466, %sub3A_466 : vector<10x8x128xf32>
      %add3A_471 = arith.addf %add3A_469, %mul3A_470 : vector<10x8x128xf32>
      %lt3A_472 = arith.cmpf olt, %add3A_471, %min3A_438 : vector<10x8x128xf32>
      %min3A_473 = arith.minimumf %add3A_471, %min3A_438 : vector<10x8x128xf32>
      %broadcast_in_dim3A_474 = vector.broadcast %add3A_448 : f32 to vector<10x8x128xf32>
      %select_n3A_475 = arith.select %lt3A_472, %broadcast_in_dim3A_474, %select_n3A_440 : vector<10x8x128xi1>, vector<10x8x128xf32>
      %mul3A_476 = arith.constant 20 : i32
      %mul3A_477 = arith.muli %scan3A_226, %mul3A_476 : i32
      %add3A_478 = arith.constant 0 : i32
      %add3A_479 = arith.addi %add3A_478, %mul3A_477 : i32
      %add3A_480 = arith.constant 7 : i32
      %add3A_481 = arith.addi %add3A_479, %add3A_480 : i32
      %add3A_482 = arith.constant 7.000000e+00 : f32
      %add3A_483 = arith.addf %add3A_233, %add3A_482 : f32
      %get3A_484 = arith.index_cast %add3A_481 : i32 to index
      %get3A_485 = arith.constant 0 : index
      %get3A_486 = arith.constant 0 : index
      %get3A_487 = vector.load %arg2[%get3A_484, %get3A_485, %get3A_486] : memref<80x8x128xf32, #tpu.memory_space<vmem>>, vector<1x8x128xf32>
      %get3A_488 = arith.index_cast %add3A_481 : i32 to index
      %get3A_489 = arith.constant 0 : index
      %get3A_490 = arith.constant 0 : index
      %get3A_491 = vector.load %arg3[%get3A_488, %get3A_489, %get3A_490] : memref<80x8x128xf32, #tpu.memory_space<vmem>>, vector<1x8x128xf32>
      %get3A_492 = arith.index_cast %add3A_481 : i32 to index
      %get3A_493 = arith.constant 0 : index
      %get3A_494 = arith.constant 0 : index
      %get3A_495 = vector.load %arg4[%get3A_492, %get3A_493, %get3A_494] : memref<80x8x128xf32, #tpu.memory_space<vmem>>, vector<1x8x128xf32>
      %sub3A_496 = vector.broadcast %get3A_487 : vector<1x8x128xf32> to vector<10x8x128xf32>
      %sub3A_497 = arith.subf %broadcast_in_dim3A_184, %sub3A_496 : vector<10x8x128xf32>
      %sub3A_498 = vector.broadcast %get3A_491 : vector<1x8x128xf32> to vector<10x8x128xf32>
      %sub3A_499 = arith.subf %broadcast_in_dim3A_188, %sub3A_498 : vector<10x8x128xf32>
      %sub3A_500 = vector.broadcast %get3A_495 : vector<1x8x128xf32> to vector<10x8x128xf32>
      %sub3A_501 = arith.subf %broadcast_in_dim3A_192, %sub3A_500 : vector<10x8x128xf32>
      %mul3A_502 = arith.mulf %sub3A_497, %sub3A_497 : vector<10x8x128xf32>
      %mul3A_503 = arith.mulf %sub3A_499, %sub3A_499 : vector<10x8x128xf32>
      %add3A_504 = arith.addf %mul3A_502, %mul3A_503 : vector<10x8x128xf32>
      %mul3A_505 = arith.mulf %sub3A_501, %sub3A_501 : vector<10x8x128xf32>
      %add3A_506 = arith.addf %add3A_504, %mul3A_505 : vector<10x8x128xf32>
      %lt3A_507 = arith.cmpf olt, %add3A_506, %min3A_473 : vector<10x8x128xf32>
      %min3A_508 = arith.minimumf %add3A_506, %min3A_473 : vector<10x8x128xf32>
      %broadcast_in_dim3A_509 = vector.broadcast %add3A_483 : f32 to vector<10x8x128xf32>
      %select_n3A_510 = arith.select %lt3A_507, %broadcast_in_dim3A_509, %select_n3A_475 : vector<10x8x128xi1>, vector<10x8x128xf32>
      %mul3A_511 = arith.constant 20 : i32
      %mul3A_512 = arith.muli %scan3A_226, %mul3A_511 : i32
      %add3A_513 = arith.constant 0 : i32
      %add3A_514 = arith.addi %add3A_513, %mul3A_512 : i32
      %add3A_515 = arith.constant 8 : i32
      %add3A_516 = arith.addi %add3A_514, %add3A_515 : i32
      %add3A_517 = arith.constant 8.000000e+00 : f32
      %add3A_518 = arith.addf %add3A_233, %add3A_517 : f32
      %get3A_519 = arith.index_cast %add3A_516 : i32 to index
      %get3A_520 = arith.constant 0 : index
      %get3A_521 = arith.constant 0 : index
      %get3A_522 = vector.load %arg2[%get3A_519, %get3A_520, %get3A_521] : memref<80x8x128xf32, #tpu.memory_space<vmem>>, vector<1x8x128xf32>
      %get3A_523 = arith.index_cast %add3A_516 : i32 to index
      %get3A_524 = arith.constant 0 : index
      %get3A_525 = arith.constant 0 : index
      %get3A_526 = vector.load %arg3[%get3A_523, %get3A_524, %get3A_525] : memref<80x8x128xf32, #tpu.memory_space<vmem>>, vector<1x8x128xf32>
      %get3A_527 = arith.index_cast %add3A_516 : i32 to index
      %get3A_528 = arith.constant 0 : index
      %get3A_529 = arith.constant 0 : index
      %get3A_530 = vector.load %arg4[%get3A_527, %get3A_528, %get3A_529] : memref<80x8x128xf32, #tpu.memory_space<vmem>>, vector<1x8x128xf32>
      %sub3A_531 = vector.broadcast %get3A_522 : vector<1x8x128xf32> to vector<10x8x128xf32>
      %sub3A_532 = arith.subf %broadcast_in_dim3A_184, %sub3A_531 : vector<10x8x128xf32>
      %sub3A_533 = vector.broadcast %get3A_526 : vector<1x8x128xf32> to vector<10x8x128xf32>
      %sub3A_534 = arith.subf %broadcast_in_dim3A_188, %sub3A_533 : vector<10x8x128xf32>
      %sub3A_535 = vector.broadcast %get3A_530 : vector<1x8x128xf32> to vector<10x8x128xf32>
      %sub3A_536 = arith.subf %broadcast_in_dim3A_192, %sub3A_535 : vector<10x8x128xf32>
      %mul3A_537 = arith.mulf %sub3A_532, %sub3A_532 : vector<10x8x128xf32>
      %mul3A_538 = arith.mulf %sub3A_534, %sub3A_534 : vector<10x8x128xf32>
      %add3A_539 = arith.addf %mul3A_537, %mul3A_538 : vector<10x8x128xf32>
      %mul3A_540 = arith.mulf %sub3A_536, %sub3A_536 : vector<10x8x128xf32>
      %add3A_541 = arith.addf %add3A_539, %mul3A_540 : vector<10x8x128xf32>
      %lt3A_542 = arith.cmpf olt, %add3A_541, %min3A_508 : vector<10x8x128xf32>
      %min3A_543 = arith.minimumf %add3A_541, %min3A_508 : vector<10x8x128xf32>
      %broadcast_in_dim3A_544 = vector.broadcast %add3A_518 : f32 to vector<10x8x128xf32>
      %select_n3A_545 = arith.select %lt3A_542, %broadcast_in_dim3A_544, %select_n3A_510 : vector<10x8x128xi1>, vector<10x8x128xf32>
      %mul3A_546 = arith.constant 20 : i32
      %mul3A_547 = arith.muli %scan3A_226, %mul3A_546 : i32
      %add3A_548 = arith.constant 0 : i32
      %add3A_549 = arith.addi %add3A_548, %mul3A_547 : i32
      %add3A_550 = arith.constant 9 : i32
      %add3A_551 = arith.addi %add3A_549, %add3A_550 : i32
      %add3A_552 = arith.constant 9.000000e+00 : f32
      %add3A_553 = arith.addf %add3A_233, %add3A_552 : f32
      %get3A_554 = arith.index_cast %add3A_551 : i32 to index
      %get3A_555 = arith.constant 0 : index
      %get3A_556 = arith.constant 0 : index
      %get3A_557 = vector.load %arg2[%get3A_554, %get3A_555, %get3A_556] : memref<80x8x128xf32, #tpu.memory_space<vmem>>, vector<1x8x128xf32>
      %get3A_558 = arith.index_cast %add3A_551 : i32 to index
      %get3A_559 = arith.constant 0 : index
      %get3A_560 = arith.constant 0 : index
      %get3A_561 = vector.load %arg3[%get3A_558, %get3A_559, %get3A_560] : memref<80x8x128xf32, #tpu.memory_space<vmem>>, vector<1x8x128xf32>
      %get3A_562 = arith.index_cast %add3A_551 : i32 to index
      %get3A_563 = arith.constant 0 : index
      %get3A_564 = arith.constant 0 : index
      %get3A_565 = vector.load %arg4[%get3A_562, %get3A_563, %get3A_564] : memref<80x8x128xf32, #tpu.memory_space<vmem>>, vector<1x8x128xf32>
      %sub3A_566 = vector.broadcast %get3A_557 : vector<1x8x128xf32> to vector<10x8x128xf32>
      %sub3A_567 = arith.subf %broadcast_in_dim3A_184, %sub3A_566 : vector<10x8x128xf32>
      %sub3A_568 = vector.broadcast %get3A_561 : vector<1x8x128xf32> to vector<10x8x128xf32>
      %sub3A_569 = arith.subf %broadcast_in_dim3A_188, %sub3A_568 : vector<10x8x128xf32>
      %sub3A_570 = vector.broadcast %get3A_565 : vector<1x8x128xf32> to vector<10x8x128xf32>
      %sub3A_571 = arith.subf %broadcast_in_dim3A_192, %sub3A_570 : vector<10x8x128xf32>
      %mul3A_572 = arith.mulf %sub3A_567, %sub3A_567 : vector<10x8x128xf32>
      %mul3A_573 = arith.mulf %sub3A_569, %sub3A_569 : vector<10x8x128xf32>
      %add3A_574 = arith.addf %mul3A_572, %mul3A_573 : vector<10x8x128xf32>
      %mul3A_575 = arith.mulf %sub3A_571, %sub3A_571 : vector<10x8x128xf32>
      %add3A_576 = arith.addf %add3A_574, %mul3A_575 : vector<10x8x128xf32>
      %lt3A_577 = arith.cmpf olt, %add3A_576, %min3A_543 : vector<10x8x128xf32>
      %min3A_578 = arith.minimumf %add3A_576, %min3A_543 : vector<10x8x128xf32>
      %broadcast_in_dim3A_579 = vector.broadcast %add3A_553 : f32 to vector<10x8x128xf32>
      %select_n3A_580 = arith.select %lt3A_577, %broadcast_in_dim3A_579, %select_n3A_545 : vector<10x8x128xi1>, vector<10x8x128xf32>
      %mul3A_581 = arith.constant 20 : i32
      %mul3A_582 = arith.muli %scan3A_226, %mul3A_581 : i32
      %add3A_583 = arith.constant 0 : i32
      %add3A_584 = arith.addi %add3A_583, %mul3A_582 : i32
      %add3A_585 = arith.constant 10 : i32
      %add3A_586 = arith.addi %add3A_584, %add3A_585 : i32
      %add3A_587 = arith.constant 1.000000e+01 : f32
      %add3A_588 = arith.addf %add3A_233, %add3A_587 : f32
      %get3A_589 = arith.index_cast %add3A_586 : i32 to index
      %get3A_590 = arith.constant 0 : index
      %get3A_591 = arith.constant 0 : index
      %get3A_592 = vector.load %arg2[%get3A_589, %get3A_590, %get3A_591] : memref<80x8x128xf32, #tpu.memory_space<vmem>>, vector<1x8x128xf32>
      %get3A_593 = arith.index_cast %add3A_586 : i32 to index
      %get3A_594 = arith.constant 0 : index
      %get3A_595 = arith.constant 0 : index
      %get3A_596 = vector.load %arg3[%get3A_593, %get3A_594, %get3A_595] : memref<80x8x128xf32, #tpu.memory_space<vmem>>, vector<1x8x128xf32>
      %get3A_597 = arith.index_cast %add3A_586 : i32 to index
      %get3A_598 = arith.constant 0 : index
      %get3A_599 = arith.constant 0 : index
      %get3A_600 = vector.load %arg4[%get3A_597, %get3A_598, %get3A_599] : memref<80x8x128xf32, #tpu.memory_space<vmem>>, vector<1x8x128xf32>
      %sub3A_601 = vector.broadcast %get3A_592 : vector<1x8x128xf32> to vector<10x8x128xf32>
      %sub3A_602 = arith.subf %broadcast_in_dim3A_184, %sub3A_601 : vector<10x8x128xf32>
      %sub3A_603 = vector.broadcast %get3A_596 : vector<1x8x128xf32> to vector<10x8x128xf32>
      %sub3A_604 = arith.subf %broadcast_in_dim3A_188, %sub3A_603 : vector<10x8x128xf32>
      %sub3A_605 = vector.broadcast %get3A_600 : vector<1x8x128xf32> to vector<10x8x128xf32>
      %sub3A_606 = arith.subf %broadcast_in_dim3A_192, %sub3A_605 : vector<10x8x128xf32>
      %mul3A_607 = arith.mulf %sub3A_602, %sub3A_602 : vector<10x8x128xf32>
      %mul3A_608 = arith.mulf %sub3A_604, %sub3A_604 : vector<10x8x128xf32>
      %add3A_609 = arith.addf %mul3A_607, %mul3A_608 : vector<10x8x128xf32>
      %mul3A_610 = arith.mulf %sub3A_606, %sub3A_606 : vector<10x8x128xf32>
      %add3A_611 = arith.addf %add3A_609, %mul3A_610 : vector<10x8x128xf32>
      %lt3A_612 = arith.cmpf olt, %add3A_611, %min3A_578 : vector<10x8x128xf32>
      %min3A_613 = arith.minimumf %add3A_611, %min3A_578 : vector<10x8x128xf32>
      %broadcast_in_dim3A_614 = vector.broadcast %add3A_588 : f32 to vector<10x8x128xf32>
      %select_n3A_615 = arith.select %lt3A_612, %broadcast_in_dim3A_614, %select_n3A_580 : vector<10x8x128xi1>, vector<10x8x128xf32>
      %mul3A_616 = arith.constant 20 : i32
      %mul3A_617 = arith.muli %scan3A_226, %mul3A_616 : i32
      %add3A_618 = arith.constant 0 : i32
      %add3A_619 = arith.addi %add3A_618, %mul3A_617 : i32
      %add3A_620 = arith.constant 11 : i32
      %add3A_621 = arith.addi %add3A_619, %add3A_620 : i32
      %add3A_622 = arith.constant 1.100000e+01 : f32
      %add3A_623 = arith.addf %add3A_233, %add3A_622 : f32
      %get3A_624 = arith.index_cast %add3A_621 : i32 to index
      %get3A_625 = arith.constant 0 : index
      %get3A_626 = arith.constant 0 : index
      %get3A_627 = vector.load %arg2[%get3A_624, %get3A_625, %get3A_626] : memref<80x8x128xf32, #tpu.memory_space<vmem>>, vector<1x8x128xf32>
      %get3A_628 = arith.index_cast %add3A_621 : i32 to index
      %get3A_629 = arith.constant 0 : index
      %get3A_630 = arith.constant 0 : index
      %get3A_631 = vector.load %arg3[%get3A_628, %get3A_629, %get3A_630] : memref<80x8x128xf32, #tpu.memory_space<vmem>>, vector<1x8x128xf32>
      %get3A_632 = arith.index_cast %add3A_621 : i32 to index
      %get3A_633 = arith.constant 0 : index
      %get3A_634 = arith.constant 0 : index
      %get3A_635 = vector.load %arg4[%get3A_632, %get3A_633, %get3A_634] : memref<80x8x128xf32, #tpu.memory_space<vmem>>, vector<1x8x128xf32>
      %sub3A_636 = vector.broadcast %get3A_627 : vector<1x8x128xf32> to vector<10x8x128xf32>
      %sub3A_637 = arith.subf %broadcast_in_dim3A_184, %sub3A_636 : vector<10x8x128xf32>
      %sub3A_638 = vector.broadcast %get3A_631 : vector<1x8x128xf32> to vector<10x8x128xf32>
      %sub3A_639 = arith.subf %broadcast_in_dim3A_188, %sub3A_638 : vector<10x8x128xf32>
      %sub3A_640 = vector.broadcast %get3A_635 : vector<1x8x128xf32> to vector<10x8x128xf32>
      %sub3A_641 = arith.subf %broadcast_in_dim3A_192, %sub3A_640 : vector<10x8x128xf32>
      %mul3A_642 = arith.mulf %sub3A_637, %sub3A_637 : vector<10x8x128xf32>
      %mul3A_643 = arith.mulf %sub3A_639, %sub3A_639 : vector<10x8x128xf32>
      %add3A_644 = arith.addf %mul3A_642, %mul3A_643 : vector<10x8x128xf32>
      %mul3A_645 = arith.mulf %sub3A_641, %sub3A_641 : vector<10x8x128xf32>
      %add3A_646 = arith.addf %add3A_644, %mul3A_645 : vector<10x8x128xf32>
      %lt3A_647 = arith.cmpf olt, %add3A_646, %min3A_613 : vector<10x8x128xf32>
      %min3A_648 = arith.minimumf %add3A_646, %min3A_613 : vector<10x8x128xf32>
      %broadcast_in_dim3A_649 = vector.broadcast %add3A_623 : f32 to vector<10x8x128xf32>
      %select_n3A_650 = arith.select %lt3A_647, %broadcast_in_dim3A_649, %select_n3A_615 : vector<10x8x128xi1>, vector<10x8x128xf32>
      %mul3A_651 = arith.constant 20 : i32
      %mul3A_652 = arith.muli %scan3A_226, %mul3A_651 : i32
      %add3A_653 = arith.constant 0 : i32
      %add3A_654 = arith.addi %add3A_653, %mul3A_652 : i32
      %add3A_655 = arith.constant 12 : i32
      %add3A_656 = arith.addi %add3A_654, %add3A_655 : i32
      %add3A_657 = arith.constant 1.200000e+01 : f32
      %add3A_658 = arith.addf %add3A_233, %add3A_657 : f32
      %get3A_659 = arith.index_cast %add3A_656 : i32 to index
      %get3A_660 = arith.constant 0 : index
      %get3A_661 = arith.constant 0 : index
      %get3A_662 = vector.load %arg2[%get3A_659, %get3A_660, %get3A_661] : memref<80x8x128xf32, #tpu.memory_space<vmem>>, vector<1x8x128xf32>
      %get3A_663 = arith.index_cast %add3A_656 : i32 to index
      %get3A_664 = arith.constant 0 : index
      %get3A_665 = arith.constant 0 : index
      %get3A_666 = vector.load %arg3[%get3A_663, %get3A_664, %get3A_665] : memref<80x8x128xf32, #tpu.memory_space<vmem>>, vector<1x8x128xf32>
      %get3A_667 = arith.index_cast %add3A_656 : i32 to index
      %get3A_668 = arith.constant 0 : index
      %get3A_669 = arith.constant 0 : index
      %get3A_670 = vector.load %arg4[%get3A_667, %get3A_668, %get3A_669] : memref<80x8x128xf32, #tpu.memory_space<vmem>>, vector<1x8x128xf32>
      %sub3A_671 = vector.broadcast %get3A_662 : vector<1x8x128xf32> to vector<10x8x128xf32>
      %sub3A_672 = arith.subf %broadcast_in_dim3A_184, %sub3A_671 : vector<10x8x128xf32>
      %sub3A_673 = vector.broadcast %get3A_666 : vector<1x8x128xf32> to vector<10x8x128xf32>
      %sub3A_674 = arith.subf %broadcast_in_dim3A_188, %sub3A_673 : vector<10x8x128xf32>
      %sub3A_675 = vector.broadcast %get3A_670 : vector<1x8x128xf32> to vector<10x8x128xf32>
      %sub3A_676 = arith.subf %broadcast_in_dim3A_192, %sub3A_675 : vector<10x8x128xf32>
      %mul3A_677 = arith.mulf %sub3A_672, %sub3A_672 : vector<10x8x128xf32>
      %mul3A_678 = arith.mulf %sub3A_674, %sub3A_674 : vector<10x8x128xf32>
      %add3A_679 = arith.addf %mul3A_677, %mul3A_678 : vector<10x8x128xf32>
      %mul3A_680 = arith.mulf %sub3A_676, %sub3A_676 : vector<10x8x128xf32>
      %add3A_681 = arith.addf %add3A_679, %mul3A_680 : vector<10x8x128xf32>
      %lt3A_682 = arith.cmpf olt, %add3A_681, %min3A_648 : vector<10x8x128xf32>
      %min3A_683 = arith.minimumf %add3A_681, %min3A_648 : vector<10x8x128xf32>
      %broadcast_in_dim3A_684 = vector.broadcast %add3A_658 : f32 to vector<10x8x128xf32>
      %select_n3A_685 = arith.select %lt3A_682, %broadcast_in_dim3A_684, %select_n3A_650 : vector<10x8x128xi1>, vector<10x8x128xf32>
      %mul3A_686 = arith.constant 20 : i32
      %mul3A_687 = arith.muli %scan3A_226, %mul3A_686 : i32
      %add3A_688 = arith.constant 0 : i32
      %add3A_689 = arith.addi %add3A_688, %mul3A_687 : i32
      %add3A_690 = arith.constant 13 : i32
      %add3A_691 = arith.addi %add3A_689, %add3A_690 : i32
      %add3A_692 = arith.constant 1.300000e+01 : f32
      %add3A_693 = arith.addf %add3A_233, %add3A_692 : f32
      %get3A_694 = arith.index_cast %add3A_691 : i32 to index
      %get3A_695 = arith.constant 0 : index
      %get3A_696 = arith.constant 0 : index
      %get3A_697 = vector.load %arg2[%get3A_694, %get3A_695, %get3A_696] : memref<80x8x128xf32, #tpu.memory_space<vmem>>, vector<1x8x128xf32>
      %get3A_698 = arith.index_cast %add3A_691 : i32 to index
      %get3A_699 = arith.constant 0 : index
      %get3A_700 = arith.constant 0 : index
      %get3A_701 = vector.load %arg3[%get3A_698, %get3A_699, %get3A_700] : memref<80x8x128xf32, #tpu.memory_space<vmem>>, vector<1x8x128xf32>
      %get3A_702 = arith.index_cast %add3A_691 : i32 to index
      %get3A_703 = arith.constant 0 : index
      %get3A_704 = arith.constant 0 : index
      %get3A_705 = vector.load %arg4[%get3A_702, %get3A_703, %get3A_704] : memref<80x8x128xf32, #tpu.memory_space<vmem>>, vector<1x8x128xf32>
      %sub3A_706 = vector.broadcast %get3A_697 : vector<1x8x128xf32> to vector<10x8x128xf32>
      %sub3A_707 = arith.subf %broadcast_in_dim3A_184, %sub3A_706 : vector<10x8x128xf32>
      %sub3A_708 = vector.broadcast %get3A_701 : vector<1x8x128xf32> to vector<10x8x128xf32>
      %sub3A_709 = arith.subf %broadcast_in_dim3A_188, %sub3A_708 : vector<10x8x128xf32>
      %sub3A_710 = vector.broadcast %get3A_705 : vector<1x8x128xf32> to vector<10x8x128xf32>
      %sub3A_711 = arith.subf %broadcast_in_dim3A_192, %sub3A_710 : vector<10x8x128xf32>
      %mul3A_712 = arith.mulf %sub3A_707, %sub3A_707 : vector<10x8x128xf32>
      %mul3A_713 = arith.mulf %sub3A_709, %sub3A_709 : vector<10x8x128xf32>
      %add3A_714 = arith.addf %mul3A_712, %mul3A_713 : vector<10x8x128xf32>
      %mul3A_715 = arith.mulf %sub3A_711, %sub3A_711 : vector<10x8x128xf32>
      %add3A_716 = arith.addf %add3A_714, %mul3A_715 : vector<10x8x128xf32>
      %lt3A_717 = arith.cmpf olt, %add3A_716, %min3A_683 : vector<10x8x128xf32>
      %min3A_718 = arith.minimumf %add3A_716, %min3A_683 : vector<10x8x128xf32>
      %broadcast_in_dim3A_719 = vector.broadcast %add3A_693 : f32 to vector<10x8x128xf32>
      %select_n3A_720 = arith.select %lt3A_717, %broadcast_in_dim3A_719, %select_n3A_685 : vector<10x8x128xi1>, vector<10x8x128xf32>
      %mul3A_721 = arith.constant 20 : i32
      %mul3A_722 = arith.muli %scan3A_226, %mul3A_721 : i32
      %add3A_723 = arith.constant 0 : i32
      %add3A_724 = arith.addi %add3A_723, %mul3A_722 : i32
      %add3A_725 = arith.constant 14 : i32
      %add3A_726 = arith.addi %add3A_724, %add3A_725 : i32
      %add3A_727 = arith.constant 1.400000e+01 : f32
      %add3A_728 = arith.addf %add3A_233, %add3A_727 : f32
      %get3A_729 = arith.index_cast %add3A_726 : i32 to index
      %get3A_730 = arith.constant 0 : index
      %get3A_731 = arith.constant 0 : index
      %get3A_732 = vector.load %arg2[%get3A_729, %get3A_730, %get3A_731] : memref<80x8x128xf32, #tpu.memory_space<vmem>>, vector<1x8x128xf32>
      %get3A_733 = arith.index_cast %add3A_726 : i32 to index
      %get3A_734 = arith.constant 0 : index
      %get3A_735 = arith.constant 0 : index
      %get3A_736 = vector.load %arg3[%get3A_733, %get3A_734, %get3A_735] : memref<80x8x128xf32, #tpu.memory_space<vmem>>, vector<1x8x128xf32>
      %get3A_737 = arith.index_cast %add3A_726 : i32 to index
      %get3A_738 = arith.constant 0 : index
      %get3A_739 = arith.constant 0 : index
      %get3A_740 = vector.load %arg4[%get3A_737, %get3A_738, %get3A_739] : memref<80x8x128xf32, #tpu.memory_space<vmem>>, vector<1x8x128xf32>
      %sub3A_741 = vector.broadcast %get3A_732 : vector<1x8x128xf32> to vector<10x8x128xf32>
      %sub3A_742 = arith.subf %broadcast_in_dim3A_184, %sub3A_741 : vector<10x8x128xf32>
      %sub3A_743 = vector.broadcast %get3A_736 : vector<1x8x128xf32> to vector<10x8x128xf32>
      %sub3A_744 = arith.subf %broadcast_in_dim3A_188, %sub3A_743 : vector<10x8x128xf32>
      %sub3A_745 = vector.broadcast %get3A_740 : vector<1x8x128xf32> to vector<10x8x128xf32>
      %sub3A_746 = arith.subf %broadcast_in_dim3A_192, %sub3A_745 : vector<10x8x128xf32>
      %mul3A_747 = arith.mulf %sub3A_742, %sub3A_742 : vector<10x8x128xf32>
      %mul3A_748 = arith.mulf %sub3A_744, %sub3A_744 : vector<10x8x128xf32>
      %add3A_749 = arith.addf %mul3A_747, %mul3A_748 : vector<10x8x128xf32>
      %mul3A_750 = arith.mulf %sub3A_746, %sub3A_746 : vector<10x8x128xf32>
      %add3A_751 = arith.addf %add3A_749, %mul3A_750 : vector<10x8x128xf32>
      %lt3A_752 = arith.cmpf olt, %add3A_751, %min3A_718 : vector<10x8x128xf32>
      %min3A_753 = arith.minimumf %add3A_751, %min3A_718 : vector<10x8x128xf32>
      %broadcast_in_dim3A_754 = vector.broadcast %add3A_728 : f32 to vector<10x8x128xf32>
      %select_n3A_755 = arith.select %lt3A_752, %broadcast_in_dim3A_754, %select_n3A_720 : vector<10x8x128xi1>, vector<10x8x128xf32>
      %mul3A_756 = arith.constant 20 : i32
      %mul3A_757 = arith.muli %scan3A_226, %mul3A_756 : i32
      %add3A_758 = arith.constant 0 : i32
      %add3A_759 = arith.addi %add3A_758, %mul3A_757 : i32
      %add3A_760 = arith.constant 15 : i32
      %add3A_761 = arith.addi %add3A_759, %add3A_760 : i32
      %add3A_762 = arith.constant 1.500000e+01 : f32
      %add3A_763 = arith.addf %add3A_233, %add3A_762 : f32
      %get3A_764 = arith.index_cast %add3A_761 : i32 to index
      %get3A_765 = arith.constant 0 : index
      %get3A_766 = arith.constant 0 : index
      %get3A_767 = vector.load %arg2[%get3A_764, %get3A_765, %get3A_766] : memref<80x8x128xf32, #tpu.memory_space<vmem>>, vector<1x8x128xf32>
      %get3A_768 = arith.index_cast %add3A_761 : i32 to index
      %get3A_769 = arith.constant 0 : index
      %get3A_770 = arith.constant 0 : index
      %get3A_771 = vector.load %arg3[%get3A_768, %get3A_769, %get3A_770] : memref<80x8x128xf32, #tpu.memory_space<vmem>>, vector<1x8x128xf32>
      %get3A_772 = arith.index_cast %add3A_761 : i32 to index
      %get3A_773 = arith.constant 0 : index
      %get3A_774 = arith.constant 0 : index
      %get3A_775 = vector.load %arg4[%get3A_772, %get3A_773, %get3A_774] : memref<80x8x128xf32, #tpu.memory_space<vmem>>, vector<1x8x128xf32>
      %sub3A_776 = vector.broadcast %get3A_767 : vector<1x8x128xf32> to vector<10x8x128xf32>
      %sub3A_777 = arith.subf %broadcast_in_dim3A_184, %sub3A_776 : vector<10x8x128xf32>
      %sub3A_778 = vector.broadcast %get3A_771 : vector<1x8x128xf32> to vector<10x8x128xf32>
      %sub3A_779 = arith.subf %broadcast_in_dim3A_188, %sub3A_778 : vector<10x8x128xf32>
      %sub3A_780 = vector.broadcast %get3A_775 : vector<1x8x128xf32> to vector<10x8x128xf32>
      %sub3A_781 = arith.subf %broadcast_in_dim3A_192, %sub3A_780 : vector<10x8x128xf32>
      %mul3A_782 = arith.mulf %sub3A_777, %sub3A_777 : vector<10x8x128xf32>
      %mul3A_783 = arith.mulf %sub3A_779, %sub3A_779 : vector<10x8x128xf32>
      %add3A_784 = arith.addf %mul3A_782, %mul3A_783 : vector<10x8x128xf32>
      %mul3A_785 = arith.mulf %sub3A_781, %sub3A_781 : vector<10x8x128xf32>
      %add3A_786 = arith.addf %add3A_784, %mul3A_785 : vector<10x8x128xf32>
      %lt3A_787 = arith.cmpf olt, %add3A_786, %min3A_753 : vector<10x8x128xf32>
      %min3A_788 = arith.minimumf %add3A_786, %min3A_753 : vector<10x8x128xf32>
      %broadcast_in_dim3A_789 = vector.broadcast %add3A_763 : f32 to vector<10x8x128xf32>
      %select_n3A_790 = arith.select %lt3A_787, %broadcast_in_dim3A_789, %select_n3A_755 : vector<10x8x128xi1>, vector<10x8x128xf32>
      %mul3A_791 = arith.constant 20 : i32
      %mul3A_792 = arith.muli %scan3A_226, %mul3A_791 : i32
      %add3A_793 = arith.constant 0 : i32
      %add3A_794 = arith.addi %add3A_793, %mul3A_792 : i32
      %add3A_795 = arith.constant 16 : i32
      %add3A_796 = arith.addi %add3A_794, %add3A_795 : i32
      %add3A_797 = arith.constant 1.600000e+01 : f32
      %add3A_798 = arith.addf %add3A_233, %add3A_797 : f32
      %get3A_799 = arith.index_cast %add3A_796 : i32 to index
      %get3A_800 = arith.constant 0 : index
      %get3A_801 = arith.constant 0 : index
      %get3A_802 = vector.load %arg2[%get3A_799, %get3A_800, %get3A_801] : memref<80x8x128xf32, #tpu.memory_space<vmem>>, vector<1x8x128xf32>
      %get3A_803 = arith.index_cast %add3A_796 : i32 to index
      %get3A_804 = arith.constant 0 : index
      %get3A_805 = arith.constant 0 : index
      %get3A_806 = vector.load %arg3[%get3A_803, %get3A_804, %get3A_805] : memref<80x8x128xf32, #tpu.memory_space<vmem>>, vector<1x8x128xf32>
      %get3A_807 = arith.index_cast %add3A_796 : i32 to index
      %get3A_808 = arith.constant 0 : index
      %get3A_809 = arith.constant 0 : index
      %get3A_810 = vector.load %arg4[%get3A_807, %get3A_808, %get3A_809] : memref<80x8x128xf32, #tpu.memory_space<vmem>>, vector<1x8x128xf32>
      %sub3A_811 = vector.broadcast %get3A_802 : vector<1x8x128xf32> to vector<10x8x128xf32>
      %sub3A_812 = arith.subf %broadcast_in_dim3A_184, %sub3A_811 : vector<10x8x128xf32>
      %sub3A_813 = vector.broadcast %get3A_806 : vector<1x8x128xf32> to vector<10x8x128xf32>
      %sub3A_814 = arith.subf %broadcast_in_dim3A_188, %sub3A_813 : vector<10x8x128xf32>
      %sub3A_815 = vector.broadcast %get3A_810 : vector<1x8x128xf32> to vector<10x8x128xf32>
      %sub3A_816 = arith.subf %broadcast_in_dim3A_192, %sub3A_815 : vector<10x8x128xf32>
      %mul3A_817 = arith.mulf %sub3A_812, %sub3A_812 : vector<10x8x128xf32>
      %mul3A_818 = arith.mulf %sub3A_814, %sub3A_814 : vector<10x8x128xf32>
      %add3A_819 = arith.addf %mul3A_817, %mul3A_818 : vector<10x8x128xf32>
      %mul3A_820 = arith.mulf %sub3A_816, %sub3A_816 : vector<10x8x128xf32>
      %add3A_821 = arith.addf %add3A_819, %mul3A_820 : vector<10x8x128xf32>
      %lt3A_822 = arith.cmpf olt, %add3A_821, %min3A_788 : vector<10x8x128xf32>
      %min3A_823 = arith.minimumf %add3A_821, %min3A_788 : vector<10x8x128xf32>
      %broadcast_in_dim3A_824 = vector.broadcast %add3A_798 : f32 to vector<10x8x128xf32>
      %select_n3A_825 = arith.select %lt3A_822, %broadcast_in_dim3A_824, %select_n3A_790 : vector<10x8x128xi1>, vector<10x8x128xf32>
      %mul3A_826 = arith.constant 20 : i32
      %mul3A_827 = arith.muli %scan3A_226, %mul3A_826 : i32
      %add3A_828 = arith.constant 0 : i32
      %add3A_829 = arith.addi %add3A_828, %mul3A_827 : i32
      %add3A_830 = arith.constant 17 : i32
      %add3A_831 = arith.addi %add3A_829, %add3A_830 : i32
      %add3A_832 = arith.constant 1.700000e+01 : f32
      %add3A_833 = arith.addf %add3A_233, %add3A_832 : f32
      %get3A_834 = arith.index_cast %add3A_831 : i32 to index
      %get3A_835 = arith.constant 0 : index
      %get3A_836 = arith.constant 0 : index
      %get3A_837 = vector.load %arg2[%get3A_834, %get3A_835, %get3A_836] : memref<80x8x128xf32, #tpu.memory_space<vmem>>, vector<1x8x128xf32>
      %get3A_838 = arith.index_cast %add3A_831 : i32 to index
      %get3A_839 = arith.constant 0 : index
      %get3A_840 = arith.constant 0 : index
      %get3A_841 = vector.load %arg3[%get3A_838, %get3A_839, %get3A_840] : memref<80x8x128xf32, #tpu.memory_space<vmem>>, vector<1x8x128xf32>
      %get3A_842 = arith.index_cast %add3A_831 : i32 to index
      %get3A_843 = arith.constant 0 : index
      %get3A_844 = arith.constant 0 : index
      %get3A_845 = vector.load %arg4[%get3A_842, %get3A_843, %get3A_844] : memref<80x8x128xf32, #tpu.memory_space<vmem>>, vector<1x8x128xf32>
      %sub3A_846 = vector.broadcast %get3A_837 : vector<1x8x128xf32> to vector<10x8x128xf32>
      %sub3A_847 = arith.subf %broadcast_in_dim3A_184, %sub3A_846 : vector<10x8x128xf32>
      %sub3A_848 = vector.broadcast %get3A_841 : vector<1x8x128xf32> to vector<10x8x128xf32>
      %sub3A_849 = arith.subf %broadcast_in_dim3A_188, %sub3A_848 : vector<10x8x128xf32>
      %sub3A_850 = vector.broadcast %get3A_845 : vector<1x8x128xf32> to vector<10x8x128xf32>
      %sub3A_851 = arith.subf %broadcast_in_dim3A_192, %sub3A_850 : vector<10x8x128xf32>
      %mul3A_852 = arith.mulf %sub3A_847, %sub3A_847 : vector<10x8x128xf32>
      %mul3A_853 = arith.mulf %sub3A_849, %sub3A_849 : vector<10x8x128xf32>
      %add3A_854 = arith.addf %mul3A_852, %mul3A_853 : vector<10x8x128xf32>
      %mul3A_855 = arith.mulf %sub3A_851, %sub3A_851 : vector<10x8x128xf32>
      %add3A_856 = arith.addf %add3A_854, %mul3A_855 : vector<10x8x128xf32>
      %lt3A_857 = arith.cmpf olt, %add3A_856, %min3A_823 : vector<10x8x128xf32>
      %min3A_858 = arith.minimumf %add3A_856, %min3A_823 : vector<10x8x128xf32>
      %broadcast_in_dim3A_859 = vector.broadcast %add3A_833 : f32 to vector<10x8x128xf32>
      %select_n3A_860 = arith.select %lt3A_857, %broadcast_in_dim3A_859, %select_n3A_825 : vector<10x8x128xi1>, vector<10x8x128xf32>
      %mul3A_861 = arith.constant 20 : i32
      %mul3A_862 = arith.muli %scan3A_226, %mul3A_861 : i32
      %add3A_863 = arith.constant 0 : i32
      %add3A_864 = arith.addi %add3A_863, %mul3A_862 : i32
      %add3A_865 = arith.constant 18 : i32
      %add3A_866 = arith.addi %add3A_864, %add3A_865 : i32
      %add3A_867 = arith.constant 1.800000e+01 : f32
      %add3A_868 = arith.addf %add3A_233, %add3A_867 : f32
      %get3A_869 = arith.index_cast %add3A_866 : i32 to index
      %get3A_870 = arith.constant 0 : index
      %get3A_871 = arith.constant 0 : index
      %get3A_872 = vector.load %arg2[%get3A_869, %get3A_870, %get3A_871] : memref<80x8x128xf32, #tpu.memory_space<vmem>>, vector<1x8x128xf32>
      %get3A_873 = arith.index_cast %add3A_866 : i32 to index
      %get3A_874 = arith.constant 0 : index
      %get3A_875 = arith.constant 0 : index
      %get3A_876 = vector.load %arg3[%get3A_873, %get3A_874, %get3A_875] : memref<80x8x128xf32, #tpu.memory_space<vmem>>, vector<1x8x128xf32>
      %get3A_877 = arith.index_cast %add3A_866 : i32 to index
      %get3A_878 = arith.constant 0 : index
      %get3A_879 = arith.constant 0 : index
      %get3A_880 = vector.load %arg4[%get3A_877, %get3A_878, %get3A_879] : memref<80x8x128xf32, #tpu.memory_space<vmem>>, vector<1x8x128xf32>
      %sub3A_881 = vector.broadcast %get3A_872 : vector<1x8x128xf32> to vector<10x8x128xf32>
      %sub3A_882 = arith.subf %broadcast_in_dim3A_184, %sub3A_881 : vector<10x8x128xf32>
      %sub3A_883 = vector.broadcast %get3A_876 : vector<1x8x128xf32> to vector<10x8x128xf32>
      %sub3A_884 = arith.subf %broadcast_in_dim3A_188, %sub3A_883 : vector<10x8x128xf32>
      %sub3A_885 = vector.broadcast %get3A_880 : vector<1x8x128xf32> to vector<10x8x128xf32>
      %sub3A_886 = arith.subf %broadcast_in_dim3A_192, %sub3A_885 : vector<10x8x128xf32>
      %mul3A_887 = arith.mulf %sub3A_882, %sub3A_882 : vector<10x8x128xf32>
      %mul3A_888 = arith.mulf %sub3A_884, %sub3A_884 : vector<10x8x128xf32>
      %add3A_889 = arith.addf %mul3A_887, %mul3A_888 : vector<10x8x128xf32>
      %mul3A_890 = arith.mulf %sub3A_886, %sub3A_886 : vector<10x8x128xf32>
      %add3A_891 = arith.addf %add3A_889, %mul3A_890 : vector<10x8x128xf32>
      %lt3A_892 = arith.cmpf olt, %add3A_891, %min3A_858 : vector<10x8x128xf32>
      %min3A_893 = arith.minimumf %add3A_891, %min3A_858 : vector<10x8x128xf32>
      %broadcast_in_dim3A_894 = vector.broadcast %add3A_868 : f32 to vector<10x8x128xf32>
      %select_n3A_895 = arith.select %lt3A_892, %broadcast_in_dim3A_894, %select_n3A_860 : vector<10x8x128xi1>, vector<10x8x128xf32>
      %mul3A_896 = arith.constant 20 : i32
      %mul3A_897 = arith.muli %scan3A_226, %mul3A_896 : i32
      %add3A_898 = arith.constant 0 : i32
      %add3A_899 = arith.addi %add3A_898, %mul3A_897 : i32
      %add3A_900 = arith.constant 19 : i32
      %add3A_901 = arith.addi %add3A_899, %add3A_900 : i32
      %add3A_902 = arith.constant 1.900000e+01 : f32
      %add3A_903 = arith.addf %add3A_233, %add3A_902 : f32
      %get3A_904 = arith.index_cast %add3A_901 : i32 to index
      %get3A_905 = arith.constant 0 : index
      %get3A_906 = arith.constant 0 : index
      %get3A_907 = vector.load %arg2[%get3A_904, %get3A_905, %get3A_906] : memref<80x8x128xf32, #tpu.memory_space<vmem>>, vector<1x8x128xf32>
      %get3A_908 = arith.index_cast %add3A_901 : i32 to index
      %get3A_909 = arith.constant 0 : index
      %get3A_910 = arith.constant 0 : index
      %get3A_911 = vector.load %arg3[%get3A_908, %get3A_909, %get3A_910] : memref<80x8x128xf32, #tpu.memory_space<vmem>>, vector<1x8x128xf32>
      %get3A_912 = arith.index_cast %add3A_901 : i32 to index
      %get3A_913 = arith.constant 0 : index
      %get3A_914 = arith.constant 0 : index
      %get3A_915 = vector.load %arg4[%get3A_912, %get3A_913, %get3A_914] : memref<80x8x128xf32, #tpu.memory_space<vmem>>, vector<1x8x128xf32>
      %sub3A_916 = vector.broadcast %get3A_907 : vector<1x8x128xf32> to vector<10x8x128xf32>
      %sub3A_917 = arith.subf %broadcast_in_dim3A_184, %sub3A_916 : vector<10x8x128xf32>
      %sub3A_918 = vector.broadcast %get3A_911 : vector<1x8x128xf32> to vector<10x8x128xf32>
      %sub3A_919 = arith.subf %broadcast_in_dim3A_188, %sub3A_918 : vector<10x8x128xf32>
      %sub3A_920 = vector.broadcast %get3A_915 : vector<1x8x128xf32> to vector<10x8x128xf32>
      %sub3A_921 = arith.subf %broadcast_in_dim3A_192, %sub3A_920 : vector<10x8x128xf32>
      %mul3A_922 = arith.mulf %sub3A_917, %sub3A_917 : vector<10x8x128xf32>
      %mul3A_923 = arith.mulf %sub3A_919, %sub3A_919 : vector<10x8x128xf32>
      %add3A_924 = arith.addf %mul3A_922, %mul3A_923 : vector<10x8x128xf32>
      %mul3A_925 = arith.mulf %sub3A_921, %sub3A_921 : vector<10x8x128xf32>
      %add3A_926 = arith.addf %add3A_924, %mul3A_925 : vector<10x8x128xf32>
      %lt3A_927 = arith.cmpf olt, %add3A_926, %min3A_893 : vector<10x8x128xf32>
      %min3A_928 = arith.minimumf %add3A_926, %min3A_893 : vector<10x8x128xf32>
      %broadcast_in_dim3A_929 = vector.broadcast %add3A_903 : f32 to vector<10x8x128xf32>
      %select_n3A_930 = arith.select %lt3A_927, %broadcast_in_dim3A_929, %select_n3A_895 : vector<10x8x128xi1>, vector<10x8x128xf32>
      scf.yield %min3A_928, %select_n3A_930 : vector<10x8x128xf32>, vector<10x8x128xf32>
    }
    %scan3A_202 = arith.constant 4 : i32
    %reshape3A_203 = vector.shape_cast %scan3A_201#0 : vector<10x8x128xf32> to vector<80x128xf32>
    %reshape3A_204 = vector.shape_cast %scan3A_201#1 : vector<10x8x128xf32> to vector<80x128xf32>
    %iota3A_205 = tpu.iota {dimensions = array<i32: 1>} : vector<80x128xi32>
    %convert_element_type3A_206 = arith.sitofp %iota3A_205 : vector<80x128xi32> to vector<80x128xf32>
    %mul3A_207 = arith.constant 1.280000e+02 : f32
    %mul3A_208 = vector.broadcast %mul3A_207 : f32 to vector<80x128xf32>
    %mul3A_209 = arith.mulf %reshape3A_204, %mul3A_208 : vector<80x128xf32>
    %add3A_210 = arith.addf %mul3A_209, %convert_element_type3A_206 : vector<80x128xf32>
    %reduce_min3A_211 = arith.constant dense<0x7F800000> : vector<80xf32>
    %reduce_min3A_212 = vector.multi_reduction <minimumf>, %reshape3A_203, %reduce_min3A_211 [1] : vector<80x128xf32> to vector<80xf32>
    %broadcast_in_dim3A_213 = vector.shape_cast %reduce_min3A_212 : vector<80xf32> to vector<80x1xf32>
    %eq3A_214 = vector.broadcast %broadcast_in_dim3A_213 : vector<80x1xf32> to vector<80x128xf32>
    %eq3A_215 = arith.cmpf oeq, %reshape3A_203, %eq3A_214 : vector<80x128xf32>
    %jit3A_216 = arith.constant 1.07374182E+9 : f32
    %broadcast_in_dim3A_217 = vector.broadcast %jit3A_216 : f32 to vector<80x128xf32>
    %select_n3A_218 = arith.select %eq3A_215, %add3A_210, %broadcast_in_dim3A_217 : vector<80x128xi1>, vector<80x128xf32>
    %reduce_min3A_219 = arith.constant dense<0x7F800000> : vector<80xf32>
    %reduce_min3A_220 = vector.multi_reduction <minimumf>, %select_n3A_218, %reduce_min3A_219 [1] : vector<80x128xf32> to vector<80xf32>
    %broadcast_in_dim3A_221 = vector.shape_cast %reduce_min3A_220 : vector<80xf32> to vector<80x1xf32>
    %convert_element_type3A_222 = arith.fptosi %broadcast_in_dim3A_221 : vector<80x1xf32> to vector<80x1xi32>
    %swap3A_223 = arith.constant 320 : index
    %swap3A_224 = arith.constant 0 : index
    %swap3A_225 = vector.load %arg5[%swap3A_223, %swap3A_224] : memref<400x1xi32, #tpu.memory_space<vmem>>, vector<80x1xi32>
    tpu.vector_store %arg5[%swap3A_223, %swap3A_224], %convert_element_type3A_222 {strides = array<i32>} : memref<400x1xi32, #tpu.memory_space<vmem>>, vector<80x1xi32>,
    return
  }
  func.func @transform_0(%arg0: i32) -> (i32, i32) {
    %c0_i32 = arith.constant 0 : i32
    %c0_i32_0 = arith.constant 0 : i32
    return %arg0, %c0_i32 : i32, i32
  }
  func.func @transform_1(%arg0: i32) -> (i32, i32, i32) {
    %c0_i32 = arith.constant 0 : i32
    %c0_i32_0 = arith.constant 0 : i32
    %c0_i32_1 = arith.constant 0 : i32
    %c0_i32_2 = arith.constant 0 : i32
    return %c0_i32, %c0_i32_0, %c0_i32_1 : i32, i32, i32
  }
  func.func @transform_2(%arg0: i32) -> (i32, i32, i32) {
    %c0_i32 = arith.constant 0 : i32
    %c0_i32_0 = arith.constant 0 : i32
    %c0_i32_1 = arith.constant 0 : i32
    %c0_i32_2 = arith.constant 0 : i32
    return %c0_i32, %c0_i32_0, %c0_i32_1 : i32, i32, i32
  }
  func.func @transform_3(%arg0: i32) -> (i32, i32, i32) {
    %c0_i32 = arith.constant 0 : i32
    %c0_i32_0 = arith.constant 0 : i32
    %c0_i32_1 = arith.constant 0 : i32
    %c0_i32_2 = arith.constant 0 : i32
    return %c0_i32, %c0_i32_0, %c0_i32_1 : i32, i32, i32
  }
  func.func @transform_4(%arg0: i32) -> (i32, i32) {
    %c0_i32 = arith.constant 0 : i32
    %c0_i32_0 = arith.constant 0 : i32
    return %arg0, %c0_i32 : i32, i32
  }
}

module attributes {stable_mosaic.version = 14 : i64} {
  func.func @_stats1_body(%arg0: i32, %arg1: memref<1000x128xf32, #tpu.memory_space<vmem>>, %arg2: memref<1000x128xf32, #tpu.memory_space<vmem>>, %arg3: memref<8x128xf32, #tpu.memory_space<vmem>>) attributes {dimension_semantics = [#tpu.dimension_semantics<arbitrary>], iteration_bounds = array<i64: 50>, scalar_prefetch = 0 : i64, scratch_operands = 0 : i64, tpu.core_type = #tpu.core_type<tc>, window_params = [{transform_indices = @transform_0, window_bounds = array<i64: 1000, 128>}, {transform_indices = @transform_1, window_bounds = array<i64: 1000, 128>}, {pipeline_mode = #tpu.pipeline_mode<synchronous>, transform_indices = @transform_2, window_bounds = array<i64: 8, 128>}]} {
    %get3A = arith.constant 0 : index
    %get3A_0 = arith.constant 0 : index
    %get3A_1 = vector.load %arg1[%get3A, %get3A_0] : memref<1000x128xf32, #tpu.memory_space<vmem>>, vector<1000x128xf32>
    %get3A_2 = arith.constant 0 : index
    %get3A_3 = arith.constant 0 : index
    %get3A_4 = vector.load %arg2[%get3A_2, %get3A_3] : memref<1000x128xf32, #tpu.memory_space<vmem>>, vector<1000x128xf32>
    %sub3A = arith.subf %get3A_1, %get3A_4 : vector<1000x128xf32>
    %eq3A = arith.constant 0 : i32
    %eq3A_5 = arith.cmpi eq, %arg0, %eq3A : i32
    %convert_element_type3A = arith.extui %eq3A_5 : i1 to i32
    %cond3A = arith.constant 0 : i32
    %cond3A_6 = arith.cmpi ne, %convert_element_type3A, %cond3A : i32
    scf.if %cond3A_6 {
      %broadcast_in_dim3A_23 = arith.constant 0.000000e+00 : f32
      %broadcast_in_dim3A_24 = vector.broadcast %broadcast_in_dim3A_23 : f32 to vector<8x128xf32>
      %swap3A_25 = arith.constant 0 : index
      %swap3A_26 = arith.constant 0 : index
      %swap3A_27 = vector.load %arg3[%swap3A_25, %swap3A_26] : memref<8x128xf32, #tpu.memory_space<vmem>>, vector<8x128xf32>
      tpu.vector_store %arg3[%swap3A_25, %swap3A_26], %broadcast_in_dim3A_24 {strides = array<i32>} : memref<8x128xf32, #tpu.memory_space<vmem>>, vector<8x128xf32>,
    } else {
    }
    %get3A_7 = arith.constant 0 : index
    %get3A_8 = arith.constant 0 : index
    %get3A_9 = vector.load %arg3[%get3A_7, %get3A_8] : memref<8x128xf32, #tpu.memory_space<vmem>>, vector<1x128xf32>
    %reduce_sum3A = arith.constant dense<0.000000e+00> : vector<128xf32>
    %reduce_sum3A_10 = vector.multi_reduction <add>, %sub3A, %reduce_sum3A [0] : vector<1000x128xf32> to vector<128xf32>
    %broadcast_in_dim3A = vector.shape_cast %reduce_sum3A_10 : vector<128xf32> to vector<1x128xf32>
    %add3A = arith.addf %get3A_9, %broadcast_in_dim3A : vector<1x128xf32>
    %swap3A = arith.constant 0 : index
    %swap3A_11 = arith.constant 0 : index
    %swap3A_12 = vector.load %arg3[%swap3A, %swap3A_11] : memref<8x128xf32, #tpu.memory_space<vmem>>, vector<1x128xf32>
    tpu.vector_store %arg3[%swap3A, %swap3A_11], %add3A {strides = array<i32>} : memref<8x128xf32, #tpu.memory_space<vmem>>, vector<1x128xf32>,
    %get3A_13 = arith.constant 1 : index
    %get3A_14 = arith.constant 0 : index
    %get3A_15 = vector.load %arg3[%get3A_13, %get3A_14] : memref<8x128xf32, #tpu.memory_space<vmem>>, vector<1x128xf32>
    %mul3A = arith.mulf %sub3A, %sub3A : vector<1000x128xf32>
    %reduce_sum3A_16 = arith.constant dense<0.000000e+00> : vector<128xf32>
    %reduce_sum3A_17 = vector.multi_reduction <add>, %mul3A, %reduce_sum3A_16 [0] : vector<1000x128xf32> to vector<128xf32>
    %broadcast_in_dim3A_18 = vector.shape_cast %reduce_sum3A_17 : vector<128xf32> to vector<1x128xf32>
    %add3A_19 = arith.addf %get3A_15, %broadcast_in_dim3A_18 : vector<1x128xf32>
    %swap3A_20 = arith.constant 1 : index
    %swap3A_21 = arith.constant 0 : index
    %swap3A_22 = vector.load %arg3[%swap3A_20, %swap3A_21] : memref<8x128xf32, #tpu.memory_space<vmem>>, vector<1x128xf32>
    tpu.vector_store %arg3[%swap3A_20, %swap3A_21], %add3A_19 {strides = array<i32>} : memref<8x128xf32, #tpu.memory_space<vmem>>, vector<1x128xf32>,
    return
  }
  func.func @transform_0(%arg0: i32) -> (i32, i32) {
    %c0_i32 = arith.constant 0 : i32
    %c0_i32_0 = arith.constant 0 : i32
    return %arg0, %c0_i32 : i32, i32
  }
  func.func @transform_1(%arg0: i32) -> (i32, i32) {
    %c0_i32 = arith.constant 0 : i32
    %c0_i32_0 = arith.constant 0 : i32
    return %arg0, %c0_i32 : i32, i32
  }
  func.func @transform_2(%arg0: i32) -> (i32, i32) {
    %c0_i32 = arith.constant 0 : i32
    %c0_i32_0 = arith.constant 0 : i32
    %c0_i32_1 = arith.constant 0 : i32
    return %c0_i32, %c0_i32_0 : i32, i32
  }
}

module attributes {stable_mosaic.version = 14 : i64} {
  func.func @_mlp1_body(%arg0: i32, %arg1: memref<1000x128xf32, #tpu.memory_space<vmem>>, %arg2: memref<1000x128xf32, #tpu.memory_space<vmem>>, %arg3: memref<8x128xf32, #tpu.memory_space<vmem>>, %arg4: memref<128x16xf32, #tpu.memory_space<vmem>>, %arg5: memref<1x16xf32, #tpu.memory_space<vmem>>, %arg6: memref<1x128xf32, #tpu.memory_space<vmem>>, %arg7: memref<1x128xf32, #tpu.memory_space<vmem>>, %arg8: memref<1000x16xf32, #tpu.memory_space<vmem>>, %arg9: memref<8x16xf32, #tpu.memory_space<vmem>>) attributes {dimension_semantics = [#tpu.dimension_semantics<arbitrary>], iteration_bounds = array<i64: 50>, scalar_prefetch = 0 : i64, scratch_operands = 0 : i64, tpu.core_type = #tpu.core_type<tc>, window_params = [{transform_indices = @transform_0, window_bounds = array<i64: 1000, 128>}, {transform_indices = @transform_1, window_bounds = array<i64: 1000, 128>}, {pipeline_mode = #tpu.pipeline_mode<synchronous>, transform_indices = @transform_2, window_bounds = array<i64: 8, 128>}, {pipeline_mode = #tpu.pipeline_mode<synchronous>, transform_indices = @transform_3, window_bounds = array<i64: 128, 16>}, {pipeline_mode = #tpu.pipeline_mode<synchronous>, transform_indices = @transform_4, window_bounds = array<i64: 1, 16>}, {pipeline_mode = #tpu.pipeline_mode<synchronous>, transform_indices = @transform_5, window_bounds = array<i64: 1, 128>}, {pipeline_mode = #tpu.pipeline_mode<synchronous>, transform_indices = @transform_6, window_bounds = array<i64: 1, 128>}, {transform_indices = @transform_7, window_bounds = array<i64: 1000, 16>}, {pipeline_mode = #tpu.pipeline_mode<synchronous>, transform_indices = @transform_8, window_bounds = array<i64: 8, 16>}]} {
    %get3A = arith.constant 0 : index
    %get3A_0 = arith.constant 0 : index
    %get3A_1 = vector.load %arg1[%get3A, %get3A_0] : memref<1000x128xf32, #tpu.memory_space<vmem>>, vector<1000x128xf32>
    %get3A_2 = arith.constant 0 : index
    %get3A_3 = arith.constant 0 : index
    %get3A_4 = vector.load %arg2[%get3A_2, %get3A_3] : memref<1000x128xf32, #tpu.memory_space<vmem>>, vector<1000x128xf32>
    %sub3A = arith.subf %get3A_1, %get3A_4 : vector<1000x128xf32>
    %get3A_5 = arith.constant 0 : index
    %get3A_6 = arith.constant 0 : index
    %get3A_7 = vector.load %arg6[%get3A_5, %get3A_6] : memref<1x128xf32, #tpu.memory_space<vmem>>, vector<1x128xf32>
    %get3A_8 = arith.constant 0 : index
    %get3A_9 = arith.constant 0 : index
    %get3A_10 = vector.load %arg7[%get3A_8, %get3A_9] : memref<1x128xf32, #tpu.memory_space<vmem>>, vector<1x128xf32>
    %get3A_11 = arith.constant 0 : index
    %get3A_12 = arith.constant 0 : index
    %get3A_13 = vector.load %arg3[%get3A_11, %get3A_12] : memref<8x128xf32, #tpu.memory_space<vmem>>, vector<1x128xf32>
    %get3A_14 = arith.constant 1 : index
    %get3A_15 = arith.constant 0 : index
    %get3A_16 = vector.load %arg3[%get3A_14, %get3A_15] : memref<8x128xf32, #tpu.memory_space<vmem>>, vector<1x128xf32>
    %mul3A = arith.constant 2.000000e-05 : f32
    %mul3A_17 = vector.broadcast %mul3A : f32 to vector<1x128xf32>
    %mul3A_18 = arith.mulf %get3A_13, %mul3A_17 : vector<1x128xf32>
    %mul3A_19 = arith.constant 2.000000e-05 : f32
    %mul3A_20 = vector.broadcast %mul3A_19 : f32 to vector<1x128xf32>
    %mul3A_21 = arith.mulf %get3A_16, %mul3A_20 : vector<1x128xf32>
    %mul3A_22 = arith.mulf %mul3A_18, %mul3A_18 : vector<1x128xf32>
    %sub3A_23 = arith.subf %mul3A_21, %mul3A_22 : vector<1x128xf32>
    %add3A = arith.constant 9.99999974E-6 : f32
    %add3A_24 = vector.broadcast %add3A : f32 to vector<1x128xf32>
    %add3A_25 = arith.addf %sub3A_23, %add3A_24 : vector<1x128xf32>
    %rsqrt3A = math.rsqrt %add3A_25 : vector<1x128xf32>
    %mul3A_26 = arith.mulf %get3A_7, %rsqrt3A : vector<1x128xf32>
    %mul3A_27 = arith.mulf %mul3A_18, %mul3A_26 : vector<1x128xf32>
    %sub3A_28 = arith.subf %get3A_10, %mul3A_27 : vector<1x128xf32>
    %mul3A_29 = vector.broadcast %mul3A_26 : vector<1x128xf32> to vector<1000x128xf32>
    %mul3A_30 = arith.mulf %sub3A, %mul3A_29 : vector<1000x128xf32>
    %add3A_31 = vector.broadcast %sub3A_28 : vector<1x128xf32> to vector<1000x128xf32>
    %add3A_32 = arith.addf %mul3A_30, %add3A_31 : vector<1000x128xf32>
    %max3A = arith.constant 0.000000e+00 : f32
    %max3A_33 = vector.broadcast %max3A : f32 to vector<1000x128xf32>
    %max3A_34 = arith.maximumf %add3A_32, %max3A_33 : vector<1000x128xf32>
    %get3A_35 = arith.constant 0 : index
    %get3A_36 = arith.constant 0 : index
    %get3A_37 = vector.load %arg4[%get3A_35, %get3A_36] : memref<128x16xf32, #tpu.memory_space<vmem>>, vector<128x16xf32>
    %dot_general3A = arith.constant dense<0.000000e+00> : vector<1000x16xf32>
    %dot_general3A_38 = tpu.matmul %max3A_34, %get3A_37, %dot_general3A {dimension_numbers = #tpu.dot_dimension_numbers<[1], [0], [0], [1], [0, 0, 1, 1], [], []>, transpose_lhs_hint = false} : vector<1000x128xf32>, vector<128x16xf32>, vector<1000x16xf32> -> vector<1000x16xf32>
    %get3A_39 = arith.constant 0 : index
    %get3A_40 = arith.constant 0 : index
    %get3A_41 = vector.load %arg5[%get3A_39, %get3A_40] : memref<1x16xf32, #tpu.memory_space<vmem>>, vector<1x16xf32>
    %add3A_42 = vector.broadcast %get3A_41 : vector<1x16xf32> to vector<1000x16xf32>
    %add3A_43 = arith.addf %dot_general3A_38, %add3A_42 : vector<1000x16xf32>
    %swap3A = arith.constant 0 : index
    %swap3A_44 = arith.constant 0 : index
    %swap3A_45 = vector.load %arg8[%swap3A, %swap3A_44] : memref<1000x16xf32, #tpu.memory_space<vmem>>, vector<1000x16xf32>
    tpu.vector_store %arg8[%swap3A, %swap3A_44], %add3A_43 {strides = array<i32>} : memref<1000x16xf32, #tpu.memory_space<vmem>>, vector<1000x16xf32>,
    %eq3A = arith.constant 0 : i32
    %eq3A_46 = arith.cmpi eq, %arg0, %eq3A : i32
    %convert_element_type3A = arith.extui %eq3A_46 : i1 to i32
    %cond3A = arith.constant 0 : i32
    %cond3A_47 = arith.cmpi ne, %convert_element_type3A, %cond3A : i32
    scf.if %cond3A_47 {
      %broadcast_in_dim3A_67 = arith.constant 0.000000e+00 : f32
      %broadcast_in_dim3A_68 = vector.broadcast %broadcast_in_dim3A_67 : f32 to vector<8x16xf32>
      %swap3A_69 = arith.constant 0 : index
      %swap3A_70 = arith.constant 0 : index
      %swap3A_71 = vector.load %arg9[%swap3A_69, %swap3A_70] : memref<8x16xf32, #tpu.memory_space<vmem>>, vector<8x16xf32>
      tpu.vector_store %arg9[%swap3A_69, %swap3A_70], %broadcast_in_dim3A_68 {strides = array<i32>} : memref<8x16xf32, #tpu.memory_space<vmem>>, vector<8x16xf32>,
    } else {
    }
    %get3A_48 = arith.constant 0 : index
    %get3A_49 = arith.constant 0 : index
    %get3A_50 = vector.load %arg9[%get3A_48, %get3A_49] : memref<8x16xf32, #tpu.memory_space<vmem>>, vector<1x16xf32>
    %reduce_sum3A = arith.constant dense<0.000000e+00> : vector<16xf32>
    %reduce_sum3A_51 = vector.multi_reduction <add>, %add3A_43, %reduce_sum3A [0] : vector<1000x16xf32> to vector<16xf32>
    %broadcast_in_dim3A = vector.shape_cast %reduce_sum3A_51 : vector<16xf32> to vector<1x16xf32>
    %add3A_52 = arith.addf %get3A_50, %broadcast_in_dim3A : vector<1x16xf32>
    %swap3A_53 = arith.constant 0 : index
    %swap3A_54 = arith.constant 0 : index
    %swap3A_55 = vector.load %arg9[%swap3A_53, %swap3A_54] : memref<8x16xf32, #tpu.memory_space<vmem>>, vector<1x16xf32>
    tpu.vector_store %arg9[%swap3A_53, %swap3A_54], %add3A_52 {strides = array<i32>} : memref<8x16xf32, #tpu.memory_space<vmem>>, vector<1x16xf32>,
    %get3A_56 = arith.constant 1 : index
    %get3A_57 = arith.constant 0 : index
    %get3A_58 = vector.load %arg9[%get3A_56, %get3A_57] : memref<8x16xf32, #tpu.memory_space<vmem>>, vector<1x16xf32>
    %mul3A_59 = arith.mulf %add3A_43, %add3A_43 : vector<1000x16xf32>
    %reduce_sum3A_60 = arith.constant dense<0.000000e+00> : vector<16xf32>
    %reduce_sum3A_61 = vector.multi_reduction <add>, %mul3A_59, %reduce_sum3A_60 [0] : vector<1000x16xf32> to vector<16xf32>
    %broadcast_in_dim3A_62 = vector.shape_cast %reduce_sum3A_61 : vector<16xf32> to vector<1x16xf32>
    %add3A_63 = arith.addf %get3A_58, %broadcast_in_dim3A_62 : vector<1x16xf32>
    %swap3A_64 = arith.constant 1 : index
    %swap3A_65 = arith.constant 0 : index
    %swap3A_66 = vector.load %arg9[%swap3A_64, %swap3A_65] : memref<8x16xf32, #tpu.memory_space<vmem>>, vector<1x16xf32>
    tpu.vector_store %arg9[%swap3A_64, %swap3A_65], %add3A_63 {strides = array<i32>} : memref<8x16xf32, #tpu.memory_space<vmem>>, vector<1x16xf32>,
    return
  }
  func.func @transform_0(%arg0: i32) -> (i32, i32) {
    %c0_i32 = arith.constant 0 : i32
    %c0_i32_0 = arith.constant 0 : i32
    return %arg0, %c0_i32 : i32, i32
  }
  func.func @transform_1(%arg0: i32) -> (i32, i32) {
    %c0_i32 = arith.constant 0 : i32
    %c0_i32_0 = arith.constant 0 : i32
    return %arg0, %c0_i32 : i32, i32
  }
  func.func @transform_2(%arg0: i32) -> (i32, i32) {
    %c0_i32 = arith.constant 0 : i32
    %c0_i32_0 = arith.constant 0 : i32
    %c0_i32_1 = arith.constant 0 : i32
    return %c0_i32, %c0_i32_0 : i32, i32
  }
  func.func @transform_3(%arg0: i32) -> (i32, i32) {
    %c0_i32 = arith.constant 0 : i32
    %c0_i32_0 = arith.constant 0 : i32
    %c0_i32_1 = arith.constant 0 : i32
    return %c0_i32, %c0_i32_0 : i32, i32
  }
  func.func @transform_4(%arg0: i32) -> (i32, i32) {
    %c0_i32 = arith.constant 0 : i32
    %c0_i32_0 = arith.constant 0 : i32
    %c0_i32_1 = arith.constant 0 : i32
    return %c0_i32, %c0_i32_0 : i32, i32
  }
  func.func @transform_5(%arg0: i32) -> (i32, i32) {
    %c0_i32 = arith.constant 0 : i32
    %c0_i32_0 = arith.constant 0 : i32
    %c0_i32_1 = arith.constant 0 : i32
    return %c0_i32, %c0_i32_0 : i32, i32
  }
  func.func @transform_6(%arg0: i32) -> (i32, i32) {
    %c0_i32 = arith.constant 0 : i32
    %c0_i32_0 = arith.constant 0 : i32
    %c0_i32_1 = arith.constant 0 : i32
    return %c0_i32, %c0_i32_0 : i32, i32
  }
  func.func @transform_7(%arg0: i32) -> (i32, i32) {
    %c0_i32 = arith.constant 0 : i32
    %c0_i32_0 = arith.constant 0 : i32
    return %arg0, %c0_i32 : i32, i32
  }
  func.func @transform_8(%arg0: i32) -> (i32, i32) {
    %c0_i32 = arith.constant 0 : i32
    %c0_i32_0 = arith.constant 0 : i32
    %c0_i32_1 = arith.constant 0 : i32
    return %c0_i32, %c0_i32_0 : i32, i32
  }
}

module attributes {stable_mosaic.version = 14 : i64} {
  func.func @_mlp2_body(%arg0: i32, %arg1: memref<1000x16xf32, #tpu.memory_space<vmem>>, %arg2: memref<8x16xf32, #tpu.memory_space<vmem>>, %arg3: memref<1000x128xf32, #tpu.memory_space<vmem>>, %arg4: memref<1000x128xf32, #tpu.memory_space<vmem>>, %arg5: memref<16x128xf32, #tpu.memory_space<vmem>>, %arg6: memref<1x128xf32, #tpu.memory_space<vmem>>, %arg7: memref<1x16xf32, #tpu.memory_space<vmem>>, %arg8: memref<1x16xf32, #tpu.memory_space<vmem>>, %arg9: memref<128x128xf32, #tpu.memory_space<vmem>>, %arg10: memref<1000x128xf32, #tpu.memory_space<vmem>>, %arg11: memref<8x128xf32, #tpu.memory_space<vmem>>) attributes {dimension_semantics = [#tpu.dimension_semantics<arbitrary>], iteration_bounds = array<i64: 50>, scalar_prefetch = 0 : i64, scratch_operands = 0 : i64, tpu.core_type = #tpu.core_type<tc>, window_params = [{transform_indices = @transform_0, window_bounds = array<i64: 1000, 16>}, {pipeline_mode = #tpu.pipeline_mode<synchronous>, transform_indices = @transform_1, window_bounds = array<i64: 8, 16>}, {transform_indices = @transform_2, window_bounds = array<i64: 1000, 128>}, {transform_indices = @transform_3, window_bounds = array<i64: 1000, 128>}, {pipeline_mode = #tpu.pipeline_mode<synchronous>, transform_indices = @transform_4, window_bounds = array<i64: 16, 128>}, {pipeline_mode = #tpu.pipeline_mode<synchronous>, transform_indices = @transform_5, window_bounds = array<i64: 1, 128>}, {pipeline_mode = #tpu.pipeline_mode<synchronous>, transform_indices = @transform_6, window_bounds = array<i64: 1, 16>}, {pipeline_mode = #tpu.pipeline_mode<synchronous>, transform_indices = @transform_7, window_bounds = array<i64: 1, 16>}, {pipeline_mode = #tpu.pipeline_mode<synchronous>, transform_indices = @transform_8, window_bounds = array<i64: 128, 128>}, {transform_indices = @transform_9, window_bounds = array<i64: 1000, 128>}, {pipeline_mode = #tpu.pipeline_mode<synchronous>, transform_indices = @transform_10, window_bounds = array<i64: 8, 128>}]} {
    %get3A = arith.constant 0 : index
    %get3A_0 = arith.constant 0 : index
    %get3A_1 = vector.load %arg7[%get3A, %get3A_0] : memref<1x16xf32, #tpu.memory_space<vmem>>, vector<1x16xf32>
    %get3A_2 = arith.constant 0 : index
    %get3A_3 = arith.constant 0 : index
    %get3A_4 = vector.load %arg8[%get3A_2, %get3A_3] : memref<1x16xf32, #tpu.memory_space<vmem>>, vector<1x16xf32>
    %get3A_5 = arith.constant 0 : index
    %get3A_6 = arith.constant 0 : index
    %get3A_7 = vector.load %arg2[%get3A_5, %get3A_6] : memref<8x16xf32, #tpu.memory_space<vmem>>, vector<1x16xf32>
    %get3A_8 = arith.constant 1 : index
    %get3A_9 = arith.constant 0 : index
    %get3A_10 = vector.load %arg2[%get3A_8, %get3A_9] : memref<8x16xf32, #tpu.memory_space<vmem>>, vector<1x16xf32>
    %mul3A = arith.constant 2.000000e-05 : f32
    %mul3A_11 = vector.broadcast %mul3A : f32 to vector<1x16xf32>
    %mul3A_12 = arith.mulf %get3A_7, %mul3A_11 : vector<1x16xf32>
    %mul3A_13 = arith.constant 2.000000e-05 : f32
    %mul3A_14 = vector.broadcast %mul3A_13 : f32 to vector<1x16xf32>
    %mul3A_15 = arith.mulf %get3A_10, %mul3A_14 : vector<1x16xf32>
    %mul3A_16 = arith.mulf %mul3A_12, %mul3A_12 : vector<1x16xf32>
    %sub3A = arith.subf %mul3A_15, %mul3A_16 : vector<1x16xf32>
    %add3A = arith.constant 9.99999974E-6 : f32
    %add3A_17 = vector.broadcast %add3A : f32 to vector<1x16xf32>
    %add3A_18 = arith.addf %sub3A, %add3A_17 : vector<1x16xf32>
    %rsqrt3A = math.rsqrt %add3A_18 : vector<1x16xf32>
    %mul3A_19 = arith.mulf %get3A_1, %rsqrt3A : vector<1x16xf32>
    %mul3A_20 = arith.mulf %mul3A_12, %mul3A_19 : vector<1x16xf32>
    %sub3A_21 = arith.subf %get3A_4, %mul3A_20 : vector<1x16xf32>
    %get3A_22 = arith.constant 0 : index
    %get3A_23 = arith.constant 0 : index
    %get3A_24 = vector.load %arg1[%get3A_22, %get3A_23] : memref<1000x16xf32, #tpu.memory_space<vmem>>, vector<1000x16xf32>
    %mul3A_25 = vector.broadcast %mul3A_19 : vector<1x16xf32> to vector<1000x16xf32>
    %mul3A_26 = arith.mulf %get3A_24, %mul3A_25 : vector<1000x16xf32>
    %add3A_27 = vector.broadcast %sub3A_21 : vector<1x16xf32> to vector<1000x16xf32>
    %add3A_28 = arith.addf %mul3A_26, %add3A_27 : vector<1000x16xf32>
    %max3A = arith.constant 0.000000e+00 : f32
    %max3A_29 = vector.broadcast %max3A : f32 to vector<1000x16xf32>
    %max3A_30 = arith.maximumf %add3A_28, %max3A_29 : vector<1000x16xf32>
    %get3A_31 = arith.constant 0 : index
    %get3A_32 = arith.constant 0 : index
    %get3A_33 = vector.load %arg5[%get3A_31, %get3A_32] : memref<16x128xf32, #tpu.memory_space<vmem>>, vector<16x128xf32>
    %dot_general3A = arith.constant dense<0.000000e+00> : vector<1000x128xf32>
    %dot_general3A_34 = tpu.matmul %max3A_30, %get3A_33, %dot_general3A {dimension_numbers = #tpu.dot_dimension_numbers<[1], [0], [0], [1], [0, 0, 1, 1], [], []>, transpose_lhs_hint = false} : vector<1000x16xf32>, vector<16x128xf32>, vector<1000x128xf32> -> vector<1000x128xf32>
    %get3A_35 = arith.constant 0 : index
    %get3A_36 = arith.constant 0 : index
    %get3A_37 = vector.load %arg6[%get3A_35, %get3A_36] : memref<1x128xf32, #tpu.memory_space<vmem>>, vector<1x128xf32>
    %add3A_38 = vector.broadcast %get3A_37 : vector<1x128xf32> to vector<1000x128xf32>
    %add3A_39 = arith.addf %dot_general3A_34, %add3A_38 : vector<1000x128xf32>
    %reduce_max3A = arith.constant dense<0xFF800000> : vector<1000xf32>
    %reduce_max3A_40 = vector.multi_reduction <maximumf>, %add3A_39, %reduce_max3A [1] : vector<1000x128xf32> to vector<1000xf32>
    %broadcast_in_dim3A = vector.shape_cast %reduce_max3A_40 : vector<1000xf32> to vector<1000x1xf32>
    %sub3A_41 = vector.broadcast %broadcast_in_dim3A : vector<1000x1xf32> to vector<1000x128xf32>
    %sub3A_42 = arith.subf %add3A_39, %sub3A_41 : vector<1000x128xf32>
    %exp3A = math.exp %sub3A_42 : vector<1000x128xf32>
    %reduce_sum3A = arith.constant dense<0.000000e+00> : vector<1000xf32>
    %reduce_sum3A_43 = vector.multi_reduction <add>, %exp3A, %reduce_sum3A [1] : vector<1000x128xf32> to vector<1000xf32>
    %broadcast_in_dim3A_44 = vector.shape_cast %reduce_sum3A_43 : vector<1000xf32> to vector<1000x1xf32>
    %div3A = vector.broadcast %broadcast_in_dim3A_44 : vector<1000x1xf32> to vector<1000x128xf32>
    %div3A_45 = arith.divf %exp3A, %div3A : vector<1000x128xf32>
    %get3A_46 = arith.constant 0 : index
    %get3A_47 = arith.constant 0 : index
    %get3A_48 = vector.load %arg3[%get3A_46, %get3A_47] : memref<1000x128xf32, #tpu.memory_space<vmem>>, vector<1000x128xf32>
    %get3A_49 = arith.constant 0 : index
    %get3A_50 = arith.constant 0 : index
    %get3A_51 = vector.load %arg4[%get3A_49, %get3A_50] : memref<1000x128xf32, #tpu.memory_space<vmem>>, vector<1000x128xf32>
    %mul3A_52 = arith.mulf %div3A_45, %get3A_51 : vector<1000x128xf32>
    %add3A_53 = arith.addf %get3A_48, %mul3A_52 : vector<1000x128xf32>
    %get3A_54 = arith.constant 0 : index
    %get3A_55 = arith.constant 0 : index
    %get3A_56 = vector.load %arg9[%get3A_54, %get3A_55] : memref<128x128xf32, #tpu.memory_space<vmem>>, vector<128x128xf32>
    %dot_general3A_57 = arith.constant dense<0.000000e+00> : vector<1000x128xf32>
    %dot_general3A_58 = tpu.matmul %add3A_53, %get3A_56, %dot_general3A_57 {dimension_numbers = #tpu.dot_dimension_numbers<[1], [0], [0], [1], [0, 0, 1, 1], [], []>, transpose_lhs_hint = false} : vector<1000x128xf32>, vector<128x128xf32>, vector<1000x128xf32> -> vector<1000x128xf32>
    %swap3A = arith.constant 0 : index
    %swap3A_59 = arith.constant 0 : index
    %swap3A_60 = vector.load %arg10[%swap3A, %swap3A_59] : memref<1000x128xf32, #tpu.memory_space<vmem>>, vector<1000x128xf32>
    tpu.vector_store %arg10[%swap3A, %swap3A_59], %dot_general3A_58 {strides = array<i32>} : memref<1000x128xf32, #tpu.memory_space<vmem>>, vector<1000x128xf32>,
    %eq3A = arith.constant 0 : i32
    %eq3A_61 = arith.cmpi eq, %arg0, %eq3A : i32
    %convert_element_type3A = arith.extui %eq3A_61 : i1 to i32
    %cond3A = arith.constant 0 : i32
    %cond3A_62 = arith.cmpi ne, %convert_element_type3A, %cond3A : i32
    scf.if %cond3A_62 {
      %broadcast_in_dim3A_84 = arith.constant 0.000000e+00 : f32
      %broadcast_in_dim3A_85 = vector.broadcast %broadcast_in_dim3A_84 : f32 to vector<8x128xf32>
      %swap3A_86 = arith.constant 0 : index
      %swap3A_87 = arith.constant 0 : index
      %swap3A_88 = vector.load %arg11[%swap3A_86, %swap3A_87] : memref<8x128xf32, #tpu.memory_space<vmem>>, vector<8x128xf32>
      tpu.vector_store %arg11[%swap3A_86, %swap3A_87], %broadcast_in_dim3A_85 {strides = array<i32>} : memref<8x128xf32, #tpu.memory_space<vmem>>, vector<8x128xf32>,
    } else {
    }
    %get3A_63 = arith.constant 0 : index
    %get3A_64 = arith.constant 0 : index
    %get3A_65 = vector.load %arg11[%get3A_63, %get3A_64] : memref<8x128xf32, #tpu.memory_space<vmem>>, vector<1x128xf32>
    %reduce_sum3A_66 = arith.constant dense<0.000000e+00> : vector<128xf32>
    %reduce_sum3A_67 = vector.multi_reduction <add>, %dot_general3A_58, %reduce_sum3A_66 [0] : vector<1000x128xf32> to vector<128xf32>
    %broadcast_in_dim3A_68 = vector.shape_cast %reduce_sum3A_67 : vector<128xf32> to vector<1x128xf32>
    %add3A_69 = arith.addf %get3A_65, %broadcast_in_dim3A_68 : vector<1x128xf32>
    %swap3A_70 = arith.constant 0 : index
    %swap3A_71 = arith.constant 0 : index
    %swap3A_72 = vector.load %arg11[%swap3A_70, %swap3A_71] : memref<8x128xf32, #tpu.memory_space<vmem>>, vector<1x128xf32>
    tpu.vector_store %arg11[%swap3A_70, %swap3A_71], %add3A_69 {strides = array<i32>} : memref<8x128xf32, #tpu.memory_space<vmem>>, vector<1x128xf32>,
    %get3A_73 = arith.constant 1 : index
    %get3A_74 = arith.constant 0 : index
    %get3A_75 = vector.load %arg11[%get3A_73, %get3A_74] : memref<8x128xf32, #tpu.memory_space<vmem>>, vector<1x128xf32>
    %mul3A_76 = arith.mulf %dot_general3A_58, %dot_general3A_58 : vector<1000x128xf32>
    %reduce_sum3A_77 = arith.constant dense<0.000000e+00> : vector<128xf32>
    %reduce_sum3A_78 = vector.multi_reduction <add>, %mul3A_76, %reduce_sum3A_77 [0] : vector<1000x128xf32> to vector<128xf32>
    %broadcast_in_dim3A_79 = vector.shape_cast %reduce_sum3A_78 : vector<128xf32> to vector<1x128xf32>
    %add3A_80 = arith.addf %get3A_75, %broadcast_in_dim3A_79 : vector<1x128xf32>
    %swap3A_81 = arith.constant 1 : index
    %swap3A_82 = arith.constant 0 : index
    %swap3A_83 = vector.load %arg11[%swap3A_81, %swap3A_82] : memref<8x128xf32, #tpu.memory_space<vmem>>, vector<1x128xf32>
    tpu.vector_store %arg11[%swap3A_81, %swap3A_82], %add3A_80 {strides = array<i32>} : memref<8x128xf32, #tpu.memory_space<vmem>>, vector<1x128xf32>,
    return
  }
  func.func @transform_0(%arg0: i32) -> (i32, i32) {
    %c0_i32 = arith.constant 0 : i32
    %c0_i32_0 = arith.constant 0 : i32
    return %arg0, %c0_i32 : i32, i32
  }
  func.func @transform_1(%arg0: i32) -> (i32, i32) {
    %c0_i32 = arith.constant 0 : i32
    %c0_i32_0 = arith.constant 0 : i32
    %c0_i32_1 = arith.constant 0 : i32
    return %c0_i32, %c0_i32_0 : i32, i32
  }
  func.func @transform_2(%arg0: i32) -> (i32, i32) {
    %c0_i32 = arith.constant 0 : i32
    %c0_i32_0 = arith.constant 0 : i32
    return %arg0, %c0_i32 : i32, i32
  }
  func.func @transform_3(%arg0: i32) -> (i32, i32) {
    %c0_i32 = arith.constant 0 : i32
    %c0_i32_0 = arith.constant 0 : i32
    return %arg0, %c0_i32 : i32, i32
  }
  func.func @transform_4(%arg0: i32) -> (i32, i32) {
    %c0_i32 = arith.constant 0 : i32
    %c0_i32_0 = arith.constant 0 : i32
    %c0_i32_1 = arith.constant 0 : i32
    return %c0_i32, %c0_i32_0 : i32, i32
  }
  func.func @transform_5(%arg0: i32) -> (i32, i32) {
    %c0_i32 = arith.constant 0 : i32
    %c0_i32_0 = arith.constant 0 : i32
    %c0_i32_1 = arith.constant 0 : i32
    return %c0_i32, %c0_i32_0 : i32, i32
  }
  func.func @transform_6(%arg0: i32) -> (i32, i32) {
    %c0_i32 = arith.constant 0 : i32
    %c0_i32_0 = arith.constant 0 : i32
    %c0_i32_1 = arith.constant 0 : i32
    return %c0_i32, %c0_i32_0 : i32, i32
  }
  func.func @transform_7(%arg0: i32) -> (i32, i32) {
    %c0_i32 = arith.constant 0 : i32
    %c0_i32_0 = arith.constant 0 : i32
    %c0_i32_1 = arith.constant 0 : i32
    return %c0_i32, %c0_i32_0 : i32, i32
  }
  func.func @transform_8(%arg0: i32) -> (i32, i32) {
    %c0_i32 = arith.constant 0 : i32
    %c0_i32_0 = arith.constant 0 : i32
    %c0_i32_1 = arith.constant 0 : i32
    return %c0_i32, %c0_i32_0 : i32, i32
  }
  func.func @transform_9(%arg0: i32) -> (i32, i32) {
    %c0_i32 = arith.constant 0 : i32
    %c0_i32_0 = arith.constant 0 : i32
    return %arg0, %c0_i32 : i32, i32
  }
  func.func @transform_10(%arg0: i32) -> (i32, i32) {
    %c0_i32 = arith.constant 0 : i32
    %c0_i32_0 = arith.constant 0 : i32
    %c0_i32_1 = arith.constant 0 : i32
    return %c0_i32, %c0_i32_0 : i32, i32
  }
}

module attributes {stable_mosaic.version = 14 : i64} {
  func.func @_fin_body(%arg0: i32, %arg1: memref<1000x128xf32, #tpu.memory_space<vmem>>, %arg2: memref<8x128xf32, #tpu.memory_space<vmem>>, %arg3: memref<1x128xf32, #tpu.memory_space<vmem>>, %arg4: memref<1x128xf32, #tpu.memory_space<vmem>>, %arg5: memref<1000x128xf32, #tpu.memory_space<vmem>>) attributes {dimension_semantics = [#tpu.dimension_semantics<arbitrary>], iteration_bounds = array<i64: 50>, scalar_prefetch = 0 : i64, scratch_operands = 0 : i64, tpu.core_type = #tpu.core_type<tc>, window_params = [{transform_indices = @transform_0, window_bounds = array<i64: 1000, 128>}, {pipeline_mode = #tpu.pipeline_mode<synchronous>, transform_indices = @transform_1, window_bounds = array<i64: 8, 128>}, {pipeline_mode = #tpu.pipeline_mode<synchronous>, transform_indices = @transform_2, window_bounds = array<i64: 1, 128>}, {pipeline_mode = #tpu.pipeline_mode<synchronous>, transform_indices = @transform_3, window_bounds = array<i64: 1, 128>}, {transform_indices = @transform_4, window_bounds = array<i64: 1000, 128>}]} {
    %get3A = arith.constant 0 : index
    %get3A_0 = arith.constant 0 : index
    %get3A_1 = vector.load %arg3[%get3A, %get3A_0] : memref<1x128xf32, #tpu.memory_space<vmem>>, vector<1x128xf32>
    %get3A_2 = arith.constant 0 : index
    %get3A_3 = arith.constant 0 : index
    %get3A_4 = vector.load %arg4[%get3A_2, %get3A_3] : memref<1x128xf32, #tpu.memory_space<vmem>>, vector<1x128xf32>
    %get3A_5 = arith.constant 0 : index
    %get3A_6 = arith.constant 0 : index
    %get3A_7 = vector.load %arg2[%get3A_5, %get3A_6] : memref<8x128xf32, #tpu.memory_space<vmem>>, vector<1x128xf32>
    %get3A_8 = arith.constant 1 : index
    %get3A_9 = arith.constant 0 : index
    %get3A_10 = vector.load %arg2[%get3A_8, %get3A_9] : memref<8x128xf32, #tpu.memory_space<vmem>>, vector<1x128xf32>
    %mul3A = arith.constant 2.000000e-05 : f32
    %mul3A_11 = vector.broadcast %mul3A : f32 to vector<1x128xf32>
    %mul3A_12 = arith.mulf %get3A_7, %mul3A_11 : vector<1x128xf32>
    %mul3A_13 = arith.constant 2.000000e-05 : f32
    %mul3A_14 = vector.broadcast %mul3A_13 : f32 to vector<1x128xf32>
    %mul3A_15 = arith.mulf %get3A_10, %mul3A_14 : vector<1x128xf32>
    %mul3A_16 = arith.mulf %mul3A_12, %mul3A_12 : vector<1x128xf32>
    %sub3A = arith.subf %mul3A_15, %mul3A_16 : vector<1x128xf32>
    %add3A = arith.constant 9.99999974E-6 : f32
    %add3A_17 = vector.broadcast %add3A : f32 to vector<1x128xf32>
    %add3A_18 = arith.addf %sub3A, %add3A_17 : vector<1x128xf32>
    %rsqrt3A = math.rsqrt %add3A_18 : vector<1x128xf32>
    %mul3A_19 = arith.mulf %get3A_1, %rsqrt3A : vector<1x128xf32>
    %mul3A_20 = arith.mulf %mul3A_12, %mul3A_19 : vector<1x128xf32>
    %sub3A_21 = arith.subf %get3A_4, %mul3A_20 : vector<1x128xf32>
    %get3A_22 = arith.constant 0 : index
    %get3A_23 = arith.constant 0 : index
    %get3A_24 = vector.load %arg1[%get3A_22, %get3A_23] : memref<1000x128xf32, #tpu.memory_space<vmem>>, vector<1000x128xf32>
    %mul3A_25 = vector.broadcast %mul3A_19 : vector<1x128xf32> to vector<1000x128xf32>
    %mul3A_26 = arith.mulf %get3A_24, %mul3A_25 : vector<1000x128xf32>
    %add3A_27 = vector.broadcast %sub3A_21 : vector<1x128xf32> to vector<1000x128xf32>
    %add3A_28 = arith.addf %mul3A_26, %add3A_27 : vector<1000x128xf32>
    %max3A = arith.constant 0.000000e+00 : f32
    %max3A_29 = vector.broadcast %max3A : f32 to vector<1000x128xf32>
    %max3A_30 = arith.maximumf %add3A_28, %max3A_29 : vector<1000x128xf32>
    %swap3A = arith.constant 0 : index
    %swap3A_31 = arith.constant 0 : index
    %swap3A_32 = vector.load %arg5[%swap3A, %swap3A_31] : memref<1000x128xf32, #tpu.memory_space<vmem>>, vector<1000x128xf32>
    tpu.vector_store %arg5[%swap3A, %swap3A_31], %max3A_30 {strides = array<i32>} : memref<1000x128xf32, #tpu.memory_space<vmem>>, vector<1000x128xf32>,
    return
  }
  func.func @transform_0(%arg0: i32) -> (i32, i32) {
    %c0_i32 = arith.constant 0 : i32
    %c0_i32_0 = arith.constant 0 : i32
    return %arg0, %c0_i32 : i32, i32
  }
  func.func @transform_1(%arg0: i32) -> (i32, i32) {
    %c0_i32 = arith.constant 0 : i32
    %c0_i32_0 = arith.constant 0 : i32
    %c0_i32_1 = arith.constant 0 : i32
    return %c0_i32, %c0_i32_0 : i32, i32
  }
  func.func @transform_2(%arg0: i32) -> (i32, i32) {
    %c0_i32 = arith.constant 0 : i32
    %c0_i32_0 = arith.constant 0 : i32
    %c0_i32_1 = arith.constant 0 : i32
    return %c0_i32, %c0_i32_0 : i32, i32
  }
  func.func @transform_3(%arg0: i32) -> (i32, i32) {
    %c0_i32 = arith.constant 0 : i32
    %c0_i32_0 = arith.constant 0 : i32
    %c0_i32_1 = arith.constant 0 : i32
    return %c0_i32, %c0_i32_0 : i32, i32
  }
  func.func @transform_4(%arg0: i32) -> (i32, i32) {
    %c0_i32 = arith.constant 0 : i32
    %c0_i32_0 = arith.constant 0 : i32
    return %arg0, %c0_i32 : i32, i32
  }
}

</mosaic_0001>

<sc_bundles>
// kernel: kernel.8.cloned.1.call-start
scs
__scs_entry_jumppad:
0x0: {  	(pc) =	sbr.rel $0x88, $3  }
0x1: {  	(tag) =	ssettag $0x0;
	lr =	simm.s32 $0x1  }
0x2: {  	[smem:$0x3F92] =	sst lr;
	_ =	strace $0xD0000000  }
0x3: {  	_ = 	snop  }
0x4: {  	_ = 	snop  }
0x5: {  	_ = 	snop  }
0x6: {  	_ = 	snop  }
0x7: {  	_ = 	snop  }
__scs_overlays_trampoline_lowered:
0x8: {  	[smem:$0x3FA1] =	sst s0  }
0x9: {  	[smem:$0x3FA2] =	sst s1  }
0xa: {  	[smem:$0x3FA3] =	sst s2  }
0xb: {  	[smem:$0x3FA4] =	sst s3  }
0xc: {  	[smem:$0x3FA5] =	sst s4  }
0xd: {  	[smem:$0x3FA6] =	sst s5  }
0xe: {  	[smem:$0x3FA7] =	sst s6  }
0xf: {  	[smem:$0x3FA8] =	sst s7  }
0x10: {  	[smem:$0x3FA9] =	sst s8  }
0x11: {  	[smem:$0x3FAA] =	sst s9;
	s0 =	simm.s32 @!p0 $0x0  }
0x12: {  	s1 =	sld [smem:$0x3F90];
	s0 =	simm.s32 @p0 $0x1  }
0x13: {  	[smem:$0x3FAB] =	sst s0;
	s0 =	simm.s32 @!p1 $0x0  }
0x14: {  	s2 =	sld [smem:$0x3F8F];
	s0 =	simm.s32 @p1 $0x1  }
0x15: {  	[smem:$0x3FAC] =	sst s0;
	s0 =	simm.s32 @!p2 $0x0  }
0x16: {  	s3 =	sld [smem:$0x3FDB];
	s0 =	simm.s32 @p2 $0x1  }
0x17: {  	s4 =	simm.s32 $0x1BF5;
	[smem:$0x3FAE] =	sst s0  }
0x18: {  	s0 =	sld [smem:$0x3F91];
	_ =	swait.ge [sflag:s4], $0x0  }
0x19: {  	s7 =	sld [smem:$0x3F92]  }
0x1a: {  	s8 =	sadd.s32 $0xFFFFE003, lr  }
0x1b: {  	s9 =	sadd.s32 $0xFFFFFEF7, lr;
	s5 =	simm.s32 $0xFFFFFFFF;
	p2 =	slt.u32 s8, $0xFFFFF086  }
0x1c: {  	p1 =	slt.u32 s9, $0xF7A;
	s5 =	simm.s32 @!p2 $0x0  }
0x1d: {  	s5 =	simm.s32 @p1 $0x1;
	p0 =	seq.s32 s7, s2  }
0x1e: {  	s7 =	smul.u32 @!p0 $0xF7A, s2;
	p2 =	seq.s32 @!p0 s5, $0x0  }
0x1f: {  	s9 =	smul.u32 $0xF7A, s1;
	s8 =	simm.s32 @!p0 $0x1BF5;
	p2 =	por !p2, p0  }
0x20: {  	[sflag:s8] =	ssyncset.s32 @!p0 $0xFFFFF086;
	s6 =	sadd.s32 @!p0 s3, s7;
	s7 =	simm.s32 @!p0 $0x108  }
0x21: {  	s3 =	sadd.s32 s3, s9;
	s6 =	sadd.s32 @!p0 $0x88, s6;
	s7 =	simm.s32 @p2 $0x1082  }
0x22: {  	[simem:s7], [sflag:s8] =	dma.local @!p0 [hbm:s6], $0xF7A  }
0x23: {  	s9 =	sor.u32 $0xD0000000, s2;
	s6 =	simm.s32 $0x108;
	_ =	swait.ge @!p0 [sflag:s8], $0x0  }
0x24: {  	s3 =	sadd.s32 $0x88, s3;
	s6 =	simm.s32 @!p1 $0x1082;
	[sflag:s4] =	ssyncset.s32 $0xFFFFF086  }
0x25: {  	[simem:s6], [sflag:s4] =	dma.local [hbm:s3], $0xF7A  }
0x26: {  	[smem:$0x3F92] =	sst s1;
	(tag) =	ssettag s2;
	_ =	strace s9  }
0x27: {  	s1 =	sld [smem:$0x3FA2]  }
0x28: {  	s2 =	sld [smem:$0x3FA3]  }
0x29: {  	s4 =	sld [smem:$0x3FA5]  }
0x2a: {  	p0 =	seq.s32 s5, $0x0;
	s5 =	sld [smem:$0x3FA6]  }
0x2b: {  	s6 =	sld [smem:$0x3FA7]  }
0x2c: {  	s7 =	sld [smem:$0x3FA8]  }
0x2d: {  	s3 =	simm.s32 $0x108;
	s8 =	sld [smem:$0x3FA9]  }
0x2e: {  	s3 =	simm.s32 @!p0 $0x1082;
	s9 =	sld [smem:$0x3FAA]  }
0x2f: {  	lr =	sadd.s32 s0, s3;
	s0 =	sld [smem:$0x3FA1]  }
0x30: {  	s3 =	sld [smem:$0x3FA4]  }
0x31: {  	[smem:$0x3FAD] =	sst s10  }
0x32: {  	s10 =	sld [smem:$0x3FAB];
	_ =	sdelay $0x3  }
0x33: {  	p0 =	seq.s32 s10, $0x1;
	s10 =	sld [smem:$0x3FAD];
	_ =	sdelay $0x3  }
0x34: {  	[smem:$0x3FAD] =	sst s10  }
0x35: {  	s10 =	sld [smem:$0x3FAC];
	_ =	sdelay $0x3  }
0x36: {  	p1 =	seq.s32 s10, $0x1;
	s10 =	sld [smem:$0x3FAD];
	_ =	sdelay $0x3  }
0x37: {  	[smem:$0x3FAD] =	sst s10  }
0x38: {  	s10 =	sld [smem:$0x3FAE]  }
0x39: {  	_ = 	snop;
	(pc) =	sbr.ind lr, $3  }
0x3a: {  	_ = 	snop  }
0x3b: {  	_ = 	snop  }
0x3c: {  	p2 =	seq.s32 s10, $0x1;
	s10 =	sld [smem:$0x3FAD]  }
0x3d: {  	_ =	shalt  }
0x3e: {  	_ =	shalt  }
0x3f: {  	_ =	shalt  }
0x40: {  	_ =	shalt  }
0x41: {  	_ =	shalt  }
0x42: {  	_ =	shalt  }
0x43: {  	_ =	shalt  }
0x44: {  	_ =	shalt  }
0x45: {  	_ =	shalt  }
0x46: {  	_ =	shalt  }
0x47: {  	_ =	shalt  }
0x48: {  	_ =	shalt  }
0x49: {  	_ =	shalt  }
0x4a: {  	_ =	shalt  }
0x4b: {  	_ =	shalt  }
0x4c: {  	_ =	shalt  }
0x4d: {  	_ =	shalt  }
0x4e: {  	_ =	shalt  }
0x4f: {  	_ =	shalt  }
0x50: {  	_ =	shalt  }
0x51: {  	_ =	shalt  }
0x52: {  	_ =	shalt  }
0x53: {  	_ =	shalt  }
0x54: {  	_ =	shalt  }
0x55: {  	_ =	shalt  }
0x56: {  	_ =	shalt  }
0x57: {  	_ =	shalt  }
0x58: {  	_ =	shalt  }
0x59: {  	_ =	shalt  }
0x5a: {  	_ =	shalt  }
0x5b: {  	_ =	shalt  }
0x5c: {  	_ =	shalt  }
0x5d: {  	_ =	shalt  }
0x5e: {  	_ =	shalt  }
0x5f: {  	_ =	shalt  }
0x60: {  	_ =	shalt  }
0x61: {  	_ =	shalt  }
0x62: {  	_ =	shalt  }
0x63: {  	_ =	shalt  }
0x64: {  	_ =	shalt  }
0x65: {  	_ =	shalt  }
0x66: {  	_ =	shalt  }
0x67: {  	_ =	shalt  }
0x68: {  	_ =	shalt  }
0x69: {  	_ =	shalt  }
0x6a: {  	_ =	shalt  }
0x6b: {  	_ =	shalt  }
0x6c: {  	_ =	shalt  }
0x6d: {  	_ =	shalt  }
0x6e: {  	_ =	shalt  }
0x6f: {  	_ =	shalt  }
0x70: {  	_ =	shalt  }
0x71: {  	_ =	shalt  }
0x72: {  	_ =	shalt  }
0x73: {  	_ =	shalt  }
0x74: {  	_ =	shalt  }
0x75: {  	_ =	shalt  }
0x76: {  	_ =	shalt  }
0x77: {  	_ =	shalt  }
0x78: {  	_ =	shalt  }
0x79: {  	_ =	shalt  }
0x7a: {  	_ =	shalt  }
0x7b: {  	_ =	shalt  }
0x7c: {  	_ =	shalt  }
0x7d: {  	_ =	shalt  }
0x7e: {  	_ =	shalt  }
0x7f: {  	_ =	shalt  }
0x80: {  	_ =	shalt  }
0x81: {  	_ =	shalt  }
0x82: {  	_ =	shalt  }
0x83: {  	_ =	shalt  }
0x84: {  	_ =	shalt  }
0x85: {  	_ =	shalt  }
0x86: {  	_ =	shalt  }
0x87: {  	_ =	shalt  }
.Lfunc_end0:
.L_simem_size_0:
called_computation_lowered:
.L_overlay_start_0:
0x88: {  	s2 =	sld [smem:$0x3FD9]  }
0x89: {  	s3 =	sld [smem:$0x3FFE];
	_ =	sdelay $0x1  }
0x8a: {  	s1 =	srdreg.scid  }
0x8b: {  	s0 =	sand.u32 $0x1, s1  }
0x8c: {  	s17 =	sshll.u32 s0, $0xA;
	s2 =	sadd.s32 s3, s2  }
0x8d: {  	s2 =	sadd.s32 s2, s17  }
0x8e: {  	[smem:$0x3FB9] =	sst s2  }
0x8f: {  	_ = 	snop  }
0x90: {  	s2 =	sld [smem:$0x3FC6]  }
0x91: {  	s18 =	sld [smem:$0x3FD0];
	(tm) =	ssettm $0x1  }
0x92: {  	s4 =	sld [smem:$0x3FFB];
	_ =	sdelay $0x3  }
0x93: {  	_ =	strace s4  }
0x94: {  	s4 =	sld [smem:$0x3FFC];
	_ =	sdelay $0x3  }
0x95: {  	_ =	strace s4  }
0x96: {  	s4 =	sld [smem:$0x3FFD];
	_ =	sdelay $0x3  }
0x97: {  	_ =	strace s4  }
0x98: {  	_ =	strace $0x8FFFFFFF  }
0x99: {  	s19 =	sld [smem:$0x3FDB];
	_ =	sdelay $0x1  }
0x9a: {  	s5 =	simm.s32 $_scs_section_size  }
0x9b: {  	s6 =	simm.s32 $_size__tile_overlayer_lowered;
	s7 =	simm.s32 $_tile_overlayer_lowered  }
0x9c: {  	s22 =	simm.s32 $0x1BFF;
	s21 =	sshll.u32 s7, $0x1;
	s4 =	sadd.s32 s5, s19  }
0x9d: {  	s8 =	simm.s32 $0x0;
	s20 =	sshll.u32 s6, $0x1;
	s6 =	sadd.s32 s21, s4  }
0x9e: {  	[timem:s8], [sflag:s22] =	dma.local [hbm:s6], s20  }
0x9f: {  	_ =	swait.ge [sflag:s22], s20  }
0xa0: {  	s5 =	ssub.s32 $0x0, s20;
	[sflag:s22] =	ssyncset.done $0x0  }
0xa1: {  	[sflag:s22] =	ssyncadd.s32 s5;
	_ =	sdelay $0x1  }
0xa2: {  	s23 =	simm.s32 $0x1B8B  }
0xa3: {  	_ =	swait.ge [sflag:s23], $0x1  }
0xa4: {  	[sflag:s23] =	ssyncset.done $0x0  }
0xa5: {  	s25 =	simm.s32 $0x1B8E;
	s24 =	sld [smem:$0x3FFE];
	[sflag:s23] =	ssyncadd.s32 $0xFFFFFFFF  }
0xa6: {  	s26 =	simm.s32 $execute0_lowered;
	[smem:$0x3FD2] =	sst s25  }
0xa7: {  	s6 =	sshll.u32 s26, $0x1;
	_ =	strace $0x80000046;
	[dreg:$0x1] =	wrdreg $0xFFFFFFFF  }
0xa8: {  	s28 =	simm.s32 $_size_execute0_lowered;
	s4 =	sadd.s32 s4, s6;
	[dreg:$0x0] =	wrdreg $0x0  }
0xa9: {  	s6 =	sshll.u32 s28, $0x1;
	[dreg:$0x2] =	wrdreg s4  }
0xaa: {  	[dreg:$0x3] =	wrdreg s6  }
0xab: {  	[dreg:$0x4] =	wrdreg $0xC0  }
0xac: {  	_ =	task [dreg:s8], $0x5FFFF  }
0xad: {  	[dreg:$0x1] =	wrdreg $0xFFFFFFFF  }
0xae: {  	[dreg:$0x0] =	wrdreg $0x60  }
0xaf: {  	[dreg:$0x2] =	wrdreg s18  }
0xb0: {  	[dreg:$0x3] =	wrdreg s2  }
0xb1: {  	[dreg:$0x4] =	wrdreg s24  }
0xb2: {  	[dreg:$0x5] =	wrdreg $0x9  }
0xb3: {  	_ =	task.clear_ibuf [dreg:s8], $0x6FFFF;
	_ =	strace $0x90000046  }
0xb4: {  	s29 =	simm.s32 $0x9;
	_ =	strace $0x80000048  }
0xb5: {  	_ =	swait.ge [sflag:s29], $0x1  }
0xb6: {  	[sflag:s29] =	ssyncadd.s32 $0xFFFFFFFF  }
0xb7: {  	_ =	strace $0x90000048  }
0xb8: {  	_ =	sfence  }
0xb9: {  	s30 =	sld [smem:$0x0];
	_ =	sdelay $0x2  }
0xba: {  	s31 =	sshll.u32 s1, $0xD;
	s1 =	sshrl.u32 s1, $0x2  }
0xbb: {  	s3 =	sand.u32 $0x4000, s31;
	s1 =	sadd.s32 s1, s30  }
0xbc: {  	s0 =	sor.u32 s3, s0;
	s1 =	sshll.u32 s1, $0x11  }
0xbd: {  	s0 =	sor.u32 s1, s0  }
0xbe: {  	s0 =	sadd.s32 $0x8F2B, s0  }
0xbf: {  	[sflag:s0] =	ssyncadd.remote.s32 $0x1  }
0xc0: {  	_ =	sfence.sel $0xFFFF  }
0xc1: {  	[dreg:$0x0] =	wrdreg $0xFFFFFFFF;
	(pc) =	sbr.abs _section_cstart, $3  }
0xc2: {  	[dreg:$0x1] =	wrdreg $0xFFFFFFFF  }
0xc3: {  	_ =	task.clear_ibuf [dreg:s8], $0x2FFFF;
	_ =	strace $0x9FFFFFFF  }
0xc4: {  	(tm) =	ssettm $0x7FFFFFFF  }
0xc5: {  	_ =	shalt  }
tec
execute0_lowered:
.L_overlay_start_1:
0x0: {  	(tag) =	ssettag $0x1  }
0x1: {  	s1 =	srdreg.scid;
	s0 =	stileid.u32  }
0x2: {  	s1 =	sand.u32 $0x1, s1;
	s3 =	sshll.u32 s0, $0x1  }
0x3: {  	s4 =	rddreg [dreg:$0x0];
	s5 =	sor.u32 s1, s3  }
0x4: {  	s2 =	rddreg [dreg:$0x1];
	s7 =	smul.u32 $0xD0, s5  }
0x5: {  	s6 =	rddreg [dreg:$0x2];
	s3 =	simm.s32 $0x0;
	s8 =	smul.u32 $0x6800, s5  }
0x6: {  	[smem:$0x7FF] =	sst s3;
	s5 =	smul.u32 $0x34000, s5  }
0x7: {  	s6 =	sadd.s32 $0x1C00, s6;
	_ =	strace $0x80000047;
	s4 =	sadd.s32 s4, s7  }
0x8: {  	s23 =	sadd.s32 s6, s8;
	s5 =	sshrl.u32 s5, $0x3;
	[dreg:$0x4] =	wrdreg s4  }
0x9: {  	[dreg:$0x5] =	wrdreg s23;
	s31 =	sadd.s32 s6, s5  }
0xa: {  	s24 =	sadd.s32 $0x800, s31;
	s25 =	rddreg [dreg:$0x4]  }
0xb: {  	s26 =	sadd.s32 $0x1000, s31;
	[dreg:$0x6] =	wrdreg s24  }
0xc: {  	s4 =	simm.s32 $0x3;
	[dreg:$0x7] =	wrdreg s26  }
0xd: {  	[tilespmem:s3], [sflag:$0x3] =	stream.linear.gather [hbm4b:s25+s3], $0x680, $0x38;
	[tilespmem:$0x8680] =	vst v63  }
0xe: {  	_ =	swait.ge [sflag:s4], $0x680  }
0xf: {  	[sflag:s4] =	ssyncset.done $0x0  }
0x10: {  	s5 =	simm.s32 $0x80;
	s6 =	simm.s32 $0x680;
	[sflag:s4] =	ssyncadd.s32 $0xFFFFF980  }
0x11: {  	[tilespmem:s6], [sflag:$0x1] =	stream.indirect.gather [hbm4b:s2+s5], $0x80, s3, s5, $0xb8;
	[tilespmem:$0x8680] =	vst v63  }
0x12: {  	s7 =	simm.s32 $0x4680;
	s8 =	simm.s32 $0x1  }
0x13: {  	[tilespmem:s7], [sflag:$0x2] =	stream.indirect.gather [hbm4b:s2+s5], $0x80, s5, s5, $0xb8;
	[tilespmem:$0x8680] =	vst v63  }
0x14: {  	_ =	swait.ge [sflag:s8], $0x4000  }
0x15: {  	[sflag:s8] =	ssyncset.done $0x0  }
0x16: {  	s9 =	rddreg [dreg:$0x5];
	[sflag:s8] =	ssyncadd.s32 $0xFFFFC000  }
0x17: {  	[hbm4b:s9+s3] =	stream.linear.scatter [tilespmem:s6], [sflag:$0x3], $0x4000, $0x38;
	[tilespmem:$0x8680] =	vst v63  }
0x18: {  	_ =	swait.ge [sflag:s4], $0x4000  }
0x19: {  	[sflag:s4] =	ssyncset.done $0x0  }
0x1a: {  	s10 =	simm.s32 $0x2;
	s9 =	simm.s32 $0x100;
	[sflag:s4] =	ssyncadd.s32 $0xFFFFC000  }
0x1b: {  	[tilespmem:s6], [sflag:$0x1] =	stream.indirect.gather [hbm4b:s2+s5], $0x80, s9, s5, $0xb8;
	[tilespmem:$0x8680] =	vst v63  }
0x1c: {  	_ =	swait.ge [sflag:s10], $0x4000  }
0x1d: {  	[sflag:s10] =	ssyncset.done $0x0  }
0x1e: {  	s11 =	rddreg [dreg:$0x6];
	[sflag:s10] =	ssyncadd.s32 $0xFFFFC000  }
0x1f: {  	[hbm4b:s11+s3] =	stream.linear.scatter [tilespmem:s7], [sflag:$0x3], $0x4000, $0x38;
	[tilespmem:$0x8680] =	vst v63  }
0x20: {  	_ =	swait.ge [sflag:s4], $0x4000  }
0x21: {  	[sflag:s4] =	ssyncset.done $0x0  }
0x22: {  	s11 =	simm.s32 $0x180;
	[sflag:s4] =	ssyncadd.s32 $0xFFFFC000  }
0x23: {  	[tilespmem:s7], [sflag:$0x2] =	stream.indirect.gather [hbm4b:s2+s5], $0x80, s11, s5, $0xb8;
	[tilespmem:$0x8680] =	vst v63  }
0x24: {  	_ =	swait.ge [sflag:s8], $0x4000  }
0x25: {  	[sflag:s8] =	ssyncset.done $0x0  }
0x26: {  	s12 =	rddreg [dreg:$0x7];
	[sflag:s8] =	ssyncadd.s32 $0xFFFFC000  }
0x27: {  	[hbm4b:s12+s3] =	stream.linear.scatter [tilespmem:s6], [sflag:$0x3], $0x4000, $0x38;
	[tilespmem:$0x8680] =	vst v63  }
0x28: {  	_ =	swait.ge [sflag:s4], $0x4000  }
0x29: {  	[sflag:s4] =	ssyncset.done $0x0  }
0x2a: {  	s12 =	simm.s32 $0x200;
	[sflag:s4] =	ssyncadd.s32 $0xFFFFC000  }
0x2b: {  	[tilespmem:s6], [sflag:$0x1] =	stream.indirect.gather [hbm4b:s2+s5], $0x80, s12, s5, $0xb8;
	[tilespmem:$0x8680] =	vst v63  }
0x2c: {  	_ =	swait.ge [sflag:s10], $0x4000  }
0x2d: {  	[sflag:s10] =	ssyncset.done $0x0  }
0x2e: {  	s13 =	sadd.s32 $0x1800, s31;
	[sflag:s10] =	ssyncadd.s32 $0xFFFFC000  }
0x2f: {  	[hbm4b:s13+s3] =	stream.linear.scatter [tilespmem:s7], [sflag:$0x3], $0x4000, $0x38;
	[tilespmem:$0x8680] =	vst v63  }
0x30: {  	_ =	swait.ge [sflag:s4], $0x4000  }
0x31: {  	[sflag:s4] =	ssyncset.done $0x0  }
0x32: {  	s14 =	simm.s32 $0x280;
	[sflag:s4] =	ssyncadd.s32 $0xFFFFC000  }
0x33: {  	[tilespmem:s7], [sflag:$0x2] =	stream.indirect.gather [hbm4b:s2+s5], $0x80, s14, s5, $0xb8;
	[tilespmem:$0x8680] =	vst v63  }
0x34: {  	_ =	swait.ge [sflag:s8], $0x4000  }
0x35: {  	[sflag:s8] =	ssyncset.done $0x0  }
0x36: {  	s15 =	sadd.s32 $0x2000, s31;
	[sflag:s8] =	ssyncadd.s32 $0xFFFFC000  }
0x37: {  	[hbm4b:s15+s3] =	stream.linear.scatter [tilespmem:s6], [sflag:$0x3], $0x4000, $0x38;
	[tilespmem:$0x8680] =	vst v63  }
0x38: {  	_ =	swait.ge [sflag:s4], $0x4000  }
0x39: {  	[sflag:s4] =	ssyncset.done $0x0  }
0x3a: {  	s16 =	simm.s32 $0x300;
	[sflag:s4] =	ssyncadd.s32 $0xFFFFC000  }
0x3b: {  	[tilespmem:s6], [sflag:$0x1] =	stream.indirect.gather [hbm4b:s2+s5], $0x80, s16, s5, $0xb8;
	[tilespmem:$0x8680] =	vst v63  }
0x3c: {  	_ =	swait.ge [sflag:s10], $0x4000  }
0x3d: {  	[sflag:s10] =	ssyncset.done $0x0  }
0x3e: {  	s17 =	sadd.s32 $0x2800, s31;
	[sflag:s10] =	ssyncadd.s32 $0xFFFFC000  }
0x3f: {  	[hbm4b:s17+s3] =	stream.linear.scatter [tilespmem:s7], [sflag:$0x3], $0x4000, $0x38;
	[tilespmem:$0x8680] =	vst v63  }
0x40: {  	_ =	swait.ge [sflag:s4], $0x4000  }
0x41: {  	[sflag:s4] =	ssyncset.done $0x0  }
0x42: {  	s18 =	simm.s32 $0x380;
	[sflag:s4] =	ssyncadd.s32 $0xFFFFC000  }
0x43: {  	[tilespmem:s7], [sflag:$0x2] =	stream.indirect.gather [hbm4b:s2+s5], $0x80, s18, s5, $0xb8;
	[tilespmem:$0x8680] =	vst v63  }
0x44: {  	_ =	swait.ge [sflag:s8], $0x4000  }
0x45: {  	[sflag:s8] =	ssyncset.done $0x0  }
0x46: {  	s19 =	sadd.s32 $0x3000, s31;
	[sflag:s8] =	ssyncadd.s32 $0xFFFFC000  }
0x47: {  	[hbm4b:s19+s3] =	stream.linear.scatter [tilespmem:s6], [sflag:$0x3], $0x4000, $0x38;
	[tilespmem:$0x8680] =	vst v63  }
0x48: {  	_ =	swait.ge [sflag:s4], $0x4000  }
0x49: {  	[sflag:s4] =	ssyncset.done $0x0  }
0x4a: {  	s20 =	simm.s32 $0x400;
	[sflag:s4] =	ssyncadd.s32 $0xFFFFC000  }
0x4b: {  	[tilespmem:s6], [sflag:$0x1] =	stream.indirect.gather [hbm4b:s2+s5], $0x80, s20, s5, $0xb8;
	[tilespmem:$0x8680] =	vst v63  }
0x4c: {  	_ =	swait.ge [sflag:s10], $0x4000  }
0x4d: {  	[sflag:s10] =	ssyncset.done $0x0  }
0x4e: {  	s21 =	sadd.s32 $0x3800, s31;
	[sflag:s10] =	ssyncadd.s32 $0xFFFFC000  }
0x4f: {  	[hbm4b:s21+s3] =	stream.linear.scatter [tilespmem:s7], [sflag:$0x3], $0x4000, $0x38;
	[tilespmem:$0x8680] =	vst v63  }
0x50: {  	_ =	swait.ge [sflag:s4], $0x4000  }
0x51: {  	[sflag:s4] =	ssyncset.done $0x0  }
0x52: {  	s22 =	simm.s32 $0x480;
	[sflag:s4] =	ssyncadd.s32 $0xFFFFC000  }
0x53: {  	[tilespmem:s7], [sflag:$0x2] =	stream.indirect.gather [hbm4b:s2+s5], $0x80, s22, s5, $0xb8;
	[tilespmem:$0x8680] =	vst v63  }
0x54: {  	_ =	swait.ge [sflag:s8], $0x4000  }
0x55: {  	[sflag:s8] =	ssyncset.done $0x0  }
0x56: {  	s23 =	sadd.s32 $0x4000, s31;
	[sflag:s8] =	ssyncadd.s32 $0xFFFFC000  }
0x57: {  	[hbm4b:s23+s3] =	stream.linear.scatter [tilespmem:s6], [sflag:$0x3], $0x4000, $0x38;
	[tilespmem:$0x8680] =	vst v63  }
0x58: {  	_ =	swait.ge [sflag:s4], $0x4000  }
0x59: {  	[sflag:s4] =	ssyncset.done $0x0  }
0x5a: {  	s24 =	simm.s32 $0x500;
	[sflag:s4] =	ssyncadd.s32 $0xFFFFC000  }
0x5b: {  	[tilespmem:s6], [sflag:$0x1] =	stream.indirect.gather [hbm4b:s2+s5], $0x80, s24, s5, $0xb8;
	[tilespmem:$0x8680] =	vst v63  }
0x5c: {  	_ =	swait.ge [sflag:s10], $0x4000  }
0x5d: {  	[sflag:s10] =	ssyncset.done $0x0  }
0x5e: {  	s25 =	sadd.s32 $0x4800, s31;
	[sflag:s10] =	ssyncadd.s32 $0xFFFFC000  }
0x5f: {  	[hbm4b:s25+s3] =	stream.linear.scatter [tilespmem:s7], [sflag:$0x3], $0x4000, $0x38;
	[tilespmem:$0x8680] =	vst v63  }
0x60: {  	_ =	swait.ge [sflag:s4], $0x4000  }
0x61: {  	[sflag:s4] =	ssyncset.done $0x0  }
0x62: {  	s26 =	simm.s32 $0x580;
	[sflag:s4] =	ssyncadd.s32 $0xFFFFC000  }
0x63: {  	[tilespmem:s7], [sflag:$0x2] =	stream.indirect.gather [hbm4b:s2+s5], $0x80, s26, s5, $0xb8;
	[tilespmem:$0x8680] =	vst v63  }
0x64: {  	_ =	swait.ge [sflag:s8], $0x4000  }
0x65: {  	[sflag:s8] =	ssyncset.done $0x0  }
0x66: {  	s28 =	sadd.s32 $0x5000, s31;
	[sflag:s8] =	ssyncadd.s32 $0xFFFFC000  }
0x67: {  	[hbm4b:s28+s3] =	stream.linear.scatter [tilespmem:s6], [sflag:$0x3], $0x4000, $0x38;
	[tilespmem:$0x8680] =	vst v63  }
0x68: {  	_ =	swait.ge [sflag:s4], $0x4000  }
0x69: {  	[sflag:s4] =	ssyncset.done $0x0  }
0x6a: {  	s29 =	simm.s32 $0x600;
	[sflag:s4] =	ssyncadd.s32 $0xFFFFC000  }
0x6b: {  	[tilespmem:s6], [sflag:$0x1] =	stream.indirect.gather [hbm4b:s2+s5], $0x80, s29, s5, $0xb8;
	[tilespmem:$0x8680] =	vst v63  }
0x6c: {  	_ =	swait.ge [sflag:s10], $0x4000  }
0x6d: {  	s1 =	ssub.s32 $0x2, s1;
	[sflag:s10] =	ssyncset.done $0x0  }
0x6e: {  	s0 =	sshrl.u32 s1, $0x1;
	s30 =	sadd.s32 $0x5800, s31;
	[sflag:s10] =	ssyncadd.s32 $0xFFFFC000  }
0x6f: {  	[hbm4b:s30+s3] =	stream.linear.scatter [tilespmem:s7], [sflag:$0x3], $0x4000, $0x38;
	[tilespmem:$0x8680] =	vst v63  }
0x70: {  	s0 =	ssub.s32 s1, s0;
	_ =	swait.ge [sflag:s4], $0x4000  }
0x71: {  	s0 =	smax.u32 s0, $0x1;
	[sflag:s4] =	ssyncset.done $0x0  }
0x72: {  	p0 =	sne.s32 s0, $0x1;
	[sflag:s4] =	ssyncadd.s32 $0xFFFFC000  }
.Ltmp0:
0x73: {  	_ =	swait.ge [sflag:s8], $0x4000;
	(pc) =	sbr.rel @!p0 .LBB2_2-.Ltmp0, $4  }
0x74: {  	[sflag:s8] =	ssyncset.done $0x0  }
0x75: {  	s31 =	sadd.s32 $0x6000, s31;
	[sflag:s8] =	ssyncadd.s32 $0xFFFFC000  }
0x76: {  	[hbm4b:s31+s3] =	stream.linear.scatter [tilespmem:s6], [sflag:$0x3], $0x4000, $0x38;
	[tilespmem:$0x8680] =	vst v63  }
0x77: {  	s1 =	sadd.s32 $0xFFFFFFFF, s0;
	_ =	swait.ge [sflag:s4], $0x4000  }
.LBB2_1:
0x78: {  	[sflag:s4] =	ssyncset.done $0x0  }
0x79: {  	s0 =	rddreg [dreg:$0x4];
	[sflag:s4] =	ssyncadd.s32 $0xFFFFC000  }
0x7a: {  	[tilespmem:s3], [sflag:$0x3] =	stream.linear.gather [hbm4b:s0+s3], $0x680, $0x38;
	[tilespmem:$0x8680] =	vst v63  }
0x7b: {  	_ =	swait.ge [sflag:s4], $0x680  }
0x7c: {  	[sflag:s4] =	ssyncset.done $0x0  }
0x7d: {  	[sflag:s4] =	ssyncadd.s32 $0xFFFFF980  }
0x7e: {  	[tilespmem:s6], [sflag:$0x1] =	stream.indirect.gather [hbm4b:s2+s5], $0x80, s3, s5, $0xb8;
	[tilespmem:$0x8680] =	vst v63  }
0x7f: {  	_ = 	snop  }
0x80: {  	[tilespmem:s7], [sflag:$0x2] =	stream.indirect.gather [hbm4b:s2+s5], $0x80, s5, s5, $0xb8;
	[tilespmem:$0x8680] =	vst v63  }
0x81: {  	_ =	swait.ge [sflag:s8], $0x4000  }
0x82: {  	[sflag:s8] =	ssyncset.done $0x0  }
0x83: {  	s0 =	rddreg [dreg:$0x5];
	[sflag:s8] =	ssyncadd.s32 $0xFFFFC000  }
0x84: {  	[hbm4b:s0+s3] =	stream.linear.scatter [tilespmem:s6], [sflag:$0x3], $0x4000, $0x38;
	[tilespmem:$0x8680] =	vst v63  }
0x85: {  	_ =	swait.ge [sflag:s4], $0x4000  }
0x86: {  	[sflag:s4] =	ssyncset.done $0x0  }
0x87: {  	[sflag:s4] =	ssyncadd.s32 $0xFFFFC000  }
0x88: {  	[tilespmem:s6], [sflag:$0x1] =	stream.indirect.gather [hbm4b:s2+s5], $0x80, s9, s5, $0xb8;
	[tilespmem:$0x8680] =	vst v63  }
0x89: {  	_ =	swait.ge [sflag:s10], $0x4000  }
0x8a: {  	[sflag:s10] =	ssyncset.done $0x0  }
0x8b: {  	s0 =	rddreg [dreg:$0x6];
	[sflag:s10] =	ssyncadd.s32 $0xFFFFC000  }
0x8c: {  	[hbm4b:s0+s3] =	stream.linear.scatter [tilespmem:s7], [sflag:$0x3], $0x4000, $0x38;
	[tilespmem:$0x8680] =	vst v63  }
0x8d: {  	_ =	swait.ge [sflag:s4], $0x4000  }
0x8e: {  	[sflag:s4] =	ssyncset.done $0x0  }
0x8f: {  	[sflag:s4] =	ssyncadd.s32 $0xFFFFC000  }
0x90: {  	[tilespmem:s7], [sflag:$0x2] =	stream.indirect.gather [hbm4b:s2+s5], $0x80, s11, s5, $0xb8;
	[tilespmem:$0x8680] =	vst v63  }
0x91: {  	_ =	swait.ge [sflag:s8], $0x4000  }
0x92: {  	[sflag:s8] =	ssyncset.done $0x0  }
0x93: {  	s0 =	rddreg [dreg:$0x7];
	[sflag:s8] =	ssyncadd.s32 $0xFFFFC000  }
0x94: {  	[hbm4b:s0+s3] =	stream.linear.scatter [tilespmem:s6], [sflag:$0x3], $0x4000, $0x38;
	[tilespmem:$0x8680] =	vst v63  }
0x95: {  	_ =	swait.ge [sflag:s4], $0x4000  }
0x96: {  	[sflag:s4] =	ssyncset.done $0x0  }
0x97: {  	[sflag:s4] =	ssyncadd.s32 $0xFFFFC000  }
0x98: {  	[tilespmem:s6], [sflag:$0x1] =	stream.indirect.gather [hbm4b:s2+s5], $0x80, s12, s5, $0xb8;
	[tilespmem:$0x8680] =	vst v63  }
0x99: {  	_ =	swait.ge [sflag:s10], $0x4000  }
0x9a: {  	[sflag:s10] =	ssyncset.done $0x0  }
0x9b: {  	[sflag:s10] =	ssyncadd.s32 $0xFFFFC000  }
0x9c: {  	[hbm4b:s13+s3] =	stream.linear.scatter [tilespmem:s7], [sflag:$0x3], $0x4000, $0x38;
	[tilespmem:$0x8680] =	vst v63  }
0x9d: {  	_ =	swait.ge [sflag:s4], $0x4000  }
0x9e: {  	[sflag:s4] =	ssyncset.done $0x0  }
0x9f: {  	[sflag:s4] =	ssyncadd.s32 $0xFFFFC000  }
0xa0: {  	[tilespmem:s7], [sflag:$0x2] =	stream.indirect.gather [hbm4b:s2+s5], $0x80, s14, s5, $0xb8;
	[tilespmem:$0x8680] =	vst v63  }
0xa1: {  	_ =	swait.ge [sflag:s8], $0x4000  }
0xa2: {  	[sflag:s8] =	ssyncset.done $0x0  }
0xa3: {  	[sflag:s8] =	ssyncadd.s32 $0xFFFFC000  }
0xa4: {  	[hbm4b:s15+s3] =	stream.linear.scatter [tilespmem:s6], [sflag:$0x3], $0x4000, $0x38;
	[tilespmem:$0x8680] =	vst v63  }
0xa5: {  	_ =	swait.ge [sflag:s4], $0x4000  }
0xa6: {  	[sflag:s4] =	ssyncset.done $0x0  }
0xa7: {  	[sflag:s4] =	ssyncadd.s32 $0xFFFFC000  }
0xa8: {  	[tilespmem:s6], [sflag:$0x1] =	stream.indirect.gather [hbm4b:s2+s5], $0x80, s16, s5, $0xb8;
	[tilespmem:$0x8680] =	vst v63  }
0xa9: {  	_ =	swait.ge [sflag:s10], $0x4000  }
0xaa: {  	[sflag:s10] =	ssyncset.done $0x0  }
0xab: {  	[sflag:s10] =	ssyncadd.s32 $0xFFFFC000  }
0xac: {  	[hbm4b:s17+s3] =	stream.linear.scatter [tilespmem:s7], [sflag:$0x3], $0x4000, $0x38;
	[tilespmem:$0x8680] =	vst v63  }
0xad: {  	_ =	swait.ge [sflag:s4], $0x4000  }
0xae: {  	[sflag:s4] =	ssyncset.done $0x0  }
0xaf: {  	[sflag:s4] =	ssyncadd.s32 $0xFFFFC000  }
0xb0: {  	[tilespmem:s7], [sflag:$0x2] =	stream.indirect.gather [hbm4b:s2+s5], $0x80, s18, s5, $0xb8;
	[tilespmem:$0x8680] =	vst v63  }
0xb1: {  	_ =	swait.ge [sflag:s8], $0x4000  }
0xb2: {  	[sflag:s8] =	ssyncset.done $0x0  }
0xb3: {  	[sflag:s8] =	ssyncadd.s32 $0xFFFFC000  }
0xb4: {  	[hbm4b:s19+s3] =	stream.linear.scatter [tilespmem:s6], [sflag:$0x3], $0x4000, $0x38;
	[tilespmem:$0x8680] =	vst v63  }
0xb5: {  	_ =	swait.ge [sflag:s4], $0x4000  }
0xb6: {  	[sflag:s4] =	ssyncset.done $0x0  }
0xb7: {  	[sflag:s4] =	ssyncadd.s32 $0xFFFFC000  }
0xb8: {  	[tilespmem:s6], [sflag:$0x1] =	stream.indirect.gather [hbm4b:s2+s5], $0x80, s20, s5, $0xb8;
	[tilespmem:$0x8680] =	vst v63  }
0xb9: {  	_ =	swait.ge [sflag:s10], $0x4000  }
0xba: {  	[sflag:s10] =	ssyncset.done $0x0  }
0xbb: {  	[sflag:s10] =	ssyncadd.s32 $0xFFFFC000  }
0xbc: {  	[hbm4b:s21+s3] =	stream.linear.scatter [tilespmem:s7], [sflag:$0x3], $0x4000, $0x38;
	[tilespmem:$0x8680] =	vst v63  }
0xbd: {  	_ =	swait.ge [sflag:s4], $0x4000  }
0xbe: {  	[sflag:s4] =	ssyncset.done $0x0  }
0xbf: {  	[sflag:s4] =	ssyncadd.s32 $0xFFFFC000  }
0xc0: {  	[tilespmem:s7], [sflag:$0x2] =	stream.indirect.gather [hbm4b:s2+s5], $0x80, s22, s5, $0xb8;
	[tilespmem:$0x8680] =	vst v63  }
0xc1: {  	_ =	swait.ge [sflag:s8], $0x4000  }
0xc2: {  	[sflag:s8] =	ssyncset.done $0x0  }
0xc3: {  	[sflag:s8] =	ssyncadd.s32 $0xFFFFC000  }
0xc4: {  	[hbm4b:s23+s3] =	stream.linear.scatter [tilespmem:s6], [sflag:$0x3], $0x4000, $0x38;
	[tilespmem:$0x8680] =	vst v63  }
0xc5: {  	_ =	swait.ge [sflag:s4], $0x4000  }
0xc6: {  	[sflag:s4] =	ssyncset.done $0x0  }
0xc7: {  	[sflag:s4] =	ssyncadd.s32 $0xFFFFC000  }
0xc8: {  	[tilespmem:s6], [sflag:$0x1] =	stream.indirect.gather [hbm4b:s2+s5], $0x80, s24, s5, $0xb8;
	[tilespmem:$0x8680] =	vst v63  }
0xc9: {  	_ =	swait.ge [sflag:s10], $0x4000  }
0xca: {  	[sflag:s10] =	ssyncset.done $0x0  }
0xcb: {  	[sflag:s10] =	ssyncadd.s32 $0xFFFFC000  }
0xcc: {  	[hbm4b:s25+s3] =	stream.linear.scatter [tilespmem:s7], [sflag:$0x3], $0x4000, $0x38;
	[tilespmem:$0x8680] =	vst v63  }
0xcd: {  	_ =	swait.ge [sflag:s4], $0x4000  }
0xce: {  	[sflag:s4] =	ssyncset.done $0x0  }
0xcf: {  	[sflag:s4] =	ssyncadd.s32 $0xFFFFC000  }
0xd0: {  	[tilespmem:s7], [sflag:$0x2] =	stream.indirect.gather [hbm4b:s2+s5], $0x80, s26, s5, $0xb8;
	[tilespmem:$0x8680] =	vst v63  }
0xd1: {  	_ =	swait.ge [sflag:s8], $0x4000  }
0xd2: {  	[sflag:s8] =	ssyncset.done $0x0  }
0xd3: {  	[sflag:s8] =	ssyncadd.s32 $0xFFFFC000  }
0xd4: {  	[hbm4b:s28+s3] =	stream.linear.scatter [tilespmem:s6], [sflag:$0x3], $0x4000, $0x38;
	[tilespmem:$0x8680] =	vst v63  }
0xd5: {  	_ =	swait.ge [sflag:s4], $0x4000  }
0xd6: {  	[sflag:s4] =	ssyncset.done $0x0  }
0xd7: {  	[sflag:s4] =	ssyncadd.s32 $0xFFFFC000  }
0xd8: {  	[tilespmem:s6], [sflag:$0x1] =	stream.indirect.gather [hbm4b:s2+s5], $0x80, s29, s5, $0xb8;
	[tilespmem:$0x8680] =	vst v63  }
0xd9: {  	_ =	swait.ge [sflag:s10], $0x4000  }
0xda: {  	[sflag:s10] =	ssyncset.done $0x0  }
0xdb: {  	[sflag:s10] =	ssyncadd.s32 $0xFFFFC000  }
0xdc: {  	[hbm4b:s30+s3] =	stream.linear.scatter [tilespmem:s7], [sflag:$0x3], $0x4000, $0x38;
	[tilespmem:$0x8680] =	vst v63  }
0xdd: {  	_ =	swait.ge [sflag:s4], $0x4000  }
0xde: {  	[sflag:s4] =	ssyncset.done $0x0  }
0xdf: {  	p0 =	sne.s32 s1, $0x1;
	[sflag:s4] =	ssyncadd.s32 $0xFFFFC000  }
.Ltmp1:
0xe0: {  	_ =	swait.ge [sflag:s8], $0x4000;
	(pc) =	sbr.rel @p0 .LBB2_1-.Ltmp1, $4  }
0xe1: {  	[sflag:s8] =	ssyncset.done $0x0  }
0xe2: {  	[sflag:s8] =	ssyncadd.s32 $0xFFFFC000  }
0xe3: {  	[hbm4b:s31+s3] =	stream.linear.scatter [tilespmem:s6], [sflag:$0x3], $0x4000, $0x38;
	[tilespmem:$0x8680] =	vst v63  }
0xe4: {  	s1 =	sadd.s32 $0xFFFFFFFF, s1;
	_ =	swait.ge [sflag:s4], $0x4000  }
.LBB2_2:
0xe5: {  	[sflag:s4] =	ssyncset.done $0x0  }
0xe6: {  	[sflag:s4] =	ssyncadd.s32 $0xFFFFC000  }
0xe7: {  	_ =	sfence.sel $0x180000  }
0xe8: {  	[bflag:$0x0] =	sbarrier.arrive $0xFFFF  }
0xe9: {  	_ =	strace $0x90000047  }
0xea: {  	s0 =	stileid.u32;
	[bflag:$0x2] =	sbarrier.arrive $0xFFFF  }
0xeb: {  	p0 =	sne.s32 s0, $0x0;
	s0 =	rddreg [dreg:$0x3]  }
0xec: {  	s0 =	sadd.s32 @!p0 $0x100000, s0  }
0xed: {  	[sflag:s0] =	ssyncadd.tile.s32 @!p0 $0x1;
	_ =	shalt  }
.Lfunc_end2:
_tile_overlayer_lowered:
.L_overlay_start_2:
0xee: {  	(tag) =	ssettag $0x2  }
0xef: {  	s0 =	rddreg [dreg:$0x0];
	s2 =	stileid.u32  }
0xf0: {  	s1 =	rddreg [dreg:$0x1];
	p0 =	sne.s32 s2, $0x0  }
0xf1: {  	s3 =	rddreg [dreg:$0x2];
	[bflag:$0x3] =	sbarrier.arrive $0xFFFF;
	s2 =	simm.s32 @!p0 $0x1C03  }
0xf2: {  	[timem:s3], [sflag:s2] =	dma.local @!p0 [hbm:s0], s1  }
0xf3: {  	s0 =	simm.s32 @!p0 $0x3  }
0xf4: {  	_ =	swait.ge @!p0 [sflag:s0], s1  }
0xf5: {  	s1 =	ssub.s32 @!p0 $0x0, s1;
	[sflag:s0] =	ssyncset.done @!p0 $0x0  }
0xf6: {  	[sflag:s0] =	ssyncadd.s32 @!p0 s1  }
0xf7: {  	[bflag:$0x3] =	sbarrier.arrive $0xFFFF  }
0xf8: {  	_ =	shalt  }

</sc_bundles>
